<compile_context>
chip_gen: v7x
topology: tpu7x:2x2x1
jax: 0.10.2.dev20260603
libtpu: 0.0.44.dev20260713+nightly
codegen_flags: <defaults>
</compile_context>

<pallas_src>
import functools

import jax
import jax.numpy as jnp
from jax import lax
from jax.experimental import pallas as pl
from jax.experimental.pallas import tpu as pltpu
from jax.experimental.pallas import tpu_sc as plsc

_B = 64
_N_IN = 16384
_N_OUT = 16384
_NC = 2
_NS = 16
_NW = _NC * _NS
_W = 128
_LANES = 16

_DEPTH = 3
_PHASES = 2


def _sc_body(ch, rows_hbm, cols_hbm, vals_hbm, xt_hbm, part_hbm,
             acc, rows_v, cols_v, vals_v,
             g0, g1, g2, s0, s1, s2,
             gsem0, gsem1, gsem2, ssem0, ssem1, ssem2):
    gbufs = (g0, g1, g2)
    sbufs = (s0, s1, s2)
    gsems = (gsem0, gsem1, gsem2)
    ssems = (ssem0, ssem1, ssem2)
    cid = lax.axis_index("c")
    sid = lax.axis_index("s")
    wid = sid * _NC + cid
    ph_ch = ch // _PHASES
    nblk = ph_ch // _DEPTH
    shard0 = wid * ch * _W

    zero16 = jnp.zeros((_LANES,), jnp.float32)

    @pl.loop(0, _W)
    def _(i):
        for f in range(_B // _LANES):
            s0[i, pl.ds(f * _LANES, _LANES)] = zero16

    rows_per_tile = _N_OUT // _NS

    @pl.loop(0, rows_per_tile // _W)
    def _(t):
        pltpu.sync_copy(s0, acc.at[pl.ds(sid * rows_per_tile + t * _W, _W)])

    plsc.subcore_barrier()

    dnums = lax.GatherDimensionNumbers(
        offset_dims=(), collapsed_slice_dims=(0,), start_index_map=(0,))

    @pl.loop(0, _PHASES)
    def _(ph):
        base = ph * ph_ch
        pltpu.sync_copy(rows_hbm.at[pl.ds(shard0 + base * _W, ph_ch * _W)],
                        rows_v)
        pltpu.sync_copy(cols_hbm.at[wid, pl.ds(base, ph_ch)], cols_v)
        pltpu.sync_copy(vals_hbm.at[pl.ds(shard0 + base * _W, ph_ch * _W)],
                        vals_v)

        for b in range(_DEPTH):
            pltpu.async_copy(xt_hbm.at[rows_v.at[pl.ds(b * _W, _W)]],
                             gbufs[b], gsems[b])

        @pl.loop(0, nblk)
        def _(blk):
            for b in range(_DEPTH):
                c = blk * _DEPTH + b

                @pl.when(blk > 0)
                def _():
                    pltpu.make_async_copy(
                        xt_hbm.at[pl.ds(0, _W)], sbufs[b], ssems[b]).wait()

                pltpu.make_async_copy(
                    xt_hbm.at[pl.ds(0, _W)], gbufs[b], gsems[b]).wait()

                @plsc.parallel_loop(0, _W // _LANES, unroll=2)
                def _(g):
                    v16 = vals_v[pl.ds(c * _W + g * _LANES, _LANES)]
                    for j in range(_LANES):
                        bv = lax.gather(
                            v16, jnp.full((_LANES, 1), j, jnp.int32), dnums,
                            (1,), mode=lax.GatherScatterMode.PROMISE_IN_BOUNDS)
                        for f in range(_B // _LANES):
                            idx = (g * _LANES + j, pl.ds(f * _LANES, _LANES))
                            sbufs[b][idx] = gbufs[b][idx] * bv

                @pl.when(blk < nblk - 1)
                def _():
                    pltpu.async_copy(
                        xt_hbm.at[rows_v.at[pl.ds((c + _DEPTH) * _W, _W)]],
                        gbufs[b], gsems[b])

                pltpu.async_copy(sbufs[b], acc.at[cols_v.at[c]], ssems[b],
                                 add=True)

        for b in range(_DEPTH):
            pltpu.make_async_copy(xt_hbm.at[pl.ds(0, _W)], sbufs[b],
                                  ssems[b]).wait()

    plsc.subcore_barrier()

    pltpu.sync_copy(acc.at[pl.ds(sid * rows_per_tile, rows_per_tile)],
                    part_hbm.at[cid, pl.ds(sid * rows_per_tile, rows_per_tile)])


def _sc_spmm(rows_flat, cols3, vals_flat, xt):
    ch = cols3.shape[1]
    mesh = plsc.VectorSubcoreMesh(core_axis_name="c", subcore_axis_name="s")
    kern = pl.kernel(
        functools.partial(_sc_body, ch),
        out_type=jax.ShapeDtypeStruct((_NC, _N_OUT, _B), jnp.float32),
        mesh=mesh,
        scratch_types=(
            [
                pltpu.VMEM_SHARED((_N_OUT, _B), jnp.float32),
                pltpu.VMEM((ch // _PHASES * _W,), jnp.int32),
                pltpu.VMEM((ch // _PHASES, _W), jnp.int32),
                pltpu.VMEM((ch // _PHASES * _W,), jnp.float32),
            ]
            + [pltpu.VMEM((_W, _B), jnp.float32) for _ in range(2 * _DEPTH)]
            + [pltpu.SemaphoreType.DMA for _ in range(2 * _DEPTH)]
        ),
        compiler_params=pltpu.CompilerParams(use_tc_tiling_on_sc=False),
    )
    return kern(rows_flat, cols3, vals_flat, xt)


def _combine(parts):
    rows = _N_OUT * _B // 128
    pv = parts.reshape(_NC, rows, 128)
    blk = 1024

    def body(p_ref, o_ref):
        s = p_ref[0] + p_ref[1]
        o_ref[:, :blk] = s[:, :_B].T
        o_ref[:, blk:] = s[:, _B:].T

    return pl.pallas_call(
        body,
        grid=(rows // blk,),
        in_specs=[pl.BlockSpec((2, blk, 128), lambda i: (0, i, 0))],
        out_specs=pl.BlockSpec((_B, 2 * blk), lambda i: (0, i)),
        out_shape=jax.ShapeDtypeStruct((_B, _N_OUT), jnp.float32),
    )(pv)


def kernel(x, vals, rows, cols):
    nnz = vals.shape[0]
    ch = -(-nnz // (_NW * _W))
    q = _DEPTH * _PHASES
    ch = -(-ch // q) * q
    padded = _NW * _W * ch
    pad = padded - nnz
    ar = jnp.arange(pad, dtype=jnp.int32)
    rows_p = jnp.concatenate([rows.astype(jnp.int32), ar % _N_IN])
    cols_p = jnp.concatenate([cols.astype(jnp.int32), ar % _N_OUT])
    cols_p = ((cols_p // 2048) * 2048 + 2 * (cols_p % 1024)
              + (cols_p % 2048) // 1024)
    vals_p = jnp.concatenate([vals, jnp.zeros((pad,), vals.dtype)])
    cols3 = cols_p.reshape(_NW, ch, _W)
    xt = x.T
    parts = _sc_spmm(rows_p, cols3, vals_p, xt)
    return _combine(parts)

# --- scband reference (transcript-rebuilt; emitter-appended) ---
"""Pipeline reference for scband-interpolator-22067541967314 (READ-ONLY COPY).

The authoritative reference and input builder live on the scoring server;
editing this copy changes nothing except your own understanding.
"""

import jax, jax.numpy as jnp
import numpy as np

B = 64
N_IN = 16384
N_OUT = 16384
NNZ = 268435  # ~ N_IN * N_OUT * 0.001


def setup_inputs(seed: int = 0) -> dict:
    key = jax.random.key(seed)
    k1, k2, k3, k4 = jax.random.split(key, 4)
    x = jax.random.normal(k1, (B, N_IN), dtype=jnp.float32)
    vals = jax.random.normal(k2, (NNZ,), dtype=jnp.float32)
    rows = jax.random.randint(k3, (NNZ,), 0, N_IN, dtype=jnp.int32)
    cols = jax.random.randint(k4, (NNZ,), 0, N_OUT, dtype=jnp.int32)
    return {"x": x, "vals": vals, "rows": rows, "cols": cols}


def reference(x, vals, rows, cols):
    # Faithful translation of torch.matmul(x, a_sparse) where a_sparse is a
    # COO sparse [N_IN, N_OUT] interpolation matrix with entries
    # a_sparse[rows[k], cols[k]] = vals[k].
    # out[b, c] = sum_{k : cols[k]=c} x[b, rows[k]] * vals[k]
    gathered = x[:, rows] * vals[None, :]          # gather along dof axis, [B, NNZ]
    out = jnp.zeros((x.shape[0], N_OUT), dtype=x.dtype).at[:, cols].add(gathered)  # scatter-add
    return out

if __name__ == "__main__":
    import jax
    _d = setup_inputs()
    print(jax.jit(kernel)(*tuple(_d.values())))

</pallas_src>

<mosaic_0001>
#map = affine_map<(d0, d1) -> (0)>
#map1 = affine_map<(d0, d1) -> (0, 0, 0)>
#map2 = affine_map<(d0, d1) -> (0, 0)>
module attributes {stable_mosaic.version = 14 : i64} {
  func.func @_sc_body(%arg0: i32, %arg1: i32, %arg2: memref<270336xi32, #tpu.memory_space<hbm>>, %arg3: memref<32x66x128xi32, #tpu.memory_space<hbm>>, %arg4: memref<270336xf32, #tpu.memory_space<hbm>>, %arg5: memref<16384x64xf32, #tpu.memory_space<hbm>>, %arg6: memref<2x16384x64xf32, #tpu.memory_space<hbm>>, %arg7: memref<16384x64xf32, #tpu.memory_space<vmem_shared>>, %arg8: memref<4224xi32, #tpu.memory_space<vmem>>, %arg9: memref<33x128xi32, #tpu.memory_space<vmem>>, %arg10: memref<4224xf32, #tpu.memory_space<vmem>>, %arg11: memref<128x64xf32, #tpu.memory_space<vmem>>, %arg12: memref<128x64xf32, #tpu.memory_space<vmem>>, %arg13: memref<128x64xf32, #tpu.memory_space<vmem>>, %arg14: memref<128x64xf32, #tpu.memory_space<vmem>>, %arg15: memref<128x64xf32, #tpu.memory_space<vmem>>, %arg16: memref<128x64xf32, #tpu.memory_space<vmem>>, %arg17: memref<!tpu.dma_semaphore, #tpu.memory_space<semaphore_mem>>, %arg18: memref<!tpu.dma_semaphore, #tpu.memory_space<semaphore_mem>>, %arg19: memref<!tpu.dma_semaphore, #tpu.memory_space<semaphore_mem>>, %arg20: memref<!tpu.dma_semaphore, #tpu.memory_space<semaphore_mem>>, %arg21: memref<!tpu.dma_semaphore, #tpu.memory_space<semaphore_mem>>, %arg22: memref<!tpu.dma_semaphore, #tpu.memory_space<semaphore_mem>>) attributes {dimension_semantics = [#tpu.dimension_semantics<core_parallel>, #tpu.dimension_semantics<subcore_parallel>], iteration_bounds = array<i64: 2, 16>, scalar_prefetch = 0 : i64, scratch_operands = 16 : i64, tpu.core_type = #tpu.core_type<sc_vector_subcore>, window_params = [{transform_indices = #map}, {transform_indices = #map1}, {transform_indices = #map}, {transform_indices = #map2}, {transform_indices = #map1}]} {
    %mul3A = arith.constant 2 : i32
    %mul3A_0 = arith.muli %arg1, %mul3A : i32
    %add3A = arith.addi %mul3A_0, %arg0 : i32
    %mul3A_1 = arith.constant 66 : i32
    %mul3A_2 = arith.muli %add3A, %mul3A_1 : i32
    %mul3A_3 = arith.constant 128 : i32
    %mul3A_4 = arith.muli %mul3A_2, %mul3A_3 : i32
    %broadcast_in_dim3A = arith.constant 0.000000e+00 : f32
    %broadcast_in_dim3A_5 = vector.broadcast %broadcast_in_dim3A : f32 to vector<16xf32>
    %scan3A = arith.constant 0 : i32
    %scan3A_6 = arith.constant 128 : i32
    %scan3A_7 = arith.addi %scan3A, %scan3A_6 : i32
    %scan3A_8 = arith.constant 1 : i32
    scf.for %scan3A_25 = %scan3A to %scan3A_7 step %scan3A_8  : i32 {
      %mul3A_26 = arith.constant 1 : i32
      %mul3A_27 = arith.muli %scan3A_25, %mul3A_26 : i32
      %add3A_28 = arith.constant 0 : i32
      %add3A_29 = arith.addi %add3A_28, %mul3A_27 : i32
      %swap3A = arith.index_cast %add3A_29 : i32 to index
      %swap3A_30 = arith.constant 0 : index
      %swap3A_31 = tpu.vector_load %arg14[%swap3A, %swap3A_30] {strides = array<i32>} : memref<128x64xf32, #tpu.memory_space<vmem>>, vector<1x16xf32>,
      %swap3A_32 = vector.shape_cast %swap3A_31 : vector<1x16xf32> to vector<16xf32>
      %swap3A_33 = vector.shape_cast %broadcast_in_dim3A_5 : vector<16xf32> to vector<1x16xf32>
      tpu.vector_store %arg14[%swap3A, %swap3A_30], %swap3A_33 {strides = array<i32>} : memref<128x64xf32, #tpu.memory_space<vmem>>, vector<1x16xf32>,
      %swap3A_34 = arith.index_cast %add3A_29 : i32 to index
      %swap3A_35 = arith.constant 16 : index
      %swap3A_36 = tpu.vector_load %arg14[%swap3A_34, %swap3A_35] {strides = array<i32>} : memref<128x64xf32, #tpu.memory_space<vmem>>, vector<1x16xf32>,
      %swap3A_37 = vector.shape_cast %swap3A_36 : vector<1x16xf32> to vector<16xf32>
      %swap3A_38 = vector.shape_cast %broadcast_in_dim3A_5 : vector<16xf32> to vector<1x16xf32>
      tpu.vector_store %arg14[%swap3A_34, %swap3A_35], %swap3A_38 {strides = array<i32>} : memref<128x64xf32, #tpu.memory_space<vmem>>, vector<1x16xf32>,
      %swap3A_39 = arith.index_cast %add3A_29 : i32 to index
      %swap3A_40 = arith.constant 32 : index
      %swap3A_41 = tpu.vector_load %arg14[%swap3A_39, %swap3A_40] {strides = array<i32>} : memref<128x64xf32, #tpu.memory_space<vmem>>, vector<1x16xf32>,
      %swap3A_42 = vector.shape_cast %swap3A_41 : vector<1x16xf32> to vector<16xf32>
      %swap3A_43 = vector.shape_cast %broadcast_in_dim3A_5 : vector<16xf32> to vector<1x16xf32>
      tpu.vector_store %arg14[%swap3A_39, %swap3A_40], %swap3A_43 {strides = array<i32>} : memref<128x64xf32, #tpu.memory_space<vmem>>, vector<1x16xf32>,
      %swap3A_44 = arith.index_cast %add3A_29 : i32 to index
      %swap3A_45 = arith.constant 48 : index
      %swap3A_46 = tpu.vector_load %arg14[%swap3A_44, %swap3A_45] {strides = array<i32>} : memref<128x64xf32, #tpu.memory_space<vmem>>, vector<1x16xf32>,
      %swap3A_47 = vector.shape_cast %swap3A_46 : vector<1x16xf32> to vector<16xf32>
      %swap3A_48 = vector.shape_cast %broadcast_in_dim3A_5 : vector<16xf32> to vector<1x16xf32>
      tpu.vector_store %arg14[%swap3A_44, %swap3A_45], %swap3A_48 {strides = array<i32>} : memref<128x64xf32, #tpu.memory_space<vmem>>, vector<1x16xf32>,
    }
    %scan3A_9 = arith.constant 128 : i32
    %scan3A_10 = arith.constant 0 : i32
    %scan3A_11 = arith.constant 8 : i32
    %scan3A_12 = arith.addi %scan3A_10, %scan3A_11 : i32
    %scan3A_13 = arith.constant 1 : i32
    scf.for %scan3A_25 = %scan3A_10 to %scan3A_12 step %scan3A_13  : i32 {
      %mul3A_26 = arith.constant 1 : i32
      %mul3A_27 = arith.muli %scan3A_25, %mul3A_26 : i32
      %add3A_28 = arith.constant 0 : i32
      %add3A_29 = arith.addi %add3A_28, %mul3A_27 : i32
      %mul3A_30 = arith.constant 1024 : i32
      %mul3A_31 = arith.muli %arg1, %mul3A_30 : i32
      %mul3A_32 = arith.constant 128 : i32
      %mul3A_33 = arith.muli %add3A_29, %mul3A_32 : i32
      %add3A_34 = arith.addi %mul3A_31, %mul3A_33 : i32
      "tpu.region"() ({
        %run_scoped3A = tpu.sem_alloc : memref<!tpu.dma_semaphore, #tpu.memory_space<semaphore_mem>>
        %dma_start3A = arith.constant 0 : i32
        %dma_start3A_35 = tpu.memref_slice %arg7[%add3A_34, %dma_start3A] : memref<16384x64xf32, #tpu.memory_space<vmem_shared>> -> memref<128x64xf32, #tpu.memory_space<vmem_shared>>
        %dma_start3A_36 = arith.constant 0 : i32
        %dma_start3A_37 = tpu.memref_slice %arg7[%add3A_34, %dma_start3A_36] : memref<16384x64xf32, #tpu.memory_space<vmem_shared>> -> memref<128x64xf32, #tpu.memory_space<vmem_shared>>
        tpu.enqueue_dma source(%arg14 : memref<128x64xf32, #tpu.memory_space<vmem>>) target(%dma_start3A_37 : memref<128x64xf32, #tpu.memory_space<vmem_shared>>) target_semaphore(%run_scoped3A : memref<!tpu.dma_semaphore, #tpu.memory_space<semaphore_mem>>)
        %dma_wait3A = arith.constant 0 : i32
        %dma_wait3A_38 = tpu.memref_slice %arg7[%add3A_34, %dma_wait3A] : memref<16384x64xf32, #tpu.memory_space<vmem_shared>> -> memref<128x64xf32, #tpu.memory_space<vmem_shared>>
        %dma_wait3A_39 = arith.constant 0 : i32
        %dma_wait3A_40 = tpu.memref_slice %arg7[%add3A_34, %dma_wait3A_39] : memref<16384x64xf32, #tpu.memory_space<vmem_shared>> -> memref<128x64xf32, #tpu.memory_space<vmem_shared>>
        tpu.wait_dma2 semaphore(%run_scoped3A : memref<!tpu.dma_semaphore, #tpu.memory_space<semaphore_mem>>) src(%arg14 : memref<128x64xf32, #tpu.memory_space<vmem>>) dst(%dma_wait3A_40 : memref<128x64xf32, #tpu.memory_space<vmem_shared>>)
        tpu.yield
      }) : () -> ()
    }
    %scan3A_14 = arith.constant 8 : i32
    %barrier3A = arith.constant 0 : index
    tpu.barrier barrier_id(%barrier3A)
    %scan3A_15 = arith.constant 0 : i32
    %scan3A_16 = arith.constant 2 : i32
    %scan3A_17 = arith.addi %scan3A_15, %scan3A_16 : i32
    %scan3A_18 = arith.constant 1 : i32
    scf.for %scan3A_25 = %scan3A_15 to %scan3A_17 step %scan3A_18  : i32 {
      %mul3A_26 = arith.constant 1 : i32
      %mul3A_27 = arith.muli %scan3A_25, %mul3A_26 : i32
      %add3A_28 = arith.constant 0 : i32
      %add3A_29 = arith.addi %add3A_28, %mul3A_27 : i32
      %mul3A_30 = arith.constant 33 : i32
      %mul3A_31 = arith.muli %add3A_29, %mul3A_30 : i32
      %mul3A_32 = arith.constant 128 : i32
      %mul3A_33 = arith.muli %mul3A_31, %mul3A_32 : i32
      %add3A_34 = arith.addi %mul3A_4, %mul3A_33 : i32
      "tpu.region"() ({
        %run_scoped3A = tpu.sem_alloc : memref<!tpu.dma_semaphore, #tpu.memory_space<semaphore_mem>>
        %dma_start3A_74 = tpu.memref_slice %arg2[%add3A_34] : memref<270336xi32, #tpu.memory_space<hbm>> -> memref<4224xi32, #tpu.memory_space<hbm>>
        %dma_start3A_75 = tpu.memref_slice %arg2[%add3A_34] : memref<270336xi32, #tpu.memory_space<hbm>> -> memref<4224xi32, #tpu.memory_space<hbm>>
        tpu.enqueue_dma source(%dma_start3A_75 : memref<4224xi32, #tpu.memory_space<hbm>>) target(%arg8 : memref<4224xi32, #tpu.memory_space<vmem>>) target_semaphore(%run_scoped3A : memref<!tpu.dma_semaphore, #tpu.memory_space<semaphore_mem>>)
        %dma_wait3A_76 = tpu.memref_slice %arg2[%add3A_34] : memref<270336xi32, #tpu.memory_space<hbm>> -> memref<4224xi32, #tpu.memory_space<hbm>>
        %dma_wait3A_77 = tpu.memref_slice %arg2[%add3A_34] : memref<270336xi32, #tpu.memory_space<hbm>> -> memref<4224xi32, #tpu.memory_space<hbm>>
        tpu.wait_dma2 semaphore(%run_scoped3A : memref<!tpu.dma_semaphore, #tpu.memory_space<semaphore_mem>>) src(%dma_wait3A_77 : memref<4224xi32, #tpu.memory_space<hbm>>) dst(%arg8 : memref<4224xi32, #tpu.memory_space<vmem>>)
        tpu.yield
      }) : () -> ()
      "tpu.region"() ({
        %run_scoped3A = tpu.sem_alloc : memref<!tpu.dma_semaphore, #tpu.memory_space<semaphore_mem>>
        %dma_start3A_74 = arith.constant 0 : i32
        %dma_start3A_75 = tpu.memref_slice %arg3[%add3A, %mul3A_31, %dma_start3A_74] : memref<32x66x128xi32, #tpu.memory_space<hbm>> -> memref<1x33x128xi32, #tpu.memory_space<hbm>>
        %dma_start3A_76 = tpu.memref_squeeze %dma_start3A_75 : memref<1x33x128xi32, #tpu.memory_space<hbm>> -> memref<33x128xi32, #tpu.memory_space<hbm>>
        %dma_start3A_77 = arith.constant 0 : i32
        %dma_start3A_78 = tpu.memref_slice %arg3[%add3A, %mul3A_31, %dma_start3A_77] : memref<32x66x128xi32, #tpu.memory_space<hbm>> -> memref<1x33x128xi32, #tpu.memory_space<hbm>>
        %dma_start3A_79 = tpu.memref_squeeze %dma_start3A_78 : memref<1x33x128xi32, #tpu.memory_space<hbm>> -> memref<33x128xi32, #tpu.memory_space<hbm>>
        tpu.enqueue_dma source(%dma_start3A_79 : memref<33x128xi32, #tpu.memory_space<hbm>>) target(%arg9 : memref<33x128xi32, #tpu.memory_space<vmem>>) target_semaphore(%run_scoped3A : memref<!tpu.dma_semaphore, #tpu.memory_space<semaphore_mem>>)
        %dma_wait3A_80 = arith.constant 0 : i32
        %dma_wait3A_81 = tpu.memref_slice %arg3[%add3A, %mul3A_31, %dma_wait3A_80] : memref<32x66x128xi32, #tpu.memory_space<hbm>> -> memref<1x33x128xi32, #tpu.memory_space<hbm>>
        %dma_wait3A_82 = tpu.memref_squeeze %dma_wait3A_81 : memref<1x33x128xi32, #tpu.memory_space<hbm>> -> memref<33x128xi32, #tpu.memory_space<hbm>>
        %dma_wait3A_83 = arith.constant 0 : i32
        %dma_wait3A_84 = tpu.memref_slice %arg3[%add3A, %mul3A_31, %dma_wait3A_83] : memref<32x66x128xi32, #tpu.memory_space<hbm>> -> memref<1x33x128xi32, #tpu.memory_space<hbm>>
        %dma_wait3A_85 = tpu.memref_squeeze %dma_wait3A_84 : memref<1x33x128xi32, #tpu.memory_space<hbm>> -> memref<33x128xi32, #tpu.memory_space<hbm>>
        tpu.wait_dma2 semaphore(%run_scoped3A : memref<!tpu.dma_semaphore, #tpu.memory_space<semaphore_mem>>) src(%dma_wait3A_85 : memref<33x128xi32, #tpu.memory_space<hbm>>) dst(%arg9 : memref<33x128xi32, #tpu.memory_space<vmem>>)
        tpu.yield
      }) : () -> ()
      %mul3A_35 = arith.constant 128 : i32
      %mul3A_36 = arith.muli %mul3A_31, %mul3A_35 : i32
      %add3A_37 = arith.addi %mul3A_4, %mul3A_36 : i32
      "tpu.region"() ({
        %run_scoped3A = tpu.sem_alloc : memref<!tpu.dma_semaphore, #tpu.memory_space<semaphore_mem>>
        %dma_start3A_74 = tpu.memref_slice %arg4[%add3A_37] : memref<270336xf32, #tpu.memory_space<hbm>> -> memref<4224xf32, #tpu.memory_space<hbm>>
        %dma_start3A_75 = tpu.memref_slice %arg4[%add3A_37] : memref<270336xf32, #tpu.memory_space<hbm>> -> memref<4224xf32, #tpu.memory_space<hbm>>
        tpu.enqueue_dma source(%dma_start3A_75 : memref<4224xf32, #tpu.memory_space<hbm>>) target(%arg10 : memref<4224xf32, #tpu.memory_space<vmem>>) target_semaphore(%run_scoped3A : memref<!tpu.dma_semaphore, #tpu.memory_space<semaphore_mem>>)
        %dma_wait3A_76 = tpu.memref_slice %arg4[%add3A_37] : memref<270336xf32, #tpu.memory_space<hbm>> -> memref<4224xf32, #tpu.memory_space<hbm>>
        %dma_wait3A_77 = tpu.memref_slice %arg4[%add3A_37] : memref<270336xf32, #tpu.memory_space<hbm>> -> memref<4224xf32, #tpu.memory_space<hbm>>
        tpu.wait_dma2 semaphore(%run_scoped3A : memref<!tpu.dma_semaphore, #tpu.memory_space<semaphore_mem>>) src(%dma_wait3A_77 : memref<4224xf32, #tpu.memory_space<hbm>>) dst(%arg10 : memref<4224xf32, #tpu.memory_space<vmem>>)
        tpu.yield
      }) : () -> ()
      %dma_start3A = arith.constant 0 : i32
      %dma_start3A_38 = tpu.memref_slice %arg8[%dma_start3A] : memref<4224xi32, #tpu.memory_space<vmem>> -> memref<128xi32, #tpu.memory_space<vmem>>
      %dma_start3A_39 = arith.constant 0 : i32
      %dma_start3A_40 = arith.constant 0 : i32
      %dma_start3A_41 = tpu.memref_slice %arg5[%dma_start3A_39, %dma_start3A_40] : memref<16384x64xf32, #tpu.memory_space<hbm>> -> memref<16384x64xf32, #tpu.memory_space<hbm>>
      tpu.enqueue_indirect_dma source(%dma_start3A_41 : memref<16384x64xf32, #tpu.memory_space<hbm>>) target(%arg11 : memref<128x64xf32, #tpu.memory_space<vmem>>) offsets(%dma_start3A_38 : memref<128xi32, #tpu.memory_space<vmem>>) semaphore(%arg17 : memref<!tpu.dma_semaphore, #tpu.memory_space<semaphore_mem>>)
      %dma_start3A_42 = arith.constant 128 : i32
      %dma_start3A_43 = tpu.memref_slice %arg8[%dma_start3A_42] : memref<4224xi32, #tpu.memory_space<vmem>> -> memref<128xi32, #tpu.memory_space<vmem>>
      %dma_start3A_44 = arith.constant 0 : i32
      %dma_start3A_45 = arith.constant 0 : i32
      %dma_start3A_46 = tpu.memref_slice %arg5[%dma_start3A_44, %dma_start3A_45] : memref<16384x64xf32, #tpu.memory_space<hbm>> -> memref<16384x64xf32, #tpu.memory_space<hbm>>
      tpu.enqueue_indirect_dma source(%dma_start3A_46 : memref<16384x64xf32, #tpu.memory_space<hbm>>) target(%arg12 : memref<128x64xf32, #tpu.memory_space<vmem>>) offsets(%dma_start3A_43 : memref<128xi32, #tpu.memory_space<vmem>>) semaphore(%arg18 : memref<!tpu.dma_semaphore, #tpu.memory_space<semaphore_mem>>)
      %dma_start3A_47 = arith.constant 256 : i32
      %dma_start3A_48 = tpu.memref_slice %arg8[%dma_start3A_47] : memref<4224xi32, #tpu.memory_space<vmem>> -> memref<128xi32, #tpu.memory_space<vmem>>
      %dma_start3A_49 = arith.constant 0 : i32
      %dma_start3A_50 = arith.constant 0 : i32
      %dma_start3A_51 = tpu.memref_slice %arg5[%dma_start3A_49, %dma_start3A_50] : memref<16384x64xf32, #tpu.memory_space<hbm>> -> memref<16384x64xf32, #tpu.memory_space<hbm>>
      tpu.enqueue_indirect_dma source(%dma_start3A_51 : memref<16384x64xf32, #tpu.memory_space<hbm>>) target(%arg13 : memref<128x64xf32, #tpu.memory_space<vmem>>) offsets(%dma_start3A_48 : memref<128xi32, #tpu.memory_space<vmem>>) semaphore(%arg19 : memref<!tpu.dma_semaphore, #tpu.memory_space<semaphore_mem>>)
      %scan3A_52 = arith.constant 0 : i32
      %scan3A_53 = arith.constant 11 : i32
      %scan3A_54 = arith.addi %scan3A_52, %scan3A_53 : i32
      %scan3A_55 = arith.constant 1 : i32
      scf.for %scan3A_74 = %scan3A_52 to %scan3A_54 step %scan3A_55  : i32 {
        %mul3A_75 = arith.constant 1 : i32
        %mul3A_76 = arith.muli %scan3A_74, %mul3A_75 : i32
        %add3A_77 = arith.constant 0 : i32
        %add3A_78 = arith.addi %add3A_77, %mul3A_76 : i32
        %mul3A_79 = arith.constant 3 : i32
        %mul3A_80 = arith.muli %add3A_78, %mul3A_79 : i32
        %add3A_81 = arith.constant 0 : i32
        %add3A_82 = arith.addi %mul3A_80, %add3A_81 : i32
        %gt3A = arith.constant 0 : i32
        %gt3A_83 = arith.cmpi sgt, %add3A_78, %gt3A : i32
        %convert_element_type3A = arith.extui %gt3A_83 : i1 to i32
        %cond3A = arith.constant 0 : i32
        %cond3A_84 = arith.cmpi ne, %convert_element_type3A, %cond3A : i32
        scf.if %cond3A_84 {
          %dma_wait3A_161 = arith.constant 0 : i32
          %dma_wait3A_162 = arith.constant 0 : i32
          %dma_wait3A_163 = tpu.memref_slice %arg5[%dma_wait3A_161, %dma_wait3A_162] : memref<16384x64xf32, #tpu.memory_space<hbm>> -> memref<128x64xf32, #tpu.memory_space<hbm>>
          %dma_wait3A_164 = arith.constant 0 : i32
          %dma_wait3A_165 = arith.constant 0 : i32
          %dma_wait3A_166 = tpu.memref_slice %arg5[%dma_wait3A_164, %dma_wait3A_165] : memref<16384x64xf32, #tpu.memory_space<hbm>> -> memref<128x64xf32, #tpu.memory_space<hbm>>
          tpu.wait_dma2 semaphore(%arg20 : memref<!tpu.dma_semaphore, #tpu.memory_space<semaphore_mem>>) src(%dma_wait3A_166 : memref<128x64xf32, #tpu.memory_space<hbm>>) dst(%arg14 : memref<128x64xf32, #tpu.memory_space<vmem>>)
        } else {
        }
        %dma_wait3A_85 = arith.constant 0 : i32
        %dma_wait3A_86 = arith.constant 0 : i32
        %dma_wait3A_87 = tpu.memref_slice %arg5[%dma_wait3A_85, %dma_wait3A_86] : memref<16384x64xf32, #tpu.memory_space<hbm>> -> memref<128x64xf32, #tpu.memory_space<hbm>>
        %dma_wait3A_88 = arith.constant 0 : i32
        %dma_wait3A_89 = arith.constant 0 : i32
        %dma_wait3A_90 = tpu.memref_slice %arg5[%dma_wait3A_88, %dma_wait3A_89] : memref<16384x64xf32, #tpu.memory_space<hbm>> -> memref<128x64xf32, #tpu.memory_space<hbm>>
        tpu.wait_dma2 semaphore(%arg17 : memref<!tpu.dma_semaphore, #tpu.memory_space<semaphore_mem>>) src(%dma_wait3A_90 : memref<128x64xf32, #tpu.memory_space<hbm>>) dst(%arg11 : memref<128x64xf32, #tpu.memory_space<vmem>>)
        %parallel_loop3A = arith.constant 0 : i32
        %parallel_loop3A_91 = arith.constant 8 : i32
        %parallel_loop3A_92 = arith.constant 1 : i32
        scf.for %parallel_loop3A_161 = %parallel_loop3A to %parallel_loop3A_91 step %parallel_loop3A_92  : i32 {
          %parallel_loop3A_162 = arith.constant 128 : i32
          %parallel_loop3A_163 = arith.muli %add3A_82, %parallel_loop3A_162 : i32
          %parallel_loop3A_164 = arith.constant 16 : i32
          %parallel_loop3A_165 = arith.muli %parallel_loop3A_161, %parallel_loop3A_164 : i32
          %parallel_loop3A_166 = arith.addi %parallel_loop3A_163, %parallel_loop3A_165 : i32
          %parallel_loop3A_167 = arith.index_cast %parallel_loop3A_166 : i32 to index
          %parallel_loop3A_168 = tpu.vector_load %arg10[%parallel_loop3A_167] {strides = array<i32>} : memref<4224xf32, #tpu.memory_space<vmem>>, vector<16xf32>,
          %parallel_loop3A_169 = vector.shape_cast %parallel_loop3A_168 : vector<16xf32> to vector<16xf32>
          %parallel_loop3A_170 = arith.constant 0 : i32
          %parallel_loop3A_171 = vector.broadcast %parallel_loop3A_170 : i32 to vector<16x1xi32>
          %parallel_loop3A_172 = vector.shape_cast %parallel_loop3A_171 : vector<16x1xi32> to vector<16xi32>
          %parallel_loop3A_173 = tpu.dynamic_gather %parallel_loop3A_169[%parallel_loop3A_172] in [0] : vector<16xf32>, vector<16xi32> -> vector<16xf32>
          %parallel_loop3A_174 = arith.constant 16 : i32
          %parallel_loop3A_175 = arith.muli %parallel_loop3A_161, %parallel_loop3A_174 : i32
          %parallel_loop3A_176 = arith.constant 0 : i32
          %parallel_loop3A_177 = arith.addi %parallel_loop3A_175, %parallel_loop3A_176 : i32
          %parallel_loop3A_178 = arith.index_cast %parallel_loop3A_177 : i32 to index
          %parallel_loop3A_179 = arith.constant 0 : index
          %parallel_loop3A_180 = tpu.vector_load %arg11[%parallel_loop3A_178, %parallel_loop3A_179] {strides = array<i32>} : memref<128x64xf32, #tpu.memory_space<vmem>>, vector<1x16xf32>,
          %parallel_loop3A_181 = vector.shape_cast %parallel_loop3A_180 : vector<1x16xf32> to vector<16xf32>
          %parallel_loop3A_182 = arith.mulf %parallel_loop3A_181, %parallel_loop3A_173 : vector<16xf32>
          %parallel_loop3A_183 = arith.index_cast %parallel_loop3A_177 : i32 to index
          %parallel_loop3A_184 = arith.constant 0 : index
          %parallel_loop3A_185 = tpu.vector_load %arg14[%parallel_loop3A_183, %parallel_loop3A_184] {strides = array<i32>} : memref<128x64xf32, #tpu.memory_space<vmem>>, vector<1x16xf32>,
          %parallel_loop3A_186 = vector.shape_cast %parallel_loop3A_185 : vector<1x16xf32> to vector<16xf32>
          %parallel_loop3A_187 = vector.shape_cast %parallel_loop3A_182 : vector<16xf32> to vector<1x16xf32>
          tpu.vector_store %arg14[%parallel_loop3A_183, %parallel_loop3A_184], %parallel_loop3A_187 {strides = array<i32>} : memref<128x64xf32, #tpu.memory_space<vmem>>, vector<1x16xf32>,
          %parallel_loop3A_188 = arith.constant 16 : i32
          %parallel_loop3A_189 = arith.muli %parallel_loop3A_161, %parallel_loop3A_188 : i32
          %parallel_loop3A_190 = arith.constant 0 : i32
          %parallel_loop3A_191 = arith.addi %parallel_loop3A_189, %parallel_loop3A_190 : i32
          %parallel_loop3A_192 = arith.index_cast %parallel_loop3A_191 : i32 to index
          %parallel_loop3A_193 = arith.constant 16 : index
          %parallel_loop3A_194 = tpu.vector_load %arg11[%parallel_loop3A_192, %parallel_loop3A_193] {strides = array<i32>} : memref<128x64xf32, #tpu.memory_space<vmem>>, vector<1x16xf32>,
          %parallel_loop3A_195 = vector.shape_cast %parallel_loop3A_194 : vector<1x16xf32> to vector<16xf32>
          %parallel_loop3A_196 = arith.mulf %parallel_loop3A_195, %parallel_loop3A_173 : vector<16xf32>
          %parallel_loop3A_197 = arith.index_cast %parallel_loop3A_191 : i32 to index
          %parallel_loop3A_198 = arith.constant 16 : index
          %parallel_loop3A_199 = tpu.vector_load %arg14[%parallel_loop3A_197, %parallel_loop3A_198] {strides = array<i32>} : memref<128x64xf32, #tpu.memory_space<vmem>>, vector<1x16xf32>,
          %parallel_loop3A_200 = vector.shape_cast %parallel_loop3A_199 : vector<1x16xf32> to vector<16xf32>
          %parallel_loop3A_201 = vector.shape_cast %parallel_loop3A_196 : vector<16xf32> to vector<1x16xf32>
          tpu.vector_store %arg14[%parallel_loop3A_197, %parallel_loop3A_198], %parallel_loop3A_201 {strides = array<i32>} : memref<128x64xf32, #tpu.memory_space<vmem>>, vector<1x16xf32>,
          %parallel_loop3A_202 = arith.constant 16 : i32
          %parallel_loop3A_203 = arith.muli %parallel_loop3A_161, %parallel_loop3A_202 : i32
          %parallel_loop3A_204 = arith.constant 0 : i32
          %parallel_loop3A_205 = arith.addi %parallel_loop3A_203, %parallel_loop3A_204 : i32
          %parallel_loop3A_206 = arith.index_cast %parallel_loop3A_205 : i32 to index
          %parallel_loop3A_207 = arith.constant 32 : index
          %parallel_loop3A_208 = tpu.vector_load %arg11[%parallel_loop3A_206, %parallel_loop3A_207] {strides = array<i32>} : memref<128x64xf32, #tpu.memory_space<vmem>>, vector<1x16xf32>,
          %parallel_loop3A_209 = vector.shape_cast %parallel_loop3A_208 : vector<1x16xf32> to vector<16xf32>
          %parallel_loop3A_210 = arith.mulf %parallel_loop3A_209, %parallel_loop3A_173 : vector<16xf32>
          %parallel_loop3A_211 = arith.index_cast %parallel_loop3A_205 : i32 to index
          %parallel_loop3A_212 = arith.constant 32 : index
          %parallel_loop3A_213 = tpu.vector_load %arg14[%parallel_loop3A_211, %parallel_loop3A_212] {strides = array<i32>} : memref<128x64xf32, #tpu.memory_space<vmem>>, vector<1x16xf32>,
          %parallel_loop3A_214 = vector.shape_cast %parallel_loop3A_213 : vector<1x16xf32> to vector<16xf32>
          %parallel_loop3A_215 = vector.shape_cast %parallel_loop3A_210 : vector<16xf32> to vector<1x16xf32>
          tpu.vector_store %arg14[%parallel_loop3A_211, %parallel_loop3A_212], %parallel_loop3A_215 {strides = array<i32>} : memref<128x64xf32, #tpu.memory_space<vmem>>, vector<1x16xf32>,
          %parallel_loop3A_216 = arith.constant 16 : i32
          %parallel_loop3A_217 = arith.muli %parallel_loop3A_161, %parallel_loop3A_216 : i32
          %parallel_loop3A_218 = arith.constant 0 : i32
          %parallel_loop3A_219 = arith.addi %parallel_loop3A_217, %parallel_loop3A_218 : i32
          %parallel_loop3A_220 = arith.index_cast %parallel_loop3A_219 : i32 to index
          %parallel_loop3A_221 = arith.constant 48 : index
          %parallel_loop3A_222 = tpu.vector_load %arg11[%parallel_loop3A_220, %parallel_loop3A_221] {strides = array<i32>} : memref<128x64xf32, #tpu.memory_space<vmem>>, vector<1x16xf32>,
          %parallel_loop3A_223 = vector.shape_cast %parallel_loop3A_222 : vector<1x16xf32> to vector<16xf32>
          %parallel_loop3A_224 = arith.mulf %parallel_loop3A_223, %parallel_loop3A_173 : vector<16xf32>
          %parallel_loop3A_225 = arith.index_cast %parallel_loop3A_219 : i32 to index
          %parallel_loop3A_226 = arith.constant 48 : index
          %parallel_loop3A_227 = tpu.vector_load %arg14[%parallel_loop3A_225, %parallel_loop3A_226] {strides = array<i32>} : memref<128x64xf32, #tpu.memory_space<vmem>>, vector<1x16xf32>,
          %parallel_loop3A_228 = vector.shape_cast %parallel_loop3A_227 : vector<1x16xf32> to vector<16xf32>
          %parallel_loop3A_229 = vector.shape_cast %parallel_loop3A_224 : vector<16xf32> to vector<1x16xf32>
          tpu.vector_store %arg14[%parallel_loop3A_225, %parallel_loop3A_226], %parallel_loop3A_229 {strides = array<i32>} : memref<128x64xf32, #tpu.memory_space<vmem>>, vector<1x16xf32>,
          %parallel_loop3A_230 = arith.constant 1 : i32
          %parallel_loop3A_231 = vector.broadcast %parallel_loop3A_230 : i32 to vector<16x1xi32>
          %parallel_loop3A_232 = vector.shape_cast %parallel_loop3A_231 : vector<16x1xi32> to vector<16xi32>
          %parallel_loop3A_233 = tpu.dynamic_gather %parallel_loop3A_169[%parallel_loop3A_232] in [0] : vector<16xf32>, vector<16xi32> -> vector<16xf32>
          %parallel_loop3A_234 = arith.constant 16 : i32
          %parallel_loop3A_235 = arith.muli %parallel_loop3A_161, %parallel_loop3A_234 : i32
          %parallel_loop3A_236 = arith.constant 1 : i32
          %parallel_loop3A_237 = arith.addi %parallel_loop3A_235, %parallel_loop3A_236 : i32
          %parallel_loop3A_238 = arith.index_cast %parallel_loop3A_237 : i32 to index
          %parallel_loop3A_239 = arith.constant 0 : index
          %parallel_loop3A_240 = tpu.vector_load %arg11[%parallel_loop3A_238, %parallel_loop3A_239] {strides = array<i32>} : memref<128x64xf32, #tpu.memory_space<vmem>>, vector<1x16xf32>,
          %parallel_loop3A_241 = vector.shape_cast %parallel_loop3A_240 : vector<1x16xf32> to vector<16xf32>
          %parallel_loop3A_242 = arith.mulf %parallel_loop3A_241, %parallel_loop3A_233 : vector<16xf32>
          %parallel_loop3A_243 = arith.index_cast %parallel_loop3A_237 : i32 to index
          %parallel_loop3A_244 = arith.constant 0 : index
          %parallel_loop3A_245 = tpu.vector_load %arg14[%parallel_loop3A_243, %parallel_loop3A_244] {strides = array<i32>} : memref<128x64xf32, #tpu.memory_space<vmem>>, vector<1x16xf32>,
          %parallel_loop3A_246 = vector.shape_cast %parallel_loop3A_245 : vector<1x16xf32> to vector<16xf32>
          %parallel_loop3A_247 = vector.shape_cast %parallel_loop3A_242 : vector<16xf32> to vector<1x16xf32>
          tpu.vector_store %arg14[%parallel_loop3A_243, %parallel_loop3A_244], %parallel_loop3A_247 {strides = array<i32>} : memref<128x64xf32, #tpu.memory_space<vmem>>, vector<1x16xf32>,
          %parallel_loop3A_248 = arith.constant 16 : i32
          %parallel_loop3A_249 = arith.muli %parallel_loop3A_161, %parallel_loop3A_248 : i32
          %parallel_loop3A_250 = arith.constant 1 : i32
          %parallel_loop3A_251 = arith.addi %parallel_loop3A_249, %parallel_loop3A_250 : i32
          %parallel_loop3A_252 = arith.index_cast %parallel_loop3A_251 : i32 to index
          %parallel_loop3A_253 = arith.constant 16 : index
          %parallel_loop3A_254 = tpu.vector_load %arg11[%parallel_loop3A_252, %parallel_loop3A_253] {strides = array<i32>} : memref<128x64xf32, #tpu.memory_space<vmem>>, vector<1x16xf32>,
          %parallel_loop3A_255 = vector.shape_cast %parallel_loop3A_254 : vector<1x16xf32> to vector<16xf32>
          %parallel_loop3A_256 = arith.mulf %parallel_loop3A_255, %parallel_loop3A_233 : vector<16xf32>
          %parallel_loop3A_257 = arith.index_cast %parallel_loop3A_251 : i32 to index
          %parallel_loop3A_258 = arith.constant 16 : index
          %parallel_loop3A_259 = tpu.vector_load %arg14[%parallel_loop3A_257, %parallel_loop3A_258] {strides = array<i32>} : memref<128x64xf32, #tpu.memory_space<vmem>>, vector<1x16xf32>,
          %parallel_loop3A_260 = vector.shape_cast %parallel_loop3A_259 : vector<1x16xf32> to vector<16xf32>
          %parallel_loop3A_261 = vector.shape_cast %parallel_loop3A_256 : vector<16xf32> to vector<1x16xf32>
          tpu.vector_store %arg14[%parallel_loop3A_257, %parallel_loop3A_258], %parallel_loop3A_261 {strides = array<i32>} : memref<128x64xf32, #tpu.memory_space<vmem>>, vector<1x16xf32>,
          %parallel_loop3A_262 = arith.constant 16 : i32
          %parallel_loop3A_263 = arith.muli %parallel_loop3A_161, %parallel_loop3A_262 : i32
          %parallel_loop3A_264 = arith.constant 1 : i32
          %parallel_loop3A_265 = arith.addi %parallel_loop3A_263, %parallel_loop3A_264 : i32
          %parallel_loop3A_266 = arith.index_cast %parallel_loop3A_265 : i32 to index
          %parallel_loop3A_267 = arith.constant 32 : index
          %parallel_loop3A_268 = tpu.vector_load %arg11[%parallel_loop3A_266, %parallel_loop3A_267] {strides = array<i32>} : memref<128x64xf32, #tpu.memory_space<vmem>>, vector<1x16xf32>,
          %parallel_loop3A_269 = vector.shape_cast %parallel_loop3A_268 : vector<1x16xf32> to vector<16xf32>
          %parallel_loop3A_270 = arith.mulf %parallel_loop3A_269, %parallel_loop3A_233 : vector<16xf32>
          %parallel_loop3A_271 = arith.index_cast %parallel_loop3A_265 : i32 to index
          %parallel_loop3A_272 = arith.constant 32 : index
          %parallel_loop3A_273 = tpu.vector_load %arg14[%parallel_loop3A_271, %parallel_loop3A_272] {strides = array<i32>} : memref<128x64xf32, #tpu.memory_space<vmem>>, vector<1x16xf32>,
          %parallel_loop3A_274 = vector.shape_cast %parallel_loop3A_273 : vector<1x16xf32> to vector<16xf32>
          %parallel_loop3A_275 = vector.shape_cast %parallel_loop3A_270 : vector<16xf32> to vector<1x16xf32>
          tpu.vector_store %arg14[%parallel_loop3A_271, %parallel_loop3A_272], %parallel_loop3A_275 {strides = array<i32>} : memref<128x64xf32, #tpu.memory_space<vmem>>, vector<1x16xf32>,
          %parallel_loop3A_276 = arith.constant 16 : i32
          %parallel_loop3A_277 = arith.muli %parallel_loop3A_161, %parallel_loop3A_276 : i32
          %parallel_loop3A_278 = arith.constant 1 : i32
          %parallel_loop3A_279 = arith.addi %parallel_loop3A_277, %parallel_loop3A_278 : i32
          %parallel_loop3A_280 = arith.index_cast %parallel_loop3A_279 : i32 to index
          %parallel_loop3A_281 = arith.constant 48 : index
          %parallel_loop3A_282 = tpu.vector_load %arg11[%parallel_loop3A_280, %parallel_loop3A_281] {strides = array<i32>} : memref<128x64xf32, #tpu.memory_space<vmem>>, vector<1x16xf32>,
          %parallel_loop3A_283 = vector.shape_cast %parallel_loop3A_282 : vector<1x16xf32> to vector<16xf32>
          %parallel_loop3A_284 = arith.mulf %parallel_loop3A_283, %parallel_loop3A_233 : vector<16xf32>
          %parallel_loop3A_285 = arith.index_cast %parallel_loop3A_279 : i32 to index
          %parallel_loop3A_286 = arith.constant 48 : index
          %parallel_loop3A_287 = tpu.vector_load %arg14[%parallel_loop3A_285, %parallel_loop3A_286] {strides = array<i32>} : memref<128x64xf32, #tpu.memory_space<vmem>>, vector<1x16xf32>,
          %parallel_loop3A_288 = vector.shape_cast %parallel_loop3A_287 : vector<1x16xf32> to vector<16xf32>
          %parallel_loop3A_289 = vector.shape_cast %parallel_loop3A_284 : vector<16xf32> to vector<1x16xf32>
          tpu.vector_store %arg14[%parallel_loop3A_285, %parallel_loop3A_286], %parallel_loop3A_289 {strides = array<i32>} : memref<128x64xf32, #tpu.memory_space<vmem>>, vector<1x16xf32>,
          %parallel_loop3A_290 = arith.constant 2 : i32
          %parallel_loop3A_291 = vector.broadcast %parallel_loop3A_290 : i32 to vector<16x1xi32>
          %parallel_loop3A_292 = vector.shape_cast %parallel_loop3A_291 : vector<16x1xi32> to vector<16xi32>
          %parallel_loop3A_293 = tpu.dynamic_gather %parallel_loop3A_169[%parallel_loop3A_292] in [0] : vector<16xf32>, vector<16xi32> -> vector<16xf32>
          %parallel_loop3A_294 = arith.constant 16 : i32
          %parallel_loop3A_295 = arith.muli %parallel_loop3A_161, %parallel_loop3A_294 : i32
          %parallel_loop3A_296 = arith.constant 2 : i32
          %parallel_loop3A_297 = arith.addi %parallel_loop3A_295, %parallel_loop3A_296 : i32
          %parallel_loop3A_298 = arith.index_cast %parallel_loop3A_297 : i32 to index
          %parallel_loop3A_299 = arith.constant 0 : index
          %parallel_loop3A_300 = tpu.vector_load %arg11[%parallel_loop3A_298, %parallel_loop3A_299] {strides = array<i32>} : memref<128x64xf32, #tpu.memory_space<vmem>>, vector<1x16xf32>,
          %parallel_loop3A_301 = vector.shape_cast %parallel_loop3A_300 : vector<1x16xf32> to vector<16xf32>
          %parallel_loop3A_302 = arith.mulf %parallel_loop3A_301, %parallel_loop3A_293 : vector<16xf32>
          %parallel_loop3A_303 = arith.index_cast %parallel_loop3A_297 : i32 to index
          %parallel_loop3A_304 = arith.constant 0 : index
          %parallel_loop3A_305 = tpu.vector_load %arg14[%parallel_loop3A_303, %parallel_loop3A_304] {strides = array<i32>} : memref<128x64xf32, #tpu.memory_space<vmem>>, vector<1x16xf32>,
          %parallel_loop3A_306 = vector.shape_cast %parallel_loop3A_305 : vector<1x16xf32> to vector<16xf32>
          %parallel_loop3A_307 = vector.shape_cast %parallel_loop3A_302 : vector<16xf32> to vector<1x16xf32>
          tpu.vector_store %arg14[%parallel_loop3A_303, %parallel_loop3A_304], %parallel_loop3A_307 {strides = array<i32>} : memref<128x64xf32, #tpu.memory_space<vmem>>, vector<1x16xf32>,
          %parallel_loop3A_308 = arith.constant 16 : i32
          %parallel_loop3A_309 = arith.muli %parallel_loop3A_161, %parallel_loop3A_308 : i32
          %parallel_loop3A_310 = arith.constant 2 : i32
          %parallel_loop3A_311 = arith.addi %parallel_loop3A_309, %parallel_loop3A_310 : i32
          %parallel_loop3A_312 = arith.index_cast %parallel_loop3A_311 : i32 to index
          %parallel_loop3A_313 = arith.constant 16 : index
          %parallel_loop3A_314 = tpu.vector_load %arg11[%parallel_loop3A_312, %parallel_loop3A_313] {strides = array<i32>} : memref<128x64xf32, #tpu.memory_space<vmem>>, vector<1x16xf32>,
          %parallel_loop3A_315 = vector.shape_cast %parallel_loop3A_314 : vector<1x16xf32> to vector<16xf32>
          %parallel_loop3A_316 = arith.mulf %parallel_loop3A_315, %parallel_loop3A_293 : vector<16xf32>
          %parallel_loop3A_317 = arith.index_cast %parallel_loop3A_311 : i32 to index
          %parallel_loop3A_318 = arith.constant 16 : index
          %parallel_loop3A_319 = tpu.vector_load %arg14[%parallel_loop3A_317, %parallel_loop3A_318] {strides = array<i32>} : memref<128x64xf32, #tpu.memory_space<vmem>>, vector<1x16xf32>,
          %parallel_loop3A_320 = vector.shape_cast %parallel_loop3A_319 : vector<1x16xf32> to vector<16xf32>
          %parallel_loop3A_321 = vector.shape_cast %parallel_loop3A_316 : vector<16xf32> to vector<1x16xf32>
          tpu.vector_store %arg14[%parallel_loop3A_317, %parallel_loop3A_318], %parallel_loop3A_321 {strides = array<i32>} : memref<128x64xf32, #tpu.memory_space<vmem>>, vector<1x16xf32>,
          %parallel_loop3A_322 = arith.constant 16 : i32
          %parallel_loop3A_323 = arith.muli %parallel_loop3A_161, %parallel_loop3A_322 : i32
          %parallel_loop3A_324 = arith.constant 2 : i32
          %parallel_loop3A_325 = arith.addi %parallel_loop3A_323, %parallel_loop3A_324 : i32
          %parallel_loop3A_326 = arith.index_cast %parallel_loop3A_325 : i32 to index
          %parallel_loop3A_327 = arith.constant 32 : index
          %parallel_loop3A_328 = tpu.vector_load %arg11[%parallel_loop3A_326, %parallel_loop3A_327] {strides = array<i32>} : memref<128x64xf32, #tpu.memory_space<vmem>>, vector<1x16xf32>,
          %parallel_loop3A_329 = vector.shape_cast %parallel_loop3A_328 : vector<1x16xf32> to vector<16xf32>
          %parallel_loop3A_330 = arith.mulf %parallel_loop3A_329, %parallel_loop3A_293 : vector<16xf32>
          %parallel_loop3A_331 = arith.index_cast %parallel_loop3A_325 : i32 to index
          %parallel_loop3A_332 = arith.constant 32 : index
          %parallel_loop3A_333 = tpu.vector_load %arg14[%parallel_loop3A_331, %parallel_loop3A_332] {strides = array<i32>} : memref<128x64xf32, #tpu.memory_space<vmem>>, vector<1x16xf32>,
          %parallel_loop3A_334 = vector.shape_cast %parallel_loop3A_333 : vector<1x16xf32> to vector<16xf32>
          %parallel_loop3A_335 = vector.shape_cast %parallel_loop3A_330 : vector<16xf32> to vector<1x16xf32>
          tpu.vector_store %arg14[%parallel_loop3A_331, %parallel_loop3A_332], %parallel_loop3A_335 {strides = array<i32>} : memref<128x64xf32, #tpu.memory_space<vmem>>, vector<1x16xf32>,
          %parallel_loop3A_336 = arith.constant 16 : i32
          %parallel_loop3A_337 = arith.muli %parallel_loop3A_161, %parallel_loop3A_336 : i32
          %parallel_loop3A_338 = arith.constant 2 : i32
          %parallel_loop3A_339 = arith.addi %parallel_loop3A_337, %parallel_loop3A_338 : i32
          %parallel_loop3A_340 = arith.index_cast %parallel_loop3A_339 : i32 to index
          %parallel_loop3A_341 = arith.constant 48 : index
          %parallel_loop3A_342 = tpu.vector_load %arg11[%parallel_loop3A_340, %parallel_loop3A_341] {strides = array<i32>} : memref<128x64xf32, #tpu.memory_space<vmem>>, vector<1x16xf32>,
          %parallel_loop3A_343 = vector.shape_cast %parallel_loop3A_342 : vector<1x16xf32> to vector<16xf32>
          %parallel_loop3A_344 = arith.mulf %parallel_loop3A_343, %parallel_loop3A_293 : vector<16xf32>
          %parallel_loop3A_345 = arith.index_cast %parallel_loop3A_339 : i32 to index
          %parallel_loop3A_346 = arith.constant 48 : index
          %parallel_loop3A_347 = tpu.vector_load %arg14[%parallel_loop3A_345, %parallel_loop3A_346] {strides = array<i32>} : memref<128x64xf32, #tpu.memory_space<vmem>>, vector<1x16xf32>,
          %parallel_loop3A_348 = vector.shape_cast %parallel_loop3A_347 : vector<1x16xf32> to vector<16xf32>
          %parallel_loop3A_349 = vector.shape_cast %parallel_loop3A_344 : vector<16xf32> to vector<1x16xf32>
          tpu.vector_store %arg14[%parallel_loop3A_345, %parallel_loop3A_346], %parallel_loop3A_349 {strides = array<i32>} : memref<128x64xf32, #tpu.memory_space<vmem>>, vector<1x16xf32>,
          %parallel_loop3A_350 = arith.constant 3 : i32
          %parallel_loop3A_351 = vector.broadcast %parallel_loop3A_350 : i32 to vector<16x1xi32>
          %parallel_loop3A_352 = vector.shape_cast %parallel_loop3A_351 : vector<16x1xi32> to vector<16xi32>
          %parallel_loop3A_353 = tpu.dynamic_gather %parallel_loop3A_169[%parallel_loop3A_352] in [0] : vector<16xf32>, vector<16xi32> -> vector<16xf32>
          %parallel_loop3A_354 = arith.constant 16 : i32
          %parallel_loop3A_355 = arith.muli %parallel_loop3A_161, %parallel_loop3A_354 : i32
          %parallel_loop3A_356 = arith.constant 3 : i32
          %parallel_loop3A_357 = arith.addi %parallel_loop3A_355, %parallel_loop3A_356 : i32
          %parallel_loop3A_358 = arith.index_cast %parallel_loop3A_357 : i32 to index
          %parallel_loop3A_359 = arith.constant 0 : index
          %parallel_loop3A_360 = tpu.vector_load %arg11[%parallel_loop3A_358, %parallel_loop3A_359] {strides = array<i32>} : memref<128x64xf32, #tpu.memory_space<vmem>>, vector<1x16xf32>,
          %parallel_loop3A_361 = vector.shape_cast %parallel_loop3A_360 : vector<1x16xf32> to vector<16xf32>
          %parallel_loop3A_362 = arith.mulf %parallel_loop3A_361, %parallel_loop3A_353 : vector<16xf32>
          %parallel_loop3A_363 = arith.index_cast %parallel_loop3A_357 : i32 to index
          %parallel_loop3A_364 = arith.constant 0 : index
          %parallel_loop3A_365 = tpu.vector_load %arg14[%parallel_loop3A_363, %parallel_loop3A_364] {strides = array<i32>} : memref<128x64xf32, #tpu.memory_space<vmem>>, vector<1x16xf32>,
          %parallel_loop3A_366 = vector.shape_cast %parallel_loop3A_365 : vector<1x16xf32> to vector<16xf32>
          %parallel_loop3A_367 = vector.shape_cast %parallel_loop3A_362 : vector<16xf32> to vector<1x16xf32>
          tpu.vector_store %arg14[%parallel_loop3A_363, %parallel_loop3A_364], %parallel_loop3A_367 {strides = array<i32>} : memref<128x64xf32, #tpu.memory_space<vmem>>, vector<1x16xf32>,
          %parallel_loop3A_368 = arith.constant 16 : i32
          %parallel_loop3A_369 = arith.muli %parallel_loop3A_161, %parallel_loop3A_368 : i32
          %parallel_loop3A_370 = arith.constant 3 : i32
          %parallel_loop3A_371 = arith.addi %parallel_loop3A_369, %parallel_loop3A_370 : i32
          %parallel_loop3A_372 = arith.index_cast %parallel_loop3A_371 : i32 to index
          %parallel_loop3A_373 = arith.constant 16 : index
          %parallel_loop3A_374 = tpu.vector_load %arg11[%parallel_loop3A_372, %parallel_loop3A_373] {strides = array<i32>} : memref<128x64xf32, #tpu.memory_space<vmem>>, vector<1x16xf32>,
          %parallel_loop3A_375 = vector.shape_cast %parallel_loop3A_374 : vector<1x16xf32> to vector<16xf32>
          %parallel_loop3A_376 = arith.mulf %parallel_loop3A_375, %parallel_loop3A_353 : vector<16xf32>
          %parallel_loop3A_377 = arith.index_cast %parallel_loop3A_371 : i32 to index
          %parallel_loop3A_378 = arith.constant 16 : index
          %parallel_loop3A_379 = tpu.vector_load %arg14[%parallel_loop3A_377, %parallel_loop3A_378] {strides = array<i32>} : memref<128x64xf32, #tpu.memory_space<vmem>>, vector<1x16xf32>,
          %parallel_loop3A_380 = vector.shape_cast %parallel_loop3A_379 : vector<1x16xf32> to vector<16xf32>
          %parallel_loop3A_381 = vector.shape_cast %parallel_loop3A_376 : vector<16xf32> to vector<1x16xf32>
          tpu.vector_store %arg14[%parallel_loop3A_377, %parallel_loop3A_378], %parallel_loop3A_381 {strides = array<i32>} : memref<128x64xf32, #tpu.memory_space<vmem>>, vector<1x16xf32>,
          %parallel_loop3A_382 = arith.constant 16 : i32
          %parallel_loop3A_383 = arith.muli %parallel_loop3A_161, %parallel_loop3A_382 : i32
          %parallel_loop3A_384 = arith.constant 3 : i32
          %parallel_loop3A_385 = arith.addi %parallel_loop3A_383, %parallel_loop3A_384 : i32
          %parallel_loop3A_386 = arith.index_cast %parallel_loop3A_385 : i32 to index
          %parallel_loop3A_387 = arith.constant 32 : index
          %parallel_loop3A_388 = tpu.vector_load %arg11[%parallel_loop3A_386, %parallel_loop3A_387] {strides = array<i32>} : memref<128x64xf32, #tpu.memory_space<vmem>>, vector<1x16xf32>,
          %parallel_loop3A_389 = vector.shape_cast %parallel_loop3A_388 : vector<1x16xf32> to vector<16xf32>
          %parallel_loop3A_390 = arith.mulf %parallel_loop3A_389, %parallel_loop3A_353 : vector<16xf32>
          %parallel_loop3A_391 = arith.index_cast %parallel_loop3A_385 : i32 to index
          %parallel_loop3A_392 = arith.constant 32 : index
          %parallel_loop3A_393 = tpu.vector_load %arg14[%parallel_loop3A_391, %parallel_loop3A_392] {strides = array<i32>} : memref<128x64xf32, #tpu.memory_space<vmem>>, vector<1x16xf32>,
          %parallel_loop3A_394 = vector.shape_cast %parallel_loop3A_393 : vector<1x16xf32> to vector<16xf32>
          %parallel_loop3A_395 = vector.shape_cast %parallel_loop3A_390 : vector<16xf32> to vector<1x16xf32>
          tpu.vector_store %arg14[%parallel_loop3A_391, %parallel_loop3A_392], %parallel_loop3A_395 {strides = array<i32>} : memref<128x64xf32, #tpu.memory_space<vmem>>, vector<1x16xf32>,
          %parallel_loop3A_396 = arith.constant 16 : i32
          %parallel_loop3A_397 = arith.muli %parallel_loop3A_161, %parallel_loop3A_396 : i32
          %parallel_loop3A_398 = arith.constant 3 : i32
          %parallel_loop3A_399 = arith.addi %parallel_loop3A_397, %parallel_loop3A_398 : i32
          %parallel_loop3A_400 = arith.index_cast %parallel_loop3A_399 : i32 to index
          %parallel_loop3A_401 = arith.constant 48 : index
          %parallel_loop3A_402 = tpu.vector_load %arg11[%parallel_loop3A_400, %parallel_loop3A_401] {strides = array<i32>} : memref<128x64xf32, #tpu.memory_space<vmem>>, vector<1x16xf32>,
          %parallel_loop3A_403 = vector.shape_cast %parallel_loop3A_402 : vector<1x16xf32> to vector<16xf32>
          %parallel_loop3A_404 = arith.mulf %parallel_loop3A_403, %parallel_loop3A_353 : vector<16xf32>
          %parallel_loop3A_405 = arith.index_cast %parallel_loop3A_399 : i32 to index
          %parallel_loop3A_406 = arith.constant 48 : index
          %parallel_loop3A_407 = tpu.vector_load %arg14[%parallel_loop3A_405, %parallel_loop3A_406] {strides = array<i32>} : memref<128x64xf32, #tpu.memory_space<vmem>>, vector<1x16xf32>,
          %parallel_loop3A_408 = vector.shape_cast %parallel_loop3A_407 : vector<1x16xf32> to vector<16xf32>
          %parallel_loop3A_409 = vector.shape_cast %parallel_loop3A_404 : vector<16xf32> to vector<1x16xf32>
          tpu.vector_store %arg14[%parallel_loop3A_405, %parallel_loop3A_406], %parallel_loop3A_409 {strides = array<i32>} : memref<128x64xf32, #tpu.memory_space<vmem>>, vector<1x16xf32>,
          %parallel_loop3A_410 = arith.constant 4 : i32
          %parallel_loop3A_411 = vector.broadcast %parallel_loop3A_410 : i32 to vector<16x1xi32>
          %parallel_loop3A_412 = vector.shape_cast %parallel_loop3A_411 : vector<16x1xi32> to vector<16xi32>
          %parallel_loop3A_413 = tpu.dynamic_gather %parallel_loop3A_169[%parallel_loop3A_412] in [0] : vector<16xf32>, vector<16xi32> -> vector<16xf32>
          %parallel_loop3A_414 = arith.constant 16 : i32
          %parallel_loop3A_415 = arith.muli %parallel_loop3A_161, %parallel_loop3A_414 : i32
          %parallel_loop3A_416 = arith.constant 4 : i32
          %parallel_loop3A_417 = arith.addi %parallel_loop3A_415, %parallel_loop3A_416 : i32
          %parallel_loop3A_418 = arith.index_cast %parallel_loop3A_417 : i32 to index
          %parallel_loop3A_419 = arith.constant 0 : index
          %parallel_loop3A_420 = tpu.vector_load %arg11[%parallel_loop3A_418, %parallel_loop3A_419] {strides = array<i32>} : memref<128x64xf32, #tpu.memory_space<vmem>>, vector<1x16xf32>,
          %parallel_loop3A_421 = vector.shape_cast %parallel_loop3A_420 : vector<1x16xf32> to vector<16xf32>
          %parallel_loop3A_422 = arith.mulf %parallel_loop3A_421, %parallel_loop3A_413 : vector<16xf32>
          %parallel_loop3A_423 = arith.index_cast %parallel_loop3A_417 : i32 to index
          %parallel_loop3A_424 = arith.constant 0 : index
          %parallel_loop3A_425 = tpu.vector_load %arg14[%parallel_loop3A_423, %parallel_loop3A_424] {strides = array<i32>} : memref<128x64xf32, #tpu.memory_space<vmem>>, vector<1x16xf32>,
          %parallel_loop3A_426 = vector.shape_cast %parallel_loop3A_425 : vector<1x16xf32> to vector<16xf32>
          %parallel_loop3A_427 = vector.shape_cast %parallel_loop3A_422 : vector<16xf32> to vector<1x16xf32>
          tpu.vector_store %arg14[%parallel_loop3A_423, %parallel_loop3A_424], %parallel_loop3A_427 {strides = array<i32>} : memref<128x64xf32, #tpu.memory_space<vmem>>, vector<1x16xf32>,
          %parallel_loop3A_428 = arith.constant 16 : i32
          %parallel_loop3A_429 = arith.muli %parallel_loop3A_161, %parallel_loop3A_428 : i32
          %parallel_loop3A_430 = arith.constant 4 : i32
          %parallel_loop3A_431 = arith.addi %parallel_loop3A_429, %parallel_loop3A_430 : i32
          %parallel_loop3A_432 = arith.index_cast %parallel_loop3A_431 : i32 to index
          %parallel_loop3A_433 = arith.constant 16 : index
          %parallel_loop3A_434 = tpu.vector_load %arg11[%parallel_loop3A_432, %parallel_loop3A_433] {strides = array<i32>} : memref<128x64xf32, #tpu.memory_space<vmem>>, vector<1x16xf32>,
          %parallel_loop3A_435 = vector.shape_cast %parallel_loop3A_434 : vector<1x16xf32> to vector<16xf32>
          %parallel_loop3A_436 = arith.mulf %parallel_loop3A_435, %parallel_loop3A_413 : vector<16xf32>
          %parallel_loop3A_437 = arith.index_cast %parallel_loop3A_431 : i32 to index
          %parallel_loop3A_438 = arith.constant 16 : index
          %parallel_loop3A_439 = tpu.vector_load %arg14[%parallel_loop3A_437, %parallel_loop3A_438] {strides = array<i32>} : memref<128x64xf32, #tpu.memory_space<vmem>>, vector<1x16xf32>,
          %parallel_loop3A_440 = vector.shape_cast %parallel_loop3A_439 : vector<1x16xf32> to vector<16xf32>
          %parallel_loop3A_441 = vector.shape_cast %parallel_loop3A_436 : vector<16xf32> to vector<1x16xf32>
          tpu.vector_store %arg14[%parallel_loop3A_437, %parallel_loop3A_438], %parallel_loop3A_441 {strides = array<i32>} : memref<128x64xf32, #tpu.memory_space<vmem>>, vector<1x16xf32>,
          %parallel_loop3A_442 = arith.constant 16 : i32
          %parallel_loop3A_443 = arith.muli %parallel_loop3A_161, %parallel_loop3A_442 : i32
          %parallel_loop3A_444 = arith.constant 4 : i32
          %parallel_loop3A_445 = arith.addi %parallel_loop3A_443, %parallel_loop3A_444 : i32
          %parallel_loop3A_446 = arith.index_cast %parallel_loop3A_445 : i32 to index
          %parallel_loop3A_447 = arith.constant 32 : index
          %parallel_loop3A_448 = tpu.vector_load %arg11[%parallel_loop3A_446, %parallel_loop3A_447] {strides = array<i32>} : memref<128x64xf32, #tpu.memory_space<vmem>>, vector<1x16xf32>,
          %parallel_loop3A_449 = vector.shape_cast %parallel_loop3A_448 : vector<1x16xf32> to vector<16xf32>
          %parallel_loop3A_450 = arith.mulf %parallel_loop3A_449, %parallel_loop3A_413 : vector<16xf32>
          %parallel_loop3A_451 = arith.index_cast %parallel_loop3A_445 : i32 to index
          %parallel_loop3A_452 = arith.constant 32 : index
          %parallel_loop3A_453 = tpu.vector_load %arg14[%parallel_loop3A_451, %parallel_loop3A_452] {strides = array<i32>} : memref<128x64xf32, #tpu.memory_space<vmem>>, vector<1x16xf32>,
          %parallel_loop3A_454 = vector.shape_cast %parallel_loop3A_453 : vector<1x16xf32> to vector<16xf32>
          %parallel_loop3A_455 = vector.shape_cast %parallel_loop3A_450 : vector<16xf32> to vector<1x16xf32>
          tpu.vector_store %arg14[%parallel_loop3A_451, %parallel_loop3A_452], %parallel_loop3A_455 {strides = array<i32>} : memref<128x64xf32, #tpu.memory_space<vmem>>, vector<1x16xf32>,
          %parallel_loop3A_456 = arith.constant 16 : i32
          %parallel_loop3A_457 = arith.muli %parallel_loop3A_161, %parallel_loop3A_456 : i32
          %parallel_loop3A_458 = arith.constant 4 : i32
          %parallel_loop3A_459 = arith.addi %parallel_loop3A_457, %parallel_loop3A_458 : i32
          %parallel_loop3A_460 = arith.index_cast %parallel_loop3A_459 : i32 to index
          %parallel_loop3A_461 = arith.constant 48 : index
          %parallel_loop3A_462 = tpu.vector_load %arg11[%parallel_loop3A_460, %parallel_loop3A_461] {strides = array<i32>} : memref<128x64xf32, #tpu.memory_space<vmem>>, vector<1x16xf32>,
          %parallel_loop3A_463 = vector.shape_cast %parallel_loop3A_462 : vector<1x16xf32> to vector<16xf32>
          %parallel_loop3A_464 = arith.mulf %parallel_loop3A_463, %parallel_loop3A_413 : vector<16xf32>
          %parallel_loop3A_465 = arith.index_cast %parallel_loop3A_459 : i32 to index
          %parallel_loop3A_466 = arith.constant 48 : index
          %parallel_loop3A_467 = tpu.vector_load %arg14[%parallel_loop3A_465, %parallel_loop3A_466] {strides = array<i32>} : memref<128x64xf32, #tpu.memory_space<vmem>>, vector<1x16xf32>,
          %parallel_loop3A_468 = vector.shape_cast %parallel_loop3A_467 : vector<1x16xf32> to vector<16xf32>
          %parallel_loop3A_469 = vector.shape_cast %parallel_loop3A_464 : vector<16xf32> to vector<1x16xf32>
          tpu.vector_store %arg14[%parallel_loop3A_465, %parallel_loop3A_466], %parallel_loop3A_469 {strides = array<i32>} : memref<128x64xf32, #tpu.memory_space<vmem>>, vector<1x16xf32>,
          %parallel_loop3A_470 = arith.constant 5 : i32
          %parallel_loop3A_471 = vector.broadcast %parallel_loop3A_470 : i32 to vector<16x1xi32>
          %parallel_loop3A_472 = vector.shape_cast %parallel_loop3A_471 : vector<16x1xi32> to vector<16xi32>
          %parallel_loop3A_473 = tpu.dynamic_gather %parallel_loop3A_169[%parallel_loop3A_472] in [0] : vector<16xf32>, vector<16xi32> -> vector<16xf32>
          %parallel_loop3A_474 = arith.constant 16 : i32
          %parallel_loop3A_475 = arith.muli %parallel_loop3A_161, %parallel_loop3A_474 : i32
          %parallel_loop3A_476 = arith.constant 5 : i32
          %parallel_loop3A_477 = arith.addi %parallel_loop3A_475, %parallel_loop3A_476 : i32
          %parallel_loop3A_478 = arith.index_cast %parallel_loop3A_477 : i32 to index
          %parallel_loop3A_479 = arith.constant 0 : index
          %parallel_loop3A_480 = tpu.vector_load %arg11[%parallel_loop3A_478, %parallel_loop3A_479] {strides = array<i32>} : memref<128x64xf32, #tpu.memory_space<vmem>>, vector<1x16xf32>,
          %parallel_loop3A_481 = vector.shape_cast %parallel_loop3A_480 : vector<1x16xf32> to vector<16xf32>
          %parallel_loop3A_482 = arith.mulf %parallel_loop3A_481, %parallel_loop3A_473 : vector<16xf32>
          %parallel_loop3A_483 = arith.index_cast %parallel_loop3A_477 : i32 to index
          %parallel_loop3A_484 = arith.constant 0 : index
          %parallel_loop3A_485 = tpu.vector_load %arg14[%parallel_loop3A_483, %parallel_loop3A_484] {strides = array<i32>} : memref<128x64xf32, #tpu.memory_space<vmem>>, vector<1x16xf32>,
          %parallel_loop3A_486 = vector.shape_cast %parallel_loop3A_485 : vector<1x16xf32> to vector<16xf32>
          %parallel_loop3A_487 = vector.shape_cast %parallel_loop3A_482 : vector<16xf32> to vector<1x16xf32>
          tpu.vector_store %arg14[%parallel_loop3A_483, %parallel_loop3A_484], %parallel_loop3A_487 {strides = array<i32>} : memref<128x64xf32, #tpu.memory_space<vmem>>, vector<1x16xf32>,
          %parallel_loop3A_488 = arith.constant 16 : i32
          %parallel_loop3A_489 = arith.muli %parallel_loop3A_161, %parallel_loop3A_488 : i32
          %parallel_loop3A_490 = arith.constant 5 : i32
          %parallel_loop3A_491 = arith.addi %parallel_loop3A_489, %parallel_loop3A_490 : i32
          %parallel_loop3A_492 = arith.index_cast %parallel_loop3A_491 : i32 to index
          %parallel_loop3A_493 = arith.constant 16 : index
          %parallel_loop3A_494 = tpu.vector_load %arg11[%parallel_loop3A_492, %parallel_loop3A_493] {strides = array<i32>} : memref<128x64xf32, #tpu.memory_space<vmem>>, vector<1x16xf32>,
          %parallel_loop3A_495 = vector.shape_cast %parallel_loop3A_494 : vector<1x16xf32> to vector<16xf32>
          %parallel_loop3A_496 = arith.mulf %parallel_loop3A_495, %parallel_loop3A_473 : vector<16xf32>
          %parallel_loop3A_497 = arith.index_cast %parallel_loop3A_491 : i32 to index
          %parallel_loop3A_498 = arith.constant 16 : index
          %parallel_loop3A_499 = tpu.vector_load %arg14[%parallel_loop3A_497, %parallel_loop3A_498] {strides = array<i32>} : memref<128x64xf32, #tpu.memory_space<vmem>>, vector<1x16xf32>,
          %parallel_loop3A_500 = vector.shape_cast %parallel_loop3A_499 : vector<1x16xf32> to vector<16xf32>
          %parallel_loop3A_501 = vector.shape_cast %parallel_loop3A_496 : vector<16xf32> to vector<1x16xf32>
          tpu.vector_store %arg14[%parallel_loop3A_497, %parallel_loop3A_498], %parallel_loop3A_501 {strides = array<i32>} : memref<128x64xf32, #tpu.memory_space<vmem>>, vector<1x16xf32>,
          %parallel_loop3A_502 = arith.constant 16 : i32
          %parallel_loop3A_503 = arith.muli %parallel_loop3A_161, %parallel_loop3A_502 : i32
          %parallel_loop3A_504 = arith.constant 5 : i32
          %parallel_loop3A_505 = arith.addi %parallel_loop3A_503, %parallel_loop3A_504 : i32
          %parallel_loop3A_506 = arith.index_cast %parallel_loop3A_505 : i32 to index
          %parallel_loop3A_507 = arith.constant 32 : index
          %parallel_loop3A_508 = tpu.vector_load %arg11[%parallel_loop3A_506, %parallel_loop3A_507] {strides = array<i32>} : memref<128x64xf32, #tpu.memory_space<vmem>>, vector<1x16xf32>,
          %parallel_loop3A_509 = vector.shape_cast %parallel_loop3A_508 : vector<1x16xf32> to vector<16xf32>
          %parallel_loop3A_510 = arith.mulf %parallel_loop3A_509, %parallel_loop3A_473 : vector<16xf32>
          %parallel_loop3A_511 = arith.index_cast %parallel_loop3A_505 : i32 to index
          %parallel_loop3A_512 = arith.constant 32 : index
          %parallel_loop3A_513 = tpu.vector_load %arg14[%parallel_loop3A_511, %parallel_loop3A_512] {strides = array<i32>} : memref<128x64xf32, #tpu.memory_space<vmem>>, vector<1x16xf32>,
          %parallel_loop3A_514 = vector.shape_cast %parallel_loop3A_513 : vector<1x16xf32> to vector<16xf32>
          %parallel_loop3A_515 = vector.shape_cast %parallel_loop3A_510 : vector<16xf32> to vector<1x16xf32>
          tpu.vector_store %arg14[%parallel_loop3A_511, %parallel_loop3A_512], %parallel_loop3A_515 {strides = array<i32>} : memref<128x64xf32, #tpu.memory_space<vmem>>, vector<1x16xf32>,
          %parallel_loop3A_516 = arith.constant 16 : i32
          %parallel_loop3A_517 = arith.muli %parallel_loop3A_161, %parallel_loop3A_516 : i32
          %parallel_loop3A_518 = arith.constant 5 : i32
          %parallel_loop3A_519 = arith.addi %parallel_loop3A_517, %parallel_loop3A_518 : i32
          %parallel_loop3A_520 = arith.index_cast %parallel_loop3A_519 : i32 to index
          %parallel_loop3A_521 = arith.constant 48 : index
          %parallel_loop3A_522 = tpu.vector_load %arg11[%parallel_loop3A_520, %parallel_loop3A_521] {strides = array<i32>} : memref<128x64xf32, #tpu.memory_space<vmem>>, vector<1x16xf32>,
          %parallel_loop3A_523 = vector.shape_cast %parallel_loop3A_522 : vector<1x16xf32> to vector<16xf32>
          %parallel_loop3A_524 = arith.mulf %parallel_loop3A_523, %parallel_loop3A_473 : vector<16xf32>
          %parallel_loop3A_525 = arith.index_cast %parallel_loop3A_519 : i32 to index
          %parallel_loop3A_526 = arith.constant 48 : index
          %parallel_loop3A_527 = tpu.vector_load %arg14[%parallel_loop3A_525, %parallel_loop3A_526] {strides = array<i32>} : memref<128x64xf32, #tpu.memory_space<vmem>>, vector<1x16xf32>,
          %parallel_loop3A_528 = vector.shape_cast %parallel_loop3A_527 : vector<1x16xf32> to vector<16xf32>
          %parallel_loop3A_529 = vector.shape_cast %parallel_loop3A_524 : vector<16xf32> to vector<1x16xf32>
          tpu.vector_store %arg14[%parallel_loop3A_525, %parallel_loop3A_526], %parallel_loop3A_529 {strides = array<i32>} : memref<128x64xf32, #tpu.memory_space<vmem>>, vector<1x16xf32>,
          %parallel_loop3A_530 = arith.constant 6 : i32
          %parallel_loop3A_531 = vector.broadcast %parallel_loop3A_530 : i32 to vector<16x1xi32>
          %parallel_loop3A_532 = vector.shape_cast %parallel_loop3A_531 : vector<16x1xi32> to vector<16xi32>
          %parallel_loop3A_533 = tpu.dynamic_gather %parallel_loop3A_169[%parallel_loop3A_532] in [0] : vector<16xf32>, vector<16xi32> -> vector<16xf32>
          %parallel_loop3A_534 = arith.constant 16 : i32
          %parallel_loop3A_535 = arith.muli %parallel_loop3A_161, %parallel_loop3A_534 : i32
          %parallel_loop3A_536 = arith.constant 6 : i32
          %parallel_loop3A_537 = arith.addi %parallel_loop3A_535, %parallel_loop3A_536 : i32
          %parallel_loop3A_538 = arith.index_cast %parallel_loop3A_537 : i32 to index
          %parallel_loop3A_539 = arith.constant 0 : index
          %parallel_loop3A_540 = tpu.vector_load %arg11[%parallel_loop3A_538, %parallel_loop3A_539] {strides = array<i32>} : memref<128x64xf32, #tpu.memory_space<vmem>>, vector<1x16xf32>,
          %parallel_loop3A_541 = vector.shape_cast %parallel_loop3A_540 : vector<1x16xf32> to vector<16xf32>
          %parallel_loop3A_542 = arith.mulf %parallel_loop3A_541, %parallel_loop3A_533 : vector<16xf32>
          %parallel_loop3A_543 = arith.index_cast %parallel_loop3A_537 : i32 to index
          %parallel_loop3A_544 = arith.constant 0 : index
          %parallel_loop3A_545 = tpu.vector_load %arg14[%parallel_loop3A_543, %parallel_loop3A_544] {strides = array<i32>} : memref<128x64xf32, #tpu.memory_space<vmem>>, vector<1x16xf32>,
          %parallel_loop3A_546 = vector.shape_cast %parallel_loop3A_545 : vector<1x16xf32> to vector<16xf32>
          %parallel_loop3A_547 = vector.shape_cast %parallel_loop3A_542 : vector<16xf32> to vector<1x16xf32>
          tpu.vector_store %arg14[%parallel_loop3A_543, %parallel_loop3A_544], %parallel_loop3A_547 {strides = array<i32>} : memref<128x64xf32, #tpu.memory_space<vmem>>, vector<1x16xf32>,
          %parallel_loop3A_548 = arith.constant 16 : i32
          %parallel_loop3A_549 = arith.muli %parallel_loop3A_161, %parallel_loop3A_548 : i32
          %parallel_loop3A_550 = arith.constant 6 : i32
          %parallel_loop3A_551 = arith.addi %parallel_loop3A_549, %parallel_loop3A_550 : i32
          %parallel_loop3A_552 = arith.index_cast %parallel_loop3A_551 : i32 to index
          %parallel_loop3A_553 = arith.constant 16 : index
          %parallel_loop3A_554 = tpu.vector_load %arg11[%parallel_loop3A_552, %parallel_loop3A_553] {strides = array<i32>} : memref<128x64xf32, #tpu.memory_space<vmem>>, vector<1x16xf32>,
          %parallel_loop3A_555 = vector.shape_cast %parallel_loop3A_554 : vector<1x16xf32> to vector<16xf32>
          %parallel_loop3A_556 = arith.mulf %parallel_loop3A_555, %parallel_loop3A_533 : vector<16xf32>
          %parallel_loop3A_557 = arith.index_cast %parallel_loop3A_551 : i32 to index
          %parallel_loop3A_558 = arith.constant 16 : index
          %parallel_loop3A_559 = tpu.vector_load %arg14[%parallel_loop3A_557, %parallel_loop3A_558] {strides = array<i32>} : memref<128x64xf32, #tpu.memory_space<vmem>>, vector<1x16xf32>,
          %parallel_loop3A_560 = vector.shape_cast %parallel_loop3A_559 : vector<1x16xf32> to vector<16xf32>
          %parallel_loop3A_561 = vector.shape_cast %parallel_loop3A_556 : vector<16xf32> to vector<1x16xf32>
          tpu.vector_store %arg14[%parallel_loop3A_557, %parallel_loop3A_558], %parallel_loop3A_561 {strides = array<i32>} : memref<128x64xf32, #tpu.memory_space<vmem>>, vector<1x16xf32>,
          %parallel_loop3A_562 = arith.constant 16 : i32
          %parallel_loop3A_563 = arith.muli %parallel_loop3A_161, %parallel_loop3A_562 : i32
          %parallel_loop3A_564 = arith.constant 6 : i32
          %parallel_loop3A_565 = arith.addi %parallel_loop3A_563, %parallel_loop3A_564 : i32
          %parallel_loop3A_566 = arith.index_cast %parallel_loop3A_565 : i32 to index
          %parallel_loop3A_567 = arith.constant 32 : index
          %parallel_loop3A_568 = tpu.vector_load %arg11[%parallel_loop3A_566, %parallel_loop3A_567] {strides = array<i32>} : memref<128x64xf32, #tpu.memory_space<vmem>>, vector<1x16xf32>,
          %parallel_loop3A_569 = vector.shape_cast %parallel_loop3A_568 : vector<1x16xf32> to vector<16xf32>
          %parallel_loop3A_570 = arith.mulf %parallel_loop3A_569, %parallel_loop3A_533 : vector<16xf32>
          %parallel_loop3A_571 = arith.index_cast %parallel_loop3A_565 : i32 to index
          %parallel_loop3A_572 = arith.constant 32 : index
          %parallel_loop3A_573 = tpu.vector_load %arg14[%parallel_loop3A_571, %parallel_loop3A_572] {strides = array<i32>} : memref<128x64xf32, #tpu.memory_space<vmem>>, vector<1x16xf32>,
          %parallel_loop3A_574 = vector.shape_cast %parallel_loop3A_573 : vector<1x16xf32> to vector<16xf32>
          %parallel_loop3A_575 = vector.shape_cast %parallel_loop3A_570 : vector<16xf32> to vector<1x16xf32>
          tpu.vector_store %arg14[%parallel_loop3A_571, %parallel_loop3A_572], %parallel_loop3A_575 {strides = array<i32>} : memref<128x64xf32, #tpu.memory_space<vmem>>, vector<1x16xf32>,
          %parallel_loop3A_576 = arith.constant 16 : i32
          %parallel_loop3A_577 = arith.muli %parallel_loop3A_161, %parallel_loop3A_576 : i32
          %parallel_loop3A_578 = arith.constant 6 : i32
          %parallel_loop3A_579 = arith.addi %parallel_loop3A_577, %parallel_loop3A_578 : i32
          %parallel_loop3A_580 = arith.index_cast %parallel_loop3A_579 : i32 to index
          %parallel_loop3A_581 = arith.constant 48 : index
          %parallel_loop3A_582 = tpu.vector_load %arg11[%parallel_loop3A_580, %parallel_loop3A_581] {strides = array<i32>} : memref<128x64xf32, #tpu.memory_space<vmem>>, vector<1x16xf32>,
          %parallel_loop3A_583 = vector.shape_cast %parallel_loop3A_582 : vector<1x16xf32> to vector<16xf32>
          %parallel_loop3A_584 = arith.mulf %parallel_loop3A_583, %parallel_loop3A_533 : vector<16xf32>
          %parallel_loop3A_585 = arith.index_cast %parallel_loop3A_579 : i32 to index
          %parallel_loop3A_586 = arith.constant 48 : index
          %parallel_loop3A_587 = tpu.vector_load %arg14[%parallel_loop3A_585, %parallel_loop3A_586] {strides = array<i32>} : memref<128x64xf32, #tpu.memory_space<vmem>>, vector<1x16xf32>,
          %parallel_loop3A_588 = vector.shape_cast %parallel_loop3A_587 : vector<1x16xf32> to vector<16xf32>
          %parallel_loop3A_589 = vector.shape_cast %parallel_loop3A_584 : vector<16xf32> to vector<1x16xf32>
          tpu.vector_store %arg14[%parallel_loop3A_585, %parallel_loop3A_586], %parallel_loop3A_589 {strides = array<i32>} : memref<128x64xf32, #tpu.memory_space<vmem>>, vector<1x16xf32>,
          %parallel_loop3A_590 = arith.constant 7 : i32
          %parallel_loop3A_591 = vector.broadcast %parallel_loop3A_590 : i32 to vector<16x1xi32>
          %parallel_loop3A_592 = vector.shape_cast %parallel_loop3A_591 : vector<16x1xi32> to vector<16xi32>
          %parallel_loop3A_593 = tpu.dynamic_gather %parallel_loop3A_169[%parallel_loop3A_592] in [0] : vector<16xf32>, vector<16xi32> -> vector<16xf32>
          %parallel_loop3A_594 = arith.constant 16 : i32
          %parallel_loop3A_595 = arith.muli %parallel_loop3A_161, %parallel_loop3A_594 : i32
          %parallel_loop3A_596 = arith.constant 7 : i32
          %parallel_loop3A_597 = arith.addi %parallel_loop3A_595, %parallel_loop3A_596 : i32
          %parallel_loop3A_598 = arith.index_cast %parallel_loop3A_597 : i32 to index
          %parallel_loop3A_599 = arith.constant 0 : index
          %parallel_loop3A_600 = tpu.vector_load %arg11[%parallel_loop3A_598, %parallel_loop3A_599] {strides = array<i32>} : memref<128x64xf32, #tpu.memory_space<vmem>>, vector<1x16xf32>,
          %parallel_loop3A_601 = vector.shape_cast %parallel_loop3A_600 : vector<1x16xf32> to vector<16xf32>
          %parallel_loop3A_602 = arith.mulf %parallel_loop3A_601, %parallel_loop3A_593 : vector<16xf32>
          %parallel_loop3A_603 = arith.index_cast %parallel_loop3A_597 : i32 to index
          %parallel_loop3A_604 = arith.constant 0 : index
          %parallel_loop3A_605 = tpu.vector_load %arg14[%parallel_loop3A_603, %parallel_loop3A_604] {strides = array<i32>} : memref<128x64xf32, #tpu.memory_space<vmem>>, vector<1x16xf32>,
          %parallel_loop3A_606 = vector.shape_cast %parallel_loop3A_605 : vector<1x16xf32> to vector<16xf32>
          %parallel_loop3A_607 = vector.shape_cast %parallel_loop3A_602 : vector<16xf32> to vector<1x16xf32>
          tpu.vector_store %arg14[%parallel_loop3A_603, %parallel_loop3A_604], %parallel_loop3A_607 {strides = array<i32>} : memref<128x64xf32, #tpu.memory_space<vmem>>, vector<1x16xf32>,
          %parallel_loop3A_608 = arith.constant 16 : i32
          %parallel_loop3A_609 = arith.muli %parallel_loop3A_161, %parallel_loop3A_608 : i32
          %parallel_loop3A_610 = arith.constant 7 : i32
          %parallel_loop3A_611 = arith.addi %parallel_loop3A_609, %parallel_loop3A_610 : i32
          %parallel_loop3A_612 = arith.index_cast %parallel_loop3A_611 : i32 to index
          %parallel_loop3A_613 = arith.constant 16 : index
          %parallel_loop3A_614 = tpu.vector_load %arg11[%parallel_loop3A_612, %parallel_loop3A_613] {strides = array<i32>} : memref<128x64xf32, #tpu.memory_space<vmem>>, vector<1x16xf32>,
          %parallel_loop3A_615 = vector.shape_cast %parallel_loop3A_614 : vector<1x16xf32> to vector<16xf32>
          %parallel_loop3A_616 = arith.mulf %parallel_loop3A_615, %parallel_loop3A_593 : vector<16xf32>
          %parallel_loop3A_617 = arith.index_cast %parallel_loop3A_611 : i32 to index
          %parallel_loop3A_618 = arith.constant 16 : index
          %parallel_loop3A_619 = tpu.vector_load %arg14[%parallel_loop3A_617, %parallel_loop3A_618] {strides = array<i32>} : memref<128x64xf32, #tpu.memory_space<vmem>>, vector<1x16xf32>,
          %parallel_loop3A_620 = vector.shape_cast %parallel_loop3A_619 : vector<1x16xf32> to vector<16xf32>
          %parallel_loop3A_621 = vector.shape_cast %parallel_loop3A_616 : vector<16xf32> to vector<1x16xf32>
          tpu.vector_store %arg14[%parallel_loop3A_617, %parallel_loop3A_618], %parallel_loop3A_621 {strides = array<i32>} : memref<128x64xf32, #tpu.memory_space<vmem>>, vector<1x16xf32>,
          %parallel_loop3A_622 = arith.constant 16 : i32
          %parallel_loop3A_623 = arith.muli %parallel_loop3A_161, %parallel_loop3A_622 : i32
          %parallel_loop3A_624 = arith.constant 7 : i32
          %parallel_loop3A_625 = arith.addi %parallel_loop3A_623, %parallel_loop3A_624 : i32
          %parallel_loop3A_626 = arith.index_cast %parallel_loop3A_625 : i32 to index
          %parallel_loop3A_627 = arith.constant 32 : index
          %parallel_loop3A_628 = tpu.vector_load %arg11[%parallel_loop3A_626, %parallel_loop3A_627] {strides = array<i32>} : memref<128x64xf32, #tpu.memory_space<vmem>>, vector<1x16xf32>,
          %parallel_loop3A_629 = vector.shape_cast %parallel_loop3A_628 : vector<1x16xf32> to vector<16xf32>
          %parallel_loop3A_630 = arith.mulf %parallel_loop3A_629, %parallel_loop3A_593 : vector<16xf32>
          %parallel_loop3A_631 = arith.index_cast %parallel_loop3A_625 : i32 to index
          %parallel_loop3A_632 = arith.constant 32 : index
          %parallel_loop3A_633 = tpu.vector_load %arg14[%parallel_loop3A_631, %parallel_loop3A_632] {strides = array<i32>} : memref<128x64xf32, #tpu.memory_space<vmem>>, vector<1x16xf32>,
          %parallel_loop3A_634 = vector.shape_cast %parallel_loop3A_633 : vector<1x16xf32> to vector<16xf32>
          %parallel_loop3A_635 = vector.shape_cast %parallel_loop3A_630 : vector<16xf32> to vector<1x16xf32>
          tpu.vector_store %arg14[%parallel_loop3A_631, %parallel_loop3A_632], %parallel_loop3A_635 {strides = array<i32>} : memref<128x64xf32, #tpu.memory_space<vmem>>, vector<1x16xf32>,
          %parallel_loop3A_636 = arith.constant 16 : i32
          %parallel_loop3A_637 = arith.muli %parallel_loop3A_161, %parallel_loop3A_636 : i32
          %parallel_loop3A_638 = arith.constant 7 : i32
          %parallel_loop3A_639 = arith.addi %parallel_loop3A_637, %parallel_loop3A_638 : i32
          %parallel_loop3A_640 = arith.index_cast %parallel_loop3A_639 : i32 to index
          %parallel_loop3A_641 = arith.constant 48 : index
          %parallel_loop3A_642 = tpu.vector_load %arg11[%parallel_loop3A_640, %parallel_loop3A_641] {strides = array<i32>} : memref<128x64xf32, #tpu.memory_space<vmem>>, vector<1x16xf32>,
          %parallel_loop3A_643 = vector.shape_cast %parallel_loop3A_642 : vector<1x16xf32> to vector<16xf32>
          %parallel_loop3A_644 = arith.mulf %parallel_loop3A_643, %parallel_loop3A_593 : vector<16xf32>
          %parallel_loop3A_645 = arith.index_cast %parallel_loop3A_639 : i32 to index
          %parallel_loop3A_646 = arith.constant 48 : index
          %parallel_loop3A_647 = tpu.vector_load %arg14[%parallel_loop3A_645, %parallel_loop3A_646] {strides = array<i32>} : memref<128x64xf32, #tpu.memory_space<vmem>>, vector<1x16xf32>,
          %parallel_loop3A_648 = vector.shape_cast %parallel_loop3A_647 : vector<1x16xf32> to vector<16xf32>
          %parallel_loop3A_649 = vector.shape_cast %parallel_loop3A_644 : vector<16xf32> to vector<1x16xf32>
          tpu.vector_store %arg14[%parallel_loop3A_645, %parallel_loop3A_646], %parallel_loop3A_649 {strides = array<i32>} : memref<128x64xf32, #tpu.memory_space<vmem>>, vector<1x16xf32>,
          %parallel_loop3A_650 = arith.constant 8 : i32
          %parallel_loop3A_651 = vector.broadcast %parallel_loop3A_650 : i32 to vector<16x1xi32>
          %parallel_loop3A_652 = vector.shape_cast %parallel_loop3A_651 : vector<16x1xi32> to vector<16xi32>
          %parallel_loop3A_653 = tpu.dynamic_gather %parallel_loop3A_169[%parallel_loop3A_652] in [0] : vector<16xf32>, vector<16xi32> -> vector<16xf32>
          %parallel_loop3A_654 = arith.constant 16 : i32
          %parallel_loop3A_655 = arith.muli %parallel_loop3A_161, %parallel_loop3A_654 : i32
          %parallel_loop3A_656 = arith.constant 8 : i32
          %parallel_loop3A_657 = arith.addi %parallel_loop3A_655, %parallel_loop3A_656 : i32
          %parallel_loop3A_658 = arith.index_cast %parallel_loop3A_657 : i32 to index
          %parallel_loop3A_659 = arith.constant 0 : index
          %parallel_loop3A_660 = tpu.vector_load %arg11[%parallel_loop3A_658, %parallel_loop3A_659] {strides = array<i32>} : memref<128x64xf32, #tpu.memory_space<vmem>>, vector<1x16xf32>,
          %parallel_loop3A_661 = vector.shape_cast %parallel_loop3A_660 : vector<1x16xf32> to vector<16xf32>
          %parallel_loop3A_662 = arith.mulf %parallel_loop3A_661, %parallel_loop3A_653 : vector<16xf32>
          %parallel_loop3A_663 = arith.index_cast %parallel_loop3A_657 : i32 to index
          %parallel_loop3A_664 = arith.constant 0 : index
          %parallel_loop3A_665 = tpu.vector_load %arg14[%parallel_loop3A_663, %parallel_loop3A_664] {strides = array<i32>} : memref<128x64xf32, #tpu.memory_space<vmem>>, vector<1x16xf32>,
          %parallel_loop3A_666 = vector.shape_cast %parallel_loop3A_665 : vector<1x16xf32> to vector<16xf32>
          %parallel_loop3A_667 = vector.shape_cast %parallel_loop3A_662 : vector<16xf32> to vector<1x16xf32>
          tpu.vector_store %arg14[%parallel_loop3A_663, %parallel_loop3A_664], %parallel_loop3A_667 {strides = array<i32>} : memref<128x64xf32, #tpu.memory_space<vmem>>, vector<1x16xf32>,
          %parallel_loop3A_668 = arith.constant 16 : i32
          %parallel_loop3A_669 = arith.muli %parallel_loop3A_161, %parallel_loop3A_668 : i32
          %parallel_loop3A_670 = arith.constant 8 : i32
          %parallel_loop3A_671 = arith.addi %parallel_loop3A_669, %parallel_loop3A_670 : i32
          %parallel_loop3A_672 = arith.index_cast %parallel_loop3A_671 : i32 to index
          %parallel_loop3A_673 = arith.constant 16 : index
          %parallel_loop3A_674 = tpu.vector_load %arg11[%parallel_loop3A_672, %parallel_loop3A_673] {strides = array<i32>} : memref<128x64xf32, #tpu.memory_space<vmem>>, vector<1x16xf32>,
          %parallel_loop3A_675 = vector.shape_cast %parallel_loop3A_674 : vector<1x16xf32> to vector<16xf32>
          %parallel_loop3A_676 = arith.mulf %parallel_loop3A_675, %parallel_loop3A_653 : vector<16xf32>
          %parallel_loop3A_677 = arith.index_cast %parallel_loop3A_671 : i32 to index
          %parallel_loop3A_678 = arith.constant 16 : index
          %parallel_loop3A_679 = tpu.vector_load %arg14[%parallel_loop3A_677, %parallel_loop3A_678] {strides = array<i32>} : memref<128x64xf32, #tpu.memory_space<vmem>>, vector<1x16xf32>,
          %parallel_loop3A_680 = vector.shape_cast %parallel_loop3A_679 : vector<1x16xf32> to vector<16xf32>
          %parallel_loop3A_681 = vector.shape_cast %parallel_loop3A_676 : vector<16xf32> to vector<1x16xf32>
          tpu.vector_store %arg14[%parallel_loop3A_677, %parallel_loop3A_678], %parallel_loop3A_681 {strides = array<i32>} : memref<128x64xf32, #tpu.memory_space<vmem>>, vector<1x16xf32>,
          %parallel_loop3A_682 = arith.constant 16 : i32
          %parallel_loop3A_683 = arith.muli %parallel_loop3A_161, %parallel_loop3A_682 : i32
          %parallel_loop3A_684 = arith.constant 8 : i32
          %parallel_loop3A_685 = arith.addi %parallel_loop3A_683, %parallel_loop3A_684 : i32
          %parallel_loop3A_686 = arith.index_cast %parallel_loop3A_685 : i32 to index
          %parallel_loop3A_687 = arith.constant 32 : index
          %parallel_loop3A_688 = tpu.vector_load %arg11[%parallel_loop3A_686, %parallel_loop3A_687] {strides = array<i32>} : memref<128x64xf32, #tpu.memory_space<vmem>>, vector<1x16xf32>,
          %parallel_loop3A_689 = vector.shape_cast %parallel_loop3A_688 : vector<1x16xf32> to vector<16xf32>
          %parallel_loop3A_690 = arith.mulf %parallel_loop3A_689, %parallel_loop3A_653 : vector<16xf32>
          %parallel_loop3A_691 = arith.index_cast %parallel_loop3A_685 : i32 to index
          %parallel_loop3A_692 = arith.constant 32 : index
          %parallel_loop3A_693 = tpu.vector_load %arg14[%parallel_loop3A_691, %parallel_loop3A_692] {strides = array<i32>} : memref<128x64xf32, #tpu.memory_space<vmem>>, vector<1x16xf32>,
          %parallel_loop3A_694 = vector.shape_cast %parallel_loop3A_693 : vector<1x16xf32> to vector<16xf32>
          %parallel_loop3A_695 = vector.shape_cast %parallel_loop3A_690 : vector<16xf32> to vector<1x16xf32>
          tpu.vector_store %arg14[%parallel_loop3A_691, %parallel_loop3A_692], %parallel_loop3A_695 {strides = array<i32>} : memref<128x64xf32, #tpu.memory_space<vmem>>, vector<1x16xf32>,
          %parallel_loop3A_696 = arith.constant 16 : i32
          %parallel_loop3A_697 = arith.muli %parallel_loop3A_161, %parallel_loop3A_696 : i32
          %parallel_loop3A_698 = arith.constant 8 : i32
          %parallel_loop3A_699 = arith.addi %parallel_loop3A_697, %parallel_loop3A_698 : i32
          %parallel_loop3A_700 = arith.index_cast %parallel_loop3A_699 : i32 to index
          %parallel_loop3A_701 = arith.constant 48 : index
          %parallel_loop3A_702 = tpu.vector_load %arg11[%parallel_loop3A_700, %parallel_loop3A_701] {strides = array<i32>} : memref<128x64xf32, #tpu.memory_space<vmem>>, vector<1x16xf32>,
          %parallel_loop3A_703 = vector.shape_cast %parallel_loop3A_702 : vector<1x16xf32> to vector<16xf32>
          %parallel_loop3A_704 = arith.mulf %parallel_loop3A_703, %parallel_loop3A_653 : vector<16xf32>
          %parallel_loop3A_705 = arith.index_cast %parallel_loop3A_699 : i32 to index
          %parallel_loop3A_706 = arith.constant 48 : index
          %parallel_loop3A_707 = tpu.vector_load %arg14[%parallel_loop3A_705, %parallel_loop3A_706] {strides = array<i32>} : memref<128x64xf32, #tpu.memory_space<vmem>>, vector<1x16xf32>,
          %parallel_loop3A_708 = vector.shape_cast %parallel_loop3A_707 : vector<1x16xf32> to vector<16xf32>
          %parallel_loop3A_709 = vector.shape_cast %parallel_loop3A_704 : vector<16xf32> to vector<1x16xf32>
          tpu.vector_store %arg14[%parallel_loop3A_705, %parallel_loop3A_706], %parallel_loop3A_709 {strides = array<i32>} : memref<128x64xf32, #tpu.memory_space<vmem>>, vector<1x16xf32>,
          %parallel_loop3A_710 = arith.constant 9 : i32
          %parallel_loop3A_711 = vector.broadcast %parallel_loop3A_710 : i32 to vector<16x1xi32>
          %parallel_loop3A_712 = vector.shape_cast %parallel_loop3A_711 : vector<16x1xi32> to vector<16xi32>
          %parallel_loop3A_713 = tpu.dynamic_gather %parallel_loop3A_169[%parallel_loop3A_712] in [0] : vector<16xf32>, vector<16xi32> -> vector<16xf32>
          %parallel_loop3A_714 = arith.constant 16 : i32
          %parallel_loop3A_715 = arith.muli %parallel_loop3A_161, %parallel_loop3A_714 : i32
          %parallel_loop3A_716 = arith.constant 9 : i32
          %parallel_loop3A_717 = arith.addi %parallel_loop3A_715, %parallel_loop3A_716 : i32
          %parallel_loop3A_718 = arith.index_cast %parallel_loop3A_717 : i32 to index
          %parallel_loop3A_719 = arith.constant 0 : index
          %parallel_loop3A_720 = tpu.vector_load %arg11[%parallel_loop3A_718, %parallel_loop3A_719] {strides = array<i32>} : memref<128x64xf32, #tpu.memory_space<vmem>>, vector<1x16xf32>,
          %parallel_loop3A_721 = vector.shape_cast %parallel_loop3A_720 : vector<1x16xf32> to vector<16xf32>
          %parallel_loop3A_722 = arith.mulf %parallel_loop3A_721, %parallel_loop3A_713 : vector<16xf32>
          %parallel_loop3A_723 = arith.index_cast %parallel_loop3A_717 : i32 to index
          %parallel_loop3A_724 = arith.constant 0 : index
          %parallel_loop3A_725 = tpu.vector_load %arg14[%parallel_loop3A_723, %parallel_loop3A_724] {strides = array<i32>} : memref<128x64xf32, #tpu.memory_space<vmem>>, vector<1x16xf32>,
          %parallel_loop3A_726 = vector.shape_cast %parallel_loop3A_725 : vector<1x16xf32> to vector<16xf32>
          %parallel_loop3A_727 = vector.shape_cast %parallel_loop3A_722 : vector<16xf32> to vector<1x16xf32>
          tpu.vector_store %arg14[%parallel_loop3A_723, %parallel_loop3A_724], %parallel_loop3A_727 {strides = array<i32>} : memref<128x64xf32, #tpu.memory_space<vmem>>, vector<1x16xf32>,
          %parallel_loop3A_728 = arith.constant 16 : i32
          %parallel_loop3A_729 = arith.muli %parallel_loop3A_161, %parallel_loop3A_728 : i32
          %parallel_loop3A_730 = arith.constant 9 : i32
          %parallel_loop3A_731 = arith.addi %parallel_loop3A_729, %parallel_loop3A_730 : i32
          %parallel_loop3A_732 = arith.index_cast %parallel_loop3A_731 : i32 to index
          %parallel_loop3A_733 = arith.constant 16 : index
          %parallel_loop3A_734 = tpu.vector_load %arg11[%parallel_loop3A_732, %parallel_loop3A_733] {strides = array<i32>} : memref<128x64xf32, #tpu.memory_space<vmem>>, vector<1x16xf32>,
          %parallel_loop3A_735 = vector.shape_cast %parallel_loop3A_734 : vector<1x16xf32> to vector<16xf32>
          %parallel_loop3A_736 = arith.mulf %parallel_loop3A_735, %parallel_loop3A_713 : vector<16xf32>
          %parallel_loop3A_737 = arith.index_cast %parallel_loop3A_731 : i32 to index
          %parallel_loop3A_738 = arith.constant 16 : index
          %parallel_loop3A_739 = tpu.vector_load %arg14[%parallel_loop3A_737, %parallel_loop3A_738] {strides = array<i32>} : memref<128x64xf32, #tpu.memory_space<vmem>>, vector<1x16xf32>,
          %parallel_loop3A_740 = vector.shape_cast %parallel_loop3A_739 : vector<1x16xf32> to vector<16xf32>
          %parallel_loop3A_741 = vector.shape_cast %parallel_loop3A_736 : vector<16xf32> to vector<1x16xf32>
          tpu.vector_store %arg14[%parallel_loop3A_737, %parallel_loop3A_738], %parallel_loop3A_741 {strides = array<i32>} : memref<128x64xf32, #tpu.memory_space<vmem>>, vector<1x16xf32>,
          %parallel_loop3A_742 = arith.constant 16 : i32
          %parallel_loop3A_743 = arith.muli %parallel_loop3A_161, %parallel_loop3A_742 : i32
          %parallel_loop3A_744 = arith.constant 9 : i32
          %parallel_loop3A_745 = arith.addi %parallel_loop3A_743, %parallel_loop3A_744 : i32
          %parallel_loop3A_746 = arith.index_cast %parallel_loop3A_745 : i32 to index
          %parallel_loop3A_747 = arith.constant 32 : index
          %parallel_loop3A_748 = tpu.vector_load %arg11[%parallel_loop3A_746, %parallel_loop3A_747] {strides = array<i32>} : memref<128x64xf32, #tpu.memory_space<vmem>>, vector<1x16xf32>,
          %parallel_loop3A_749 = vector.shape_cast %parallel_loop3A_748 : vector<1x16xf32> to vector<16xf32>
          %parallel_loop3A_750 = arith.mulf %parallel_loop3A_749, %parallel_loop3A_713 : vector<16xf32>
          %parallel_loop3A_751 = arith.index_cast %parallel_loop3A_745 : i32 to index
          %parallel_loop3A_752 = arith.constant 32 : index
          %parallel_loop3A_753 = tpu.vector_load %arg14[%parallel_loop3A_751, %parallel_loop3A_752] {strides = array<i32>} : memref<128x64xf32, #tpu.memory_space<vmem>>, vector<1x16xf32>,
          %parallel_loop3A_754 = vector.shape_cast %parallel_loop3A_753 : vector<1x16xf32> to vector<16xf32>
          %parallel_loop3A_755 = vector.shape_cast %parallel_loop3A_750 : vector<16xf32> to vector<1x16xf32>
          tpu.vector_store %arg14[%parallel_loop3A_751, %parallel_loop3A_752], %parallel_loop3A_755 {strides = array<i32>} : memref<128x64xf32, #tpu.memory_space<vmem>>, vector<1x16xf32>,
          %parallel_loop3A_756 = arith.constant 16 : i32
          %parallel_loop3A_757 = arith.muli %parallel_loop3A_161, %parallel_loop3A_756 : i32
          %parallel_loop3A_758 = arith.constant 9 : i32
          %parallel_loop3A_759 = arith.addi %parallel_loop3A_757, %parallel_loop3A_758 : i32
          %parallel_loop3A_760 = arith.index_cast %parallel_loop3A_759 : i32 to index
          %parallel_loop3A_761 = arith.constant 48 : index
          %parallel_loop3A_762 = tpu.vector_load %arg11[%parallel_loop3A_760, %parallel_loop3A_761] {strides = array<i32>} : memref<128x64xf32, #tpu.memory_space<vmem>>, vector<1x16xf32>,
          %parallel_loop3A_763 = vector.shape_cast %parallel_loop3A_762 : vector<1x16xf32> to vector<16xf32>
          %parallel_loop3A_764 = arith.mulf %parallel_loop3A_763, %parallel_loop3A_713 : vector<16xf32>
          %parallel_loop3A_765 = arith.index_cast %parallel_loop3A_759 : i32 to index
          %parallel_loop3A_766 = arith.constant 48 : index
          %parallel_loop3A_767 = tpu.vector_load %arg14[%parallel_loop3A_765, %parallel_loop3A_766] {strides = array<i32>} : memref<128x64xf32, #tpu.memory_space<vmem>>, vector<1x16xf32>,
          %parallel_loop3A_768 = vector.shape_cast %parallel_loop3A_767 : vector<1x16xf32> to vector<16xf32>
          %parallel_loop3A_769 = vector.shape_cast %parallel_loop3A_764 : vector<16xf32> to vector<1x16xf32>
          tpu.vector_store %arg14[%parallel_loop3A_765, %parallel_loop3A_766], %parallel_loop3A_769 {strides = array<i32>} : memref<128x64xf32, #tpu.memory_space<vmem>>, vector<1x16xf32>,
          %parallel_loop3A_770 = arith.constant 10 : i32
          %parallel_loop3A_771 = vector.broadcast %parallel_loop3A_770 : i32 to vector<16x1xi32>
          %parallel_loop3A_772 = vector.shape_cast %parallel_loop3A_771 : vector<16x1xi32> to vector<16xi32>
          %parallel_loop3A_773 = tpu.dynamic_gather %parallel_loop3A_169[%parallel_loop3A_772] in [0] : vector<16xf32>, vector<16xi32> -> vector<16xf32>
          %parallel_loop3A_774 = arith.constant 16 : i32
          %parallel_loop3A_775 = arith.muli %parallel_loop3A_161, %parallel_loop3A_774 : i32
          %parallel_loop3A_776 = arith.constant 10 : i32
          %parallel_loop3A_777 = arith.addi %parallel_loop3A_775, %parallel_loop3A_776 : i32
          %parallel_loop3A_778 = arith.index_cast %parallel_loop3A_777 : i32 to index
          %parallel_loop3A_779 = arith.constant 0 : index
          %parallel_loop3A_780 = tpu.vector_load %arg11[%parallel_loop3A_778, %parallel_loop3A_779] {strides = array<i32>} : memref<128x64xf32, #tpu.memory_space<vmem>>, vector<1x16xf32>,
          %parallel_loop3A_781 = vector.shape_cast %parallel_loop3A_780 : vector<1x16xf32> to vector<16xf32>
          %parallel_loop3A_782 = arith.mulf %parallel_loop3A_781, %parallel_loop3A_773 : vector<16xf32>
          %parallel_loop3A_783 = arith.index_cast %parallel_loop3A_777 : i32 to index
          %parallel_loop3A_784 = arith.constant 0 : index
          %parallel_loop3A_785 = tpu.vector_load %arg14[%parallel_loop3A_783, %parallel_loop3A_784] {strides = array<i32>} : memref<128x64xf32, #tpu.memory_space<vmem>>, vector<1x16xf32>,
          %parallel_loop3A_786 = vector.shape_cast %parallel_loop3A_785 : vector<1x16xf32> to vector<16xf32>
          %parallel_loop3A_787 = vector.shape_cast %parallel_loop3A_782 : vector<16xf32> to vector<1x16xf32>
          tpu.vector_store %arg14[%parallel_loop3A_783, %parallel_loop3A_784], %parallel_loop3A_787 {strides = array<i32>} : memref<128x64xf32, #tpu.memory_space<vmem>>, vector<1x16xf32>,
          %parallel_loop3A_788 = arith.constant 16 : i32
          %parallel_loop3A_789 = arith.muli %parallel_loop3A_161, %parallel_loop3A_788 : i32
          %parallel_loop3A_790 = arith.constant 10 : i32
          %parallel_loop3A_791 = arith.addi %parallel_loop3A_789, %parallel_loop3A_790 : i32
          %parallel_loop3A_792 = arith.index_cast %parallel_loop3A_791 : i32 to index
          %parallel_loop3A_793 = arith.constant 16 : index
          %parallel_loop3A_794 = tpu.vector_load %arg11[%parallel_loop3A_792, %parallel_loop3A_793] {strides = array<i32>} : memref<128x64xf32, #tpu.memory_space<vmem>>, vector<1x16xf32>,
          %parallel_loop3A_795 = vector.shape_cast %parallel_loop3A_794 : vector<1x16xf32> to vector<16xf32>
          %parallel_loop3A_796 = arith.mulf %parallel_loop3A_795, %parallel_loop3A_773 : vector<16xf32>
          %parallel_loop3A_797 = arith.index_cast %parallel_loop3A_791 : i32 to index
          %parallel_loop3A_798 = arith.constant 16 : index
          %parallel_loop3A_799 = tpu.vector_load %arg14[%parallel_loop3A_797, %parallel_loop3A_798] {strides = array<i32>} : memref<128x64xf32, #tpu.memory_space<vmem>>, vector<1x16xf32>,
          %parallel_loop3A_800 = vector.shape_cast %parallel_loop3A_799 : vector<1x16xf32> to vector<16xf32>
          %parallel_loop3A_801 = vector.shape_cast %parallel_loop3A_796 : vector<16xf32> to vector<1x16xf32>
          tpu.vector_store %arg14[%parallel_loop3A_797, %parallel_loop3A_798], %parallel_loop3A_801 {strides = array<i32>} : memref<128x64xf32, #tpu.memory_space<vmem>>, vector<1x16xf32>,
          %parallel_loop3A_802 = arith.constant 16 : i32
          %parallel_loop3A_803 = arith.muli %parallel_loop3A_161, %parallel_loop3A_802 : i32
          %parallel_loop3A_804 = arith.constant 10 : i32
          %parallel_loop3A_805 = arith.addi %parallel_loop3A_803, %parallel_loop3A_804 : i32
          %parallel_loop3A_806 = arith.index_cast %parallel_loop3A_805 : i32 to index
          %parallel_loop3A_807 = arith.constant 32 : index
          %parallel_loop3A_808 = tpu.vector_load %arg11[%parallel_loop3A_806, %parallel_loop3A_807] {strides = array<i32>} : memref<128x64xf32, #tpu.memory_space<vmem>>, vector<1x16xf32>,
          %parallel_loop3A_809 = vector.shape_cast %parallel_loop3A_808 : vector<1x16xf32> to vector<16xf32>
          %parallel_loop3A_810 = arith.mulf %parallel_loop3A_809, %parallel_loop3A_773 : vector<16xf32>
          %parallel_loop3A_811 = arith.index_cast %parallel_loop3A_805 : i32 to index
          %parallel_loop3A_812 = arith.constant 32 : index
          %parallel_loop3A_813 = tpu.vector_load %arg14[%parallel_loop3A_811, %parallel_loop3A_812] {strides = array<i32>} : memref<128x64xf32, #tpu.memory_space<vmem>>, vector<1x16xf32>,
          %parallel_loop3A_814 = vector.shape_cast %parallel_loop3A_813 : vector<1x16xf32> to vector<16xf32>
          %parallel_loop3A_815 = vector.shape_cast %parallel_loop3A_810 : vector<16xf32> to vector<1x16xf32>
          tpu.vector_store %arg14[%parallel_loop3A_811, %parallel_loop3A_812], %parallel_loop3A_815 {strides = array<i32>} : memref<128x64xf32, #tpu.memory_space<vmem>>, vector<1x16xf32>,
          %parallel_loop3A_816 = arith.constant 16 : i32
          %parallel_loop3A_817 = arith.muli %parallel_loop3A_161, %parallel_loop3A_816 : i32
          %parallel_loop3A_818 = arith.constant 10 : i32
          %parallel_loop3A_819 = arith.addi %parallel_loop3A_817, %parallel_loop3A_818 : i32
          %parallel_loop3A_820 = arith.index_cast %parallel_loop3A_819 : i32 to index
          %parallel_loop3A_821 = arith.constant 48 : index
          %parallel_loop3A_822 = tpu.vector_load %arg11[%parallel_loop3A_820, %parallel_loop3A_821] {strides = array<i32>} : memref<128x64xf32, #tpu.memory_space<vmem>>, vector<1x16xf32>,
          %parallel_loop3A_823 = vector.shape_cast %parallel_loop3A_822 : vector<1x16xf32> to vector<16xf32>
          %parallel_loop3A_824 = arith.mulf %parallel_loop3A_823, %parallel_loop3A_773 : vector<16xf32>
          %parallel_loop3A_825 = arith.index_cast %parallel_loop3A_819 : i32 to index
          %parallel_loop3A_826 = arith.constant 48 : index
          %parallel_loop3A_827 = tpu.vector_load %arg14[%parallel_loop3A_825, %parallel_loop3A_826] {strides = array<i32>} : memref<128x64xf32, #tpu.memory_space<vmem>>, vector<1x16xf32>,
          %parallel_loop3A_828 = vector.shape_cast %parallel_loop3A_827 : vector<1x16xf32> to vector<16xf32>
          %parallel_loop3A_829 = vector.shape_cast %parallel_loop3A_824 : vector<16xf32> to vector<1x16xf32>
          tpu.vector_store %arg14[%parallel_loop3A_825, %parallel_loop3A_826], %parallel_loop3A_829 {strides = array<i32>} : memref<128x64xf32, #tpu.memory_space<vmem>>, vector<1x16xf32>,
          %parallel_loop3A_830 = arith.constant 11 : i32
          %parallel_loop3A_831 = vector.broadcast %parallel_loop3A_830 : i32 to vector<16x1xi32>
          %parallel_loop3A_832 = vector.shape_cast %parallel_loop3A_831 : vector<16x1xi32> to vector<16xi32>
          %parallel_loop3A_833 = tpu.dynamic_gather %parallel_loop3A_169[%parallel_loop3A_832] in [0] : vector<16xf32>, vector<16xi32> -> vector<16xf32>
          %parallel_loop3A_834 = arith.constant 16 : i32
          %parallel_loop3A_835 = arith.muli %parallel_loop3A_161, %parallel_loop3A_834 : i32
          %parallel_loop3A_836 = arith.constant 11 : i32
          %parallel_loop3A_837 = arith.addi %parallel_loop3A_835, %parallel_loop3A_836 : i32
          %parallel_loop3A_838 = arith.index_cast %parallel_loop3A_837 : i32 to index
          %parallel_loop3A_839 = arith.constant 0 : index
          %parallel_loop3A_840 = tpu.vector_load %arg11[%parallel_loop3A_838, %parallel_loop3A_839] {strides = array<i32>} : memref<128x64xf32, #tpu.memory_space<vmem>>, vector<1x16xf32>,
          %parallel_loop3A_841 = vector.shape_cast %parallel_loop3A_840 : vector<1x16xf32> to vector<16xf32>
          %parallel_loop3A_842 = arith.mulf %parallel_loop3A_841, %parallel_loop3A_833 : vector<16xf32>
          %parallel_loop3A_843 = arith.index_cast %parallel_loop3A_837 : i32 to index
          %parallel_loop3A_844 = arith.constant 0 : index
          %parallel_loop3A_845 = tpu.vector_load %arg14[%parallel_loop3A_843, %parallel_loop3A_844] {strides = array<i32>} : memref<128x64xf32, #tpu.memory_space<vmem>>, vector<1x16xf32>,
          %parallel_loop3A_846 = vector.shape_cast %parallel_loop3A_845 : vector<1x16xf32> to vector<16xf32>
          %parallel_loop3A_847 = vector.shape_cast %parallel_loop3A_842 : vector<16xf32> to vector<1x16xf32>
          tpu.vector_store %arg14[%parallel_loop3A_843, %parallel_loop3A_844], %parallel_loop3A_847 {strides = array<i32>} : memref<128x64xf32, #tpu.memory_space<vmem>>, vector<1x16xf32>,
          %parallel_loop3A_848 = arith.constant 16 : i32
          %parallel_loop3A_849 = arith.muli %parallel_loop3A_161, %parallel_loop3A_848 : i32
          %parallel_loop3A_850 = arith.constant 11 : i32
          %parallel_loop3A_851 = arith.addi %parallel_loop3A_849, %parallel_loop3A_850 : i32
          %parallel_loop3A_852 = arith.index_cast %parallel_loop3A_851 : i32 to index
          %parallel_loop3A_853 = arith.constant 16 : index
          %parallel_loop3A_854 = tpu.vector_load %arg11[%parallel_loop3A_852, %parallel_loop3A_853] {strides = array<i32>} : memref<128x64xf32, #tpu.memory_space<vmem>>, vector<1x16xf32>,
          %parallel_loop3A_855 = vector.shape_cast %parallel_loop3A_854 : vector<1x16xf32> to vector<16xf32>
          %parallel_loop3A_856 = arith.mulf %parallel_loop3A_855, %parallel_loop3A_833 : vector<16xf32>
          %parallel_loop3A_857 = arith.index_cast %parallel_loop3A_851 : i32 to index
          %parallel_loop3A_858 = arith.constant 16 : index
          %parallel_loop3A_859 = tpu.vector_load %arg14[%parallel_loop3A_857, %parallel_loop3A_858] {strides = array<i32>} : memref<128x64xf32, #tpu.memory_space<vmem>>, vector<1x16xf32>,
          %parallel_loop3A_860 = vector.shape_cast %parallel_loop3A_859 : vector<1x16xf32> to vector<16xf32>
          %parallel_loop3A_861 = vector.shape_cast %parallel_loop3A_856 : vector<16xf32> to vector<1x16xf32>
          tpu.vector_store %arg14[%parallel_loop3A_857, %parallel_loop3A_858], %parallel_loop3A_861 {strides = array<i32>} : memref<128x64xf32, #tpu.memory_space<vmem>>, vector<1x16xf32>,
          %parallel_loop3A_862 = arith.constant 16 : i32
          %parallel_loop3A_863 = arith.muli %parallel_loop3A_161, %parallel_loop3A_862 : i32
          %parallel_loop3A_864 = arith.constant 11 : i32
          %parallel_loop3A_865 = arith.addi %parallel_loop3A_863, %parallel_loop3A_864 : i32
          %parallel_loop3A_866 = arith.index_cast %parallel_loop3A_865 : i32 to index
          %parallel_loop3A_867 = arith.constant 32 : index
          %parallel_loop3A_868 = tpu.vector_load %arg11[%parallel_loop3A_866, %parallel_loop3A_867] {strides = array<i32>} : memref<128x64xf32, #tpu.memory_space<vmem>>, vector<1x16xf32>,
          %parallel_loop3A_869 = vector.shape_cast %parallel_loop3A_868 : vector<1x16xf32> to vector<16xf32>
          %parallel_loop3A_870 = arith.mulf %parallel_loop3A_869, %parallel_loop3A_833 : vector<16xf32>
          %parallel_loop3A_871 = arith.index_cast %parallel_loop3A_865 : i32 to index
          %parallel_loop3A_872 = arith.constant 32 : index
          %parallel_loop3A_873 = tpu.vector_load %arg14[%parallel_loop3A_871, %parallel_loop3A_872] {strides = array<i32>} : memref<128x64xf32, #tpu.memory_space<vmem>>, vector<1x16xf32>,
          %parallel_loop3A_874 = vector.shape_cast %parallel_loop3A_873 : vector<1x16xf32> to vector<16xf32>
          %parallel_loop3A_875 = vector.shape_cast %parallel_loop3A_870 : vector<16xf32> to vector<1x16xf32>
          tpu.vector_store %arg14[%parallel_loop3A_871, %parallel_loop3A_872], %parallel_loop3A_875 {strides = array<i32>} : memref<128x64xf32, #tpu.memory_space<vmem>>, vector<1x16xf32>,
          %parallel_loop3A_876 = arith.constant 16 : i32
          %parallel_loop3A_877 = arith.muli %parallel_loop3A_161, %parallel_loop3A_876 : i32
          %parallel_loop3A_878 = arith.constant 11 : i32
          %parallel_loop3A_879 = arith.addi %parallel_loop3A_877, %parallel_loop3A_878 : i32
          %parallel_loop3A_880 = arith.index_cast %parallel_loop3A_879 : i32 to index
          %parallel_loop3A_881 = arith.constant 48 : index
          %parallel_loop3A_882 = tpu.vector_load %arg11[%parallel_loop3A_880, %parallel_loop3A_881] {strides = array<i32>} : memref<128x64xf32, #tpu.memory_space<vmem>>, vector<1x16xf32>,
          %parallel_loop3A_883 = vector.shape_cast %parallel_loop3A_882 : vector<1x16xf32> to vector<16xf32>
          %parallel_loop3A_884 = arith.mulf %parallel_loop3A_883, %parallel_loop3A_833 : vector<16xf32>
          %parallel_loop3A_885 = arith.index_cast %parallel_loop3A_879 : i32 to index
          %parallel_loop3A_886 = arith.constant 48 : index
          %parallel_loop3A_887 = tpu.vector_load %arg14[%parallel_loop3A_885, %parallel_loop3A_886] {strides = array<i32>} : memref<128x64xf32, #tpu.memory_space<vmem>>, vector<1x16xf32>,
          %parallel_loop3A_888 = vector.shape_cast %parallel_loop3A_887 : vector<1x16xf32> to vector<16xf32>
          %parallel_loop3A_889 = vector.shape_cast %parallel_loop3A_884 : vector<16xf32> to vector<1x16xf32>
          tpu.vector_store %arg14[%parallel_loop3A_885, %parallel_loop3A_886], %parallel_loop3A_889 {strides = array<i32>} : memref<128x64xf32, #tpu.memory_space<vmem>>, vector<1x16xf32>,
          %parallel_loop3A_890 = arith.constant 12 : i32
          %parallel_loop3A_891 = vector.broadcast %parallel_loop3A_890 : i32 to vector<16x1xi32>
          %parallel_loop3A_892 = vector.shape_cast %parallel_loop3A_891 : vector<16x1xi32> to vector<16xi32>
          %parallel_loop3A_893 = tpu.dynamic_gather %parallel_loop3A_169[%parallel_loop3A_892] in [0] : vector<16xf32>, vector<16xi32> -> vector<16xf32>
          %parallel_loop3A_894 = arith.constant 16 : i32
          %parallel_loop3A_895 = arith.muli %parallel_loop3A_161, %parallel_loop3A_894 : i32
          %parallel_loop3A_896 = arith.constant 12 : i32
          %parallel_loop3A_897 = arith.addi %parallel_loop3A_895, %parallel_loop3A_896 : i32
          %parallel_loop3A_898 = arith.index_cast %parallel_loop3A_897 : i32 to index
          %parallel_loop3A_899 = arith.constant 0 : index
          %parallel_loop3A_900 = tpu.vector_load %arg11[%parallel_loop3A_898, %parallel_loop3A_899] {strides = array<i32>} : memref<128x64xf32, #tpu.memory_space<vmem>>, vector<1x16xf32>,
          %parallel_loop3A_901 = vector.shape_cast %parallel_loop3A_900 : vector<1x16xf32> to vector<16xf32>
          %parallel_loop3A_902 = arith.mulf %parallel_loop3A_901, %parallel_loop3A_893 : vector<16xf32>
          %parallel_loop3A_903 = arith.index_cast %parallel_loop3A_897 : i32 to index
          %parallel_loop3A_904 = arith.constant 0 : index
          %parallel_loop3A_905 = tpu.vector_load %arg14[%parallel_loop3A_903, %parallel_loop3A_904] {strides = array<i32>} : memref<128x64xf32, #tpu.memory_space<vmem>>, vector<1x16xf32>,
          %parallel_loop3A_906 = vector.shape_cast %parallel_loop3A_905 : vector<1x16xf32> to vector<16xf32>
          %parallel_loop3A_907 = vector.shape_cast %parallel_loop3A_902 : vector<16xf32> to vector<1x16xf32>
          tpu.vector_store %arg14[%parallel_loop3A_903, %parallel_loop3A_904], %parallel_loop3A_907 {strides = array<i32>} : memref<128x64xf32, #tpu.memory_space<vmem>>, vector<1x16xf32>,
          %parallel_loop3A_908 = arith.constant 16 : i32
          %parallel_loop3A_909 = arith.muli %parallel_loop3A_161, %parallel_loop3A_908 : i32
          %parallel_loop3A_910 = arith.constant 12 : i32
          %parallel_loop3A_911 = arith.addi %parallel_loop3A_909, %parallel_loop3A_910 : i32
          %parallel_loop3A_912 = arith.index_cast %parallel_loop3A_911 : i32 to index
          %parallel_loop3A_913 = arith.constant 16 : index
          %parallel_loop3A_914 = tpu.vector_load %arg11[%parallel_loop3A_912, %parallel_loop3A_913] {strides = array<i32>} : memref<128x64xf32, #tpu.memory_space<vmem>>, vector<1x16xf32>,
          %parallel_loop3A_915 = vector.shape_cast %parallel_loop3A_914 : vector<1x16xf32> to vector<16xf32>
          %parallel_loop3A_916 = arith.mulf %parallel_loop3A_915, %parallel_loop3A_893 : vector<16xf32>
          %parallel_loop3A_917 = arith.index_cast %parallel_loop3A_911 : i32 to index
          %parallel_loop3A_918 = arith.constant 16 : index
          %parallel_loop3A_919 = tpu.vector_load %arg14[%parallel_loop3A_917, %parallel_loop3A_918] {strides = array<i32>} : memref<128x64xf32, #tpu.memory_space<vmem>>, vector<1x16xf32>,
          %parallel_loop3A_920 = vector.shape_cast %parallel_loop3A_919 : vector<1x16xf32> to vector<16xf32>
          %parallel_loop3A_921 = vector.shape_cast %parallel_loop3A_916 : vector<16xf32> to vector<1x16xf32>
          tpu.vector_store %arg14[%parallel_loop3A_917, %parallel_loop3A_918], %parallel_loop3A_921 {strides = array<i32>} : memref<128x64xf32, #tpu.memory_space<vmem>>, vector<1x16xf32>,
          %parallel_loop3A_922 = arith.constant 16 : i32
          %parallel_loop3A_923 = arith.muli %parallel_loop3A_161, %parallel_loop3A_922 : i32
          %parallel_loop3A_924 = arith.constant 12 : i32
          %parallel_loop3A_925 = arith.addi %parallel_loop3A_923, %parallel_loop3A_924 : i32
          %parallel_loop3A_926 = arith.index_cast %parallel_loop3A_925 : i32 to index
          %parallel_loop3A_927 = arith.constant 32 : index
          %parallel_loop3A_928 = tpu.vector_load %arg11[%parallel_loop3A_926, %parallel_loop3A_927] {strides = array<i32>} : memref<128x64xf32, #tpu.memory_space<vmem>>, vector<1x16xf32>,
          %parallel_loop3A_929 = vector.shape_cast %parallel_loop3A_928 : vector<1x16xf32> to vector<16xf32>
          %parallel_loop3A_930 = arith.mulf %parallel_loop3A_929, %parallel_loop3A_893 : vector<16xf32>
          %parallel_loop3A_931 = arith.index_cast %parallel_loop3A_925 : i32 to index
          %parallel_loop3A_932 = arith.constant 32 : index
          %parallel_loop3A_933 = tpu.vector_load %arg14[%parallel_loop3A_931, %parallel_loop3A_932] {strides = array<i32>} : memref<128x64xf32, #tpu.memory_space<vmem>>, vector<1x16xf32>,
          %parallel_loop3A_934 = vector.shape_cast %parallel_loop3A_933 : vector<1x16xf32> to vector<16xf32>
          %parallel_loop3A_935 = vector.shape_cast %parallel_loop3A_930 : vector<16xf32> to vector<1x16xf32>
          tpu.vector_store %arg14[%parallel_loop3A_931, %parallel_loop3A_932], %parallel_loop3A_935 {strides = array<i32>} : memref<128x64xf32, #tpu.memory_space<vmem>>, vector<1x16xf32>,
          %parallel_loop3A_936 = arith.constant 16 : i32
          %parallel_loop3A_937 = arith.muli %parallel_loop3A_161, %parallel_loop3A_936 : i32
          %parallel_loop3A_938 = arith.constant 12 : i32
          %parallel_loop3A_939 = arith.addi %parallel_loop3A_937, %parallel_loop3A_938 : i32
          %parallel_loop3A_940 = arith.index_cast %parallel_loop3A_939 : i32 to index
          %parallel_loop3A_941 = arith.constant 48 : index
          %parallel_loop3A_942 = tpu.vector_load %arg11[%parallel_loop3A_940, %parallel_loop3A_941] {strides = array<i32>} : memref<128x64xf32, #tpu.memory_space<vmem>>, vector<1x16xf32>,
          %parallel_loop3A_943 = vector.shape_cast %parallel_loop3A_942 : vector<1x16xf32> to vector<16xf32>
          %parallel_loop3A_944 = arith.mulf %parallel_loop3A_943, %parallel_loop3A_893 : vector<16xf32>
          %parallel_loop3A_945 = arith.index_cast %parallel_loop3A_939 : i32 to index
          %parallel_loop3A_946 = arith.constant 48 : index
          %parallel_loop3A_947 = tpu.vector_load %arg14[%parallel_loop3A_945, %parallel_loop3A_946] {strides = array<i32>} : memref<128x64xf32, #tpu.memory_space<vmem>>, vector<1x16xf32>,
          %parallel_loop3A_948 = vector.shape_cast %parallel_loop3A_947 : vector<1x16xf32> to vector<16xf32>
          %parallel_loop3A_949 = vector.shape_cast %parallel_loop3A_944 : vector<16xf32> to vector<1x16xf32>
          tpu.vector_store %arg14[%parallel_loop3A_945, %parallel_loop3A_946], %parallel_loop3A_949 {strides = array<i32>} : memref<128x64xf32, #tpu.memory_space<vmem>>, vector<1x16xf32>,
          %parallel_loop3A_950 = arith.constant 13 : i32
          %parallel_loop3A_951 = vector.broadcast %parallel_loop3A_950 : i32 to vector<16x1xi32>
          %parallel_loop3A_952 = vector.shape_cast %parallel_loop3A_951 : vector<16x1xi32> to vector<16xi32>
          %parallel_loop3A_953 = tpu.dynamic_gather %parallel_loop3A_169[%parallel_loop3A_952] in [0] : vector<16xf32>, vector<16xi32> -> vector<16xf32>
          %parallel_loop3A_954 = arith.constant 16 : i32
          %parallel_loop3A_955 = arith.muli %parallel_loop3A_161, %parallel_loop3A_954 : i32
          %parallel_loop3A_956 = arith.constant 13 : i32
          %parallel_loop3A_957 = arith.addi %parallel_loop3A_955, %parallel_loop3A_956 : i32
          %parallel_loop3A_958 = arith.index_cast %parallel_loop3A_957 : i32 to index
          %parallel_loop3A_959 = arith.constant 0 : index
          %parallel_loop3A_960 = tpu.vector_load %arg11[%parallel_loop3A_958, %parallel_loop3A_959] {strides = array<i32>} : memref<128x64xf32, #tpu.memory_space<vmem>>, vector<1x16xf32>,
          %parallel_loop3A_961 = vector.shape_cast %parallel_loop3A_960 : vector<1x16xf32> to vector<16xf32>
          %parallel_loop3A_962 = arith.mulf %parallel_loop3A_961, %parallel_loop3A_953 : vector<16xf32>
          %parallel_loop3A_963 = arith.index_cast %parallel_loop3A_957 : i32 to index
          %parallel_loop3A_964 = arith.constant 0 : index
          %parallel_loop3A_965 = tpu.vector_load %arg14[%parallel_loop3A_963, %parallel_loop3A_964] {strides = array<i32>} : memref<128x64xf32, #tpu.memory_space<vmem>>, vector<1x16xf32>,
          %parallel_loop3A_966 = vector.shape_cast %parallel_loop3A_965 : vector<1x16xf32> to vector<16xf32>
          %parallel_loop3A_967 = vector.shape_cast %parallel_loop3A_962 : vector<16xf32> to vector<1x16xf32>
          tpu.vector_store %arg14[%parallel_loop3A_963, %parallel_loop3A_964], %parallel_loop3A_967 {strides = array<i32>} : memref<128x64xf32, #tpu.memory_space<vmem>>, vector<1x16xf32>,
          %parallel_loop3A_968 = arith.constant 16 : i32
          %parallel_loop3A_969 = arith.muli %parallel_loop3A_161, %parallel_loop3A_968 : i32
          %parallel_loop3A_970 = arith.constant 13 : i32
          %parallel_loop3A_971 = arith.addi %parallel_loop3A_969, %parallel_loop3A_970 : i32
          %parallel_loop3A_972 = arith.index_cast %parallel_loop3A_971 : i32 to index
          %parallel_loop3A_973 = arith.constant 16 : index
          %parallel_loop3A_974 = tpu.vector_load %arg11[%parallel_loop3A_972, %parallel_loop3A_973] {strides = array<i32>} : memref<128x64xf32, #tpu.memory_space<vmem>>, vector<1x16xf32>,
          %parallel_loop3A_975 = vector.shape_cast %parallel_loop3A_974 : vector<1x16xf32> to vector<16xf32>
          %parallel_loop3A_976 = arith.mulf %parallel_loop3A_975, %parallel_loop3A_953 : vector<16xf32>
          %parallel_loop3A_977 = arith.index_cast %parallel_loop3A_971 : i32 to index
          %parallel_loop3A_978 = arith.constant 16 : index
          %parallel_loop3A_979 = tpu.vector_load %arg14[%parallel_loop3A_977, %parallel_loop3A_978] {strides = array<i32>} : memref<128x64xf32, #tpu.memory_space<vmem>>, vector<1x16xf32>,
          %parallel_loop3A_980 = vector.shape_cast %parallel_loop3A_979 : vector<1x16xf32> to vector<16xf32>
          %parallel_loop3A_981 = vector.shape_cast %parallel_loop3A_976 : vector<16xf32> to vector<1x16xf32>
          tpu.vector_store %arg14[%parallel_loop3A_977, %parallel_loop3A_978], %parallel_loop3A_981 {strides = array<i32>} : memref<128x64xf32, #tpu.memory_space<vmem>>, vector<1x16xf32>,
          %parallel_loop3A_982 = arith.constant 16 : i32
          %parallel_loop3A_983 = arith.muli %parallel_loop3A_161, %parallel_loop3A_982 : i32
          %parallel_loop3A_984 = arith.constant 13 : i32
          %parallel_loop3A_985 = arith.addi %parallel_loop3A_983, %parallel_loop3A_984 : i32
          %parallel_loop3A_986 = arith.index_cast %parallel_loop3A_985 : i32 to index
          %parallel_loop3A_987 = arith.constant 32 : index
          %parallel_loop3A_988 = tpu.vector_load %arg11[%parallel_loop3A_986, %parallel_loop3A_987] {strides = array<i32>} : memref<128x64xf32, #tpu.memory_space<vmem>>, vector<1x16xf32>,
          %parallel_loop3A_989 = vector.shape_cast %parallel_loop3A_988 : vector<1x16xf32> to vector<16xf32>
          %parallel_loop3A_990 = arith.mulf %parallel_loop3A_989, %parallel_loop3A_953 : vector<16xf32>
          %parallel_loop3A_991 = arith.index_cast %parallel_loop3A_985 : i32 to index
          %parallel_loop3A_992 = arith.constant 32 : index
          %parallel_loop3A_993 = tpu.vector_load %arg14[%parallel_loop3A_991, %parallel_loop3A_992] {strides = array<i32>} : memref<128x64xf32, #tpu.memory_space<vmem>>, vector<1x16xf32>,
          %parallel_loop3A_994 = vector.shape_cast %parallel_loop3A_993 : vector<1x16xf32> to vector<16xf32>
          %parallel_loop3A_995 = vector.shape_cast %parallel_loop3A_990 : vector<16xf32> to vector<1x16xf32>
          tpu.vector_store %arg14[%parallel_loop3A_991, %parallel_loop3A_992], %parallel_loop3A_995 {strides = array<i32>} : memref<128x64xf32, #tpu.memory_space<vmem>>, vector<1x16xf32>,
          %parallel_loop3A_996 = arith.constant 16 : i32
          %parallel_loop3A_997 = arith.muli %parallel_loop3A_161, %parallel_loop3A_996 : i32
          %parallel_loop3A_998 = arith.constant 13 : i32
          %parallel_loop3A_999 = arith.addi %parallel_loop3A_997, %parallel_loop3A_998 : i32
          %parallel_loop3A_1000 = arith.index_cast %parallel_loop3A_999 : i32 to index
          %parallel_loop3A_1001 = arith.constant 48 : index
          %parallel_loop3A_1002 = tpu.vector_load %arg11[%parallel_loop3A_1000, %parallel_loop3A_1001] {strides = array<i32>} : memref<128x64xf32, #tpu.memory_space<vmem>>, vector<1x16xf32>,
          %parallel_loop3A_1003 = vector.shape_cast %parallel_loop3A_1002 : vector<1x16xf32> to vector<16xf32>
          %parallel_loop3A_1004 = arith.mulf %parallel_loop3A_1003, %parallel_loop3A_953 : vector<16xf32>
          %parallel_loop3A_1005 = arith.index_cast %parallel_loop3A_999 : i32 to index
          %parallel_loop3A_1006 = arith.constant 48 : index
          %parallel_loop3A_1007 = tpu.vector_load %arg14[%parallel_loop3A_1005, %parallel_loop3A_1006] {strides = array<i32>} : memref<128x64xf32, #tpu.memory_space<vmem>>, vector<1x16xf32>,
          %parallel_loop3A_1008 = vector.shape_cast %parallel_loop3A_1007 : vector<1x16xf32> to vector<16xf32>
          %parallel_loop3A_1009 = vector.shape_cast %parallel_loop3A_1004 : vector<16xf32> to vector<1x16xf32>
          tpu.vector_store %arg14[%parallel_loop3A_1005, %parallel_loop3A_1006], %parallel_loop3A_1009 {strides = array<i32>} : memref<128x64xf32, #tpu.memory_space<vmem>>, vector<1x16xf32>,
          %parallel_loop3A_1010 = arith.constant 14 : i32
          %parallel_loop3A_1011 = vector.broadcast %parallel_loop3A_1010 : i32 to vector<16x1xi32>
          %parallel_loop3A_1012 = vector.shape_cast %parallel_loop3A_1011 : vector<16x1xi32> to vector<16xi32>
          %parallel_loop3A_1013 = tpu.dynamic_gather %parallel_loop3A_169[%parallel_loop3A_1012] in [0] : vector<16xf32>, vector<16xi32> -> vector<16xf32>
          %parallel_loop3A_1014 = arith.constant 16 : i32
          %parallel_loop3A_1015 = arith.muli %parallel_loop3A_161, %parallel_loop3A_1014 : i32
          %parallel_loop3A_1016 = arith.constant 14 : i32
          %parallel_loop3A_1017 = arith.addi %parallel_loop3A_1015, %parallel_loop3A_1016 : i32
          %parallel_loop3A_1018 = arith.index_cast %parallel_loop3A_1017 : i32 to index
          %parallel_loop3A_1019 = arith.constant 0 : index
          %parallel_loop3A_1020 = tpu.vector_load %arg11[%parallel_loop3A_1018, %parallel_loop3A_1019] {strides = array<i32>} : memref<128x64xf32, #tpu.memory_space<vmem>>, vector<1x16xf32>,
          %parallel_loop3A_1021 = vector.shape_cast %parallel_loop3A_1020 : vector<1x16xf32> to vector<16xf32>
          %parallel_loop3A_1022 = arith.mulf %parallel_loop3A_1021, %parallel_loop3A_1013 : vector<16xf32>
          %parallel_loop3A_1023 = arith.index_cast %parallel_loop3A_1017 : i32 to index
          %parallel_loop3A_1024 = arith.constant 0 : index
          %parallel_loop3A_1025 = tpu.vector_load %arg14[%parallel_loop3A_1023, %parallel_loop3A_1024] {strides = array<i32>} : memref<128x64xf32, #tpu.memory_space<vmem>>, vector<1x16xf32>,
          %parallel_loop3A_1026 = vector.shape_cast %parallel_loop3A_1025 : vector<1x16xf32> to vector<16xf32>
          %parallel_loop3A_1027 = vector.shape_cast %parallel_loop3A_1022 : vector<16xf32> to vector<1x16xf32>
          tpu.vector_store %arg14[%parallel_loop3A_1023, %parallel_loop3A_1024], %parallel_loop3A_1027 {strides = array<i32>} : memref<128x64xf32, #tpu.memory_space<vmem>>, vector<1x16xf32>,
          %parallel_loop3A_1028 = arith.constant 16 : i32
          %parallel_loop3A_1029 = arith.muli %parallel_loop3A_161, %parallel_loop3A_1028 : i32
          %parallel_loop3A_1030 = arith.constant 14 : i32
          %parallel_loop3A_1031 = arith.addi %parallel_loop3A_1029, %parallel_loop3A_1030 : i32
          %parallel_loop3A_1032 = arith.index_cast %parallel_loop3A_1031 : i32 to index
          %parallel_loop3A_1033 = arith.constant 16 : index
          %parallel_loop3A_1034 = tpu.vector_load %arg11[%parallel_loop3A_1032, %parallel_loop3A_1033] {strides = array<i32>} : memref<128x64xf32, #tpu.memory_space<vmem>>, vector<1x16xf32>,
          %parallel_loop3A_1035 = vector.shape_cast %parallel_loop3A_1034 : vector<1x16xf32> to vector<16xf32>
          %parallel_loop3A_1036 = arith.mulf %parallel_loop3A_1035, %parallel_loop3A_1013 : vector<16xf32>
          %parallel_loop3A_1037 = arith.index_cast %parallel_loop3A_1031 : i32 to index
          %parallel_loop3A_1038 = arith.constant 16 : index
          %parallel_loop3A_1039 = tpu.vector_load %arg14[%parallel_loop3A_1037, %parallel_loop3A_1038] {strides = array<i32>} : memref<128x64xf32, #tpu.memory_space<vmem>>, vector<1x16xf32>,
          %parallel_loop3A_1040 = vector.shape_cast %parallel_loop3A_1039 : vector<1x16xf32> to vector<16xf32>
          %parallel_loop3A_1041 = vector.shape_cast %parallel_loop3A_1036 : vector<16xf32> to vector<1x16xf32>
          tpu.vector_store %arg14[%parallel_loop3A_1037, %parallel_loop3A_1038], %parallel_loop3A_1041 {strides = array<i32>} : memref<128x64xf32, #tpu.memory_space<vmem>>, vector<1x16xf32>,
          %parallel_loop3A_1042 = arith.constant 16 : i32
          %parallel_loop3A_1043 = arith.muli %parallel_loop3A_161, %parallel_loop3A_1042 : i32
          %parallel_loop3A_1044 = arith.constant 14 : i32
          %parallel_loop3A_1045 = arith.addi %parallel_loop3A_1043, %parallel_loop3A_1044 : i32
          %parallel_loop3A_1046 = arith.index_cast %parallel_loop3A_1045 : i32 to index
          %parallel_loop3A_1047 = arith.constant 32 : index
          %parallel_loop3A_1048 = tpu.vector_load %arg11[%parallel_loop3A_1046, %parallel_loop3A_1047] {strides = array<i32>} : memref<128x64xf32, #tpu.memory_space<vmem>>, vector<1x16xf32>,
          %parallel_loop3A_1049 = vector.shape_cast %parallel_loop3A_1048 : vector<1x16xf32> to vector<16xf32>
          %parallel_loop3A_1050 = arith.mulf %parallel_loop3A_1049, %parallel_loop3A_1013 : vector<16xf32>
          %parallel_loop3A_1051 = arith.index_cast %parallel_loop3A_1045 : i32 to index
          %parallel_loop3A_1052 = arith.constant 32 : index
          %parallel_loop3A_1053 = tpu.vector_load %arg14[%parallel_loop3A_1051, %parallel_loop3A_1052] {strides = array<i32>} : memref<128x64xf32, #tpu.memory_space<vmem>>, vector<1x16xf32>,
          %parallel_loop3A_1054 = vector.shape_cast %parallel_loop3A_1053 : vector<1x16xf32> to vector<16xf32>
          %parallel_loop3A_1055 = vector.shape_cast %parallel_loop3A_1050 : vector<16xf32> to vector<1x16xf32>
          tpu.vector_store %arg14[%parallel_loop3A_1051, %parallel_loop3A_1052], %parallel_loop3A_1055 {strides = array<i32>} : memref<128x64xf32, #tpu.memory_space<vmem>>, vector<1x16xf32>,
          %parallel_loop3A_1056 = arith.constant 16 : i32
          %parallel_loop3A_1057 = arith.muli %parallel_loop3A_161, %parallel_loop3A_1056 : i32
          %parallel_loop3A_1058 = arith.constant 14 : i32
          %parallel_loop3A_1059 = arith.addi %parallel_loop3A_1057, %parallel_loop3A_1058 : i32
          %parallel_loop3A_1060 = arith.index_cast %parallel_loop3A_1059 : i32 to index
          %parallel_loop3A_1061 = arith.constant 48 : index
          %parallel_loop3A_1062 = tpu.vector_load %arg11[%parallel_loop3A_1060, %parallel_loop3A_1061] {strides = array<i32>} : memref<128x64xf32, #tpu.memory_space<vmem>>, vector<1x16xf32>,
          %parallel_loop3A_1063 = vector.shape_cast %parallel_loop3A_1062 : vector<1x16xf32> to vector<16xf32>
          %parallel_loop3A_1064 = arith.mulf %parallel_loop3A_1063, %parallel_loop3A_1013 : vector<16xf32>
          %parallel_loop3A_1065 = arith.index_cast %parallel_loop3A_1059 : i32 to index
          %parallel_loop3A_1066 = arith.constant 48 : index
          %parallel_loop3A_1067 = tpu.vector_load %arg14[%parallel_loop3A_1065, %parallel_loop3A_1066] {strides = array<i32>} : memref<128x64xf32, #tpu.memory_space<vmem>>, vector<1x16xf32>,
          %parallel_loop3A_1068 = vector.shape_cast %parallel_loop3A_1067 : vector<1x16xf32> to vector<16xf32>
          %parallel_loop3A_1069 = vector.shape_cast %parallel_loop3A_1064 : vector<16xf32> to vector<1x16xf32>
          tpu.vector_store %arg14[%parallel_loop3A_1065, %parallel_loop3A_1066], %parallel_loop3A_1069 {strides = array<i32>} : memref<128x64xf32, #tpu.memory_space<vmem>>, vector<1x16xf32>,
          %parallel_loop3A_1070 = arith.constant 15 : i32
          %parallel_loop3A_1071 = vector.broadcast %parallel_loop3A_1070 : i32 to vector<16x1xi32>
          %parallel_loop3A_1072 = vector.shape_cast %parallel_loop3A_1071 : vector<16x1xi32> to vector<16xi32>
          %parallel_loop3A_1073 = tpu.dynamic_gather %parallel_loop3A_169[%parallel_loop3A_1072] in [0] : vector<16xf32>, vector<16xi32> -> vector<16xf32>
          %parallel_loop3A_1074 = arith.constant 16 : i32
          %parallel_loop3A_1075 = arith.muli %parallel_loop3A_161, %parallel_loop3A_1074 : i32
          %parallel_loop3A_1076 = arith.constant 15 : i32
          %parallel_loop3A_1077 = arith.addi %parallel_loop3A_1075, %parallel_loop3A_1076 : i32
          %parallel_loop3A_1078 = arith.index_cast %parallel_loop3A_1077 : i32 to index
          %parallel_loop3A_1079 = arith.constant 0 : index
          %parallel_loop3A_1080 = tpu.vector_load %arg11[%parallel_loop3A_1078, %parallel_loop3A_1079] {strides = array<i32>} : memref<128x64xf32, #tpu.memory_space<vmem>>, vector<1x16xf32>,
          %parallel_loop3A_1081 = vector.shape_cast %parallel_loop3A_1080 : vector<1x16xf32> to vector<16xf32>
          %parallel_loop3A_1082 = arith.mulf %parallel_loop3A_1081, %parallel_loop3A_1073 : vector<16xf32>
          %parallel_loop3A_1083 = arith.index_cast %parallel_loop3A_1077 : i32 to index
          %parallel_loop3A_1084 = arith.constant 0 : index
          %parallel_loop3A_1085 = tpu.vector_load %arg14[%parallel_loop3A_1083, %parallel_loop3A_1084] {strides = array<i32>} : memref<128x64xf32, #tpu.memory_space<vmem>>, vector<1x16xf32>,
          %parallel_loop3A_1086 = vector.shape_cast %parallel_loop3A_1085 : vector<1x16xf32> to vector<16xf32>
          %parallel_loop3A_1087 = vector.shape_cast %parallel_loop3A_1082 : vector<16xf32> to vector<1x16xf32>
          tpu.vector_store %arg14[%parallel_loop3A_1083, %parallel_loop3A_1084], %parallel_loop3A_1087 {strides = array<i32>} : memref<128x64xf32, #tpu.memory_space<vmem>>, vector<1x16xf32>,
          %parallel_loop3A_1088 = arith.constant 16 : i32
          %parallel_loop3A_1089 = arith.muli %parallel_loop3A_161, %parallel_loop3A_1088 : i32
          %parallel_loop3A_1090 = arith.constant 15 : i32
          %parallel_loop3A_1091 = arith.addi %parallel_loop3A_1089, %parallel_loop3A_1090 : i32
          %parallel_loop3A_1092 = arith.index_cast %parallel_loop3A_1091 : i32 to index
          %parallel_loop3A_1093 = arith.constant 16 : index
          %parallel_loop3A_1094 = tpu.vector_load %arg11[%parallel_loop3A_1092, %parallel_loop3A_1093] {strides = array<i32>} : memref<128x64xf32, #tpu.memory_space<vmem>>, vector<1x16xf32>,
          %parallel_loop3A_1095 = vector.shape_cast %parallel_loop3A_1094 : vector<1x16xf32> to vector<16xf32>
          %parallel_loop3A_1096 = arith.mulf %parallel_loop3A_1095, %parallel_loop3A_1073 : vector<16xf32>
          %parallel_loop3A_1097 = arith.index_cast %parallel_loop3A_1091 : i32 to index
          %parallel_loop3A_1098 = arith.constant 16 : index
          %parallel_loop3A_1099 = tpu.vector_load %arg14[%parallel_loop3A_1097, %parallel_loop3A_1098] {strides = array<i32>} : memref<128x64xf32, #tpu.memory_space<vmem>>, vector<1x16xf32>,
          %parallel_loop3A_1100 = vector.shape_cast %parallel_loop3A_1099 : vector<1x16xf32> to vector<16xf32>
          %parallel_loop3A_1101 = vector.shape_cast %parallel_loop3A_1096 : vector<16xf32> to vector<1x16xf32>
          tpu.vector_store %arg14[%parallel_loop3A_1097, %parallel_loop3A_1098], %parallel_loop3A_1101 {strides = array<i32>} : memref<128x64xf32, #tpu.memory_space<vmem>>, vector<1x16xf32>,
          %parallel_loop3A_1102 = arith.constant 16 : i32
          %parallel_loop3A_1103 = arith.muli %parallel_loop3A_161, %parallel_loop3A_1102 : i32
          %parallel_loop3A_1104 = arith.constant 15 : i32
          %parallel_loop3A_1105 = arith.addi %parallel_loop3A_1103, %parallel_loop3A_1104 : i32
          %parallel_loop3A_1106 = arith.index_cast %parallel_loop3A_1105 : i32 to index
          %parallel_loop3A_1107 = arith.constant 32 : index
          %parallel_loop3A_1108 = tpu.vector_load %arg11[%parallel_loop3A_1106, %parallel_loop3A_1107] {strides = array<i32>} : memref<128x64xf32, #tpu.memory_space<vmem>>, vector<1x16xf32>,
          %parallel_loop3A_1109 = vector.shape_cast %parallel_loop3A_1108 : vector<1x16xf32> to vector<16xf32>
          %parallel_loop3A_1110 = arith.mulf %parallel_loop3A_1109, %parallel_loop3A_1073 : vector<16xf32>
          %parallel_loop3A_1111 = arith.index_cast %parallel_loop3A_1105 : i32 to index
          %parallel_loop3A_1112 = arith.constant 32 : index
          %parallel_loop3A_1113 = tpu.vector_load %arg14[%parallel_loop3A_1111, %parallel_loop3A_1112] {strides = array<i32>} : memref<128x64xf32, #tpu.memory_space<vmem>>, vector<1x16xf32>,
          %parallel_loop3A_1114 = vector.shape_cast %parallel_loop3A_1113 : vector<1x16xf32> to vector<16xf32>
          %parallel_loop3A_1115 = vector.shape_cast %parallel_loop3A_1110 : vector<16xf32> to vector<1x16xf32>
          tpu.vector_store %arg14[%parallel_loop3A_1111, %parallel_loop3A_1112], %parallel_loop3A_1115 {strides = array<i32>} : memref<128x64xf32, #tpu.memory_space<vmem>>, vector<1x16xf32>,
          %parallel_loop3A_1116 = arith.constant 16 : i32
          %parallel_loop3A_1117 = arith.muli %parallel_loop3A_161, %parallel_loop3A_1116 : i32
          %parallel_loop3A_1118 = arith.constant 15 : i32
          %parallel_loop3A_1119 = arith.addi %parallel_loop3A_1117, %parallel_loop3A_1118 : i32
          %parallel_loop3A_1120 = arith.index_cast %parallel_loop3A_1119 : i32 to index
          %parallel_loop3A_1121 = arith.constant 48 : index
          %parallel_loop3A_1122 = tpu.vector_load %arg11[%parallel_loop3A_1120, %parallel_loop3A_1121] {strides = array<i32>} : memref<128x64xf32, #tpu.memory_space<vmem>>, vector<1x16xf32>,
          %parallel_loop3A_1123 = vector.shape_cast %parallel_loop3A_1122 : vector<1x16xf32> to vector<16xf32>
          %parallel_loop3A_1124 = arith.mulf %parallel_loop3A_1123, %parallel_loop3A_1073 : vector<16xf32>
          %parallel_loop3A_1125 = arith.index_cast %parallel_loop3A_1119 : i32 to index
          %parallel_loop3A_1126 = arith.constant 48 : index
          %parallel_loop3A_1127 = tpu.vector_load %arg14[%parallel_loop3A_1125, %parallel_loop3A_1126] {strides = array<i32>} : memref<128x64xf32, #tpu.memory_space<vmem>>, vector<1x16xf32>,
          %parallel_loop3A_1128 = vector.shape_cast %parallel_loop3A_1127 : vector<1x16xf32> to vector<16xf32>
          %parallel_loop3A_1129 = vector.shape_cast %parallel_loop3A_1124 : vector<16xf32> to vector<1x16xf32>
          tpu.vector_store %arg14[%parallel_loop3A_1125, %parallel_loop3A_1126], %parallel_loop3A_1129 {strides = array<i32>} : memref<128x64xf32, #tpu.memory_space<vmem>>, vector<1x16xf32>,
        } {sc.loop_unroll_factor = 2 : i64, sc.parallel_access}
        %lt3A = arith.constant 10 : i32
        %lt3A_93 = arith.cmpi slt, %add3A_78, %lt3A : i32
        %convert_element_type3A_94 = arith.extui %lt3A_93 : i1 to i32
        %cond3A_95 = arith.constant 0 : i32
        %cond3A_96 = arith.cmpi ne, %convert_element_type3A_94, %cond3A_95 : i32
        scf.if %cond3A_96 {
          %add3A_161 = arith.constant 3 : i32
          %add3A_162 = arith.addi %add3A_82, %add3A_161 : i32
          %mul3A_163 = arith.constant 128 : i32
          %mul3A_164 = arith.muli %add3A_162, %mul3A_163 : i32
          %dma_start3A_165 = tpu.memref_slice %arg8[%mul3A_164] : memref<4224xi32, #tpu.memory_space<vmem>> -> memref<128xi32, #tpu.memory_space<vmem>>
          %dma_start3A_166 = arith.constant 0 : i32
          %dma_start3A_167 = arith.constant 0 : i32
          %dma_start3A_168 = tpu.memref_slice %arg5[%dma_start3A_166, %dma_start3A_167] : memref<16384x64xf32, #tpu.memory_space<hbm>> -> memref<16384x64xf32, #tpu.memory_space<hbm>>
          tpu.enqueue_indirect_dma source(%dma_start3A_168 : memref<16384x64xf32, #tpu.memory_space<hbm>>) target(%arg11 : memref<128x64xf32, #tpu.memory_space<vmem>>) offsets(%dma_start3A_165 : memref<128xi32, #tpu.memory_space<vmem>>) semaphore(%arg17 : memref<!tpu.dma_semaphore, #tpu.memory_space<semaphore_mem>>)
        } else {
        }
        %dma_start3A_97 = arith.constant 0 : i32
        %dma_start3A_98 = tpu.memref_slice %arg9[%add3A_82, %dma_start3A_97] : memref<33x128xi32, #tpu.memory_space<vmem>> -> memref<1x128xi32, #tpu.memory_space<vmem>>
        %dma_start3A_99 = tpu.memref_squeeze %dma_start3A_98 : memref<1x128xi32, #tpu.memory_space<vmem>> -> memref<128xi32, #tpu.memory_space<vmem>>
        %dma_start3A_100 = arith.constant 0 : i32
        %dma_start3A_101 = arith.constant 0 : i32
        %dma_start3A_102 = tpu.memref_slice %arg7[%dma_start3A_100, %dma_start3A_101] : memref<16384x64xf32, #tpu.memory_space<vmem_shared>> -> memref<16384x64xf32, #tpu.memory_space<vmem_shared>>
        tpu.enqueue_indirect_dma source(%arg14 : memref<128x64xf32, #tpu.memory_space<vmem>>) target(%dma_start3A_102 : memref<16384x64xf32, #tpu.memory_space<vmem_shared>>) offsets(%dma_start3A_99 : memref<128xi32, #tpu.memory_space<vmem>>) semaphore(%arg20 : memref<!tpu.dma_semaphore, #tpu.memory_space<semaphore_mem>>) {add = true}
        %mul3A_103 = arith.constant 3 : i32
        %mul3A_104 = arith.muli %add3A_78, %mul3A_103 : i32
        %add3A_105 = arith.constant 1 : i32
        %add3A_106 = arith.addi %mul3A_104, %add3A_105 : i32
        %gt3A_107 = arith.constant 0 : i32
        %gt3A_108 = arith.cmpi sgt, %add3A_78, %gt3A_107 : i32
        %convert_element_type3A_109 = arith.extui %gt3A_108 : i1 to i32
        %cond3A_110 = arith.constant 0 : i32
        %cond3A_111 = arith.cmpi ne, %convert_element_type3A_109, %cond3A_110 : i32
        scf.if %cond3A_111 {
          %dma_wait3A_161 = arith.constant 0 : i32
          %dma_wait3A_162 = arith.constant 0 : i32
          %dma_wait3A_163 = tpu.memref_slice %arg5[%dma_wait3A_161, %dma_wait3A_162] : memref<16384x64xf32, #tpu.memory_space<hbm>> -> memref<128x64xf32, #tpu.memory_space<hbm>>
          %dma_wait3A_164 = arith.constant 0 : i32
          %dma_wait3A_165 = arith.constant 0 : i32
          %dma_wait3A_166 = tpu.memref_slice %arg5[%dma_wait3A_164, %dma_wait3A_165] : memref<16384x64xf32, #tpu.memory_space<hbm>> -> memref<128x64xf32, #tpu.memory_space<hbm>>
          tpu.wait_dma2 semaphore(%arg21 : memref<!tpu.dma_semaphore, #tpu.memory_space<semaphore_mem>>) src(%dma_wait3A_166 : memref<128x64xf32, #tpu.memory_space<hbm>>) dst(%arg15 : memref<128x64xf32, #tpu.memory_space<vmem>>)
        } else {
        }
        %dma_wait3A_112 = arith.constant 0 : i32
        %dma_wait3A_113 = arith.constant 0 : i32
        %dma_wait3A_114 = tpu.memref_slice %arg5[%dma_wait3A_112, %dma_wait3A_113] : memref<16384x64xf32, #tpu.memory_space<hbm>> -> memref<128x64xf32, #tpu.memory_space<hbm>>
        %dma_wait3A_115 = arith.constant 0 : i32
        %dma_wait3A_116 = arith.constant 0 : i32
        %dma_wait3A_117 = tpu.memref_slice %arg5[%dma_wait3A_115, %dma_wait3A_116] : memref<16384x64xf32, #tpu.memory_space<hbm>> -> memref<128x64xf32, #tpu.memory_space<hbm>>
        tpu.wait_dma2 semaphore(%arg18 : memref<!tpu.dma_semaphore, #tpu.memory_space<semaphore_mem>>) src(%dma_wait3A_117 : memref<128x64xf32, #tpu.memory_space<hbm>>) dst(%arg12 : memref<128x64xf32, #tpu.memory_space<vmem>>)
        %parallel_loop3A_118 = arith.constant 0 : i32
        %parallel_loop3A_119 = arith.constant 8 : i32
        %parallel_loop3A_120 = arith.constant 1 : i32
        scf.for %parallel_loop3A_161 = %parallel_loop3A_118 to %parallel_loop3A_119 step %parallel_loop3A_120  : i32 {
          %parallel_loop3A_162 = arith.constant 128 : i32
          %parallel_loop3A_163 = arith.muli %add3A_106, %parallel_loop3A_162 : i32
          %parallel_loop3A_164 = arith.constant 16 : i32
          %parallel_loop3A_165 = arith.muli %parallel_loop3A_161, %parallel_loop3A_164 : i32
          %parallel_loop3A_166 = arith.addi %parallel_loop3A_163, %parallel_loop3A_165 : i32
          %parallel_loop3A_167 = arith.index_cast %parallel_loop3A_166 : i32 to index
          %parallel_loop3A_168 = tpu.vector_load %arg10[%parallel_loop3A_167] {strides = array<i32>} : memref<4224xf32, #tpu.memory_space<vmem>>, vector<16xf32>,
          %parallel_loop3A_169 = vector.shape_cast %parallel_loop3A_168 : vector<16xf32> to vector<16xf32>
          %parallel_loop3A_170 = arith.constant 0 : i32
          %parallel_loop3A_171 = vector.broadcast %parallel_loop3A_170 : i32 to vector<16x1xi32>
          %parallel_loop3A_172 = vector.shape_cast %parallel_loop3A_171 : vector<16x1xi32> to vector<16xi32>
          %parallel_loop3A_173 = tpu.dynamic_gather %parallel_loop3A_169[%parallel_loop3A_172] in [0] : vector<16xf32>, vector<16xi32> -> vector<16xf32>
          %parallel_loop3A_174 = arith.constant 16 : i32
          %parallel_loop3A_175 = arith.muli %parallel_loop3A_161, %parallel_loop3A_174 : i32
          %parallel_loop3A_176 = arith.constant 0 : i32
          %parallel_loop3A_177 = arith.addi %parallel_loop3A_175, %parallel_loop3A_176 : i32
          %parallel_loop3A_178 = arith.index_cast %parallel_loop3A_177 : i32 to index
          %parallel_loop3A_179 = arith.constant 0 : index
          %parallel_loop3A_180 = tpu.vector_load %arg12[%parallel_loop3A_178, %parallel_loop3A_179] {strides = array<i32>} : memref<128x64xf32, #tpu.memory_space<vmem>>, vector<1x16xf32>,
          %parallel_loop3A_181 = vector.shape_cast %parallel_loop3A_180 : vector<1x16xf32> to vector<16xf32>
          %parallel_loop3A_182 = arith.mulf %parallel_loop3A_181, %parallel_loop3A_173 : vector<16xf32>
          %parallel_loop3A_183 = arith.index_cast %parallel_loop3A_177 : i32 to index
          %parallel_loop3A_184 = arith.constant 0 : index
          %parallel_loop3A_185 = tpu.vector_load %arg15[%parallel_loop3A_183, %parallel_loop3A_184] {strides = array<i32>} : memref<128x64xf32, #tpu.memory_space<vmem>>, vector<1x16xf32>,
          %parallel_loop3A_186 = vector.shape_cast %parallel_loop3A_185 : vector<1x16xf32> to vector<16xf32>
          %parallel_loop3A_187 = vector.shape_cast %parallel_loop3A_182 : vector<16xf32> to vector<1x16xf32>
          tpu.vector_store %arg15[%parallel_loop3A_183, %parallel_loop3A_184], %parallel_loop3A_187 {strides = array<i32>} : memref<128x64xf32, #tpu.memory_space<vmem>>, vector<1x16xf32>,
          %parallel_loop3A_188 = arith.constant 16 : i32
          %parallel_loop3A_189 = arith.muli %parallel_loop3A_161, %parallel_loop3A_188 : i32
          %parallel_loop3A_190 = arith.constant 0 : i32
          %parallel_loop3A_191 = arith.addi %parallel_loop3A_189, %parallel_loop3A_190 : i32
          %parallel_loop3A_192 = arith.index_cast %parallel_loop3A_191 : i32 to index
          %parallel_loop3A_193 = arith.constant 16 : index
          %parallel_loop3A_194 = tpu.vector_load %arg12[%parallel_loop3A_192, %parallel_loop3A_193] {strides = array<i32>} : memref<128x64xf32, #tpu.memory_space<vmem>>, vector<1x16xf32>,
          %parallel_loop3A_195 = vector.shape_cast %parallel_loop3A_194 : vector<1x16xf32> to vector<16xf32>
          %parallel_loop3A_196 = arith.mulf %parallel_loop3A_195, %parallel_loop3A_173 : vector<16xf32>
          %parallel_loop3A_197 = arith.index_cast %parallel_loop3A_191 : i32 to index
          %parallel_loop3A_198 = arith.constant 16 : index
          %parallel_loop3A_199 = tpu.vector_load %arg15[%parallel_loop3A_197, %parallel_loop3A_198] {strides = array<i32>} : memref<128x64xf32, #tpu.memory_space<vmem>>, vector<1x16xf32>,
          %parallel_loop3A_200 = vector.shape_cast %parallel_loop3A_199 : vector<1x16xf32> to vector<16xf32>
          %parallel_loop3A_201 = vector.shape_cast %parallel_loop3A_196 : vector<16xf32> to vector<1x16xf32>
          tpu.vector_store %arg15[%parallel_loop3A_197, %parallel_loop3A_198], %parallel_loop3A_201 {strides = array<i32>} : memref<128x64xf32, #tpu.memory_space<vmem>>, vector<1x16xf32>,
          %parallel_loop3A_202 = arith.constant 16 : i32
          %parallel_loop3A_203 = arith.muli %parallel_loop3A_161, %parallel_loop3A_202 : i32
          %parallel_loop3A_204 = arith.constant 0 : i32
          %parallel_loop3A_205 = arith.addi %parallel_loop3A_203, %parallel_loop3A_204 : i32
          %parallel_loop3A_206 = arith.index_cast %parallel_loop3A_205 : i32 to index
          %parallel_loop3A_207 = arith.constant 32 : index
          %parallel_loop3A_208 = tpu.vector_load %arg12[%parallel_loop3A_206, %parallel_loop3A_207] {strides = array<i32>} : memref<128x64xf32, #tpu.memory_space<vmem>>, vector<1x16xf32>,
          %parallel_loop3A_209 = vector.shape_cast %parallel_loop3A_208 : vector<1x16xf32> to vector<16xf32>
          %parallel_loop3A_210 = arith.mulf %parallel_loop3A_209, %parallel_loop3A_173 : vector<16xf32>
          %parallel_loop3A_211 = arith.index_cast %parallel_loop3A_205 : i32 to index
          %parallel_loop3A_212 = arith.constant 32 : index
          %parallel_loop3A_213 = tpu.vector_load %arg15[%parallel_loop3A_211, %parallel_loop3A_212] {strides = array<i32>} : memref<128x64xf32, #tpu.memory_space<vmem>>, vector<1x16xf32>,
          %parallel_loop3A_214 = vector.shape_cast %parallel_loop3A_213 : vector<1x16xf32> to vector<16xf32>
          %parallel_loop3A_215 = vector.shape_cast %parallel_loop3A_210 : vector<16xf32> to vector<1x16xf32>
          tpu.vector_store %arg15[%parallel_loop3A_211, %parallel_loop3A_212], %parallel_loop3A_215 {strides = array<i32>} : memref<128x64xf32, #tpu.memory_space<vmem>>, vector<1x16xf32>,
          %parallel_loop3A_216 = arith.constant 16 : i32
          %parallel_loop3A_217 = arith.muli %parallel_loop3A_161, %parallel_loop3A_216 : i32
          %parallel_loop3A_218 = arith.constant 0 : i32
          %parallel_loop3A_219 = arith.addi %parallel_loop3A_217, %parallel_loop3A_218 : i32
          %parallel_loop3A_220 = arith.index_cast %parallel_loop3A_219 : i32 to index
          %parallel_loop3A_221 = arith.constant 48 : index
          %parallel_loop3A_222 = tpu.vector_load %arg12[%parallel_loop3A_220, %parallel_loop3A_221] {strides = array<i32>} : memref<128x64xf32, #tpu.memory_space<vmem>>, vector<1x16xf32>,
          %parallel_loop3A_223 = vector.shape_cast %parallel_loop3A_222 : vector<1x16xf32> to vector<16xf32>
          %parallel_loop3A_224 = arith.mulf %parallel_loop3A_223, %parallel_loop3A_173 : vector<16xf32>
          %parallel_loop3A_225 = arith.index_cast %parallel_loop3A_219 : i32 to index
          %parallel_loop3A_226 = arith.constant 48 : index
          %parallel_loop3A_227 = tpu.vector_load %arg15[%parallel_loop3A_225, %parallel_loop3A_226] {strides = array<i32>} : memref<128x64xf32, #tpu.memory_space<vmem>>, vector<1x16xf32>,
          %parallel_loop3A_228 = vector.shape_cast %parallel_loop3A_227 : vector<1x16xf32> to vector<16xf32>
          %parallel_loop3A_229 = vector.shape_cast %parallel_loop3A_224 : vector<16xf32> to vector<1x16xf32>
          tpu.vector_store %arg15[%parallel_loop3A_225, %parallel_loop3A_226], %parallel_loop3A_229 {strides = array<i32>} : memref<128x64xf32, #tpu.memory_space<vmem>>, vector<1x16xf32>,
          %parallel_loop3A_230 = arith.constant 1 : i32
          %parallel_loop3A_231 = vector.broadcast %parallel_loop3A_230 : i32 to vector<16x1xi32>
          %parallel_loop3A_232 = vector.shape_cast %parallel_loop3A_231 : vector<16x1xi32> to vector<16xi32>
          %parallel_loop3A_233 = tpu.dynamic_gather %parallel_loop3A_169[%parallel_loop3A_232] in [0] : vector<16xf32>, vector<16xi32> -> vector<16xf32>
          %parallel_loop3A_234 = arith.constant 16 : i32
          %parallel_loop3A_235 = arith.muli %parallel_loop3A_161, %parallel_loop3A_234 : i32
          %parallel_loop3A_236 = arith.constant 1 : i32
          %parallel_loop3A_237 = arith.addi %parallel_loop3A_235, %parallel_loop3A_236 : i32
          %parallel_loop3A_238 = arith.index_cast %parallel_loop3A_237 : i32 to index
          %parallel_loop3A_239 = arith.constant 0 : index
          %parallel_loop3A_240 = tpu.vector_load %arg12[%parallel_loop3A_238, %parallel_loop3A_239] {strides = array<i32>} : memref<128x64xf32, #tpu.memory_space<vmem>>, vector<1x16xf32>,
          %parallel_loop3A_241 = vector.shape_cast %parallel_loop3A_240 : vector<1x16xf32> to vector<16xf32>
          %parallel_loop3A_242 = arith.mulf %parallel_loop3A_241, %parallel_loop3A_233 : vector<16xf32>
          %parallel_loop3A_243 = arith.index_cast %parallel_loop3A_237 : i32 to index
          %parallel_loop3A_244 = arith.constant 0 : index
          %parallel_loop3A_245 = tpu.vector_load %arg15[%parallel_loop3A_243, %parallel_loop3A_244] {strides = array<i32>} : memref<128x64xf32, #tpu.memory_space<vmem>>, vector<1x16xf32>,
          %parallel_loop3A_246 = vector.shape_cast %parallel_loop3A_245 : vector<1x16xf32> to vector<16xf32>
          %parallel_loop3A_247 = vector.shape_cast %parallel_loop3A_242 : vector<16xf32> to vector<1x16xf32>
          tpu.vector_store %arg15[%parallel_loop3A_243, %parallel_loop3A_244], %parallel_loop3A_247 {strides = array<i32>} : memref<128x64xf32, #tpu.memory_space<vmem>>, vector<1x16xf32>,
          %parallel_loop3A_248 = arith.constant 16 : i32
          %parallel_loop3A_249 = arith.muli %parallel_loop3A_161, %parallel_loop3A_248 : i32
          %parallel_loop3A_250 = arith.constant 1 : i32
          %parallel_loop3A_251 = arith.addi %parallel_loop3A_249, %parallel_loop3A_250 : i32
          %parallel_loop3A_252 = arith.index_cast %parallel_loop3A_251 : i32 to index
          %parallel_loop3A_253 = arith.constant 16 : index
          %parallel_loop3A_254 = tpu.vector_load %arg12[%parallel_loop3A_252, %parallel_loop3A_253] {strides = array<i32>} : memref<128x64xf32, #tpu.memory_space<vmem>>, vector<1x16xf32>,
          %parallel_loop3A_255 = vector.shape_cast %parallel_loop3A_254 : vector<1x16xf32> to vector<16xf32>
          %parallel_loop3A_256 = arith.mulf %parallel_loop3A_255, %parallel_loop3A_233 : vector<16xf32>
          %parallel_loop3A_257 = arith.index_cast %parallel_loop3A_251 : i32 to index
          %parallel_loop3A_258 = arith.constant 16 : index
          %parallel_loop3A_259 = tpu.vector_load %arg15[%parallel_loop3A_257, %parallel_loop3A_258] {strides = array<i32>} : memref<128x64xf32, #tpu.memory_space<vmem>>, vector<1x16xf32>,
          %parallel_loop3A_260 = vector.shape_cast %parallel_loop3A_259 : vector<1x16xf32> to vector<16xf32>
          %parallel_loop3A_261 = vector.shape_cast %parallel_loop3A_256 : vector<16xf32> to vector<1x16xf32>
          tpu.vector_store %arg15[%parallel_loop3A_257, %parallel_loop3A_258], %parallel_loop3A_261 {strides = array<i32>} : memref<128x64xf32, #tpu.memory_space<vmem>>, vector<1x16xf32>,
          %parallel_loop3A_262 = arith.constant 16 : i32
          %parallel_loop3A_263 = arith.muli %parallel_loop3A_161, %parallel_loop3A_262 : i32
          %parallel_loop3A_264 = arith.constant 1 : i32
          %parallel_loop3A_265 = arith.addi %parallel_loop3A_263, %parallel_loop3A_264 : i32
          %parallel_loop3A_266 = arith.index_cast %parallel_loop3A_265 : i32 to index
          %parallel_loop3A_267 = arith.constant 32 : index
          %parallel_loop3A_268 = tpu.vector_load %arg12[%parallel_loop3A_266, %parallel_loop3A_267] {strides = array<i32>} : memref<128x64xf32, #tpu.memory_space<vmem>>, vector<1x16xf32>,
          %parallel_loop3A_269 = vector.shape_cast %parallel_loop3A_268 : vector<1x16xf32> to vector<16xf32>
          %parallel_loop3A_270 = arith.mulf %parallel_loop3A_269, %parallel_loop3A_233 : vector<16xf32>
          %parallel_loop3A_271 = arith.index_cast %parallel_loop3A_265 : i32 to index
          %parallel_loop3A_272 = arith.constant 32 : index
          %parallel_loop3A_273 = tpu.vector_load %arg15[%parallel_loop3A_271, %parallel_loop3A_272] {strides = array<i32>} : memref<128x64xf32, #tpu.memory_space<vmem>>, vector<1x16xf32>,
          %parallel_loop3A_274 = vector.shape_cast %parallel_loop3A_273 : vector<1x16xf32> to vector<16xf32>
          %parallel_loop3A_275 = vector.shape_cast %parallel_loop3A_270 : vector<16xf32> to vector<1x16xf32>
          tpu.vector_store %arg15[%parallel_loop3A_271, %parallel_loop3A_272], %parallel_loop3A_275 {strides = array<i32>} : memref<128x64xf32, #tpu.memory_space<vmem>>, vector<1x16xf32>,
          %parallel_loop3A_276 = arith.constant 16 : i32
          %parallel_loop3A_277 = arith.muli %parallel_loop3A_161, %parallel_loop3A_276 : i32
          %parallel_loop3A_278 = arith.constant 1 : i32
          %parallel_loop3A_279 = arith.addi %parallel_loop3A_277, %parallel_loop3A_278 : i32
          %parallel_loop3A_280 = arith.index_cast %parallel_loop3A_279 : i32 to index
          %parallel_loop3A_281 = arith.constant 48 : index
          %parallel_loop3A_282 = tpu.vector_load %arg12[%parallel_loop3A_280, %parallel_loop3A_281] {strides = array<i32>} : memref<128x64xf32, #tpu.memory_space<vmem>>, vector<1x16xf32>,
          %parallel_loop3A_283 = vector.shape_cast %parallel_loop3A_282 : vector<1x16xf32> to vector<16xf32>
          %parallel_loop3A_284 = arith.mulf %parallel_loop3A_283, %parallel_loop3A_233 : vector<16xf32>
          %parallel_loop3A_285 = arith.index_cast %parallel_loop3A_279 : i32 to index
          %parallel_loop3A_286 = arith.constant 48 : index
          %parallel_loop3A_287 = tpu.vector_load %arg15[%parallel_loop3A_285, %parallel_loop3A_286] {strides = array<i32>} : memref<128x64xf32, #tpu.memory_space<vmem>>, vector<1x16xf32>,
          %parallel_loop3A_288 = vector.shape_cast %parallel_loop3A_287 : vector<1x16xf32> to vector<16xf32>
          %parallel_loop3A_289 = vector.shape_cast %parallel_loop3A_284 : vector<16xf32> to vector<1x16xf32>
          tpu.vector_store %arg15[%parallel_loop3A_285, %parallel_loop3A_286], %parallel_loop3A_289 {strides = array<i32>} : memref<128x64xf32, #tpu.memory_space<vmem>>, vector<1x16xf32>,
          %parallel_loop3A_290 = arith.constant 2 : i32
          %parallel_loop3A_291 = vector.broadcast %parallel_loop3A_290 : i32 to vector<16x1xi32>
          %parallel_loop3A_292 = vector.shape_cast %parallel_loop3A_291 : vector<16x1xi32> to vector<16xi32>
          %parallel_loop3A_293 = tpu.dynamic_gather %parallel_loop3A_169[%parallel_loop3A_292] in [0] : vector<16xf32>, vector<16xi32> -> vector<16xf32>
          %parallel_loop3A_294 = arith.constant 16 : i32
          %parallel_loop3A_295 = arith.muli %parallel_loop3A_161, %parallel_loop3A_294 : i32
          %parallel_loop3A_296 = arith.constant 2 : i32
          %parallel_loop3A_297 = arith.addi %parallel_loop3A_295, %parallel_loop3A_296 : i32
          %parallel_loop3A_298 = arith.index_cast %parallel_loop3A_297 : i32 to index
          %parallel_loop3A_299 = arith.constant 0 : index
          %parallel_loop3A_300 = tpu.vector_load %arg12[%parallel_loop3A_298, %parallel_loop3A_299] {strides = array<i32>} : memref<128x64xf32, #tpu.memory_space<vmem>>, vector<1x16xf32>,
          %parallel_loop3A_301 = vector.shape_cast %parallel_loop3A_300 : vector<1x16xf32> to vector<16xf32>
          %parallel_loop3A_302 = arith.mulf %parallel_loop3A_301, %parallel_loop3A_293 : vector<16xf32>
          %parallel_loop3A_303 = arith.index_cast %parallel_loop3A_297 : i32 to index
          %parallel_loop3A_304 = arith.constant 0 : index
          %parallel_loop3A_305 = tpu.vector_load %arg15[%parallel_loop3A_303, %parallel_loop3A_304] {strides = array<i32>} : memref<128x64xf32, #tpu.memory_space<vmem>>, vector<1x16xf32>,
          %parallel_loop3A_306 = vector.shape_cast %parallel_loop3A_305 : vector<1x16xf32> to vector<16xf32>
          %parallel_loop3A_307 = vector.shape_cast %parallel_loop3A_302 : vector<16xf32> to vector<1x16xf32>
          tpu.vector_store %arg15[%parallel_loop3A_303, %parallel_loop3A_304], %parallel_loop3A_307 {strides = array<i32>} : memref<128x64xf32, #tpu.memory_space<vmem>>, vector<1x16xf32>,
          %parallel_loop3A_308 = arith.constant 16 : i32
          %parallel_loop3A_309 = arith.muli %parallel_loop3A_161, %parallel_loop3A_308 : i32
          %parallel_loop3A_310 = arith.constant 2 : i32
          %parallel_loop3A_311 = arith.addi %parallel_loop3A_309, %parallel_loop3A_310 : i32
          %parallel_loop3A_312 = arith.index_cast %parallel_loop3A_311 : i32 to index
          %parallel_loop3A_313 = arith.constant 16 : index
          %parallel_loop3A_314 = tpu.vector_load %arg12[%parallel_loop3A_312, %parallel_loop3A_313] {strides = array<i32>} : memref<128x64xf32, #tpu.memory_space<vmem>>, vector<1x16xf32>,
          %parallel_loop3A_315 = vector.shape_cast %parallel_loop3A_314 : vector<1x16xf32> to vector<16xf32>
          %parallel_loop3A_316 = arith.mulf %parallel_loop3A_315, %parallel_loop3A_293 : vector<16xf32>
          %parallel_loop3A_317 = arith.index_cast %parallel_loop3A_311 : i32 to index
          %parallel_loop3A_318 = arith.constant 16 : index
          %parallel_loop3A_319 = tpu.vector_load %arg15[%parallel_loop3A_317, %parallel_loop3A_318] {strides = array<i32>} : memref<128x64xf32, #tpu.memory_space<vmem>>, vector<1x16xf32>,
          %parallel_loop3A_320 = vector.shape_cast %parallel_loop3A_319 : vector<1x16xf32> to vector<16xf32>
          %parallel_loop3A_321 = vector.shape_cast %parallel_loop3A_316 : vector<16xf32> to vector<1x16xf32>
          tpu.vector_store %arg15[%parallel_loop3A_317, %parallel_loop3A_318], %parallel_loop3A_321 {strides = array<i32>} : memref<128x64xf32, #tpu.memory_space<vmem>>, vector<1x16xf32>,
          %parallel_loop3A_322 = arith.constant 16 : i32
          %parallel_loop3A_323 = arith.muli %parallel_loop3A_161, %parallel_loop3A_322 : i32
          %parallel_loop3A_324 = arith.constant 2 : i32
          %parallel_loop3A_325 = arith.addi %parallel_loop3A_323, %parallel_loop3A_324 : i32
          %parallel_loop3A_326 = arith.index_cast %parallel_loop3A_325 : i32 to index
          %parallel_loop3A_327 = arith.constant 32 : index
          %parallel_loop3A_328 = tpu.vector_load %arg12[%parallel_loop3A_326, %parallel_loop3A_327] {strides = array<i32>} : memref<128x64xf32, #tpu.memory_space<vmem>>, vector<1x16xf32>,
          %parallel_loop3A_329 = vector.shape_cast %parallel_loop3A_328 : vector<1x16xf32> to vector<16xf32>
          %parallel_loop3A_330 = arith.mulf %parallel_loop3A_329, %parallel_loop3A_293 : vector<16xf32>
          %parallel_loop3A_331 = arith.index_cast %parallel_loop3A_325 : i32 to index
          %parallel_loop3A_332 = arith.constant 32 : index
          %parallel_loop3A_333 = tpu.vector_load %arg15[%parallel_loop3A_331, %parallel_loop3A_332] {strides = array<i32>} : memref<128x64xf32, #tpu.memory_space<vmem>>, vector<1x16xf32>,
          %parallel_loop3A_334 = vector.shape_cast %parallel_loop3A_333 : vector<1x16xf32> to vector<16xf32>
          %parallel_loop3A_335 = vector.shape_cast %parallel_loop3A_330 : vector<16xf32> to vector<1x16xf32>
          tpu.vector_store %arg15[%parallel_loop3A_331, %parallel_loop3A_332], %parallel_loop3A_335 {strides = array<i32>} : memref<128x64xf32, #tpu.memory_space<vmem>>, vector<1x16xf32>,
          %parallel_loop3A_336 = arith.constant 16 : i32
          %parallel_loop3A_337 = arith.muli %parallel_loop3A_161, %parallel_loop3A_336 : i32
          %parallel_loop3A_338 = arith.constant 2 : i32
          %parallel_loop3A_339 = arith.addi %parallel_loop3A_337, %parallel_loop3A_338 : i32
          %parallel_loop3A_340 = arith.index_cast %parallel_loop3A_339 : i32 to index
          %parallel_loop3A_341 = arith.constant 48 : index
          %parallel_loop3A_342 = tpu.vector_load %arg12[%parallel_loop3A_340, %parallel_loop3A_341] {strides = array<i32>} : memref<128x64xf32, #tpu.memory_space<vmem>>, vector<1x16xf32>,
          %parallel_loop3A_343 = vector.shape_cast %parallel_loop3A_342 : vector<1x16xf32> to vector<16xf32>
          %parallel_loop3A_344 = arith.mulf %parallel_loop3A_343, %parallel_loop3A_293 : vector<16xf32>
          %parallel_loop3A_345 = arith.index_cast %parallel_loop3A_339 : i32 to index
          %parallel_loop3A_346 = arith.constant 48 : index
          %parallel_loop3A_347 = tpu.vector_load %arg15[%parallel_loop3A_345, %parallel_loop3A_346] {strides = array<i32>} : memref<128x64xf32, #tpu.memory_space<vmem>>, vector<1x16xf32>,
          %parallel_loop3A_348 = vector.shape_cast %parallel_loop3A_347 : vector<1x16xf32> to vector<16xf32>
          %parallel_loop3A_349 = vector.shape_cast %parallel_loop3A_344 : vector<16xf32> to vector<1x16xf32>
          tpu.vector_store %arg15[%parallel_loop3A_345, %parallel_loop3A_346], %parallel_loop3A_349 {strides = array<i32>} : memref<128x64xf32, #tpu.memory_space<vmem>>, vector<1x16xf32>,
          %parallel_loop3A_350 = arith.constant 3 : i32
          %parallel_loop3A_351 = vector.broadcast %parallel_loop3A_350 : i32 to vector<16x1xi32>
          %parallel_loop3A_352 = vector.shape_cast %parallel_loop3A_351 : vector<16x1xi32> to vector<16xi32>
          %parallel_loop3A_353 = tpu.dynamic_gather %parallel_loop3A_169[%parallel_loop3A_352] in [0] : vector<16xf32>, vector<16xi32> -> vector<16xf32>
          %parallel_loop3A_354 = arith.constant 16 : i32
          %parallel_loop3A_355 = arith.muli %parallel_loop3A_161, %parallel_loop3A_354 : i32
          %parallel_loop3A_356 = arith.constant 3 : i32
          %parallel_loop3A_357 = arith.addi %parallel_loop3A_355, %parallel_loop3A_356 : i32
          %parallel_loop3A_358 = arith.index_cast %parallel_loop3A_357 : i32 to index
          %parallel_loop3A_359 = arith.constant 0 : index
          %parallel_loop3A_360 = tpu.vector_load %arg12[%parallel_loop3A_358, %parallel_loop3A_359] {strides = array<i32>} : memref<128x64xf32, #tpu.memory_space<vmem>>, vector<1x16xf32>,
          %parallel_loop3A_361 = vector.shape_cast %parallel_loop3A_360 : vector<1x16xf32> to vector<16xf32>
          %parallel_loop3A_362 = arith.mulf %parallel_loop3A_361, %parallel_loop3A_353 : vector<16xf32>
          %parallel_loop3A_363 = arith.index_cast %parallel_loop3A_357 : i32 to index
          %parallel_loop3A_364 = arith.constant 0 : index
          %parallel_loop3A_365 = tpu.vector_load %arg15[%parallel_loop3A_363, %parallel_loop3A_364] {strides = array<i32>} : memref<128x64xf32, #tpu.memory_space<vmem>>, vector<1x16xf32>,
          %parallel_loop3A_366 = vector.shape_cast %parallel_loop3A_365 : vector<1x16xf32> to vector<16xf32>
          %parallel_loop3A_367 = vector.shape_cast %parallel_loop3A_362 : vector<16xf32> to vector<1x16xf32>
          tpu.vector_store %arg15[%parallel_loop3A_363, %parallel_loop3A_364], %parallel_loop3A_367 {strides = array<i32>} : memref<128x64xf32, #tpu.memory_space<vmem>>, vector<1x16xf32>,
          %parallel_loop3A_368 = arith.constant 16 : i32
          %parallel_loop3A_369 = arith.muli %parallel_loop3A_161, %parallel_loop3A_368 : i32
          %parallel_loop3A_370 = arith.constant 3 : i32
          %parallel_loop3A_371 = arith.addi %parallel_loop3A_369, %parallel_loop3A_370 : i32
          %parallel_loop3A_372 = arith.index_cast %parallel_loop3A_371 : i32 to index
          %parallel_loop3A_373 = arith.constant 16 : index
          %parallel_loop3A_374 = tpu.vector_load %arg12[%parallel_loop3A_372, %parallel_loop3A_373] {strides = array<i32>} : memref<128x64xf32, #tpu.memory_space<vmem>>, vector<1x16xf32>,
          %parallel_loop3A_375 = vector.shape_cast %parallel_loop3A_374 : vector<1x16xf32> to vector<16xf32>
          %parallel_loop3A_376 = arith.mulf %parallel_loop3A_375, %parallel_loop3A_353 : vector<16xf32>
          %parallel_loop3A_377 = arith.index_cast %parallel_loop3A_371 : i32 to index
          %parallel_loop3A_378 = arith.constant 16 : index
          %parallel_loop3A_379 = tpu.vector_load %arg15[%parallel_loop3A_377, %parallel_loop3A_378] {strides = array<i32>} : memref<128x64xf32, #tpu.memory_space<vmem>>, vector<1x16xf32>,
          %parallel_loop3A_380 = vector.shape_cast %parallel_loop3A_379 : vector<1x16xf32> to vector<16xf32>
          %parallel_loop3A_381 = vector.shape_cast %parallel_loop3A_376 : vector<16xf32> to vector<1x16xf32>
          tpu.vector_store %arg15[%parallel_loop3A_377, %parallel_loop3A_378], %parallel_loop3A_381 {strides = array<i32>} : memref<128x64xf32, #tpu.memory_space<vmem>>, vector<1x16xf32>,
          %parallel_loop3A_382 = arith.constant 16 : i32
          %parallel_loop3A_383 = arith.muli %parallel_loop3A_161, %parallel_loop3A_382 : i32
          %parallel_loop3A_384 = arith.constant 3 : i32
          %parallel_loop3A_385 = arith.addi %parallel_loop3A_383, %parallel_loop3A_384 : i32
          %parallel_loop3A_386 = arith.index_cast %parallel_loop3A_385 : i32 to index
          %parallel_loop3A_387 = arith.constant 32 : index
          %parallel_loop3A_388 = tpu.vector_load %arg12[%parallel_loop3A_386, %parallel_loop3A_387] {strides = array<i32>} : memref<128x64xf32, #tpu.memory_space<vmem>>, vector<1x16xf32>,
          %parallel_loop3A_389 = vector.shape_cast %parallel_loop3A_388 : vector<1x16xf32> to vector<16xf32>
          %parallel_loop3A_390 = arith.mulf %parallel_loop3A_389, %parallel_loop3A_353 : vector<16xf32>
          %parallel_loop3A_391 = arith.index_cast %parallel_loop3A_385 : i32 to index
          %parallel_loop3A_392 = arith.constant 32 : index
          %parallel_loop3A_393 = tpu.vector_load %arg15[%parallel_loop3A_391, %parallel_loop3A_392] {strides = array<i32>} : memref<128x64xf32, #tpu.memory_space<vmem>>, vector<1x16xf32>,
          %parallel_loop3A_394 = vector.shape_cast %parallel_loop3A_393 : vector<1x16xf32> to vector<16xf32>
          %parallel_loop3A_395 = vector.shape_cast %parallel_loop3A_390 : vector<16xf32> to vector<1x16xf32>
          tpu.vector_store %arg15[%parallel_loop3A_391, %parallel_loop3A_392], %parallel_loop3A_395 {strides = array<i32>} : memref<128x64xf32, #tpu.memory_space<vmem>>, vector<1x16xf32>,
          %parallel_loop3A_396 = arith.constant 16 : i32
          %parallel_loop3A_397 = arith.muli %parallel_loop3A_161, %parallel_loop3A_396 : i32
          %parallel_loop3A_398 = arith.constant 3 : i32
          %parallel_loop3A_399 = arith.addi %parallel_loop3A_397, %parallel_loop3A_398 : i32
          %parallel_loop3A_400 = arith.index_cast %parallel_loop3A_399 : i32 to index
          %parallel_loop3A_401 = arith.constant 48 : index
          %parallel_loop3A_402 = tpu.vector_load %arg12[%parallel_loop3A_400, %parallel_loop3A_401] {strides = array<i32>} : memref<128x64xf32, #tpu.memory_space<vmem>>, vector<1x16xf32>,
          %parallel_loop3A_403 = vector.shape_cast %parallel_loop3A_402 : vector<1x16xf32> to vector<16xf32>
          %parallel_loop3A_404 = arith.mulf %parallel_loop3A_403, %parallel_loop3A_353 : vector<16xf32>
          %parallel_loop3A_405 = arith.index_cast %parallel_loop3A_399 : i32 to index
          %parallel_loop3A_406 = arith.constant 48 : index
          %parallel_loop3A_407 = tpu.vector_load %arg15[%parallel_loop3A_405, %parallel_loop3A_406] {strides = array<i32>} : memref<128x64xf32, #tpu.memory_space<vmem>>, vector<1x16xf32>,
          %parallel_loop3A_408 = vector.shape_cast %parallel_loop3A_407 : vector<1x16xf32> to vector<16xf32>
          %parallel_loop3A_409 = vector.shape_cast %parallel_loop3A_404 : vector<16xf32> to vector<1x16xf32>
          tpu.vector_store %arg15[%parallel_loop3A_405, %parallel_loop3A_406], %parallel_loop3A_409 {strides = array<i32>} : memref<128x64xf32, #tpu.memory_space<vmem>>, vector<1x16xf32>,
          %parallel_loop3A_410 = arith.constant 4 : i32
          %parallel_loop3A_411 = vector.broadcast %parallel_loop3A_410 : i32 to vector<16x1xi32>
          %parallel_loop3A_412 = vector.shape_cast %parallel_loop3A_411 : vector<16x1xi32> to vector<16xi32>
          %parallel_loop3A_413 = tpu.dynamic_gather %parallel_loop3A_169[%parallel_loop3A_412] in [0] : vector<16xf32>, vector<16xi32> -> vector<16xf32>
          %parallel_loop3A_414 = arith.constant 16 : i32
          %parallel_loop3A_415 = arith.muli %parallel_loop3A_161, %parallel_loop3A_414 : i32
          %parallel_loop3A_416 = arith.constant 4 : i32
          %parallel_loop3A_417 = arith.addi %parallel_loop3A_415, %parallel_loop3A_416 : i32
          %parallel_loop3A_418 = arith.index_cast %parallel_loop3A_417 : i32 to index
          %parallel_loop3A_419 = arith.constant 0 : index
          %parallel_loop3A_420 = tpu.vector_load %arg12[%parallel_loop3A_418, %parallel_loop3A_419] {strides = array<i32>} : memref<128x64xf32, #tpu.memory_space<vmem>>, vector<1x16xf32>,
          %parallel_loop3A_421 = vector.shape_cast %parallel_loop3A_420 : vector<1x16xf32> to vector<16xf32>
          %parallel_loop3A_422 = arith.mulf %parallel_loop3A_421, %parallel_loop3A_413 : vector<16xf32>
          %parallel_loop3A_423 = arith.index_cast %parallel_loop3A_417 : i32 to index
          %parallel_loop3A_424 = arith.constant 0 : index
          %parallel_loop3A_425 = tpu.vector_load %arg15[%parallel_loop3A_423, %parallel_loop3A_424] {strides = array<i32>} : memref<128x64xf32, #tpu.memory_space<vmem>>, vector<1x16xf32>,
          %parallel_loop3A_426 = vector.shape_cast %parallel_loop3A_425 : vector<1x16xf32> to vector<16xf32>
          %parallel_loop3A_427 = vector.shape_cast %parallel_loop3A_422 : vector<16xf32> to vector<1x16xf32>
          tpu.vector_store %arg15[%parallel_loop3A_423, %parallel_loop3A_424], %parallel_loop3A_427 {strides = array<i32>} : memref<128x64xf32, #tpu.memory_space<vmem>>, vector<1x16xf32>,
          %parallel_loop3A_428 = arith.constant 16 : i32
          %parallel_loop3A_429 = arith.muli %parallel_loop3A_161, %parallel_loop3A_428 : i32
          %parallel_loop3A_430 = arith.constant 4 : i32
          %parallel_loop3A_431 = arith.addi %parallel_loop3A_429, %parallel_loop3A_430 : i32
          %parallel_loop3A_432 = arith.index_cast %parallel_loop3A_431 : i32 to index
          %parallel_loop3A_433 = arith.constant 16 : index
          %parallel_loop3A_434 = tpu.vector_load %arg12[%parallel_loop3A_432, %parallel_loop3A_433] {strides = array<i32>} : memref<128x64xf32, #tpu.memory_space<vmem>>, vector<1x16xf32>,
          %parallel_loop3A_435 = vector.shape_cast %parallel_loop3A_434 : vector<1x16xf32> to vector<16xf32>
          %parallel_loop3A_436 = arith.mulf %parallel_loop3A_435, %parallel_loop3A_413 : vector<16xf32>
          %parallel_loop3A_437 = arith.index_cast %parallel_loop3A_431 : i32 to index
          %parallel_loop3A_438 = arith.constant 16 : index
          %parallel_loop3A_439 = tpu.vector_load %arg15[%parallel_loop3A_437, %parallel_loop3A_438] {strides = array<i32>} : memref<128x64xf32, #tpu.memory_space<vmem>>, vector<1x16xf32>,
          %parallel_loop3A_440 = vector.shape_cast %parallel_loop3A_439 : vector<1x16xf32> to vector<16xf32>
          %parallel_loop3A_441 = vector.shape_cast %parallel_loop3A_436 : vector<16xf32> to vector<1x16xf32>
          tpu.vector_store %arg15[%parallel_loop3A_437, %parallel_loop3A_438], %parallel_loop3A_441 {strides = array<i32>} : memref<128x64xf32, #tpu.memory_space<vmem>>, vector<1x16xf32>,
          %parallel_loop3A_442 = arith.constant 16 : i32
          %parallel_loop3A_443 = arith.muli %parallel_loop3A_161, %parallel_loop3A_442 : i32
          %parallel_loop3A_444 = arith.constant 4 : i32
          %parallel_loop3A_445 = arith.addi %parallel_loop3A_443, %parallel_loop3A_444 : i32
          %parallel_loop3A_446 = arith.index_cast %parallel_loop3A_445 : i32 to index
          %parallel_loop3A_447 = arith.constant 32 : index
          %parallel_loop3A_448 = tpu.vector_load %arg12[%parallel_loop3A_446, %parallel_loop3A_447] {strides = array<i32>} : memref<128x64xf32, #tpu.memory_space<vmem>>, vector<1x16xf32>,
          %parallel_loop3A_449 = vector.shape_cast %parallel_loop3A_448 : vector<1x16xf32> to vector<16xf32>
          %parallel_loop3A_450 = arith.mulf %parallel_loop3A_449, %parallel_loop3A_413 : vector<16xf32>
          %parallel_loop3A_451 = arith.index_cast %parallel_loop3A_445 : i32 to index
          %parallel_loop3A_452 = arith.constant 32 : index
          %parallel_loop3A_453 = tpu.vector_load %arg15[%parallel_loop3A_451, %parallel_loop3A_452] {strides = array<i32>} : memref<128x64xf32, #tpu.memory_space<vmem>>, vector<1x16xf32>,
          %parallel_loop3A_454 = vector.shape_cast %parallel_loop3A_453 : vector<1x16xf32> to vector<16xf32>
          %parallel_loop3A_455 = vector.shape_cast %parallel_loop3A_450 : vector<16xf32> to vector<1x16xf32>
          tpu.vector_store %arg15[%parallel_loop3A_451, %parallel_loop3A_452], %parallel_loop3A_455 {strides = array<i32>} : memref<128x64xf32, #tpu.memory_space<vmem>>, vector<1x16xf32>,
          %parallel_loop3A_456 = arith.constant 16 : i32
          %parallel_loop3A_457 = arith.muli %parallel_loop3A_161, %parallel_loop3A_456 : i32
          %parallel_loop3A_458 = arith.constant 4 : i32
          %parallel_loop3A_459 = arith.addi %parallel_loop3A_457, %parallel_loop3A_458 : i32
          %parallel_loop3A_460 = arith.index_cast %parallel_loop3A_459 : i32 to index
          %parallel_loop3A_461 = arith.constant 48 : index
          %parallel_loop3A_462 = tpu.vector_load %arg12[%parallel_loop3A_460, %parallel_loop3A_461] {strides = array<i32>} : memref<128x64xf32, #tpu.memory_space<vmem>>, vector<1x16xf32>,
          %parallel_loop3A_463 = vector.shape_cast %parallel_loop3A_462 : vector<1x16xf32> to vector<16xf32>
          %parallel_loop3A_464 = arith.mulf %parallel_loop3A_463, %parallel_loop3A_413 : vector<16xf32>
          %parallel_loop3A_465 = arith.index_cast %parallel_loop3A_459 : i32 to index
          %parallel_loop3A_466 = arith.constant 48 : index
          %parallel_loop3A_467 = tpu.vector_load %arg15[%parallel_loop3A_465, %parallel_loop3A_466] {strides = array<i32>} : memref<128x64xf32, #tpu.memory_space<vmem>>, vector<1x16xf32>,
          %parallel_loop3A_468 = vector.shape_cast %parallel_loop3A_467 : vector<1x16xf32> to vector<16xf32>
          %parallel_loop3A_469 = vector.shape_cast %parallel_loop3A_464 : vector<16xf32> to vector<1x16xf32>
          tpu.vector_store %arg15[%parallel_loop3A_465, %parallel_loop3A_466], %parallel_loop3A_469 {strides = array<i32>} : memref<128x64xf32, #tpu.memory_space<vmem>>, vector<1x16xf32>,
          %parallel_loop3A_470 = arith.constant 5 : i32
          %parallel_loop3A_471 = vector.broadcast %parallel_loop3A_470 : i32 to vector<16x1xi32>
          %parallel_loop3A_472 = vector.shape_cast %parallel_loop3A_471 : vector<16x1xi32> to vector<16xi32>
          %parallel_loop3A_473 = tpu.dynamic_gather %parallel_loop3A_169[%parallel_loop3A_472] in [0] : vector<16xf32>, vector<16xi32> -> vector<16xf32>
          %parallel_loop3A_474 = arith.constant 16 : i32
          %parallel_loop3A_475 = arith.muli %parallel_loop3A_161, %parallel_loop3A_474 : i32
          %parallel_loop3A_476 = arith.constant 5 : i32
          %parallel_loop3A_477 = arith.addi %parallel_loop3A_475, %parallel_loop3A_476 : i32
          %parallel_loop3A_478 = arith.index_cast %parallel_loop3A_477 : i32 to index
          %parallel_loop3A_479 = arith.constant 0 : index
          %parallel_loop3A_480 = tpu.vector_load %arg12[%parallel_loop3A_478, %parallel_loop3A_479] {strides = array<i32>} : memref<128x64xf32, #tpu.memory_space<vmem>>, vector<1x16xf32>,
          %parallel_loop3A_481 = vector.shape_cast %parallel_loop3A_480 : vector<1x16xf32> to vector<16xf32>
          %parallel_loop3A_482 = arith.mulf %parallel_loop3A_481, %parallel_loop3A_473 : vector<16xf32>
          %parallel_loop3A_483 = arith.index_cast %parallel_loop3A_477 : i32 to index
          %parallel_loop3A_484 = arith.constant 0 : index
          %parallel_loop3A_485 = tpu.vector_load %arg15[%parallel_loop3A_483, %parallel_loop3A_484] {strides = array<i32>} : memref<128x64xf32, #tpu.memory_space<vmem>>, vector<1x16xf32>,
          %parallel_loop3A_486 = vector.shape_cast %parallel_loop3A_485 : vector<1x16xf32> to vector<16xf32>
          %parallel_loop3A_487 = vector.shape_cast %parallel_loop3A_482 : vector<16xf32> to vector<1x16xf32>
          tpu.vector_store %arg15[%parallel_loop3A_483, %parallel_loop3A_484], %parallel_loop3A_487 {strides = array<i32>} : memref<128x64xf32, #tpu.memory_space<vmem>>, vector<1x16xf32>,
          %parallel_loop3A_488 = arith.constant 16 : i32
          %parallel_loop3A_489 = arith.muli %parallel_loop3A_161, %parallel_loop3A_488 : i32
          %parallel_loop3A_490 = arith.constant 5 : i32
          %parallel_loop3A_491 = arith.addi %parallel_loop3A_489, %parallel_loop3A_490 : i32
          %parallel_loop3A_492 = arith.index_cast %parallel_loop3A_491 : i32 to index
          %parallel_loop3A_493 = arith.constant 16 : index
          %parallel_loop3A_494 = tpu.vector_load %arg12[%parallel_loop3A_492, %parallel_loop3A_493] {strides = array<i32>} : memref<128x64xf32, #tpu.memory_space<vmem>>, vector<1x16xf32>,
          %parallel_loop3A_495 = vector.shape_cast %parallel_loop3A_494 : vector<1x16xf32> to vector<16xf32>
          %parallel_loop3A_496 = arith.mulf %parallel_loop3A_495, %parallel_loop3A_473 : vector<16xf32>
          %parallel_loop3A_497 = arith.index_cast %parallel_loop3A_491 : i32 to index
          %parallel_loop3A_498 = arith.constant 16 : index
          %parallel_loop3A_499 = tpu.vector_load %arg15[%parallel_loop3A_497, %parallel_loop3A_498] {strides = array<i32>} : memref<128x64xf32, #tpu.memory_space<vmem>>, vector<1x16xf32>,
          %parallel_loop3A_500 = vector.shape_cast %parallel_loop3A_499 : vector<1x16xf32> to vector<16xf32>
          %parallel_loop3A_501 = vector.shape_cast %parallel_loop3A_496 : vector<16xf32> to vector<1x16xf32>
          tpu.vector_store %arg15[%parallel_loop3A_497, %parallel_loop3A_498], %parallel_loop3A_501 {strides = array<i32>} : memref<128x64xf32, #tpu.memory_space<vmem>>, vector<1x16xf32>,
          %parallel_loop3A_502 = arith.constant 16 : i32
          %parallel_loop3A_503 = arith.muli %parallel_loop3A_161, %parallel_loop3A_502 : i32
          %parallel_loop3A_504 = arith.constant 5 : i32
          %parallel_loop3A_505 = arith.addi %parallel_loop3A_503, %parallel_loop3A_504 : i32
          %parallel_loop3A_506 = arith.index_cast %parallel_loop3A_505 : i32 to index
          %parallel_loop3A_507 = arith.constant 32 : index
          %parallel_loop3A_508 = tpu.vector_load %arg12[%parallel_loop3A_506, %parallel_loop3A_507] {strides = array<i32>} : memref<128x64xf32, #tpu.memory_space<vmem>>, vector<1x16xf32>,
          %parallel_loop3A_509 = vector.shape_cast %parallel_loop3A_508 : vector<1x16xf32> to vector<16xf32>
          %parallel_loop3A_510 = arith.mulf %parallel_loop3A_509, %parallel_loop3A_473 : vector<16xf32>
          %parallel_loop3A_511 = arith.index_cast %parallel_loop3A_505 : i32 to index
          %parallel_loop3A_512 = arith.constant 32 : index
          %parallel_loop3A_513 = tpu.vector_load %arg15[%parallel_loop3A_511, %parallel_loop3A_512] {strides = array<i32>} : memref<128x64xf32, #tpu.memory_space<vmem>>, vector<1x16xf32>,
          %parallel_loop3A_514 = vector.shape_cast %parallel_loop3A_513 : vector<1x16xf32> to vector<16xf32>
          %parallel_loop3A_515 = vector.shape_cast %parallel_loop3A_510 : vector<16xf32> to vector<1x16xf32>
          tpu.vector_store %arg15[%parallel_loop3A_511, %parallel_loop3A_512], %parallel_loop3A_515 {strides = array<i32>} : memref<128x64xf32, #tpu.memory_space<vmem>>, vector<1x16xf32>,
          %parallel_loop3A_516 = arith.constant 16 : i32
          %parallel_loop3A_517 = arith.muli %parallel_loop3A_161, %parallel_loop3A_516 : i32
          %parallel_loop3A_518 = arith.constant 5 : i32
          %parallel_loop3A_519 = arith.addi %parallel_loop3A_517, %parallel_loop3A_518 : i32
          %parallel_loop3A_520 = arith.index_cast %parallel_loop3A_519 : i32 to index
          %parallel_loop3A_521 = arith.constant 48 : index
          %parallel_loop3A_522 = tpu.vector_load %arg12[%parallel_loop3A_520, %parallel_loop3A_521] {strides = array<i32>} : memref<128x64xf32, #tpu.memory_space<vmem>>, vector<1x16xf32>,
          %parallel_loop3A_523 = vector.shape_cast %parallel_loop3A_522 : vector<1x16xf32> to vector<16xf32>
          %parallel_loop3A_524 = arith.mulf %parallel_loop3A_523, %parallel_loop3A_473 : vector<16xf32>
          %parallel_loop3A_525 = arith.index_cast %parallel_loop3A_519 : i32 to index
          %parallel_loop3A_526 = arith.constant 48 : index
          %parallel_loop3A_527 = tpu.vector_load %arg15[%parallel_loop3A_525, %parallel_loop3A_526] {strides = array<i32>} : memref<128x64xf32, #tpu.memory_space<vmem>>, vector<1x16xf32>,
          %parallel_loop3A_528 = vector.shape_cast %parallel_loop3A_527 : vector<1x16xf32> to vector<16xf32>
          %parallel_loop3A_529 = vector.shape_cast %parallel_loop3A_524 : vector<16xf32> to vector<1x16xf32>
          tpu.vector_store %arg15[%parallel_loop3A_525, %parallel_loop3A_526], %parallel_loop3A_529 {strides = array<i32>} : memref<128x64xf32, #tpu.memory_space<vmem>>, vector<1x16xf32>,
          %parallel_loop3A_530 = arith.constant 6 : i32
          %parallel_loop3A_531 = vector.broadcast %parallel_loop3A_530 : i32 to vector<16x1xi32>
          %parallel_loop3A_532 = vector.shape_cast %parallel_loop3A_531 : vector<16x1xi32> to vector<16xi32>
          %parallel_loop3A_533 = tpu.dynamic_gather %parallel_loop3A_169[%parallel_loop3A_532] in [0] : vector<16xf32>, vector<16xi32> -> vector<16xf32>
          %parallel_loop3A_534 = arith.constant 16 : i32
          %parallel_loop3A_535 = arith.muli %parallel_loop3A_161, %parallel_loop3A_534 : i32
          %parallel_loop3A_536 = arith.constant 6 : i32
          %parallel_loop3A_537 = arith.addi %parallel_loop3A_535, %parallel_loop3A_536 : i32
          %parallel_loop3A_538 = arith.index_cast %parallel_loop3A_537 : i32 to index
          %parallel_loop3A_539 = arith.constant 0 : index
          %parallel_loop3A_540 = tpu.vector_load %arg12[%parallel_loop3A_538, %parallel_loop3A_539] {strides = array<i32>} : memref<128x64xf32, #tpu.memory_space<vmem>>, vector<1x16xf32>,
          %parallel_loop3A_541 = vector.shape_cast %parallel_loop3A_540 : vector<1x16xf32> to vector<16xf32>
          %parallel_loop3A_542 = arith.mulf %parallel_loop3A_541, %parallel_loop3A_533 : vector<16xf32>
          %parallel_loop3A_543 = arith.index_cast %parallel_loop3A_537 : i32 to index
          %parallel_loop3A_544 = arith.constant 0 : index
          %parallel_loop3A_545 = tpu.vector_load %arg15[%parallel_loop3A_543, %parallel_loop3A_544] {strides = array<i32>} : memref<128x64xf32, #tpu.memory_space<vmem>>, vector<1x16xf32>,
          %parallel_loop3A_546 = vector.shape_cast %parallel_loop3A_545 : vector<1x16xf32> to vector<16xf32>
          %parallel_loop3A_547 = vector.shape_cast %parallel_loop3A_542 : vector<16xf32> to vector<1x16xf32>
          tpu.vector_store %arg15[%parallel_loop3A_543, %parallel_loop3A_544], %parallel_loop3A_547 {strides = array<i32>} : memref<128x64xf32, #tpu.memory_space<vmem>>, vector<1x16xf32>,
          %parallel_loop3A_548 = arith.constant 16 : i32
          %parallel_loop3A_549 = arith.muli %parallel_loop3A_161, %parallel_loop3A_548 : i32
          %parallel_loop3A_550 = arith.constant 6 : i32
          %parallel_loop3A_551 = arith.addi %parallel_loop3A_549, %parallel_loop3A_550 : i32
          %parallel_loop3A_552 = arith.index_cast %parallel_loop3A_551 : i32 to index
          %parallel_loop3A_553 = arith.constant 16 : index
          %parallel_loop3A_554 = tpu.vector_load %arg12[%parallel_loop3A_552, %parallel_loop3A_553] {strides = array<i32>} : memref<128x64xf32, #tpu.memory_space<vmem>>, vector<1x16xf32>,
          %parallel_loop3A_555 = vector.shape_cast %parallel_loop3A_554 : vector<1x16xf32> to vector<16xf32>
          %parallel_loop3A_556 = arith.mulf %parallel_loop3A_555, %parallel_loop3A_533 : vector<16xf32>
          %parallel_loop3A_557 = arith.index_cast %parallel_loop3A_551 : i32 to index
          %parallel_loop3A_558 = arith.constant 16 : index
          %parallel_loop3A_559 = tpu.vector_load %arg15[%parallel_loop3A_557, %parallel_loop3A_558] {strides = array<i32>} : memref<128x64xf32, #tpu.memory_space<vmem>>, vector<1x16xf32>,
          %parallel_loop3A_560 = vector.shape_cast %parallel_loop3A_559 : vector<1x16xf32> to vector<16xf32>
          %parallel_loop3A_561 = vector.shape_cast %parallel_loop3A_556 : vector<16xf32> to vector<1x16xf32>
          tpu.vector_store %arg15[%parallel_loop3A_557, %parallel_loop3A_558], %parallel_loop3A_561 {strides = array<i32>} : memref<128x64xf32, #tpu.memory_space<vmem>>, vector<1x16xf32>,
          %parallel_loop3A_562 = arith.constant 16 : i32
          %parallel_loop3A_563 = arith.muli %parallel_loop3A_161, %parallel_loop3A_562 : i32
          %parallel_loop3A_564 = arith.constant 6 : i32
          %parallel_loop3A_565 = arith.addi %parallel_loop3A_563, %parallel_loop3A_564 : i32
          %parallel_loop3A_566 = arith.index_cast %parallel_loop3A_565 : i32 to index
          %parallel_loop3A_567 = arith.constant 32 : index
          %parallel_loop3A_568 = tpu.vector_load %arg12[%parallel_loop3A_566, %parallel_loop3A_567] {strides = array<i32>} : memref<128x64xf32, #tpu.memory_space<vmem>>, vector<1x16xf32>,
          %parallel_loop3A_569 = vector.shape_cast %parallel_loop3A_568 : vector<1x16xf32> to vector<16xf32>
          %parallel_loop3A_570 = arith.mulf %parallel_loop3A_569, %parallel_loop3A_533 : vector<16xf32>
          %parallel_loop3A_571 = arith.index_cast %parallel_loop3A_565 : i32 to index
          %parallel_loop3A_572 = arith.constant 32 : index
          %parallel_loop3A_573 = tpu.vector_load %arg15[%parallel_loop3A_571, %parallel_loop3A_572] {strides = array<i32>} : memref<128x64xf32, #tpu.memory_space<vmem>>, vector<1x16xf32>,
          %parallel_loop3A_574 = vector.shape_cast %parallel_loop3A_573 : vector<1x16xf32> to vector<16xf32>
          %parallel_loop3A_575 = vector.shape_cast %parallel_loop3A_570 : vector<16xf32> to vector<1x16xf32>
          tpu.vector_store %arg15[%parallel_loop3A_571, %parallel_loop3A_572], %parallel_loop3A_575 {strides = array<i32>} : memref<128x64xf32, #tpu.memory_space<vmem>>, vector<1x16xf32>,
          %parallel_loop3A_576 = arith.constant 16 : i32
          %parallel_loop3A_577 = arith.muli %parallel_loop3A_161, %parallel_loop3A_576 : i32
          %parallel_loop3A_578 = arith.constant 6 : i32
          %parallel_loop3A_579 = arith.addi %parallel_loop3A_577, %parallel_loop3A_578 : i32
          %parallel_loop3A_580 = arith.index_cast %parallel_loop3A_579 : i32 to index
          %parallel_loop3A_581 = arith.constant 48 : index
          %parallel_loop3A_582 = tpu.vector_load %arg12[%parallel_loop3A_580, %parallel_loop3A_581] {strides = array<i32>} : memref<128x64xf32, #tpu.memory_space<vmem>>, vector<1x16xf32>,
          %parallel_loop3A_583 = vector.shape_cast %parallel_loop3A_582 : vector<1x16xf32> to vector<16xf32>
          %parallel_loop3A_584 = arith.mulf %parallel_loop3A_583, %parallel_loop3A_533 : vector<16xf32>
          %parallel_loop3A_585 = arith.index_cast %parallel_loop3A_579 : i32 to index
          %parallel_loop3A_586 = arith.constant 48 : index
          %parallel_loop3A_587 = tpu.vector_load %arg15[%parallel_loop3A_585, %parallel_loop3A_586] {strides = array<i32>} : memref<128x64xf32, #tpu.memory_space<vmem>>, vector<1x16xf32>,
          %parallel_loop3A_588 = vector.shape_cast %parallel_loop3A_587 : vector<1x16xf32> to vector<16xf32>
          %parallel_loop3A_589 = vector.shape_cast %parallel_loop3A_584 : vector<16xf32> to vector<1x16xf32>
          tpu.vector_store %arg15[%parallel_loop3A_585, %parallel_loop3A_586], %parallel_loop3A_589 {strides = array<i32>} : memref<128x64xf32, #tpu.memory_space<vmem>>, vector<1x16xf32>,
          %parallel_loop3A_590 = arith.constant 7 : i32
          %parallel_loop3A_591 = vector.broadcast %parallel_loop3A_590 : i32 to vector<16x1xi32>
          %parallel_loop3A_592 = vector.shape_cast %parallel_loop3A_591 : vector<16x1xi32> to vector<16xi32>
          %parallel_loop3A_593 = tpu.dynamic_gather %parallel_loop3A_169[%parallel_loop3A_592] in [0] : vector<16xf32>, vector<16xi32> -> vector<16xf32>
          %parallel_loop3A_594 = arith.constant 16 : i32
          %parallel_loop3A_595 = arith.muli %parallel_loop3A_161, %parallel_loop3A_594 : i32
          %parallel_loop3A_596 = arith.constant 7 : i32
          %parallel_loop3A_597 = arith.addi %parallel_loop3A_595, %parallel_loop3A_596 : i32
          %parallel_loop3A_598 = arith.index_cast %parallel_loop3A_597 : i32 to index
          %parallel_loop3A_599 = arith.constant 0 : index
          %parallel_loop3A_600 = tpu.vector_load %arg12[%parallel_loop3A_598, %parallel_loop3A_599] {strides = array<i32>} : memref<128x64xf32, #tpu.memory_space<vmem>>, vector<1x16xf32>,
          %parallel_loop3A_601 = vector.shape_cast %parallel_loop3A_600 : vector<1x16xf32> to vector<16xf32>
          %parallel_loop3A_602 = arith.mulf %parallel_loop3A_601, %parallel_loop3A_593 : vector<16xf32>
          %parallel_loop3A_603 = arith.index_cast %parallel_loop3A_597 : i32 to index
          %parallel_loop3A_604 = arith.constant 0 : index
          %parallel_loop3A_605 = tpu.vector_load %arg15[%parallel_loop3A_603, %parallel_loop3A_604] {strides = array<i32>} : memref<128x64xf32, #tpu.memory_space<vmem>>, vector<1x16xf32>,
          %parallel_loop3A_606 = vector.shape_cast %parallel_loop3A_605 : vector<1x16xf32> to vector<16xf32>
          %parallel_loop3A_607 = vector.shape_cast %parallel_loop3A_602 : vector<16xf32> to vector<1x16xf32>
          tpu.vector_store %arg15[%parallel_loop3A_603, %parallel_loop3A_604], %parallel_loop3A_607 {strides = array<i32>} : memref<128x64xf32, #tpu.memory_space<vmem>>, vector<1x16xf32>,
          %parallel_loop3A_608 = arith.constant 16 : i32
          %parallel_loop3A_609 = arith.muli %parallel_loop3A_161, %parallel_loop3A_608 : i32
          %parallel_loop3A_610 = arith.constant 7 : i32
          %parallel_loop3A_611 = arith.addi %parallel_loop3A_609, %parallel_loop3A_610 : i32
          %parallel_loop3A_612 = arith.index_cast %parallel_loop3A_611 : i32 to index
          %parallel_loop3A_613 = arith.constant 16 : index
          %parallel_loop3A_614 = tpu.vector_load %arg12[%parallel_loop3A_612, %parallel_loop3A_613] {strides = array<i32>} : memref<128x64xf32, #tpu.memory_space<vmem>>, vector<1x16xf32>,
          %parallel_loop3A_615 = vector.shape_cast %parallel_loop3A_614 : vector<1x16xf32> to vector<16xf32>
          %parallel_loop3A_616 = arith.mulf %parallel_loop3A_615, %parallel_loop3A_593 : vector<16xf32>
          %parallel_loop3A_617 = arith.index_cast %parallel_loop3A_611 : i32 to index
          %parallel_loop3A_618 = arith.constant 16 : index
          %parallel_loop3A_619 = tpu.vector_load %arg15[%parallel_loop3A_617, %parallel_loop3A_618] {strides = array<i32>} : memref<128x64xf32, #tpu.memory_space<vmem>>, vector<1x16xf32>,
          %parallel_loop3A_620 = vector.shape_cast %parallel_loop3A_619 : vector<1x16xf32> to vector<16xf32>
          %parallel_loop3A_621 = vector.shape_cast %parallel_loop3A_616 : vector<16xf32> to vector<1x16xf32>
          tpu.vector_store %arg15[%parallel_loop3A_617, %parallel_loop3A_618], %parallel_loop3A_621 {strides = array<i32>} : memref<128x64xf32, #tpu.memory_space<vmem>>, vector<1x16xf32>,
          %parallel_loop3A_622 = arith.constant 16 : i32
          %parallel_loop3A_623 = arith.muli %parallel_loop3A_161, %parallel_loop3A_622 : i32
          %parallel_loop3A_624 = arith.constant 7 : i32
          %parallel_loop3A_625 = arith.addi %parallel_loop3A_623, %parallel_loop3A_624 : i32
          %parallel_loop3A_626 = arith.index_cast %parallel_loop3A_625 : i32 to index
          %parallel_loop3A_627 = arith.constant 32 : index
          %parallel_loop3A_628 = tpu.vector_load %arg12[%parallel_loop3A_626, %parallel_loop3A_627] {strides = array<i32>} : memref<128x64xf32, #tpu.memory_space<vmem>>, vector<1x16xf32>,
          %parallel_loop3A_629 = vector.shape_cast %parallel_loop3A_628 : vector<1x16xf32> to vector<16xf32>
          %parallel_loop3A_630 = arith.mulf %parallel_loop3A_629, %parallel_loop3A_593 : vector<16xf32>
          %parallel_loop3A_631 = arith.index_cast %parallel_loop3A_625 : i32 to index
          %parallel_loop3A_632 = arith.constant 32 : index
          %parallel_loop3A_633 = tpu.vector_load %arg15[%parallel_loop3A_631, %parallel_loop3A_632] {strides = array<i32>} : memref<128x64xf32, #tpu.memory_space<vmem>>, vector<1x16xf32>,
          %parallel_loop3A_634 = vector.shape_cast %parallel_loop3A_633 : vector<1x16xf32> to vector<16xf32>
          %parallel_loop3A_635 = vector.shape_cast %parallel_loop3A_630 : vector<16xf32> to vector<1x16xf32>
          tpu.vector_store %arg15[%parallel_loop3A_631, %parallel_loop3A_632], %parallel_loop3A_635 {strides = array<i32>} : memref<128x64xf32, #tpu.memory_space<vmem>>, vector<1x16xf32>,
          %parallel_loop3A_636 = arith.constant 16 : i32
          %parallel_loop3A_637 = arith.muli %parallel_loop3A_161, %parallel_loop3A_636 : i32
          %parallel_loop3A_638 = arith.constant 7 : i32
          %parallel_loop3A_639 = arith.addi %parallel_loop3A_637, %parallel_loop3A_638 : i32
          %parallel_loop3A_640 = arith.index_cast %parallel_loop3A_639 : i32 to index
          %parallel_loop3A_641 = arith.constant 48 : index
          %parallel_loop3A_642 = tpu.vector_load %arg12[%parallel_loop3A_640, %parallel_loop3A_641] {strides = array<i32>} : memref<128x64xf32, #tpu.memory_space<vmem>>, vector<1x16xf32>,
          %parallel_loop3A_643 = vector.shape_cast %parallel_loop3A_642 : vector<1x16xf32> to vector<16xf32>
          %parallel_loop3A_644 = arith.mulf %parallel_loop3A_643, %parallel_loop3A_593 : vector<16xf32>
          %parallel_loop3A_645 = arith.index_cast %parallel_loop3A_639 : i32 to index
          %parallel_loop3A_646 = arith.constant 48 : index
          %parallel_loop3A_647 = tpu.vector_load %arg15[%parallel_loop3A_645, %parallel_loop3A_646] {strides = array<i32>} : memref<128x64xf32, #tpu.memory_space<vmem>>, vector<1x16xf32>,
          %parallel_loop3A_648 = vector.shape_cast %parallel_loop3A_647 : vector<1x16xf32> to vector<16xf32>
          %parallel_loop3A_649 = vector.shape_cast %parallel_loop3A_644 : vector<16xf32> to vector<1x16xf32>
          tpu.vector_store %arg15[%parallel_loop3A_645, %parallel_loop3A_646], %parallel_loop3A_649 {strides = array<i32>} : memref<128x64xf32, #tpu.memory_space<vmem>>, vector<1x16xf32>,
          %parallel_loop3A_650 = arith.constant 8 : i32
          %parallel_loop3A_651 = vector.broadcast %parallel_loop3A_650 : i32 to vector<16x1xi32>
          %parallel_loop3A_652 = vector.shape_cast %parallel_loop3A_651 : vector<16x1xi32> to vector<16xi32>
          %parallel_loop3A_653 = tpu.dynamic_gather %parallel_loop3A_169[%parallel_loop3A_652] in [0] : vector<16xf32>, vector<16xi32> -> vector<16xf32>
          %parallel_loop3A_654 = arith.constant 16 : i32
          %parallel_loop3A_655 = arith.muli %parallel_loop3A_161, %parallel_loop3A_654 : i32
          %parallel_loop3A_656 = arith.constant 8 : i32
          %parallel_loop3A_657 = arith.addi %parallel_loop3A_655, %parallel_loop3A_656 : i32
          %parallel_loop3A_658 = arith.index_cast %parallel_loop3A_657 : i32 to index
          %parallel_loop3A_659 = arith.constant 0 : index
          %parallel_loop3A_660 = tpu.vector_load %arg12[%parallel_loop3A_658, %parallel_loop3A_659] {strides = array<i32>} : memref<128x64xf32, #tpu.memory_space<vmem>>, vector<1x16xf32>,
          %parallel_loop3A_661 = vector.shape_cast %parallel_loop3A_660 : vector<1x16xf32> to vector<16xf32>
          %parallel_loop3A_662 = arith.mulf %parallel_loop3A_661, %parallel_loop3A_653 : vector<16xf32>
          %parallel_loop3A_663 = arith.index_cast %parallel_loop3A_657 : i32 to index
          %parallel_loop3A_664 = arith.constant 0 : index
          %parallel_loop3A_665 = tpu.vector_load %arg15[%parallel_loop3A_663, %parallel_loop3A_664] {strides = array<i32>} : memref<128x64xf32, #tpu.memory_space<vmem>>, vector<1x16xf32>,
          %parallel_loop3A_666 = vector.shape_cast %parallel_loop3A_665 : vector<1x16xf32> to vector<16xf32>
          %parallel_loop3A_667 = vector.shape_cast %parallel_loop3A_662 : vector<16xf32> to vector<1x16xf32>
          tpu.vector_store %arg15[%parallel_loop3A_663, %parallel_loop3A_664], %parallel_loop3A_667 {strides = array<i32>} : memref<128x64xf32, #tpu.memory_space<vmem>>, vector<1x16xf32>,
          %parallel_loop3A_668 = arith.constant 16 : i32
          %parallel_loop3A_669 = arith.muli %parallel_loop3A_161, %parallel_loop3A_668 : i32
          %parallel_loop3A_670 = arith.constant 8 : i32
          %parallel_loop3A_671 = arith.addi %parallel_loop3A_669, %parallel_loop3A_670 : i32
          %parallel_loop3A_672 = arith.index_cast %parallel_loop3A_671 : i32 to index
          %parallel_loop3A_673 = arith.constant 16 : index
          %parallel_loop3A_674 = tpu.vector_load %arg12[%parallel_loop3A_672, %parallel_loop3A_673] {strides = array<i32>} : memref<128x64xf32, #tpu.memory_space<vmem>>, vector<1x16xf32>,
          %parallel_loop3A_675 = vector.shape_cast %parallel_loop3A_674 : vector<1x16xf32> to vector<16xf32>
          %parallel_loop3A_676 = arith.mulf %parallel_loop3A_675, %parallel_loop3A_653 : vector<16xf32>
          %parallel_loop3A_677 = arith.index_cast %parallel_loop3A_671 : i32 to index
          %parallel_loop3A_678 = arith.constant 16 : index
          %parallel_loop3A_679 = tpu.vector_load %arg15[%parallel_loop3A_677, %parallel_loop3A_678] {strides = array<i32>} : memref<128x64xf32, #tpu.memory_space<vmem>>, vector<1x16xf32>,
          %parallel_loop3A_680 = vector.shape_cast %parallel_loop3A_679 : vector<1x16xf32> to vector<16xf32>
          %parallel_loop3A_681 = vector.shape_cast %parallel_loop3A_676 : vector<16xf32> to vector<1x16xf32>
          tpu.vector_store %arg15[%parallel_loop3A_677, %parallel_loop3A_678], %parallel_loop3A_681 {strides = array<i32>} : memref<128x64xf32, #tpu.memory_space<vmem>>, vector<1x16xf32>,
          %parallel_loop3A_682 = arith.constant 16 : i32
          %parallel_loop3A_683 = arith.muli %parallel_loop3A_161, %parallel_loop3A_682 : i32
          %parallel_loop3A_684 = arith.constant 8 : i32
          %parallel_loop3A_685 = arith.addi %parallel_loop3A_683, %parallel_loop3A_684 : i32
          %parallel_loop3A_686 = arith.index_cast %parallel_loop3A_685 : i32 to index
          %parallel_loop3A_687 = arith.constant 32 : index
          %parallel_loop3A_688 = tpu.vector_load %arg12[%parallel_loop3A_686, %parallel_loop3A_687] {strides = array<i32>} : memref<128x64xf32, #tpu.memory_space<vmem>>, vector<1x16xf32>,
          %parallel_loop3A_689 = vector.shape_cast %parallel_loop3A_688 : vector<1x16xf32> to vector<16xf32>
          %parallel_loop3A_690 = arith.mulf %parallel_loop3A_689, %parallel_loop3A_653 : vector<16xf32>
          %parallel_loop3A_691 = arith.index_cast %parallel_loop3A_685 : i32 to index
          %parallel_loop3A_692 = arith.constant 32 : index
          %parallel_loop3A_693 = tpu.vector_load %arg15[%parallel_loop3A_691, %parallel_loop3A_692] {strides = array<i32>} : memref<128x64xf32, #tpu.memory_space<vmem>>, vector<1x16xf32>,
          %parallel_loop3A_694 = vector.shape_cast %parallel_loop3A_693 : vector<1x16xf32> to vector<16xf32>
          %parallel_loop3A_695 = vector.shape_cast %parallel_loop3A_690 : vector<16xf32> to vector<1x16xf32>
          tpu.vector_store %arg15[%parallel_loop3A_691, %parallel_loop3A_692], %parallel_loop3A_695 {strides = array<i32>} : memref<128x64xf32, #tpu.memory_space<vmem>>, vector<1x16xf32>,
          %parallel_loop3A_696 = arith.constant 16 : i32
          %parallel_loop3A_697 = arith.muli %parallel_loop3A_161, %parallel_loop3A_696 : i32
          %parallel_loop3A_698 = arith.constant 8 : i32
          %parallel_loop3A_699 = arith.addi %parallel_loop3A_697, %parallel_loop3A_698 : i32
          %parallel_loop3A_700 = arith.index_cast %parallel_loop3A_699 : i32 to index
          %parallel_loop3A_701 = arith.constant 48 : index
          %parallel_loop3A_702 = tpu.vector_load %arg12[%parallel_loop3A_700, %parallel_loop3A_701] {strides = array<i32>} : memref<128x64xf32, #tpu.memory_space<vmem>>, vector<1x16xf32>,
          %parallel_loop3A_703 = vector.shape_cast %parallel_loop3A_702 : vector<1x16xf32> to vector<16xf32>
          %parallel_loop3A_704 = arith.mulf %parallel_loop3A_703, %parallel_loop3A_653 : vector<16xf32>
          %parallel_loop3A_705 = arith.index_cast %parallel_loop3A_699 : i32 to index
          %parallel_loop3A_706 = arith.constant 48 : index
          %parallel_loop3A_707 = tpu.vector_load %arg15[%parallel_loop3A_705, %parallel_loop3A_706] {strides = array<i32>} : memref<128x64xf32, #tpu.memory_space<vmem>>, vector<1x16xf32>,
          %parallel_loop3A_708 = vector.shape_cast %parallel_loop3A_707 : vector<1x16xf32> to vector<16xf32>
          %parallel_loop3A_709 = vector.shape_cast %parallel_loop3A_704 : vector<16xf32> to vector<1x16xf32>
          tpu.vector_store %arg15[%parallel_loop3A_705, %parallel_loop3A_706], %parallel_loop3A_709 {strides = array<i32>} : memref<128x64xf32, #tpu.memory_space<vmem>>, vector<1x16xf32>,
          %parallel_loop3A_710 = arith.constant 9 : i32
          %parallel_loop3A_711 = vector.broadcast %parallel_loop3A_710 : i32 to vector<16x1xi32>
          %parallel_loop3A_712 = vector.shape_cast %parallel_loop3A_711 : vector<16x1xi32> to vector<16xi32>
          %parallel_loop3A_713 = tpu.dynamic_gather %parallel_loop3A_169[%parallel_loop3A_712] in [0] : vector<16xf32>, vector<16xi32> -> vector<16xf32>
          %parallel_loop3A_714 = arith.constant 16 : i32
          %parallel_loop3A_715 = arith.muli %parallel_loop3A_161, %parallel_loop3A_714 : i32
          %parallel_loop3A_716 = arith.constant 9 : i32
          %parallel_loop3A_717 = arith.addi %parallel_loop3A_715, %parallel_loop3A_716 : i32
          %parallel_loop3A_718 = arith.index_cast %parallel_loop3A_717 : i32 to index
          %parallel_loop3A_719 = arith.constant 0 : index
          %parallel_loop3A_720 = tpu.vector_load %arg12[%parallel_loop3A_718, %parallel_loop3A_719] {strides = array<i32>} : memref<128x64xf32, #tpu.memory_space<vmem>>, vector<1x16xf32>,
          %parallel_loop3A_721 = vector.shape_cast %parallel_loop3A_720 : vector<1x16xf32> to vector<16xf32>
          %parallel_loop3A_722 = arith.mulf %parallel_loop3A_721, %parallel_loop3A_713 : vector<16xf32>
          %parallel_loop3A_723 = arith.index_cast %parallel_loop3A_717 : i32 to index
          %parallel_loop3A_724 = arith.constant 0 : index
          %parallel_loop3A_725 = tpu.vector_load %arg15[%parallel_loop3A_723, %parallel_loop3A_724] {strides = array<i32>} : memref<128x64xf32, #tpu.memory_space<vmem>>, vector<1x16xf32>,
          %parallel_loop3A_726 = vector.shape_cast %parallel_loop3A_725 : vector<1x16xf32> to vector<16xf32>
          %parallel_loop3A_727 = vector.shape_cast %parallel_loop3A_722 : vector<16xf32> to vector<1x16xf32>
          tpu.vector_store %arg15[%parallel_loop3A_723, %parallel_loop3A_724], %parallel_loop3A_727 {strides = array<i32>} : memref<128x64xf32, #tpu.memory_space<vmem>>, vector<1x16xf32>,
          %parallel_loop3A_728 = arith.constant 16 : i32
          %parallel_loop3A_729 = arith.muli %parallel_loop3A_161, %parallel_loop3A_728 : i32
          %parallel_loop3A_730 = arith.constant 9 : i32
          %parallel_loop3A_731 = arith.addi %parallel_loop3A_729, %parallel_loop3A_730 : i32
          %parallel_loop3A_732 = arith.index_cast %parallel_loop3A_731 : i32 to index
          %parallel_loop3A_733 = arith.constant 16 : index
          %parallel_loop3A_734 = tpu.vector_load %arg12[%parallel_loop3A_732, %parallel_loop3A_733] {strides = array<i32>} : memref<128x64xf32, #tpu.memory_space<vmem>>, vector<1x16xf32>,
          %parallel_loop3A_735 = vector.shape_cast %parallel_loop3A_734 : vector<1x16xf32> to vector<16xf32>
          %parallel_loop3A_736 = arith.mulf %parallel_loop3A_735, %parallel_loop3A_713 : vector<16xf32>
          %parallel_loop3A_737 = arith.index_cast %parallel_loop3A_731 : i32 to index
          %parallel_loop3A_738 = arith.constant 16 : index
          %parallel_loop3A_739 = tpu.vector_load %arg15[%parallel_loop3A_737, %parallel_loop3A_738] {strides = array<i32>} : memref<128x64xf32, #tpu.memory_space<vmem>>, vector<1x16xf32>,
          %parallel_loop3A_740 = vector.shape_cast %parallel_loop3A_739 : vector<1x16xf32> to vector<16xf32>
          %parallel_loop3A_741 = vector.shape_cast %parallel_loop3A_736 : vector<16xf32> to vector<1x16xf32>
          tpu.vector_store %arg15[%parallel_loop3A_737, %parallel_loop3A_738], %parallel_loop3A_741 {strides = array<i32>} : memref<128x64xf32, #tpu.memory_space<vmem>>, vector<1x16xf32>,
          %parallel_loop3A_742 = arith.constant 16 : i32
          %parallel_loop3A_743 = arith.muli %parallel_loop3A_161, %parallel_loop3A_742 : i32
          %parallel_loop3A_744 = arith.constant 9 : i32
          %parallel_loop3A_745 = arith.addi %parallel_loop3A_743, %parallel_loop3A_744 : i32
          %parallel_loop3A_746 = arith.index_cast %parallel_loop3A_745 : i32 to index
          %parallel_loop3A_747 = arith.constant 32 : index
          %parallel_loop3A_748 = tpu.vector_load %arg12[%parallel_loop3A_746, %parallel_loop3A_747] {strides = array<i32>} : memref<128x64xf32, #tpu.memory_space<vmem>>, vector<1x16xf32>,
          %parallel_loop3A_749 = vector.shape_cast %parallel_loop3A_748 : vector<1x16xf32> to vector<16xf32>
          %parallel_loop3A_750 = arith.mulf %parallel_loop3A_749, %parallel_loop3A_713 : vector<16xf32>
          %parallel_loop3A_751 = arith.index_cast %parallel_loop3A_745 : i32 to index
          %parallel_loop3A_752 = arith.constant 32 : index
          %parallel_loop3A_753 = tpu.vector_load %arg15[%parallel_loop3A_751, %parallel_loop3A_752] {strides = array<i32>} : memref<128x64xf32, #tpu.memory_space<vmem>>, vector<1x16xf32>,
          %parallel_loop3A_754 = vector.shape_cast %parallel_loop3A_753 : vector<1x16xf32> to vector<16xf32>
          %parallel_loop3A_755 = vector.shape_cast %parallel_loop3A_750 : vector<16xf32> to vector<1x16xf32>
          tpu.vector_store %arg15[%parallel_loop3A_751, %parallel_loop3A_752], %parallel_loop3A_755 {strides = array<i32>} : memref<128x64xf32, #tpu.memory_space<vmem>>, vector<1x16xf32>,
          %parallel_loop3A_756 = arith.constant 16 : i32
          %parallel_loop3A_757 = arith.muli %parallel_loop3A_161, %parallel_loop3A_756 : i32
          %parallel_loop3A_758 = arith.constant 9 : i32
          %parallel_loop3A_759 = arith.addi %parallel_loop3A_757, %parallel_loop3A_758 : i32
          %parallel_loop3A_760 = arith.index_cast %parallel_loop3A_759 : i32 to index
          %parallel_loop3A_761 = arith.constant 48 : index
          %parallel_loop3A_762 = tpu.vector_load %arg12[%parallel_loop3A_760, %parallel_loop3A_761] {strides = array<i32>} : memref<128x64xf32, #tpu.memory_space<vmem>>, vector<1x16xf32>,
          %parallel_loop3A_763 = vector.shape_cast %parallel_loop3A_762 : vector<1x16xf32> to vector<16xf32>
          %parallel_loop3A_764 = arith.mulf %parallel_loop3A_763, %parallel_loop3A_713 : vector<16xf32>
          %parallel_loop3A_765 = arith.index_cast %parallel_loop3A_759 : i32 to index
          %parallel_loop3A_766 = arith.constant 48 : index
          %parallel_loop3A_767 = tpu.vector_load %arg15[%parallel_loop3A_765, %parallel_loop3A_766] {strides = array<i32>} : memref<128x64xf32, #tpu.memory_space<vmem>>, vector<1x16xf32>,
          %parallel_loop3A_768 = vector.shape_cast %parallel_loop3A_767 : vector<1x16xf32> to vector<16xf32>
          %parallel_loop3A_769 = vector.shape_cast %parallel_loop3A_764 : vector<16xf32> to vector<1x16xf32>
          tpu.vector_store %arg15[%parallel_loop3A_765, %parallel_loop3A_766], %parallel_loop3A_769 {strides = array<i32>} : memref<128x64xf32, #tpu.memory_space<vmem>>, vector<1x16xf32>,
          %parallel_loop3A_770 = arith.constant 10 : i32
          %parallel_loop3A_771 = vector.broadcast %parallel_loop3A_770 : i32 to vector<16x1xi32>
          %parallel_loop3A_772 = vector.shape_cast %parallel_loop3A_771 : vector<16x1xi32> to vector<16xi32>
          %parallel_loop3A_773 = tpu.dynamic_gather %parallel_loop3A_169[%parallel_loop3A_772] in [0] : vector<16xf32>, vector<16xi32> -> vector<16xf32>
          %parallel_loop3A_774 = arith.constant 16 : i32
          %parallel_loop3A_775 = arith.muli %parallel_loop3A_161, %parallel_loop3A_774 : i32
          %parallel_loop3A_776 = arith.constant 10 : i32
          %parallel_loop3A_777 = arith.addi %parallel_loop3A_775, %parallel_loop3A_776 : i32
          %parallel_loop3A_778 = arith.index_cast %parallel_loop3A_777 : i32 to index
          %parallel_loop3A_779 = arith.constant 0 : index
          %parallel_loop3A_780 = tpu.vector_load %arg12[%parallel_loop3A_778, %parallel_loop3A_779] {strides = array<i32>} : memref<128x64xf32, #tpu.memory_space<vmem>>, vector<1x16xf32>,
          %parallel_loop3A_781 = vector.shape_cast %parallel_loop3A_780 : vector<1x16xf32> to vector<16xf32>
          %parallel_loop3A_782 = arith.mulf %parallel_loop3A_781, %parallel_loop3A_773 : vector<16xf32>
          %parallel_loop3A_783 = arith.index_cast %parallel_loop3A_777 : i32 to index
          %parallel_loop3A_784 = arith.constant 0 : index
          %parallel_loop3A_785 = tpu.vector_load %arg15[%parallel_loop3A_783, %parallel_loop3A_784] {strides = array<i32>} : memref<128x64xf32, #tpu.memory_space<vmem>>, vector<1x16xf32>,
          %parallel_loop3A_786 = vector.shape_cast %parallel_loop3A_785 : vector<1x16xf32> to vector<16xf32>
          %parallel_loop3A_787 = vector.shape_cast %parallel_loop3A_782 : vector<16xf32> to vector<1x16xf32>
          tpu.vector_store %arg15[%parallel_loop3A_783, %parallel_loop3A_784], %parallel_loop3A_787 {strides = array<i32>} : memref<128x64xf32, #tpu.memory_space<vmem>>, vector<1x16xf32>,
          %parallel_loop3A_788 = arith.constant 16 : i32
          %parallel_loop3A_789 = arith.muli %parallel_loop3A_161, %parallel_loop3A_788 : i32
          %parallel_loop3A_790 = arith.constant 10 : i32
          %parallel_loop3A_791 = arith.addi %parallel_loop3A_789, %parallel_loop3A_790 : i32
          %parallel_loop3A_792 = arith.index_cast %parallel_loop3A_791 : i32 to index
          %parallel_loop3A_793 = arith.constant 16 : index
          %parallel_loop3A_794 = tpu.vector_load %arg12[%parallel_loop3A_792, %parallel_loop3A_793] {strides = array<i32>} : memref<128x64xf32, #tpu.memory_space<vmem>>, vector<1x16xf32>,
          %parallel_loop3A_795 = vector.shape_cast %parallel_loop3A_794 : vector<1x16xf32> to vector<16xf32>
          %parallel_loop3A_796 = arith.mulf %parallel_loop3A_795, %parallel_loop3A_773 : vector<16xf32>
          %parallel_loop3A_797 = arith.index_cast %parallel_loop3A_791 : i32 to index
          %parallel_loop3A_798 = arith.constant 16 : index
          %parallel_loop3A_799 = tpu.vector_load %arg15[%parallel_loop3A_797, %parallel_loop3A_798] {strides = array<i32>} : memref<128x64xf32, #tpu.memory_space<vmem>>, vector<1x16xf32>,
          %parallel_loop3A_800 = vector.shape_cast %parallel_loop3A_799 : vector<1x16xf32> to vector<16xf32>
          %parallel_loop3A_801 = vector.shape_cast %parallel_loop3A_796 : vector<16xf32> to vector<1x16xf32>
          tpu.vector_store %arg15[%parallel_loop3A_797, %parallel_loop3A_798], %parallel_loop3A_801 {strides = array<i32>} : memref<128x64xf32, #tpu.memory_space<vmem>>, vector<1x16xf32>,
          %parallel_loop3A_802 = arith.constant 16 : i32
          %parallel_loop3A_803 = arith.muli %parallel_loop3A_161, %parallel_loop3A_802 : i32
          %parallel_loop3A_804 = arith.constant 10 : i32
          %parallel_loop3A_805 = arith.addi %parallel_loop3A_803, %parallel_loop3A_804 : i32
          %parallel_loop3A_806 = arith.index_cast %parallel_loop3A_805 : i32 to index
          %parallel_loop3A_807 = arith.constant 32 : index
          %parallel_loop3A_808 = tpu.vector_load %arg12[%parallel_loop3A_806, %parallel_loop3A_807] {strides = array<i32>} : memref<128x64xf32, #tpu.memory_space<vmem>>, vector<1x16xf32>,
          %parallel_loop3A_809 = vector.shape_cast %parallel_loop3A_808 : vector<1x16xf32> to vector<16xf32>
          %parallel_loop3A_810 = arith.mulf %parallel_loop3A_809, %parallel_loop3A_773 : vector<16xf32>
          %parallel_loop3A_811 = arith.index_cast %parallel_loop3A_805 : i32 to index
          %parallel_loop3A_812 = arith.constant 32 : index
          %parallel_loop3A_813 = tpu.vector_load %arg15[%parallel_loop3A_811, %parallel_loop3A_812] {strides = array<i32>} : memref<128x64xf32, #tpu.memory_space<vmem>>, vector<1x16xf32>,
          %parallel_loop3A_814 = vector.shape_cast %parallel_loop3A_813 : vector<1x16xf32> to vector<16xf32>
          %parallel_loop3A_815 = vector.shape_cast %parallel_loop3A_810 : vector<16xf32> to vector<1x16xf32>
          tpu.vector_store %arg15[%parallel_loop3A_811, %parallel_loop3A_812], %parallel_loop3A_815 {strides = array<i32>} : memref<128x64xf32, #tpu.memory_space<vmem>>, vector<1x16xf32>,
          %parallel_loop3A_816 = arith.constant 16 : i32
          %parallel_loop3A_817 = arith.muli %parallel_loop3A_161, %parallel_loop3A_816 : i32
          %parallel_loop3A_818 = arith.constant 10 : i32
          %parallel_loop3A_819 = arith.addi %parallel_loop3A_817, %parallel_loop3A_818 : i32
          %parallel_loop3A_820 = arith.index_cast %parallel_loop3A_819 : i32 to index
          %parallel_loop3A_821 = arith.constant 48 : index
          %parallel_loop3A_822 = tpu.vector_load %arg12[%parallel_loop3A_820, %parallel_loop3A_821] {strides = array<i32>} : memref<128x64xf32, #tpu.memory_space<vmem>>, vector<1x16xf32>,
          %parallel_loop3A_823 = vector.shape_cast %parallel_loop3A_822 : vector<1x16xf32> to vector<16xf32>
          %parallel_loop3A_824 = arith.mulf %parallel_loop3A_823, %parallel_loop3A_773 : vector<16xf32>
          %parallel_loop3A_825 = arith.index_cast %parallel_loop3A_819 : i32 to index
          %parallel_loop3A_826 = arith.constant 48 : index
          %parallel_loop3A_827 = tpu.vector_load %arg15[%parallel_loop3A_825, %parallel_loop3A_826] {strides = array<i32>} : memref<128x64xf32, #tpu.memory_space<vmem>>, vector<1x16xf32>,
          %parallel_loop3A_828 = vector.shape_cast %parallel_loop3A_827 : vector<1x16xf32> to vector<16xf32>
          %parallel_loop3A_829 = vector.shape_cast %parallel_loop3A_824 : vector<16xf32> to vector<1x16xf32>
          tpu.vector_store %arg15[%parallel_loop3A_825, %parallel_loop3A_826], %parallel_loop3A_829 {strides = array<i32>} : memref<128x64xf32, #tpu.memory_space<vmem>>, vector<1x16xf32>,
          %parallel_loop3A_830 = arith.constant 11 : i32
          %parallel_loop3A_831 = vector.broadcast %parallel_loop3A_830 : i32 to vector<16x1xi32>
          %parallel_loop3A_832 = vector.shape_cast %parallel_loop3A_831 : vector<16x1xi32> to vector<16xi32>
          %parallel_loop3A_833 = tpu.dynamic_gather %parallel_loop3A_169[%parallel_loop3A_832] in [0] : vector<16xf32>, vector<16xi32> -> vector<16xf32>
          %parallel_loop3A_834 = arith.constant 16 : i32
          %parallel_loop3A_835 = arith.muli %parallel_loop3A_161, %parallel_loop3A_834 : i32
          %parallel_loop3A_836 = arith.constant 11 : i32
          %parallel_loop3A_837 = arith.addi %parallel_loop3A_835, %parallel_loop3A_836 : i32
          %parallel_loop3A_838 = arith.index_cast %parallel_loop3A_837 : i32 to index
          %parallel_loop3A_839 = arith.constant 0 : index
          %parallel_loop3A_840 = tpu.vector_load %arg12[%parallel_loop3A_838, %parallel_loop3A_839] {strides = array<i32>} : memref<128x64xf32, #tpu.memory_space<vmem>>, vector<1x16xf32>,
          %parallel_loop3A_841 = vector.shape_cast %parallel_loop3A_840 : vector<1x16xf32> to vector<16xf32>
          %parallel_loop3A_842 = arith.mulf %parallel_loop3A_841, %parallel_loop3A_833 : vector<16xf32>
          %parallel_loop3A_843 = arith.index_cast %parallel_loop3A_837 : i32 to index
          %parallel_loop3A_844 = arith.constant 0 : index
          %parallel_loop3A_845 = tpu.vector_load %arg15[%parallel_loop3A_843, %parallel_loop3A_844] {strides = array<i32>} : memref<128x64xf32, #tpu.memory_space<vmem>>, vector<1x16xf32>,
          %parallel_loop3A_846 = vector.shape_cast %parallel_loop3A_845 : vector<1x16xf32> to vector<16xf32>
          %parallel_loop3A_847 = vector.shape_cast %parallel_loop3A_842 : vector<16xf32> to vector<1x16xf32>
          tpu.vector_store %arg15[%parallel_loop3A_843, %parallel_loop3A_844], %parallel_loop3A_847 {strides = array<i32>} : memref<128x64xf32, #tpu.memory_space<vmem>>, vector<1x16xf32>,
          %parallel_loop3A_848 = arith.constant 16 : i32
          %parallel_loop3A_849 = arith.muli %parallel_loop3A_161, %parallel_loop3A_848 : i32
          %parallel_loop3A_850 = arith.constant 11 : i32
          %parallel_loop3A_851 = arith.addi %parallel_loop3A_849, %parallel_loop3A_850 : i32
          %parallel_loop3A_852 = arith.index_cast %parallel_loop3A_851 : i32 to index
          %parallel_loop3A_853 = arith.constant 16 : index
          %parallel_loop3A_854 = tpu.vector_load %arg12[%parallel_loop3A_852, %parallel_loop3A_853] {strides = array<i32>} : memref<128x64xf32, #tpu.memory_space<vmem>>, vector<1x16xf32>,
          %parallel_loop3A_855 = vector.shape_cast %parallel_loop3A_854 : vector<1x16xf32> to vector<16xf32>
          %parallel_loop3A_856 = arith.mulf %parallel_loop3A_855, %parallel_loop3A_833 : vector<16xf32>
          %parallel_loop3A_857 = arith.index_cast %parallel_loop3A_851 : i32 to index
          %parallel_loop3A_858 = arith.constant 16 : index
          %parallel_loop3A_859 = tpu.vector_load %arg15[%parallel_loop3A_857, %parallel_loop3A_858] {strides = array<i32>} : memref<128x64xf32, #tpu.memory_space<vmem>>, vector<1x16xf32>,
          %parallel_loop3A_860 = vector.shape_cast %parallel_loop3A_859 : vector<1x16xf32> to vector<16xf32>
          %parallel_loop3A_861 = vector.shape_cast %parallel_loop3A_856 : vector<16xf32> to vector<1x16xf32>
          tpu.vector_store %arg15[%parallel_loop3A_857, %parallel_loop3A_858], %parallel_loop3A_861 {strides = array<i32>} : memref<128x64xf32, #tpu.memory_space<vmem>>, vector<1x16xf32>,
          %parallel_loop3A_862 = arith.constant 16 : i32
          %parallel_loop3A_863 = arith.muli %parallel_loop3A_161, %parallel_loop3A_862 : i32
          %parallel_loop3A_864 = arith.constant 11 : i32
          %parallel_loop3A_865 = arith.addi %parallel_loop3A_863, %parallel_loop3A_864 : i32
          %parallel_loop3A_866 = arith.index_cast %parallel_loop3A_865 : i32 to index
          %parallel_loop3A_867 = arith.constant 32 : index
          %parallel_loop3A_868 = tpu.vector_load %arg12[%parallel_loop3A_866, %parallel_loop3A_867] {strides = array<i32>} : memref<128x64xf32, #tpu.memory_space<vmem>>, vector<1x16xf32>,
          %parallel_loop3A_869 = vector.shape_cast %parallel_loop3A_868 : vector<1x16xf32> to vector<16xf32>
          %parallel_loop3A_870 = arith.mulf %parallel_loop3A_869, %parallel_loop3A_833 : vector<16xf32>
          %parallel_loop3A_871 = arith.index_cast %parallel_loop3A_865 : i32 to index
          %parallel_loop3A_872 = arith.constant 32 : index
          %parallel_loop3A_873 = tpu.vector_load %arg15[%parallel_loop3A_871, %parallel_loop3A_872] {strides = array<i32>} : memref<128x64xf32, #tpu.memory_space<vmem>>, vector<1x16xf32>,
          %parallel_loop3A_874 = vector.shape_cast %parallel_loop3A_873 : vector<1x16xf32> to vector<16xf32>
          %parallel_loop3A_875 = vector.shape_cast %parallel_loop3A_870 : vector<16xf32> to vector<1x16xf32>
          tpu.vector_store %arg15[%parallel_loop3A_871, %parallel_loop3A_872], %parallel_loop3A_875 {strides = array<i32>} : memref<128x64xf32, #tpu.memory_space<vmem>>, vector<1x16xf32>,
          %parallel_loop3A_876 = arith.constant 16 : i32
          %parallel_loop3A_877 = arith.muli %parallel_loop3A_161, %parallel_loop3A_876 : i32
          %parallel_loop3A_878 = arith.constant 11 : i32
          %parallel_loop3A_879 = arith.addi %parallel_loop3A_877, %parallel_loop3A_878 : i32
          %parallel_loop3A_880 = arith.index_cast %parallel_loop3A_879 : i32 to index
          %parallel_loop3A_881 = arith.constant 48 : index
          %parallel_loop3A_882 = tpu.vector_load %arg12[%parallel_loop3A_880, %parallel_loop3A_881] {strides = array<i32>} : memref<128x64xf32, #tpu.memory_space<vmem>>, vector<1x16xf32>,
          %parallel_loop3A_883 = vector.shape_cast %parallel_loop3A_882 : vector<1x16xf32> to vector<16xf32>
          %parallel_loop3A_884 = arith.mulf %parallel_loop3A_883, %parallel_loop3A_833 : vector<16xf32>
          %parallel_loop3A_885 = arith.index_cast %parallel_loop3A_879 : i32 to index
          %parallel_loop3A_886 = arith.constant 48 : index
          %parallel_loop3A_887 = tpu.vector_load %arg15[%parallel_loop3A_885, %parallel_loop3A_886] {strides = array<i32>} : memref<128x64xf32, #tpu.memory_space<vmem>>, vector<1x16xf32>,
          %parallel_loop3A_888 = vector.shape_cast %parallel_loop3A_887 : vector<1x16xf32> to vector<16xf32>
          %parallel_loop3A_889 = vector.shape_cast %parallel_loop3A_884 : vector<16xf32> to vector<1x16xf32>
          tpu.vector_store %arg15[%parallel_loop3A_885, %parallel_loop3A_886], %parallel_loop3A_889 {strides = array<i32>} : memref<128x64xf32, #tpu.memory_space<vmem>>, vector<1x16xf32>,
          %parallel_loop3A_890 = arith.constant 12 : i32
          %parallel_loop3A_891 = vector.broadcast %parallel_loop3A_890 : i32 to vector<16x1xi32>
          %parallel_loop3A_892 = vector.shape_cast %parallel_loop3A_891 : vector<16x1xi32> to vector<16xi32>
          %parallel_loop3A_893 = tpu.dynamic_gather %parallel_loop3A_169[%parallel_loop3A_892] in [0] : vector<16xf32>, vector<16xi32> -> vector<16xf32>
          %parallel_loop3A_894 = arith.constant 16 : i32
          %parallel_loop3A_895 = arith.muli %parallel_loop3A_161, %parallel_loop3A_894 : i32
          %parallel_loop3A_896 = arith.constant 12 : i32
          %parallel_loop3A_897 = arith.addi %parallel_loop3A_895, %parallel_loop3A_896 : i32
          %parallel_loop3A_898 = arith.index_cast %parallel_loop3A_897 : i32 to index
          %parallel_loop3A_899 = arith.constant 0 : index
          %parallel_loop3A_900 = tpu.vector_load %arg12[%parallel_loop3A_898, %parallel_loop3A_899] {strides = array<i32>} : memref<128x64xf32, #tpu.memory_space<vmem>>, vector<1x16xf32>,
          %parallel_loop3A_901 = vector.shape_cast %parallel_loop3A_900 : vector<1x16xf32> to vector<16xf32>
          %parallel_loop3A_902 = arith.mulf %parallel_loop3A_901, %parallel_loop3A_893 : vector<16xf32>
          %parallel_loop3A_903 = arith.index_cast %parallel_loop3A_897 : i32 to index
          %parallel_loop3A_904 = arith.constant 0 : index
          %parallel_loop3A_905 = tpu.vector_load %arg15[%parallel_loop3A_903, %parallel_loop3A_904] {strides = array<i32>} : memref<128x64xf32, #tpu.memory_space<vmem>>, vector<1x16xf32>,
          %parallel_loop3A_906 = vector.shape_cast %parallel_loop3A_905 : vector<1x16xf32> to vector<16xf32>
          %parallel_loop3A_907 = vector.shape_cast %parallel_loop3A_902 : vector<16xf32> to vector<1x16xf32>
          tpu.vector_store %arg15[%parallel_loop3A_903, %parallel_loop3A_904], %parallel_loop3A_907 {strides = array<i32>} : memref<128x64xf32, #tpu.memory_space<vmem>>, vector<1x16xf32>,
          %parallel_loop3A_908 = arith.constant 16 : i32
          %parallel_loop3A_909 = arith.muli %parallel_loop3A_161, %parallel_loop3A_908 : i32
          %parallel_loop3A_910 = arith.constant 12 : i32
          %parallel_loop3A_911 = arith.addi %parallel_loop3A_909, %parallel_loop3A_910 : i32
          %parallel_loop3A_912 = arith.index_cast %parallel_loop3A_911 : i32 to index
          %parallel_loop3A_913 = arith.constant 16 : index
          %parallel_loop3A_914 = tpu.vector_load %arg12[%parallel_loop3A_912, %parallel_loop3A_913] {strides = array<i32>} : memref<128x64xf32, #tpu.memory_space<vmem>>, vector<1x16xf32>,
          %parallel_loop3A_915 = vector.shape_cast %parallel_loop3A_914 : vector<1x16xf32> to vector<16xf32>
          %parallel_loop3A_916 = arith.mulf %parallel_loop3A_915, %parallel_loop3A_893 : vector<16xf32>
          %parallel_loop3A_917 = arith.index_cast %parallel_loop3A_911 : i32 to index
          %parallel_loop3A_918 = arith.constant 16 : index
          %parallel_loop3A_919 = tpu.vector_load %arg15[%parallel_loop3A_917, %parallel_loop3A_918] {strides = array<i32>} : memref<128x64xf32, #tpu.memory_space<vmem>>, vector<1x16xf32>,
          %parallel_loop3A_920 = vector.shape_cast %parallel_loop3A_919 : vector<1x16xf32> to vector<16xf32>
          %parallel_loop3A_921 = vector.shape_cast %parallel_loop3A_916 : vector<16xf32> to vector<1x16xf32>
          tpu.vector_store %arg15[%parallel_loop3A_917, %parallel_loop3A_918], %parallel_loop3A_921 {strides = array<i32>} : memref<128x64xf32, #tpu.memory_space<vmem>>, vector<1x16xf32>,
          %parallel_loop3A_922 = arith.constant 16 : i32
          %parallel_loop3A_923 = arith.muli %parallel_loop3A_161, %parallel_loop3A_922 : i32
          %parallel_loop3A_924 = arith.constant 12 : i32
          %parallel_loop3A_925 = arith.addi %parallel_loop3A_923, %parallel_loop3A_924 : i32
          %parallel_loop3A_926 = arith.index_cast %parallel_loop3A_925 : i32 to index
          %parallel_loop3A_927 = arith.constant 32 : index
          %parallel_loop3A_928 = tpu.vector_load %arg12[%parallel_loop3A_926, %parallel_loop3A_927] {strides = array<i32>} : memref<128x64xf32, #tpu.memory_space<vmem>>, vector<1x16xf32>,
          %parallel_loop3A_929 = vector.shape_cast %parallel_loop3A_928 : vector<1x16xf32> to vector<16xf32>
          %parallel_loop3A_930 = arith.mulf %parallel_loop3A_929, %parallel_loop3A_893 : vector<16xf32>
          %parallel_loop3A_931 = arith.index_cast %parallel_loop3A_925 : i32 to index
          %parallel_loop3A_932 = arith.constant 32 : index
          %parallel_loop3A_933 = tpu.vector_load %arg15[%parallel_loop3A_931, %parallel_loop3A_932] {strides = array<i32>} : memref<128x64xf32, #tpu.memory_space<vmem>>, vector<1x16xf32>,
          %parallel_loop3A_934 = vector.shape_cast %parallel_loop3A_933 : vector<1x16xf32> to vector<16xf32>
          %parallel_loop3A_935 = vector.shape_cast %parallel_loop3A_930 : vector<16xf32> to vector<1x16xf32>
          tpu.vector_store %arg15[%parallel_loop3A_931, %parallel_loop3A_932], %parallel_loop3A_935 {strides = array<i32>} : memref<128x64xf32, #tpu.memory_space<vmem>>, vector<1x16xf32>,
          %parallel_loop3A_936 = arith.constant 16 : i32
          %parallel_loop3A_937 = arith.muli %parallel_loop3A_161, %parallel_loop3A_936 : i32
          %parallel_loop3A_938 = arith.constant 12 : i32
          %parallel_loop3A_939 = arith.addi %parallel_loop3A_937, %parallel_loop3A_938 : i32
          %parallel_loop3A_940 = arith.index_cast %parallel_loop3A_939 : i32 to index
          %parallel_loop3A_941 = arith.constant 48 : index
          %parallel_loop3A_942 = tpu.vector_load %arg12[%parallel_loop3A_940, %parallel_loop3A_941] {strides = array<i32>} : memref<128x64xf32, #tpu.memory_space<vmem>>, vector<1x16xf32>,
          %parallel_loop3A_943 = vector.shape_cast %parallel_loop3A_942 : vector<1x16xf32> to vector<16xf32>
          %parallel_loop3A_944 = arith.mulf %parallel_loop3A_943, %parallel_loop3A_893 : vector<16xf32>
          %parallel_loop3A_945 = arith.index_cast %parallel_loop3A_939 : i32 to index
          %parallel_loop3A_946 = arith.constant 48 : index
          %parallel_loop3A_947 = tpu.vector_load %arg15[%parallel_loop3A_945, %parallel_loop3A_946] {strides = array<i32>} : memref<128x64xf32, #tpu.memory_space<vmem>>, vector<1x16xf32>,
          %parallel_loop3A_948 = vector.shape_cast %parallel_loop3A_947 : vector<1x16xf32> to vector<16xf32>
          %parallel_loop3A_949 = vector.shape_cast %parallel_loop3A_944 : vector<16xf32> to vector<1x16xf32>
          tpu.vector_store %arg15[%parallel_loop3A_945, %parallel_loop3A_946], %parallel_loop3A_949 {strides = array<i32>} : memref<128x64xf32, #tpu.memory_space<vmem>>, vector<1x16xf32>,
          %parallel_loop3A_950 = arith.constant 13 : i32
          %parallel_loop3A_951 = vector.broadcast %parallel_loop3A_950 : i32 to vector<16x1xi32>
          %parallel_loop3A_952 = vector.shape_cast %parallel_loop3A_951 : vector<16x1xi32> to vector<16xi32>
          %parallel_loop3A_953 = tpu.dynamic_gather %parallel_loop3A_169[%parallel_loop3A_952] in [0] : vector<16xf32>, vector<16xi32> -> vector<16xf32>
          %parallel_loop3A_954 = arith.constant 16 : i32
          %parallel_loop3A_955 = arith.muli %parallel_loop3A_161, %parallel_loop3A_954 : i32
          %parallel_loop3A_956 = arith.constant 13 : i32
          %parallel_loop3A_957 = arith.addi %parallel_loop3A_955, %parallel_loop3A_956 : i32
          %parallel_loop3A_958 = arith.index_cast %parallel_loop3A_957 : i32 to index
          %parallel_loop3A_959 = arith.constant 0 : index
          %parallel_loop3A_960 = tpu.vector_load %arg12[%parallel_loop3A_958, %parallel_loop3A_959] {strides = array<i32>} : memref<128x64xf32, #tpu.memory_space<vmem>>, vector<1x16xf32>,
          %parallel_loop3A_961 = vector.shape_cast %parallel_loop3A_960 : vector<1x16xf32> to vector<16xf32>
          %parallel_loop3A_962 = arith.mulf %parallel_loop3A_961, %parallel_loop3A_953 : vector<16xf32>
          %parallel_loop3A_963 = arith.index_cast %parallel_loop3A_957 : i32 to index
          %parallel_loop3A_964 = arith.constant 0 : index
          %parallel_loop3A_965 = tpu.vector_load %arg15[%parallel_loop3A_963, %parallel_loop3A_964] {strides = array<i32>} : memref<128x64xf32, #tpu.memory_space<vmem>>, vector<1x16xf32>,
          %parallel_loop3A_966 = vector.shape_cast %parallel_loop3A_965 : vector<1x16xf32> to vector<16xf32>
          %parallel_loop3A_967 = vector.shape_cast %parallel_loop3A_962 : vector<16xf32> to vector<1x16xf32>
          tpu.vector_store %arg15[%parallel_loop3A_963, %parallel_loop3A_964], %parallel_loop3A_967 {strides = array<i32>} : memref<128x64xf32, #tpu.memory_space<vmem>>, vector<1x16xf32>,
          %parallel_loop3A_968 = arith.constant 16 : i32
          %parallel_loop3A_969 = arith.muli %parallel_loop3A_161, %parallel_loop3A_968 : i32
          %parallel_loop3A_970 = arith.constant 13 : i32
          %parallel_loop3A_971 = arith.addi %parallel_loop3A_969, %parallel_loop3A_970 : i32
          %parallel_loop3A_972 = arith.index_cast %parallel_loop3A_971 : i32 to index
          %parallel_loop3A_973 = arith.constant 16 : index
          %parallel_loop3A_974 = tpu.vector_load %arg12[%parallel_loop3A_972, %parallel_loop3A_973] {strides = array<i32>} : memref<128x64xf32, #tpu.memory_space<vmem>>, vector<1x16xf32>,
          %parallel_loop3A_975 = vector.shape_cast %parallel_loop3A_974 : vector<1x16xf32> to vector<16xf32>
          %parallel_loop3A_976 = arith.mulf %parallel_loop3A_975, %parallel_loop3A_953 : vector<16xf32>
          %parallel_loop3A_977 = arith.index_cast %parallel_loop3A_971 : i32 to index
          %parallel_loop3A_978 = arith.constant 16 : index
          %parallel_loop3A_979 = tpu.vector_load %arg15[%parallel_loop3A_977, %parallel_loop3A_978] {strides = array<i32>} : memref<128x64xf32, #tpu.memory_space<vmem>>, vector<1x16xf32>,
          %parallel_loop3A_980 = vector.shape_cast %parallel_loop3A_979 : vector<1x16xf32> to vector<16xf32>
          %parallel_loop3A_981 = vector.shape_cast %parallel_loop3A_976 : vector<16xf32> to vector<1x16xf32>
          tpu.vector_store %arg15[%parallel_loop3A_977, %parallel_loop3A_978], %parallel_loop3A_981 {strides = array<i32>} : memref<128x64xf32, #tpu.memory_space<vmem>>, vector<1x16xf32>,
          %parallel_loop3A_982 = arith.constant 16 : i32
          %parallel_loop3A_983 = arith.muli %parallel_loop3A_161, %parallel_loop3A_982 : i32
          %parallel_loop3A_984 = arith.constant 13 : i32
          %parallel_loop3A_985 = arith.addi %parallel_loop3A_983, %parallel_loop3A_984 : i32
          %parallel_loop3A_986 = arith.index_cast %parallel_loop3A_985 : i32 to index
          %parallel_loop3A_987 = arith.constant 32 : index
          %parallel_loop3A_988 = tpu.vector_load %arg12[%parallel_loop3A_986, %parallel_loop3A_987] {strides = array<i32>} : memref<128x64xf32, #tpu.memory_space<vmem>>, vector<1x16xf32>,
          %parallel_loop3A_989 = vector.shape_cast %parallel_loop3A_988 : vector<1x16xf32> to vector<16xf32>
          %parallel_loop3A_990 = arith.mulf %parallel_loop3A_989, %parallel_loop3A_953 : vector<16xf32>
          %parallel_loop3A_991 = arith.index_cast %parallel_loop3A_985 : i32 to index
          %parallel_loop3A_992 = arith.constant 32 : index
          %parallel_loop3A_993 = tpu.vector_load %arg15[%parallel_loop3A_991, %parallel_loop3A_992] {strides = array<i32>} : memref<128x64xf32, #tpu.memory_space<vmem>>, vector<1x16xf32>,
          %parallel_loop3A_994 = vector.shape_cast %parallel_loop3A_993 : vector<1x16xf32> to vector<16xf32>
          %parallel_loop3A_995 = vector.shape_cast %parallel_loop3A_990 : vector<16xf32> to vector<1x16xf32>
          tpu.vector_store %arg15[%parallel_loop3A_991, %parallel_loop3A_992], %parallel_loop3A_995 {strides = array<i32>} : memref<128x64xf32, #tpu.memory_space<vmem>>, vector<1x16xf32>,
          %parallel_loop3A_996 = arith.constant 16 : i32
          %parallel_loop3A_997 = arith.muli %parallel_loop3A_161, %parallel_loop3A_996 : i32
          %parallel_loop3A_998 = arith.constant 13 : i32
          %parallel_loop3A_999 = arith.addi %parallel_loop3A_997, %parallel_loop3A_998 : i32
          %parallel_loop3A_1000 = arith.index_cast %parallel_loop3A_999 : i32 to index
          %parallel_loop3A_1001 = arith.constant 48 : index
          %parallel_loop3A_1002 = tpu.vector_load %arg12[%parallel_loop3A_1000, %parallel_loop3A_1001] {strides = array<i32>} : memref<128x64xf32, #tpu.memory_space<vmem>>, vector<1x16xf32>,
          %parallel_loop3A_1003 = vector.shape_cast %parallel_loop3A_1002 : vector<1x16xf32> to vector<16xf32>
          %parallel_loop3A_1004 = arith.mulf %parallel_loop3A_1003, %parallel_loop3A_953 : vector<16xf32>
          %parallel_loop3A_1005 = arith.index_cast %parallel_loop3A_999 : i32 to index
          %parallel_loop3A_1006 = arith.constant 48 : index
          %parallel_loop3A_1007 = tpu.vector_load %arg15[%parallel_loop3A_1005, %parallel_loop3A_1006] {strides = array<i32>} : memref<128x64xf32, #tpu.memory_space<vmem>>, vector<1x16xf32>,
          %parallel_loop3A_1008 = vector.shape_cast %parallel_loop3A_1007 : vector<1x16xf32> to vector<16xf32>
          %parallel_loop3A_1009 = vector.shape_cast %parallel_loop3A_1004 : vector<16xf32> to vector<1x16xf32>
          tpu.vector_store %arg15[%parallel_loop3A_1005, %parallel_loop3A_1006], %parallel_loop3A_1009 {strides = array<i32>} : memref<128x64xf32, #tpu.memory_space<vmem>>, vector<1x16xf32>,
          %parallel_loop3A_1010 = arith.constant 14 : i32
          %parallel_loop3A_1011 = vector.broadcast %parallel_loop3A_1010 : i32 to vector<16x1xi32>
          %parallel_loop3A_1012 = vector.shape_cast %parallel_loop3A_1011 : vector<16x1xi32> to vector<16xi32>
          %parallel_loop3A_1013 = tpu.dynamic_gather %parallel_loop3A_169[%parallel_loop3A_1012] in [0] : vector<16xf32>, vector<16xi32> -> vector<16xf32>
          %parallel_loop3A_1014 = arith.constant 16 : i32
          %parallel_loop3A_1015 = arith.muli %parallel_loop3A_161, %parallel_loop3A_1014 : i32
          %parallel_loop3A_1016 = arith.constant 14 : i32
          %parallel_loop3A_1017 = arith.addi %parallel_loop3A_1015, %parallel_loop3A_1016 : i32
          %parallel_loop3A_1018 = arith.index_cast %parallel_loop3A_1017 : i32 to index
          %parallel_loop3A_1019 = arith.constant 0 : index
          %parallel_loop3A_1020 = tpu.vector_load %arg12[%parallel_loop3A_1018, %parallel_loop3A_1019] {strides = array<i32>} : memref<128x64xf32, #tpu.memory_space<vmem>>, vector<1x16xf32>,
          %parallel_loop3A_1021 = vector.shape_cast %parallel_loop3A_1020 : vector<1x16xf32> to vector<16xf32>
          %parallel_loop3A_1022 = arith.mulf %parallel_loop3A_1021, %parallel_loop3A_1013 : vector<16xf32>
          %parallel_loop3A_1023 = arith.index_cast %parallel_loop3A_1017 : i32 to index
          %parallel_loop3A_1024 = arith.constant 0 : index
          %parallel_loop3A_1025 = tpu.vector_load %arg15[%parallel_loop3A_1023, %parallel_loop3A_1024] {strides = array<i32>} : memref<128x64xf32, #tpu.memory_space<vmem>>, vector<1x16xf32>,
          %parallel_loop3A_1026 = vector.shape_cast %parallel_loop3A_1025 : vector<1x16xf32> to vector<16xf32>
          %parallel_loop3A_1027 = vector.shape_cast %parallel_loop3A_1022 : vector<16xf32> to vector<1x16xf32>
          tpu.vector_store %arg15[%parallel_loop3A_1023, %parallel_loop3A_1024], %parallel_loop3A_1027 {strides = array<i32>} : memref<128x64xf32, #tpu.memory_space<vmem>>, vector<1x16xf32>,
          %parallel_loop3A_1028 = arith.constant 16 : i32
          %parallel_loop3A_1029 = arith.muli %parallel_loop3A_161, %parallel_loop3A_1028 : i32
          %parallel_loop3A_1030 = arith.constant 14 : i32
          %parallel_loop3A_1031 = arith.addi %parallel_loop3A_1029, %parallel_loop3A_1030 : i32
          %parallel_loop3A_1032 = arith.index_cast %parallel_loop3A_1031 : i32 to index
          %parallel_loop3A_1033 = arith.constant 16 : index
          %parallel_loop3A_1034 = tpu.vector_load %arg12[%parallel_loop3A_1032, %parallel_loop3A_1033] {strides = array<i32>} : memref<128x64xf32, #tpu.memory_space<vmem>>, vector<1x16xf32>,
          %parallel_loop3A_1035 = vector.shape_cast %parallel_loop3A_1034 : vector<1x16xf32> to vector<16xf32>
          %parallel_loop3A_1036 = arith.mulf %parallel_loop3A_1035, %parallel_loop3A_1013 : vector<16xf32>
          %parallel_loop3A_1037 = arith.index_cast %parallel_loop3A_1031 : i32 to index
          %parallel_loop3A_1038 = arith.constant 16 : index
          %parallel_loop3A_1039 = tpu.vector_load %arg15[%parallel_loop3A_1037, %parallel_loop3A_1038] {strides = array<i32>} : memref<128x64xf32, #tpu.memory_space<vmem>>, vector<1x16xf32>,
          %parallel_loop3A_1040 = vector.shape_cast %parallel_loop3A_1039 : vector<1x16xf32> to vector<16xf32>
          %parallel_loop3A_1041 = vector.shape_cast %parallel_loop3A_1036 : vector<16xf32> to vector<1x16xf32>
          tpu.vector_store %arg15[%parallel_loop3A_1037, %parallel_loop3A_1038], %parallel_loop3A_1041 {strides = array<i32>} : memref<128x64xf32, #tpu.memory_space<vmem>>, vector<1x16xf32>,
          %parallel_loop3A_1042 = arith.constant 16 : i32
          %parallel_loop3A_1043 = arith.muli %parallel_loop3A_161, %parallel_loop3A_1042 : i32
          %parallel_loop3A_1044 = arith.constant 14 : i32
          %parallel_loop3A_1045 = arith.addi %parallel_loop3A_1043, %parallel_loop3A_1044 : i32
          %parallel_loop3A_1046 = arith.index_cast %parallel_loop3A_1045 : i32 to index
          %parallel_loop3A_1047 = arith.constant 32 : index
          %parallel_loop3A_1048 = tpu.vector_load %arg12[%parallel_loop3A_1046, %parallel_loop3A_1047] {strides = array<i32>} : memref<128x64xf32, #tpu.memory_space<vmem>>, vector<1x16xf32>,
          %parallel_loop3A_1049 = vector.shape_cast %parallel_loop3A_1048 : vector<1x16xf32> to vector<16xf32>
          %parallel_loop3A_1050 = arith.mulf %parallel_loop3A_1049, %parallel_loop3A_1013 : vector<16xf32>
          %parallel_loop3A_1051 = arith.index_cast %parallel_loop3A_1045 : i32 to index
          %parallel_loop3A_1052 = arith.constant 32 : index
          %parallel_loop3A_1053 = tpu.vector_load %arg15[%parallel_loop3A_1051, %parallel_loop3A_1052] {strides = array<i32>} : memref<128x64xf32, #tpu.memory_space<vmem>>, vector<1x16xf32>,
          %parallel_loop3A_1054 = vector.shape_cast %parallel_loop3A_1053 : vector<1x16xf32> to vector<16xf32>
          %parallel_loop3A_1055 = vector.shape_cast %parallel_loop3A_1050 : vector<16xf32> to vector<1x16xf32>
          tpu.vector_store %arg15[%parallel_loop3A_1051, %parallel_loop3A_1052], %parallel_loop3A_1055 {strides = array<i32>} : memref<128x64xf32, #tpu.memory_space<vmem>>, vector<1x16xf32>,
          %parallel_loop3A_1056 = arith.constant 16 : i32
          %parallel_loop3A_1057 = arith.muli %parallel_loop3A_161, %parallel_loop3A_1056 : i32
          %parallel_loop3A_1058 = arith.constant 14 : i32
          %parallel_loop3A_1059 = arith.addi %parallel_loop3A_1057, %parallel_loop3A_1058 : i32
          %parallel_loop3A_1060 = arith.index_cast %parallel_loop3A_1059 : i32 to index
          %parallel_loop3A_1061 = arith.constant 48 : index
          %parallel_loop3A_1062 = tpu.vector_load %arg12[%parallel_loop3A_1060, %parallel_loop3A_1061] {strides = array<i32>} : memref<128x64xf32, #tpu.memory_space<vmem>>, vector<1x16xf32>,
          %parallel_loop3A_1063 = vector.shape_cast %parallel_loop3A_1062 : vector<1x16xf32> to vector<16xf32>
          %parallel_loop3A_1064 = arith.mulf %parallel_loop3A_1063, %parallel_loop3A_1013 : vector<16xf32>
          %parallel_loop3A_1065 = arith.index_cast %parallel_loop3A_1059 : i32 to index
          %parallel_loop3A_1066 = arith.constant 48 : index
          %parallel_loop3A_1067 = tpu.vector_load %arg15[%parallel_loop3A_1065, %parallel_loop3A_1066] {strides = array<i32>} : memref<128x64xf32, #tpu.memory_space<vmem>>, vector<1x16xf32>,
          %parallel_loop3A_1068 = vector.shape_cast %parallel_loop3A_1067 : vector<1x16xf32> to vector<16xf32>
          %parallel_loop3A_1069 = vector.shape_cast %parallel_loop3A_1064 : vector<16xf32> to vector<1x16xf32>
          tpu.vector_store %arg15[%parallel_loop3A_1065, %parallel_loop3A_1066], %parallel_loop3A_1069 {strides = array<i32>} : memref<128x64xf32, #tpu.memory_space<vmem>>, vector<1x16xf32>,
          %parallel_loop3A_1070 = arith.constant 15 : i32
          %parallel_loop3A_1071 = vector.broadcast %parallel_loop3A_1070 : i32 to vector<16x1xi32>
          %parallel_loop3A_1072 = vector.shape_cast %parallel_loop3A_1071 : vector<16x1xi32> to vector<16xi32>
          %parallel_loop3A_1073 = tpu.dynamic_gather %parallel_loop3A_169[%parallel_loop3A_1072] in [0] : vector<16xf32>, vector<16xi32> -> vector<16xf32>
          %parallel_loop3A_1074 = arith.constant 16 : i32
          %parallel_loop3A_1075 = arith.muli %parallel_loop3A_161, %parallel_loop3A_1074 : i32
          %parallel_loop3A_1076 = arith.constant 15 : i32
          %parallel_loop3A_1077 = arith.addi %parallel_loop3A_1075, %parallel_loop3A_1076 : i32
          %parallel_loop3A_1078 = arith.index_cast %parallel_loop3A_1077 : i32 to index
          %parallel_loop3A_1079 = arith.constant 0 : index
          %parallel_loop3A_1080 = tpu.vector_load %arg12[%parallel_loop3A_1078, %parallel_loop3A_1079] {strides = array<i32>} : memref<128x64xf32, #tpu.memory_space<vmem>>, vector<1x16xf32>,
          %parallel_loop3A_1081 = vector.shape_cast %parallel_loop3A_1080 : vector<1x16xf32> to vector<16xf32>
          %parallel_loop3A_1082 = arith.mulf %parallel_loop3A_1081, %parallel_loop3A_1073 : vector<16xf32>
          %parallel_loop3A_1083 = arith.index_cast %parallel_loop3A_1077 : i32 to index
          %parallel_loop3A_1084 = arith.constant 0 : index
          %parallel_loop3A_1085 = tpu.vector_load %arg15[%parallel_loop3A_1083, %parallel_loop3A_1084] {strides = array<i32>} : memref<128x64xf32, #tpu.memory_space<vmem>>, vector<1x16xf32>,
          %parallel_loop3A_1086 = vector.shape_cast %parallel_loop3A_1085 : vector<1x16xf32> to vector<16xf32>
          %parallel_loop3A_1087 = vector.shape_cast %parallel_loop3A_1082 : vector<16xf32> to vector<1x16xf32>
          tpu.vector_store %arg15[%parallel_loop3A_1083, %parallel_loop3A_1084], %parallel_loop3A_1087 {strides = array<i32>} : memref<128x64xf32, #tpu.memory_space<vmem>>, vector<1x16xf32>,
          %parallel_loop3A_1088 = arith.constant 16 : i32
          %parallel_loop3A_1089 = arith.muli %parallel_loop3A_161, %parallel_loop3A_1088 : i32
          %parallel_loop3A_1090 = arith.constant 15 : i32
          %parallel_loop3A_1091 = arith.addi %parallel_loop3A_1089, %parallel_loop3A_1090 : i32
          %parallel_loop3A_1092 = arith.index_cast %parallel_loop3A_1091 : i32 to index
          %parallel_loop3A_1093 = arith.constant 16 : index
          %parallel_loop3A_1094 = tpu.vector_load %arg12[%parallel_loop3A_1092, %parallel_loop3A_1093] {strides = array<i32>} : memref<128x64xf32, #tpu.memory_space<vmem>>, vector<1x16xf32>,
          %parallel_loop3A_1095 = vector.shape_cast %parallel_loop3A_1094 : vector<1x16xf32> to vector<16xf32>
          %parallel_loop3A_1096 = arith.mulf %parallel_loop3A_1095, %parallel_loop3A_1073 : vector<16xf32>
          %parallel_loop3A_1097 = arith.index_cast %parallel_loop3A_1091 : i32 to index
          %parallel_loop3A_1098 = arith.constant 16 : index
          %parallel_loop3A_1099 = tpu.vector_load %arg15[%parallel_loop3A_1097, %parallel_loop3A_1098] {strides = array<i32>} : memref<128x64xf32, #tpu.memory_space<vmem>>, vector<1x16xf32>,
          %parallel_loop3A_1100 = vector.shape_cast %parallel_loop3A_1099 : vector<1x16xf32> to vector<16xf32>
          %parallel_loop3A_1101 = vector.shape_cast %parallel_loop3A_1096 : vector<16xf32> to vector<1x16xf32>
          tpu.vector_store %arg15[%parallel_loop3A_1097, %parallel_loop3A_1098], %parallel_loop3A_1101 {strides = array<i32>} : memref<128x64xf32, #tpu.memory_space<vmem>>, vector<1x16xf32>,
          %parallel_loop3A_1102 = arith.constant 16 : i32
          %parallel_loop3A_1103 = arith.muli %parallel_loop3A_161, %parallel_loop3A_1102 : i32
          %parallel_loop3A_1104 = arith.constant 15 : i32
          %parallel_loop3A_1105 = arith.addi %parallel_loop3A_1103, %parallel_loop3A_1104 : i32
          %parallel_loop3A_1106 = arith.index_cast %parallel_loop3A_1105 : i32 to index
          %parallel_loop3A_1107 = arith.constant 32 : index
          %parallel_loop3A_1108 = tpu.vector_load %arg12[%parallel_loop3A_1106, %parallel_loop3A_1107] {strides = array<i32>} : memref<128x64xf32, #tpu.memory_space<vmem>>, vector<1x16xf32>,
          %parallel_loop3A_1109 = vector.shape_cast %parallel_loop3A_1108 : vector<1x16xf32> to vector<16xf32>
          %parallel_loop3A_1110 = arith.mulf %parallel_loop3A_1109, %parallel_loop3A_1073 : vector<16xf32>
          %parallel_loop3A_1111 = arith.index_cast %parallel_loop3A_1105 : i32 to index
          %parallel_loop3A_1112 = arith.constant 32 : index
          %parallel_loop3A_1113 = tpu.vector_load %arg15[%parallel_loop3A_1111, %parallel_loop3A_1112] {strides = array<i32>} : memref<128x64xf32, #tpu.memory_space<vmem>>, vector<1x16xf32>,
          %parallel_loop3A_1114 = vector.shape_cast %parallel_loop3A_1113 : vector<1x16xf32> to vector<16xf32>
          %parallel_loop3A_1115 = vector.shape_cast %parallel_loop3A_1110 : vector<16xf32> to vector<1x16xf32>
          tpu.vector_store %arg15[%parallel_loop3A_1111, %parallel_loop3A_1112], %parallel_loop3A_1115 {strides = array<i32>} : memref<128x64xf32, #tpu.memory_space<vmem>>, vector<1x16xf32>,
          %parallel_loop3A_1116 = arith.constant 16 : i32
          %parallel_loop3A_1117 = arith.muli %parallel_loop3A_161, %parallel_loop3A_1116 : i32
          %parallel_loop3A_1118 = arith.constant 15 : i32
          %parallel_loop3A_1119 = arith.addi %parallel_loop3A_1117, %parallel_loop3A_1118 : i32
          %parallel_loop3A_1120 = arith.index_cast %parallel_loop3A_1119 : i32 to index
          %parallel_loop3A_1121 = arith.constant 48 : index
          %parallel_loop3A_1122 = tpu.vector_load %arg12[%parallel_loop3A_1120, %parallel_loop3A_1121] {strides = array<i32>} : memref<128x64xf32, #tpu.memory_space<vmem>>, vector<1x16xf32>,
          %parallel_loop3A_1123 = vector.shape_cast %parallel_loop3A_1122 : vector<1x16xf32> to vector<16xf32>
          %parallel_loop3A_1124 = arith.mulf %parallel_loop3A_1123, %parallel_loop3A_1073 : vector<16xf32>
          %parallel_loop3A_1125 = arith.index_cast %parallel_loop3A_1119 : i32 to index
          %parallel_loop3A_1126 = arith.constant 48 : index
          %parallel_loop3A_1127 = tpu.vector_load %arg15[%parallel_loop3A_1125, %parallel_loop3A_1126] {strides = array<i32>} : memref<128x64xf32, #tpu.memory_space<vmem>>, vector<1x16xf32>,
          %parallel_loop3A_1128 = vector.shape_cast %parallel_loop3A_1127 : vector<1x16xf32> to vector<16xf32>
          %parallel_loop3A_1129 = vector.shape_cast %parallel_loop3A_1124 : vector<16xf32> to vector<1x16xf32>
          tpu.vector_store %arg15[%parallel_loop3A_1125, %parallel_loop3A_1126], %parallel_loop3A_1129 {strides = array<i32>} : memref<128x64xf32, #tpu.memory_space<vmem>>, vector<1x16xf32>,
        } {sc.loop_unroll_factor = 2 : i64, sc.parallel_access}
        %lt3A_121 = arith.constant 10 : i32
        %lt3A_122 = arith.cmpi slt, %add3A_78, %lt3A_121 : i32
        %convert_element_type3A_123 = arith.extui %lt3A_122 : i1 to i32
        %cond3A_124 = arith.constant 0 : i32
        %cond3A_125 = arith.cmpi ne, %convert_element_type3A_123, %cond3A_124 : i32
        scf.if %cond3A_125 {
          %add3A_161 = arith.constant 3 : i32
          %add3A_162 = arith.addi %add3A_106, %add3A_161 : i32
          %mul3A_163 = arith.constant 128 : i32
          %mul3A_164 = arith.muli %add3A_162, %mul3A_163 : i32
          %dma_start3A_165 = tpu.memref_slice %arg8[%mul3A_164] : memref<4224xi32, #tpu.memory_space<vmem>> -> memref<128xi32, #tpu.memory_space<vmem>>
          %dma_start3A_166 = arith.constant 0 : i32
          %dma_start3A_167 = arith.constant 0 : i32
          %dma_start3A_168 = tpu.memref_slice %arg5[%dma_start3A_166, %dma_start3A_167] : memref<16384x64xf32, #tpu.memory_space<hbm>> -> memref<16384x64xf32, #tpu.memory_space<hbm>>
          tpu.enqueue_indirect_dma source(%dma_start3A_168 : memref<16384x64xf32, #tpu.memory_space<hbm>>) target(%arg12 : memref<128x64xf32, #tpu.memory_space<vmem>>) offsets(%dma_start3A_165 : memref<128xi32, #tpu.memory_space<vmem>>) semaphore(%arg18 : memref<!tpu.dma_semaphore, #tpu.memory_space<semaphore_mem>>)
        } else {
        }
        %dma_start3A_126 = arith.constant 0 : i32
        %dma_start3A_127 = tpu.memref_slice %arg9[%add3A_106, %dma_start3A_126] : memref<33x128xi32, #tpu.memory_space<vmem>> -> memref<1x128xi32, #tpu.memory_space<vmem>>
        %dma_start3A_128 = tpu.memref_squeeze %dma_start3A_127 : memref<1x128xi32, #tpu.memory_space<vmem>> -> memref<128xi32, #tpu.memory_space<vmem>>
        %dma_start3A_129 = arith.constant 0 : i32
        %dma_start3A_130 = arith.constant 0 : i32
        %dma_start3A_131 = tpu.memref_slice %arg7[%dma_start3A_129, %dma_start3A_130] : memref<16384x64xf32, #tpu.memory_space<vmem_shared>> -> memref<16384x64xf32, #tpu.memory_space<vmem_shared>>
        tpu.enqueue_indirect_dma source(%arg15 : memref<128x64xf32, #tpu.memory_space<vmem>>) target(%dma_start3A_131 : memref<16384x64xf32, #tpu.memory_space<vmem_shared>>) offsets(%dma_start3A_128 : memref<128xi32, #tpu.memory_space<vmem>>) semaphore(%arg21 : memref<!tpu.dma_semaphore, #tpu.memory_space<semaphore_mem>>) {add = true}
        %mul3A_132 = arith.constant 3 : i32
        %mul3A_133 = arith.muli %add3A_78, %mul3A_132 : i32
        %add3A_134 = arith.constant 2 : i32
        %add3A_135 = arith.addi %mul3A_133, %add3A_134 : i32
        %gt3A_136 = arith.constant 0 : i32
        %gt3A_137 = arith.cmpi sgt, %add3A_78, %gt3A_136 : i32
        %convert_element_type3A_138 = arith.extui %gt3A_137 : i1 to i32
        %cond3A_139 = arith.constant 0 : i32
        %cond3A_140 = arith.cmpi ne, %convert_element_type3A_138, %cond3A_139 : i32
        scf.if %cond3A_140 {
          %dma_wait3A_161 = arith.constant 0 : i32
          %dma_wait3A_162 = arith.constant 0 : i32
          %dma_wait3A_163 = tpu.memref_slice %arg5[%dma_wait3A_161, %dma_wait3A_162] : memref<16384x64xf32, #tpu.memory_space<hbm>> -> memref<128x64xf32, #tpu.memory_space<hbm>>
          %dma_wait3A_164 = arith.constant 0 : i32
          %dma_wait3A_165 = arith.constant 0 : i32
          %dma_wait3A_166 = tpu.memref_slice %arg5[%dma_wait3A_164, %dma_wait3A_165] : memref<16384x64xf32, #tpu.memory_space<hbm>> -> memref<128x64xf32, #tpu.memory_space<hbm>>
          tpu.wait_dma2 semaphore(%arg22 : memref<!tpu.dma_semaphore, #tpu.memory_space<semaphore_mem>>) src(%dma_wait3A_166 : memref<128x64xf32, #tpu.memory_space<hbm>>) dst(%arg16 : memref<128x64xf32, #tpu.memory_space<vmem>>)
        } else {
        }
        %dma_wait3A_141 = arith.constant 0 : i32
        %dma_wait3A_142 = arith.constant 0 : i32
        %dma_wait3A_143 = tpu.memref_slice %arg5[%dma_wait3A_141, %dma_wait3A_142] : memref<16384x64xf32, #tpu.memory_space<hbm>> -> memref<128x64xf32, #tpu.memory_space<hbm>>
        %dma_wait3A_144 = arith.constant 0 : i32
        %dma_wait3A_145 = arith.constant 0 : i32
        %dma_wait3A_146 = tpu.memref_slice %arg5[%dma_wait3A_144, %dma_wait3A_145] : memref<16384x64xf32, #tpu.memory_space<hbm>> -> memref<128x64xf32, #tpu.memory_space<hbm>>
        tpu.wait_dma2 semaphore(%arg19 : memref<!tpu.dma_semaphore, #tpu.memory_space<semaphore_mem>>) src(%dma_wait3A_146 : memref<128x64xf32, #tpu.memory_space<hbm>>) dst(%arg13 : memref<128x64xf32, #tpu.memory_space<vmem>>)
        %parallel_loop3A_147 = arith.constant 0 : i32
        %parallel_loop3A_148 = arith.constant 8 : i32
        %parallel_loop3A_149 = arith.constant 1 : i32
        scf.for %parallel_loop3A_161 = %parallel_loop3A_147 to %parallel_loop3A_148 step %parallel_loop3A_149  : i32 {
          %parallel_loop3A_162 = arith.constant 128 : i32
          %parallel_loop3A_163 = arith.muli %add3A_135, %parallel_loop3A_162 : i32
          %parallel_loop3A_164 = arith.constant 16 : i32
          %parallel_loop3A_165 = arith.muli %parallel_loop3A_161, %parallel_loop3A_164 : i32
          %parallel_loop3A_166 = arith.addi %parallel_loop3A_163, %parallel_loop3A_165 : i32
          %parallel_loop3A_167 = arith.index_cast %parallel_loop3A_166 : i32 to index
          %parallel_loop3A_168 = tpu.vector_load %arg10[%parallel_loop3A_167] {strides = array<i32>} : memref<4224xf32, #tpu.memory_space<vmem>>, vector<16xf32>,
          %parallel_loop3A_169 = vector.shape_cast %parallel_loop3A_168 : vector<16xf32> to vector<16xf32>
          %parallel_loop3A_170 = arith.constant 0 : i32
          %parallel_loop3A_171 = vector.broadcast %parallel_loop3A_170 : i32 to vector<16x1xi32>
          %parallel_loop3A_172 = vector.shape_cast %parallel_loop3A_171 : vector<16x1xi32> to vector<16xi32>
          %parallel_loop3A_173 = tpu.dynamic_gather %parallel_loop3A_169[%parallel_loop3A_172] in [0] : vector<16xf32>, vector<16xi32> -> vector<16xf32>
          %parallel_loop3A_174 = arith.constant 16 : i32
          %parallel_loop3A_175 = arith.muli %parallel_loop3A_161, %parallel_loop3A_174 : i32
          %parallel_loop3A_176 = arith.constant 0 : i32
          %parallel_loop3A_177 = arith.addi %parallel_loop3A_175, %parallel_loop3A_176 : i32
          %parallel_loop3A_178 = arith.index_cast %parallel_loop3A_177 : i32 to index
          %parallel_loop3A_179 = arith.constant 0 : index
          %parallel_loop3A_180 = tpu.vector_load %arg13[%parallel_loop3A_178, %parallel_loop3A_179] {strides = array<i32>} : memref<128x64xf32, #tpu.memory_space<vmem>>, vector<1x16xf32>,
          %parallel_loop3A_181 = vector.shape_cast %parallel_loop3A_180 : vector<1x16xf32> to vector<16xf32>
          %parallel_loop3A_182 = arith.mulf %parallel_loop3A_181, %parallel_loop3A_173 : vector<16xf32>
          %parallel_loop3A_183 = arith.index_cast %parallel_loop3A_177 : i32 to index
          %parallel_loop3A_184 = arith.constant 0 : index
          %parallel_loop3A_185 = tpu.vector_load %arg16[%parallel_loop3A_183, %parallel_loop3A_184] {strides = array<i32>} : memref<128x64xf32, #tpu.memory_space<vmem>>, vector<1x16xf32>,
          %parallel_loop3A_186 = vector.shape_cast %parallel_loop3A_185 : vector<1x16xf32> to vector<16xf32>
          %parallel_loop3A_187 = vector.shape_cast %parallel_loop3A_182 : vector<16xf32> to vector<1x16xf32>
          tpu.vector_store %arg16[%parallel_loop3A_183, %parallel_loop3A_184], %parallel_loop3A_187 {strides = array<i32>} : memref<128x64xf32, #tpu.memory_space<vmem>>, vector<1x16xf32>,
          %parallel_loop3A_188 = arith.constant 16 : i32
          %parallel_loop3A_189 = arith.muli %parallel_loop3A_161, %parallel_loop3A_188 : i32
          %parallel_loop3A_190 = arith.constant 0 : i32
          %parallel_loop3A_191 = arith.addi %parallel_loop3A_189, %parallel_loop3A_190 : i32
          %parallel_loop3A_192 = arith.index_cast %parallel_loop3A_191 : i32 to index
          %parallel_loop3A_193 = arith.constant 16 : index
          %parallel_loop3A_194 = tpu.vector_load %arg13[%parallel_loop3A_192, %parallel_loop3A_193] {strides = array<i32>} : memref<128x64xf32, #tpu.memory_space<vmem>>, vector<1x16xf32>,
          %parallel_loop3A_195 = vector.shape_cast %parallel_loop3A_194 : vector<1x16xf32> to vector<16xf32>
          %parallel_loop3A_196 = arith.mulf %parallel_loop3A_195, %parallel_loop3A_173 : vector<16xf32>
          %parallel_loop3A_197 = arith.index_cast %parallel_loop3A_191 : i32 to index
          %parallel_loop3A_198 = arith.constant 16 : index
          %parallel_loop3A_199 = tpu.vector_load %arg16[%parallel_loop3A_197, %parallel_loop3A_198] {strides = array<i32>} : memref<128x64xf32, #tpu.memory_space<vmem>>, vector<1x16xf32>,
          %parallel_loop3A_200 = vector.shape_cast %parallel_loop3A_199 : vector<1x16xf32> to vector<16xf32>
          %parallel_loop3A_201 = vector.shape_cast %parallel_loop3A_196 : vector<16xf32> to vector<1x16xf32>
          tpu.vector_store %arg16[%parallel_loop3A_197, %parallel_loop3A_198], %parallel_loop3A_201 {strides = array<i32>} : memref<128x64xf32, #tpu.memory_space<vmem>>, vector<1x16xf32>,
          %parallel_loop3A_202 = arith.constant 16 : i32
          %parallel_loop3A_203 = arith.muli %parallel_loop3A_161, %parallel_loop3A_202 : i32
          %parallel_loop3A_204 = arith.constant 0 : i32
          %parallel_loop3A_205 = arith.addi %parallel_loop3A_203, %parallel_loop3A_204 : i32
          %parallel_loop3A_206 = arith.index_cast %parallel_loop3A_205 : i32 to index
          %parallel_loop3A_207 = arith.constant 32 : index
          %parallel_loop3A_208 = tpu.vector_load %arg13[%parallel_loop3A_206, %parallel_loop3A_207] {strides = array<i32>} : memref<128x64xf32, #tpu.memory_space<vmem>>, vector<1x16xf32>,
          %parallel_loop3A_209 = vector.shape_cast %parallel_loop3A_208 : vector<1x16xf32> to vector<16xf32>
          %parallel_loop3A_210 = arith.mulf %parallel_loop3A_209, %parallel_loop3A_173 : vector<16xf32>
          %parallel_loop3A_211 = arith.index_cast %parallel_loop3A_205 : i32 to index
          %parallel_loop3A_212 = arith.constant 32 : index
          %parallel_loop3A_213 = tpu.vector_load %arg16[%parallel_loop3A_211, %parallel_loop3A_212] {strides = array<i32>} : memref<128x64xf32, #tpu.memory_space<vmem>>, vector<1x16xf32>,
          %parallel_loop3A_214 = vector.shape_cast %parallel_loop3A_213 : vector<1x16xf32> to vector<16xf32>
          %parallel_loop3A_215 = vector.shape_cast %parallel_loop3A_210 : vector<16xf32> to vector<1x16xf32>
          tpu.vector_store %arg16[%parallel_loop3A_211, %parallel_loop3A_212], %parallel_loop3A_215 {strides = array<i32>} : memref<128x64xf32, #tpu.memory_space<vmem>>, vector<1x16xf32>,
          %parallel_loop3A_216 = arith.constant 16 : i32
          %parallel_loop3A_217 = arith.muli %parallel_loop3A_161, %parallel_loop3A_216 : i32
          %parallel_loop3A_218 = arith.constant 0 : i32
          %parallel_loop3A_219 = arith.addi %parallel_loop3A_217, %parallel_loop3A_218 : i32
          %parallel_loop3A_220 = arith.index_cast %parallel_loop3A_219 : i32 to index
          %parallel_loop3A_221 = arith.constant 48 : index
          %parallel_loop3A_222 = tpu.vector_load %arg13[%parallel_loop3A_220, %parallel_loop3A_221] {strides = array<i32>} : memref<128x64xf32, #tpu.memory_space<vmem>>, vector<1x16xf32>,
          %parallel_loop3A_223 = vector.shape_cast %parallel_loop3A_222 : vector<1x16xf32> to vector<16xf32>
          %parallel_loop3A_224 = arith.mulf %parallel_loop3A_223, %parallel_loop3A_173 : vector<16xf32>
          %parallel_loop3A_225 = arith.index_cast %parallel_loop3A_219 : i32 to index
          %parallel_loop3A_226 = arith.constant 48 : index
          %parallel_loop3A_227 = tpu.vector_load %arg16[%parallel_loop3A_225, %parallel_loop3A_226] {strides = array<i32>} : memref<128x64xf32, #tpu.memory_space<vmem>>, vector<1x16xf32>,
          %parallel_loop3A_228 = vector.shape_cast %parallel_loop3A_227 : vector<1x16xf32> to vector<16xf32>
          %parallel_loop3A_229 = vector.shape_cast %parallel_loop3A_224 : vector<16xf32> to vector<1x16xf32>
          tpu.vector_store %arg16[%parallel_loop3A_225, %parallel_loop3A_226], %parallel_loop3A_229 {strides = array<i32>} : memref<128x64xf32, #tpu.memory_space<vmem>>, vector<1x16xf32>,
          %parallel_loop3A_230 = arith.constant 1 : i32
          %parallel_loop3A_231 = vector.broadcast %parallel_loop3A_230 : i32 to vector<16x1xi32>
          %parallel_loop3A_232 = vector.shape_cast %parallel_loop3A_231 : vector<16x1xi32> to vector<16xi32>
          %parallel_loop3A_233 = tpu.dynamic_gather %parallel_loop3A_169[%parallel_loop3A_232] in [0] : vector<16xf32>, vector<16xi32> -> vector<16xf32>
          %parallel_loop3A_234 = arith.constant 16 : i32
          %parallel_loop3A_235 = arith.muli %parallel_loop3A_161, %parallel_loop3A_234 : i32
          %parallel_loop3A_236 = arith.constant 1 : i32
          %parallel_loop3A_237 = arith.addi %parallel_loop3A_235, %parallel_loop3A_236 : i32
          %parallel_loop3A_238 = arith.index_cast %parallel_loop3A_237 : i32 to index
          %parallel_loop3A_239 = arith.constant 0 : index
          %parallel_loop3A_240 = tpu.vector_load %arg13[%parallel_loop3A_238, %parallel_loop3A_239] {strides = array<i32>} : memref<128x64xf32, #tpu.memory_space<vmem>>, vector<1x16xf32>,
          %parallel_loop3A_241 = vector.shape_cast %parallel_loop3A_240 : vector<1x16xf32> to vector<16xf32>
          %parallel_loop3A_242 = arith.mulf %parallel_loop3A_241, %parallel_loop3A_233 : vector<16xf32>
          %parallel_loop3A_243 = arith.index_cast %parallel_loop3A_237 : i32 to index
          %parallel_loop3A_244 = arith.constant 0 : index
          %parallel_loop3A_245 = tpu.vector_load %arg16[%parallel_loop3A_243, %parallel_loop3A_244] {strides = array<i32>} : memref<128x64xf32, #tpu.memory_space<vmem>>, vector<1x16xf32>,
          %parallel_loop3A_246 = vector.shape_cast %parallel_loop3A_245 : vector<1x16xf32> to vector<16xf32>
          %parallel_loop3A_247 = vector.shape_cast %parallel_loop3A_242 : vector<16xf32> to vector<1x16xf32>
          tpu.vector_store %arg16[%parallel_loop3A_243, %parallel_loop3A_244], %parallel_loop3A_247 {strides = array<i32>} : memref<128x64xf32, #tpu.memory_space<vmem>>, vector<1x16xf32>,
          %parallel_loop3A_248 = arith.constant 16 : i32
          %parallel_loop3A_249 = arith.muli %parallel_loop3A_161, %parallel_loop3A_248 : i32
          %parallel_loop3A_250 = arith.constant 1 : i32
          %parallel_loop3A_251 = arith.addi %parallel_loop3A_249, %parallel_loop3A_250 : i32
          %parallel_loop3A_252 = arith.index_cast %parallel_loop3A_251 : i32 to index
          %parallel_loop3A_253 = arith.constant 16 : index
          %parallel_loop3A_254 = tpu.vector_load %arg13[%parallel_loop3A_252, %parallel_loop3A_253] {strides = array<i32>} : memref<128x64xf32, #tpu.memory_space<vmem>>, vector<1x16xf32>,
          %parallel_loop3A_255 = vector.shape_cast %parallel_loop3A_254 : vector<1x16xf32> to vector<16xf32>
          %parallel_loop3A_256 = arith.mulf %parallel_loop3A_255, %parallel_loop3A_233 : vector<16xf32>
          %parallel_loop3A_257 = arith.index_cast %parallel_loop3A_251 : i32 to index
          %parallel_loop3A_258 = arith.constant 16 : index
          %parallel_loop3A_259 = tpu.vector_load %arg16[%parallel_loop3A_257, %parallel_loop3A_258] {strides = array<i32>} : memref<128x64xf32, #tpu.memory_space<vmem>>, vector<1x16xf32>,
          %parallel_loop3A_260 = vector.shape_cast %parallel_loop3A_259 : vector<1x16xf32> to vector<16xf32>
          %parallel_loop3A_261 = vector.shape_cast %parallel_loop3A_256 : vector<16xf32> to vector<1x16xf32>
          tpu.vector_store %arg16[%parallel_loop3A_257, %parallel_loop3A_258], %parallel_loop3A_261 {strides = array<i32>} : memref<128x64xf32, #tpu.memory_space<vmem>>, vector<1x16xf32>,
          %parallel_loop3A_262 = arith.constant 16 : i32
          %parallel_loop3A_263 = arith.muli %parallel_loop3A_161, %parallel_loop3A_262 : i32
          %parallel_loop3A_264 = arith.constant 1 : i32
          %parallel_loop3A_265 = arith.addi %parallel_loop3A_263, %parallel_loop3A_264 : i32
          %parallel_loop3A_266 = arith.index_cast %parallel_loop3A_265 : i32 to index
          %parallel_loop3A_267 = arith.constant 32 : index
          %parallel_loop3A_268 = tpu.vector_load %arg13[%parallel_loop3A_266, %parallel_loop3A_267] {strides = array<i32>} : memref<128x64xf32, #tpu.memory_space<vmem>>, vector<1x16xf32>,
          %parallel_loop3A_269 = vector.shape_cast %parallel_loop3A_268 : vector<1x16xf32> to vector<16xf32>
          %parallel_loop3A_270 = arith.mulf %parallel_loop3A_269, %parallel_loop3A_233 : vector<16xf32>
          %parallel_loop3A_271 = arith.index_cast %parallel_loop3A_265 : i32 to index
          %parallel_loop3A_272 = arith.constant 32 : index
          %parallel_loop3A_273 = tpu.vector_load %arg16[%parallel_loop3A_271, %parallel_loop3A_272] {strides = array<i32>} : memref<128x64xf32, #tpu.memory_space<vmem>>, vector<1x16xf32>,
          %parallel_loop3A_274 = vector.shape_cast %parallel_loop3A_273 : vector<1x16xf32> to vector<16xf32>
          %parallel_loop3A_275 = vector.shape_cast %parallel_loop3A_270 : vector<16xf32> to vector<1x16xf32>
          tpu.vector_store %arg16[%parallel_loop3A_271, %parallel_loop3A_272], %parallel_loop3A_275 {strides = array<i32>} : memref<128x64xf32, #tpu.memory_space<vmem>>, vector<1x16xf32>,
          %parallel_loop3A_276 = arith.constant 16 : i32
          %parallel_loop3A_277 = arith.muli %parallel_loop3A_161, %parallel_loop3A_276 : i32
          %parallel_loop3A_278 = arith.constant 1 : i32
          %parallel_loop3A_279 = arith.addi %parallel_loop3A_277, %parallel_loop3A_278 : i32
          %parallel_loop3A_280 = arith.index_cast %parallel_loop3A_279 : i32 to index
          %parallel_loop3A_281 = arith.constant 48 : index
          %parallel_loop3A_282 = tpu.vector_load %arg13[%parallel_loop3A_280, %parallel_loop3A_281] {strides = array<i32>} : memref<128x64xf32, #tpu.memory_space<vmem>>, vector<1x16xf32>,
          %parallel_loop3A_283 = vector.shape_cast %parallel_loop3A_282 : vector<1x16xf32> to vector<16xf32>
          %parallel_loop3A_284 = arith.mulf %parallel_loop3A_283, %parallel_loop3A_233 : vector<16xf32>
          %parallel_loop3A_285 = arith.index_cast %parallel_loop3A_279 : i32 to index
          %parallel_loop3A_286 = arith.constant 48 : index
          %parallel_loop3A_287 = tpu.vector_load %arg16[%parallel_loop3A_285, %parallel_loop3A_286] {strides = array<i32>} : memref<128x64xf32, #tpu.memory_space<vmem>>, vector<1x16xf32>,
          %parallel_loop3A_288 = vector.shape_cast %parallel_loop3A_287 : vector<1x16xf32> to vector<16xf32>
          %parallel_loop3A_289 = vector.shape_cast %parallel_loop3A_284 : vector<16xf32> to vector<1x16xf32>
          tpu.vector_store %arg16[%parallel_loop3A_285, %parallel_loop3A_286], %parallel_loop3A_289 {strides = array<i32>} : memref<128x64xf32, #tpu.memory_space<vmem>>, vector<1x16xf32>,
          %parallel_loop3A_290 = arith.constant 2 : i32
          %parallel_loop3A_291 = vector.broadcast %parallel_loop3A_290 : i32 to vector<16x1xi32>
          %parallel_loop3A_292 = vector.shape_cast %parallel_loop3A_291 : vector<16x1xi32> to vector<16xi32>
          %parallel_loop3A_293 = tpu.dynamic_gather %parallel_loop3A_169[%parallel_loop3A_292] in [0] : vector<16xf32>, vector<16xi32> -> vector<16xf32>
          %parallel_loop3A_294 = arith.constant 16 : i32
          %parallel_loop3A_295 = arith.muli %parallel_loop3A_161, %parallel_loop3A_294 : i32
          %parallel_loop3A_296 = arith.constant 2 : i32
          %parallel_loop3A_297 = arith.addi %parallel_loop3A_295, %parallel_loop3A_296 : i32
          %parallel_loop3A_298 = arith.index_cast %parallel_loop3A_297 : i32 to index
          %parallel_loop3A_299 = arith.constant 0 : index
          %parallel_loop3A_300 = tpu.vector_load %arg13[%parallel_loop3A_298, %parallel_loop3A_299] {strides = array<i32>} : memref<128x64xf32, #tpu.memory_space<vmem>>, vector<1x16xf32>,
          %parallel_loop3A_301 = vector.shape_cast %parallel_loop3A_300 : vector<1x16xf32> to vector<16xf32>
          %parallel_loop3A_302 = arith.mulf %parallel_loop3A_301, %parallel_loop3A_293 : vector<16xf32>
          %parallel_loop3A_303 = arith.index_cast %parallel_loop3A_297 : i32 to index
          %parallel_loop3A_304 = arith.constant 0 : index
          %parallel_loop3A_305 = tpu.vector_load %arg16[%parallel_loop3A_303, %parallel_loop3A_304] {strides = array<i32>} : memref<128x64xf32, #tpu.memory_space<vmem>>, vector<1x16xf32>,
          %parallel_loop3A_306 = vector.shape_cast %parallel_loop3A_305 : vector<1x16xf32> to vector<16xf32>
          %parallel_loop3A_307 = vector.shape_cast %parallel_loop3A_302 : vector<16xf32> to vector<1x16xf32>
          tpu.vector_store %arg16[%parallel_loop3A_303, %parallel_loop3A_304], %parallel_loop3A_307 {strides = array<i32>} : memref<128x64xf32, #tpu.memory_space<vmem>>, vector<1x16xf32>,
          %parallel_loop3A_308 = arith.constant 16 : i32
          %parallel_loop3A_309 = arith.muli %parallel_loop3A_161, %parallel_loop3A_308 : i32
          %parallel_loop3A_310 = arith.constant 2 : i32
          %parallel_loop3A_311 = arith.addi %parallel_loop3A_309, %parallel_loop3A_310 : i32
          %parallel_loop3A_312 = arith.index_cast %parallel_loop3A_311 : i32 to index
          %parallel_loop3A_313 = arith.constant 16 : index
          %parallel_loop3A_314 = tpu.vector_load %arg13[%parallel_loop3A_312, %parallel_loop3A_313] {strides = array<i32>} : memref<128x64xf32, #tpu.memory_space<vmem>>, vector<1x16xf32>,
          %parallel_loop3A_315 = vector.shape_cast %parallel_loop3A_314 : vector<1x16xf32> to vector<16xf32>
          %parallel_loop3A_316 = arith.mulf %parallel_loop3A_315, %parallel_loop3A_293 : vector<16xf32>
          %parallel_loop3A_317 = arith.index_cast %parallel_loop3A_311 : i32 to index
          %parallel_loop3A_318 = arith.constant 16 : index
          %parallel_loop3A_319 = tpu.vector_load %arg16[%parallel_loop3A_317, %parallel_loop3A_318] {strides = array<i32>} : memref<128x64xf32, #tpu.memory_space<vmem>>, vector<1x16xf32>,
          %parallel_loop3A_320 = vector.shape_cast %parallel_loop3A_319 : vector<1x16xf32> to vector<16xf32>
          %parallel_loop3A_321 = vector.shape_cast %parallel_loop3A_316 : vector<16xf32> to vector<1x16xf32>
          tpu.vector_store %arg16[%parallel_loop3A_317, %parallel_loop3A_318], %parallel_loop3A_321 {strides = array<i32>} : memref<128x64xf32, #tpu.memory_space<vmem>>, vector<1x16xf32>,
          %parallel_loop3A_322 = arith.constant 16 : i32
          %parallel_loop3A_323 = arith.muli %parallel_loop3A_161, %parallel_loop3A_322 : i32
          %parallel_loop3A_324 = arith.constant 2 : i32
          %parallel_loop3A_325 = arith.addi %parallel_loop3A_323, %parallel_loop3A_324 : i32
          %parallel_loop3A_326 = arith.index_cast %parallel_loop3A_325 : i32 to index
          %parallel_loop3A_327 = arith.constant 32 : index
          %parallel_loop3A_328 = tpu.vector_load %arg13[%parallel_loop3A_326, %parallel_loop3A_327] {strides = array<i32>} : memref<128x64xf32, #tpu.memory_space<vmem>>, vector<1x16xf32>,
          %parallel_loop3A_329 = vector.shape_cast %parallel_loop3A_328 : vector<1x16xf32> to vector<16xf32>
          %parallel_loop3A_330 = arith.mulf %parallel_loop3A_329, %parallel_loop3A_293 : vector<16xf32>
          %parallel_loop3A_331 = arith.index_cast %parallel_loop3A_325 : i32 to index
          %parallel_loop3A_332 = arith.constant 32 : index
          %parallel_loop3A_333 = tpu.vector_load %arg16[%parallel_loop3A_331, %parallel_loop3A_332] {strides = array<i32>} : memref<128x64xf32, #tpu.memory_space<vmem>>, vector<1x16xf32>,
          %parallel_loop3A_334 = vector.shape_cast %parallel_loop3A_333 : vector<1x16xf32> to vector<16xf32>
          %parallel_loop3A_335 = vector.shape_cast %parallel_loop3A_330 : vector<16xf32> to vector<1x16xf32>
          tpu.vector_store %arg16[%parallel_loop3A_331, %parallel_loop3A_332], %parallel_loop3A_335 {strides = array<i32>} : memref<128x64xf32, #tpu.memory_space<vmem>>, vector<1x16xf32>,
          %parallel_loop3A_336 = arith.constant 16 : i32
          %parallel_loop3A_337 = arith.muli %parallel_loop3A_161, %parallel_loop3A_336 : i32
          %parallel_loop3A_338 = arith.constant 2 : i32
          %parallel_loop3A_339 = arith.addi %parallel_loop3A_337, %parallel_loop3A_338 : i32
          %parallel_loop3A_340 = arith.index_cast %parallel_loop3A_339 : i32 to index
          %parallel_loop3A_341 = arith.constant 48 : index
          %parallel_loop3A_342 = tpu.vector_load %arg13[%parallel_loop3A_340, %parallel_loop3A_341] {strides = array<i32>} : memref<128x64xf32, #tpu.memory_space<vmem>>, vector<1x16xf32>,
          %parallel_loop3A_343 = vector.shape_cast %parallel_loop3A_342 : vector<1x16xf32> to vector<16xf32>
          %parallel_loop3A_344 = arith.mulf %parallel_loop3A_343, %parallel_loop3A_293 : vector<16xf32>
          %parallel_loop3A_345 = arith.index_cast %parallel_loop3A_339 : i32 to index
          %parallel_loop3A_346 = arith.constant 48 : index
          %parallel_loop3A_347 = tpu.vector_load %arg16[%parallel_loop3A_345, %parallel_loop3A_346] {strides = array<i32>} : memref<128x64xf32, #tpu.memory_space<vmem>>, vector<1x16xf32>,
          %parallel_loop3A_348 = vector.shape_cast %parallel_loop3A_347 : vector<1x16xf32> to vector<16xf32>
          %parallel_loop3A_349 = vector.shape_cast %parallel_loop3A_344 : vector<16xf32> to vector<1x16xf32>
          tpu.vector_store %arg16[%parallel_loop3A_345, %parallel_loop3A_346], %parallel_loop3A_349 {strides = array<i32>} : memref<128x64xf32, #tpu.memory_space<vmem>>, vector<1x16xf32>,
          %parallel_loop3A_350 = arith.constant 3 : i32
          %parallel_loop3A_351 = vector.broadcast %parallel_loop3A_350 : i32 to vector<16x1xi32>
          %parallel_loop3A_352 = vector.shape_cast %parallel_loop3A_351 : vector<16x1xi32> to vector<16xi32>
          %parallel_loop3A_353 = tpu.dynamic_gather %parallel_loop3A_169[%parallel_loop3A_352] in [0] : vector<16xf32>, vector<16xi32> -> vector<16xf32>
          %parallel_loop3A_354 = arith.constant 16 : i32
          %parallel_loop3A_355 = arith.muli %parallel_loop3A_161, %parallel_loop3A_354 : i32
          %parallel_loop3A_356 = arith.constant 3 : i32
          %parallel_loop3A_357 = arith.addi %parallel_loop3A_355, %parallel_loop3A_356 : i32
          %parallel_loop3A_358 = arith.index_cast %parallel_loop3A_357 : i32 to index
          %parallel_loop3A_359 = arith.constant 0 : index
          %parallel_loop3A_360 = tpu.vector_load %arg13[%parallel_loop3A_358, %parallel_loop3A_359] {strides = array<i32>} : memref<128x64xf32, #tpu.memory_space<vmem>>, vector<1x16xf32>,
          %parallel_loop3A_361 = vector.shape_cast %parallel_loop3A_360 : vector<1x16xf32> to vector<16xf32>
          %parallel_loop3A_362 = arith.mulf %parallel_loop3A_361, %parallel_loop3A_353 : vector<16xf32>
          %parallel_loop3A_363 = arith.index_cast %parallel_loop3A_357 : i32 to index
          %parallel_loop3A_364 = arith.constant 0 : index
          %parallel_loop3A_365 = tpu.vector_load %arg16[%parallel_loop3A_363, %parallel_loop3A_364] {strides = array<i32>} : memref<128x64xf32, #tpu.memory_space<vmem>>, vector<1x16xf32>,
          %parallel_loop3A_366 = vector.shape_cast %parallel_loop3A_365 : vector<1x16xf32> to vector<16xf32>
          %parallel_loop3A_367 = vector.shape_cast %parallel_loop3A_362 : vector<16xf32> to vector<1x16xf32>
          tpu.vector_store %arg16[%parallel_loop3A_363, %parallel_loop3A_364], %parallel_loop3A_367 {strides = array<i32>} : memref<128x64xf32, #tpu.memory_space<vmem>>, vector<1x16xf32>,
          %parallel_loop3A_368 = arith.constant 16 : i32
          %parallel_loop3A_369 = arith.muli %parallel_loop3A_161, %parallel_loop3A_368 : i32
          %parallel_loop3A_370 = arith.constant 3 : i32
          %parallel_loop3A_371 = arith.addi %parallel_loop3A_369, %parallel_loop3A_370 : i32
          %parallel_loop3A_372 = arith.index_cast %parallel_loop3A_371 : i32 to index
          %parallel_loop3A_373 = arith.constant 16 : index
          %parallel_loop3A_374 = tpu.vector_load %arg13[%parallel_loop3A_372, %parallel_loop3A_373] {strides = array<i32>} : memref<128x64xf32, #tpu.memory_space<vmem>>, vector<1x16xf32>,
          %parallel_loop3A_375 = vector.shape_cast %parallel_loop3A_374 : vector<1x16xf32> to vector<16xf32>
          %parallel_loop3A_376 = arith.mulf %parallel_loop3A_375, %parallel_loop3A_353 : vector<16xf32>
          %parallel_loop3A_377 = arith.index_cast %parallel_loop3A_371 : i32 to index
          %parallel_loop3A_378 = arith.constant 16 : index
          %parallel_loop3A_379 = tpu.vector_load %arg16[%parallel_loop3A_377, %parallel_loop3A_378] {strides = array<i32>} : memref<128x64xf32, #tpu.memory_space<vmem>>, vector<1x16xf32>,
          %parallel_loop3A_380 = vector.shape_cast %parallel_loop3A_379 : vector<1x16xf32> to vector<16xf32>
          %parallel_loop3A_381 = vector.shape_cast %parallel_loop3A_376 : vector<16xf32> to vector<1x16xf32>
          tpu.vector_store %arg16[%parallel_loop3A_377, %parallel_loop3A_378], %parallel_loop3A_381 {strides = array<i32>} : memref<128x64xf32, #tpu.memory_space<vmem>>, vector<1x16xf32>,
          %parallel_loop3A_382 = arith.constant 16 : i32
          %parallel_loop3A_383 = arith.muli %parallel_loop3A_161, %parallel_loop3A_382 : i32
          %parallel_loop3A_384 = arith.constant 3 : i32
          %parallel_loop3A_385 = arith.addi %parallel_loop3A_383, %parallel_loop3A_384 : i32
          %parallel_loop3A_386 = arith.index_cast %parallel_loop3A_385 : i32 to index
          %parallel_loop3A_387 = arith.constant 32 : index
          %parallel_loop3A_388 = tpu.vector_load %arg13[%parallel_loop3A_386, %parallel_loop3A_387] {strides = array<i32>} : memref<128x64xf32, #tpu.memory_space<vmem>>, vector<1x16xf32>,
          %parallel_loop3A_389 = vector.shape_cast %parallel_loop3A_388 : vector<1x16xf32> to vector<16xf32>
          %parallel_loop3A_390 = arith.mulf %parallel_loop3A_389, %parallel_loop3A_353 : vector<16xf32>
          %parallel_loop3A_391 = arith.index_cast %parallel_loop3A_385 : i32 to index
          %parallel_loop3A_392 = arith.constant 32 : index
          %parallel_loop3A_393 = tpu.vector_load %arg16[%parallel_loop3A_391, %parallel_loop3A_392] {strides = array<i32>} : memref<128x64xf32, #tpu.memory_space<vmem>>, vector<1x16xf32>,
          %parallel_loop3A_394 = vector.shape_cast %parallel_loop3A_393 : vector<1x16xf32> to vector<16xf32>
          %parallel_loop3A_395 = vector.shape_cast %parallel_loop3A_390 : vector<16xf32> to vector<1x16xf32>
          tpu.vector_store %arg16[%parallel_loop3A_391, %parallel_loop3A_392], %parallel_loop3A_395 {strides = array<i32>} : memref<128x64xf32, #tpu.memory_space<vmem>>, vector<1x16xf32>,
          %parallel_loop3A_396 = arith.constant 16 : i32
          %parallel_loop3A_397 = arith.muli %parallel_loop3A_161, %parallel_loop3A_396 : i32
          %parallel_loop3A_398 = arith.constant 3 : i32
          %parallel_loop3A_399 = arith.addi %parallel_loop3A_397, %parallel_loop3A_398 : i32
          %parallel_loop3A_400 = arith.index_cast %parallel_loop3A_399 : i32 to index
          %parallel_loop3A_401 = arith.constant 48 : index
          %parallel_loop3A_402 = tpu.vector_load %arg13[%parallel_loop3A_400, %parallel_loop3A_401] {strides = array<i32>} : memref<128x64xf32, #tpu.memory_space<vmem>>, vector<1x16xf32>,
          %parallel_loop3A_403 = vector.shape_cast %parallel_loop3A_402 : vector<1x16xf32> to vector<16xf32>
          %parallel_loop3A_404 = arith.mulf %parallel_loop3A_403, %parallel_loop3A_353 : vector<16xf32>
          %parallel_loop3A_405 = arith.index_cast %parallel_loop3A_399 : i32 to index
          %parallel_loop3A_406 = arith.constant 48 : index
          %parallel_loop3A_407 = tpu.vector_load %arg16[%parallel_loop3A_405, %parallel_loop3A_406] {strides = array<i32>} : memref<128x64xf32, #tpu.memory_space<vmem>>, vector<1x16xf32>,
          %parallel_loop3A_408 = vector.shape_cast %parallel_loop3A_407 : vector<1x16xf32> to vector<16xf32>
          %parallel_loop3A_409 = vector.shape_cast %parallel_loop3A_404 : vector<16xf32> to vector<1x16xf32>
          tpu.vector_store %arg16[%parallel_loop3A_405, %parallel_loop3A_406], %parallel_loop3A_409 {strides = array<i32>} : memref<128x64xf32, #tpu.memory_space<vmem>>, vector<1x16xf32>,
          %parallel_loop3A_410 = arith.constant 4 : i32
          %parallel_loop3A_411 = vector.broadcast %parallel_loop3A_410 : i32 to vector<16x1xi32>
          %parallel_loop3A_412 = vector.shape_cast %parallel_loop3A_411 : vector<16x1xi32> to vector<16xi32>
          %parallel_loop3A_413 = tpu.dynamic_gather %parallel_loop3A_169[%parallel_loop3A_412] in [0] : vector<16xf32>, vector<16xi32> -> vector<16xf32>
          %parallel_loop3A_414 = arith.constant 16 : i32
          %parallel_loop3A_415 = arith.muli %parallel_loop3A_161, %parallel_loop3A_414 : i32
          %parallel_loop3A_416 = arith.constant 4 : i32
          %parallel_loop3A_417 = arith.addi %parallel_loop3A_415, %parallel_loop3A_416 : i32
          %parallel_loop3A_418 = arith.index_cast %parallel_loop3A_417 : i32 to index
          %parallel_loop3A_419 = arith.constant 0 : index
          %parallel_loop3A_420 = tpu.vector_load %arg13[%parallel_loop3A_418, %parallel_loop3A_419] {strides = array<i32>} : memref<128x64xf32, #tpu.memory_space<vmem>>, vector<1x16xf32>,
          %parallel_loop3A_421 = vector.shape_cast %parallel_loop3A_420 : vector<1x16xf32> to vector<16xf32>
          %parallel_loop3A_422 = arith.mulf %parallel_loop3A_421, %parallel_loop3A_413 : vector<16xf32>
          %parallel_loop3A_423 = arith.index_cast %parallel_loop3A_417 : i32 to index
          %parallel_loop3A_424 = arith.constant 0 : index
          %parallel_loop3A_425 = tpu.vector_load %arg16[%parallel_loop3A_423, %parallel_loop3A_424] {strides = array<i32>} : memref<128x64xf32, #tpu.memory_space<vmem>>, vector<1x16xf32>,
          %parallel_loop3A_426 = vector.shape_cast %parallel_loop3A_425 : vector<1x16xf32> to vector<16xf32>
          %parallel_loop3A_427 = vector.shape_cast %parallel_loop3A_422 : vector<16xf32> to vector<1x16xf32>
          tpu.vector_store %arg16[%parallel_loop3A_423, %parallel_loop3A_424], %parallel_loop3A_427 {strides = array<i32>} : memref<128x64xf32, #tpu.memory_space<vmem>>, vector<1x16xf32>,
          %parallel_loop3A_428 = arith.constant 16 : i32
          %parallel_loop3A_429 = arith.muli %parallel_loop3A_161, %parallel_loop3A_428 : i32
          %parallel_loop3A_430 = arith.constant 4 : i32
          %parallel_loop3A_431 = arith.addi %parallel_loop3A_429, %parallel_loop3A_430 : i32
          %parallel_loop3A_432 = arith.index_cast %parallel_loop3A_431 : i32 to index
          %parallel_loop3A_433 = arith.constant 16 : index
          %parallel_loop3A_434 = tpu.vector_load %arg13[%parallel_loop3A_432, %parallel_loop3A_433] {strides = array<i32>} : memref<128x64xf32, #tpu.memory_space<vmem>>, vector<1x16xf32>,
          %parallel_loop3A_435 = vector.shape_cast %parallel_loop3A_434 : vector<1x16xf32> to vector<16xf32>
          %parallel_loop3A_436 = arith.mulf %parallel_loop3A_435, %parallel_loop3A_413 : vector<16xf32>
          %parallel_loop3A_437 = arith.index_cast %parallel_loop3A_431 : i32 to index
          %parallel_loop3A_438 = arith.constant 16 : index
          %parallel_loop3A_439 = tpu.vector_load %arg16[%parallel_loop3A_437, %parallel_loop3A_438] {strides = array<i32>} : memref<128x64xf32, #tpu.memory_space<vmem>>, vector<1x16xf32>,
          %parallel_loop3A_440 = vector.shape_cast %parallel_loop3A_439 : vector<1x16xf32> to vector<16xf32>
          %parallel_loop3A_441 = vector.shape_cast %parallel_loop3A_436 : vector<16xf32> to vector<1x16xf32>
          tpu.vector_store %arg16[%parallel_loop3A_437, %parallel_loop3A_438], %parallel_loop3A_441 {strides = array<i32>} : memref<128x64xf32, #tpu.memory_space<vmem>>, vector<1x16xf32>,
          %parallel_loop3A_442 = arith.constant 16 : i32
          %parallel_loop3A_443 = arith.muli %parallel_loop3A_161, %parallel_loop3A_442 : i32
          %parallel_loop3A_444 = arith.constant 4 : i32
          %parallel_loop3A_445 = arith.addi %parallel_loop3A_443, %parallel_loop3A_444 : i32
          %parallel_loop3A_446 = arith.index_cast %parallel_loop3A_445 : i32 to index
          %parallel_loop3A_447 = arith.constant 32 : index
          %parallel_loop3A_448 = tpu.vector_load %arg13[%parallel_loop3A_446, %parallel_loop3A_447] {strides = array<i32>} : memref<128x64xf32, #tpu.memory_space<vmem>>, vector<1x16xf32>,
          %parallel_loop3A_449 = vector.shape_cast %parallel_loop3A_448 : vector<1x16xf32> to vector<16xf32>
          %parallel_loop3A_450 = arith.mulf %parallel_loop3A_449, %parallel_loop3A_413 : vector<16xf32>
          %parallel_loop3A_451 = arith.index_cast %parallel_loop3A_445 : i32 to index
          %parallel_loop3A_452 = arith.constant 32 : index
          %parallel_loop3A_453 = tpu.vector_load %arg16[%parallel_loop3A_451, %parallel_loop3A_452] {strides = array<i32>} : memref<128x64xf32, #tpu.memory_space<vmem>>, vector<1x16xf32>,
          %parallel_loop3A_454 = vector.shape_cast %parallel_loop3A_453 : vector<1x16xf32> to vector<16xf32>
          %parallel_loop3A_455 = vector.shape_cast %parallel_loop3A_450 : vector<16xf32> to vector<1x16xf32>
          tpu.vector_store %arg16[%parallel_loop3A_451, %parallel_loop3A_452], %parallel_loop3A_455 {strides = array<i32>} : memref<128x64xf32, #tpu.memory_space<vmem>>, vector<1x16xf32>,
          %parallel_loop3A_456 = arith.constant 16 : i32
          %parallel_loop3A_457 = arith.muli %parallel_loop3A_161, %parallel_loop3A_456 : i32
          %parallel_loop3A_458 = arith.constant 4 : i32
          %parallel_loop3A_459 = arith.addi %parallel_loop3A_457, %parallel_loop3A_458 : i32
          %parallel_loop3A_460 = arith.index_cast %parallel_loop3A_459 : i32 to index
          %parallel_loop3A_461 = arith.constant 48 : index
          %parallel_loop3A_462 = tpu.vector_load %arg13[%parallel_loop3A_460, %parallel_loop3A_461] {strides = array<i32>} : memref<128x64xf32, #tpu.memory_space<vmem>>, vector<1x16xf32>,
          %parallel_loop3A_463 = vector.shape_cast %parallel_loop3A_462 : vector<1x16xf32> to vector<16xf32>
          %parallel_loop3A_464 = arith.mulf %parallel_loop3A_463, %parallel_loop3A_413 : vector<16xf32>
          %parallel_loop3A_465 = arith.index_cast %parallel_loop3A_459 : i32 to index
          %parallel_loop3A_466 = arith.constant 48 : index
          %parallel_loop3A_467 = tpu.vector_load %arg16[%parallel_loop3A_465, %parallel_loop3A_466] {strides = array<i32>} : memref<128x64xf32, #tpu.memory_space<vmem>>, vector<1x16xf32>,
          %parallel_loop3A_468 = vector.shape_cast %parallel_loop3A_467 : vector<1x16xf32> to vector<16xf32>
          %parallel_loop3A_469 = vector.shape_cast %parallel_loop3A_464 : vector<16xf32> to vector<1x16xf32>
          tpu.vector_store %arg16[%parallel_loop3A_465, %parallel_loop3A_466], %parallel_loop3A_469 {strides = array<i32>} : memref<128x64xf32, #tpu.memory_space<vmem>>, vector<1x16xf32>,
          %parallel_loop3A_470 = arith.constant 5 : i32
          %parallel_loop3A_471 = vector.broadcast %parallel_loop3A_470 : i32 to vector<16x1xi32>
          %parallel_loop3A_472 = vector.shape_cast %parallel_loop3A_471 : vector<16x1xi32> to vector<16xi32>
          %parallel_loop3A_473 = tpu.dynamic_gather %parallel_loop3A_169[%parallel_loop3A_472] in [0] : vector<16xf32>, vector<16xi32> -> vector<16xf32>
          %parallel_loop3A_474 = arith.constant 16 : i32
          %parallel_loop3A_475 = arith.muli %parallel_loop3A_161, %parallel_loop3A_474 : i32
          %parallel_loop3A_476 = arith.constant 5 : i32
          %parallel_loop3A_477 = arith.addi %parallel_loop3A_475, %parallel_loop3A_476 : i32
          %parallel_loop3A_478 = arith.index_cast %parallel_loop3A_477 : i32 to index
          %parallel_loop3A_479 = arith.constant 0 : index
          %parallel_loop3A_480 = tpu.vector_load %arg13[%parallel_loop3A_478, %parallel_loop3A_479] {strides = array<i32>} : memref<128x64xf32, #tpu.memory_space<vmem>>, vector<1x16xf32>,
          %parallel_loop3A_481 = vector.shape_cast %parallel_loop3A_480 : vector<1x16xf32> to vector<16xf32>
          %parallel_loop3A_482 = arith.mulf %parallel_loop3A_481, %parallel_loop3A_473 : vector<16xf32>
          %parallel_loop3A_483 = arith.index_cast %parallel_loop3A_477 : i32 to index
          %parallel_loop3A_484 = arith.constant 0 : index
          %parallel_loop3A_485 = tpu.vector_load %arg16[%parallel_loop3A_483, %parallel_loop3A_484] {strides = array<i32>} : memref<128x64xf32, #tpu.memory_space<vmem>>, vector<1x16xf32>,
          %parallel_loop3A_486 = vector.shape_cast %parallel_loop3A_485 : vector<1x16xf32> to vector<16xf32>
          %parallel_loop3A_487 = vector.shape_cast %parallel_loop3A_482 : vector<16xf32> to vector<1x16xf32>
          tpu.vector_store %arg16[%parallel_loop3A_483, %parallel_loop3A_484], %parallel_loop3A_487 {strides = array<i32>} : memref<128x64xf32, #tpu.memory_space<vmem>>, vector<1x16xf32>,
          %parallel_loop3A_488 = arith.constant 16 : i32
          %parallel_loop3A_489 = arith.muli %parallel_loop3A_161, %parallel_loop3A_488 : i32
          %parallel_loop3A_490 = arith.constant 5 : i32
          %parallel_loop3A_491 = arith.addi %parallel_loop3A_489, %parallel_loop3A_490 : i32
          %parallel_loop3A_492 = arith.index_cast %parallel_loop3A_491 : i32 to index
          %parallel_loop3A_493 = arith.constant 16 : index
          %parallel_loop3A_494 = tpu.vector_load %arg13[%parallel_loop3A_492, %parallel_loop3A_493] {strides = array<i32>} : memref<128x64xf32, #tpu.memory_space<vmem>>, vector<1x16xf32>,
          %parallel_loop3A_495 = vector.shape_cast %parallel_loop3A_494 : vector<1x16xf32> to vector<16xf32>
          %parallel_loop3A_496 = arith.mulf %parallel_loop3A_495, %parallel_loop3A_473 : vector<16xf32>
          %parallel_loop3A_497 = arith.index_cast %parallel_loop3A_491 : i32 to index
          %parallel_loop3A_498 = arith.constant 16 : index
          %parallel_loop3A_499 = tpu.vector_load %arg16[%parallel_loop3A_497, %parallel_loop3A_498] {strides = array<i32>} : memref<128x64xf32, #tpu.memory_space<vmem>>, vector<1x16xf32>,
          %parallel_loop3A_500 = vector.shape_cast %parallel_loop3A_499 : vector<1x16xf32> to vector<16xf32>
          %parallel_loop3A_501 = vector.shape_cast %parallel_loop3A_496 : vector<16xf32> to vector<1x16xf32>
          tpu.vector_store %arg16[%parallel_loop3A_497, %parallel_loop3A_498], %parallel_loop3A_501 {strides = array<i32>} : memref<128x64xf32, #tpu.memory_space<vmem>>, vector<1x16xf32>,
          %parallel_loop3A_502 = arith.constant 16 : i32
          %parallel_loop3A_503 = arith.muli %parallel_loop3A_161, %parallel_loop3A_502 : i32
          %parallel_loop3A_504 = arith.constant 5 : i32
          %parallel_loop3A_505 = arith.addi %parallel_loop3A_503, %parallel_loop3A_504 : i32
          %parallel_loop3A_506 = arith.index_cast %parallel_loop3A_505 : i32 to index
          %parallel_loop3A_507 = arith.constant 32 : index
          %parallel_loop3A_508 = tpu.vector_load %arg13[%parallel_loop3A_506, %parallel_loop3A_507] {strides = array<i32>} : memref<128x64xf32, #tpu.memory_space<vmem>>, vector<1x16xf32>,
          %parallel_loop3A_509 = vector.shape_cast %parallel_loop3A_508 : vector<1x16xf32> to vector<16xf32>
          %parallel_loop3A_510 = arith.mulf %parallel_loop3A_509, %parallel_loop3A_473 : vector<16xf32>
          %parallel_loop3A_511 = arith.index_cast %parallel_loop3A_505 : i32 to index
          %parallel_loop3A_512 = arith.constant 32 : index
          %parallel_loop3A_513 = tpu.vector_load %arg16[%parallel_loop3A_511, %parallel_loop3A_512] {strides = array<i32>} : memref<128x64xf32, #tpu.memory_space<vmem>>, vector<1x16xf32>,
          %parallel_loop3A_514 = vector.shape_cast %parallel_loop3A_513 : vector<1x16xf32> to vector<16xf32>
          %parallel_loop3A_515 = vector.shape_cast %parallel_loop3A_510 : vector<16xf32> to vector<1x16xf32>
          tpu.vector_store %arg16[%parallel_loop3A_511, %parallel_loop3A_512], %parallel_loop3A_515 {strides = array<i32>} : memref<128x64xf32, #tpu.memory_space<vmem>>, vector<1x16xf32>,
          %parallel_loop3A_516 = arith.constant 16 : i32
          %parallel_loop3A_517 = arith.muli %parallel_loop3A_161, %parallel_loop3A_516 : i32
          %parallel_loop3A_518 = arith.constant 5 : i32
          %parallel_loop3A_519 = arith.addi %parallel_loop3A_517, %parallel_loop3A_518 : i32
          %parallel_loop3A_520 = arith.index_cast %parallel_loop3A_519 : i32 to index
          %parallel_loop3A_521 = arith.constant 48 : index
          %parallel_loop3A_522 = tpu.vector_load %arg13[%parallel_loop3A_520, %parallel_loop3A_521] {strides = array<i32>} : memref<128x64xf32, #tpu.memory_space<vmem>>, vector<1x16xf32>,
          %parallel_loop3A_523 = vector.shape_cast %parallel_loop3A_522 : vector<1x16xf32> to vector<16xf32>
          %parallel_loop3A_524 = arith.mulf %parallel_loop3A_523, %parallel_loop3A_473 : vector<16xf32>
          %parallel_loop3A_525 = arith.index_cast %parallel_loop3A_519 : i32 to index
          %parallel_loop3A_526 = arith.constant 48 : index
          %parallel_loop3A_527 = tpu.vector_load %arg16[%parallel_loop3A_525, %parallel_loop3A_526] {strides = array<i32>} : memref<128x64xf32, #tpu.memory_space<vmem>>, vector<1x16xf32>,
          %parallel_loop3A_528 = vector.shape_cast %parallel_loop3A_527 : vector<1x16xf32> to vector<16xf32>
          %parallel_loop3A_529 = vector.shape_cast %parallel_loop3A_524 : vector<16xf32> to vector<1x16xf32>
          tpu.vector_store %arg16[%parallel_loop3A_525, %parallel_loop3A_526], %parallel_loop3A_529 {strides = array<i32>} : memref<128x64xf32, #tpu.memory_space<vmem>>, vector<1x16xf32>,
          %parallel_loop3A_530 = arith.constant 6 : i32
          %parallel_loop3A_531 = vector.broadcast %parallel_loop3A_530 : i32 to vector<16x1xi32>
          %parallel_loop3A_532 = vector.shape_cast %parallel_loop3A_531 : vector<16x1xi32> to vector<16xi32>
          %parallel_loop3A_533 = tpu.dynamic_gather %parallel_loop3A_169[%parallel_loop3A_532] in [0] : vector<16xf32>, vector<16xi32> -> vector<16xf32>
          %parallel_loop3A_534 = arith.constant 16 : i32
          %parallel_loop3A_535 = arith.muli %parallel_loop3A_161, %parallel_loop3A_534 : i32
          %parallel_loop3A_536 = arith.constant 6 : i32
          %parallel_loop3A_537 = arith.addi %parallel_loop3A_535, %parallel_loop3A_536 : i32
          %parallel_loop3A_538 = arith.index_cast %parallel_loop3A_537 : i32 to index
          %parallel_loop3A_539 = arith.constant 0 : index
          %parallel_loop3A_540 = tpu.vector_load %arg13[%parallel_loop3A_538, %parallel_loop3A_539] {strides = array<i32>} : memref<128x64xf32, #tpu.memory_space<vmem>>, vector<1x16xf32>,
          %parallel_loop3A_541 = vector.shape_cast %parallel_loop3A_540 : vector<1x16xf32> to vector<16xf32>
          %parallel_loop3A_542 = arith.mulf %parallel_loop3A_541, %parallel_loop3A_533 : vector<16xf32>
          %parallel_loop3A_543 = arith.index_cast %parallel_loop3A_537 : i32 to index
          %parallel_loop3A_544 = arith.constant 0 : index
          %parallel_loop3A_545 = tpu.vector_load %arg16[%parallel_loop3A_543, %parallel_loop3A_544] {strides = array<i32>} : memref<128x64xf32, #tpu.memory_space<vmem>>, vector<1x16xf32>,
          %parallel_loop3A_546 = vector.shape_cast %parallel_loop3A_545 : vector<1x16xf32> to vector<16xf32>
          %parallel_loop3A_547 = vector.shape_cast %parallel_loop3A_542 : vector<16xf32> to vector<1x16xf32>
          tpu.vector_store %arg16[%parallel_loop3A_543, %parallel_loop3A_544], %parallel_loop3A_547 {strides = array<i32>} : memref<128x64xf32, #tpu.memory_space<vmem>>, vector<1x16xf32>,
          %parallel_loop3A_548 = arith.constant 16 : i32
          %parallel_loop3A_549 = arith.muli %parallel_loop3A_161, %parallel_loop3A_548 : i32
          %parallel_loop3A_550 = arith.constant 6 : i32
          %parallel_loop3A_551 = arith.addi %parallel_loop3A_549, %parallel_loop3A_550 : i32
          %parallel_loop3A_552 = arith.index_cast %parallel_loop3A_551 : i32 to index
          %parallel_loop3A_553 = arith.constant 16 : index
          %parallel_loop3A_554 = tpu.vector_load %arg13[%parallel_loop3A_552, %parallel_loop3A_553] {strides = array<i32>} : memref<128x64xf32, #tpu.memory_space<vmem>>, vector<1x16xf32>,
          %parallel_loop3A_555 = vector.shape_cast %parallel_loop3A_554 : vector<1x16xf32> to vector<16xf32>
          %parallel_loop3A_556 = arith.mulf %parallel_loop3A_555, %parallel_loop3A_533 : vector<16xf32>
          %parallel_loop3A_557 = arith.index_cast %parallel_loop3A_551 : i32 to index
          %parallel_loop3A_558 = arith.constant 16 : index
          %parallel_loop3A_559 = tpu.vector_load %arg16[%parallel_loop3A_557, %parallel_loop3A_558] {strides = array<i32>} : memref<128x64xf32, #tpu.memory_space<vmem>>, vector<1x16xf32>,
          %parallel_loop3A_560 = vector.shape_cast %parallel_loop3A_559 : vector<1x16xf32> to vector<16xf32>
          %parallel_loop3A_561 = vector.shape_cast %parallel_loop3A_556 : vector<16xf32> to vector<1x16xf32>
          tpu.vector_store %arg16[%parallel_loop3A_557, %parallel_loop3A_558], %parallel_loop3A_561 {strides = array<i32>} : memref<128x64xf32, #tpu.memory_space<vmem>>, vector<1x16xf32>,
          %parallel_loop3A_562 = arith.constant 16 : i32
          %parallel_loop3A_563 = arith.muli %parallel_loop3A_161, %parallel_loop3A_562 : i32
          %parallel_loop3A_564 = arith.constant 6 : i32
          %parallel_loop3A_565 = arith.addi %parallel_loop3A_563, %parallel_loop3A_564 : i32
          %parallel_loop3A_566 = arith.index_cast %parallel_loop3A_565 : i32 to index
          %parallel_loop3A_567 = arith.constant 32 : index
          %parallel_loop3A_568 = tpu.vector_load %arg13[%parallel_loop3A_566, %parallel_loop3A_567] {strides = array<i32>} : memref<128x64xf32, #tpu.memory_space<vmem>>, vector<1x16xf32>,
          %parallel_loop3A_569 = vector.shape_cast %parallel_loop3A_568 : vector<1x16xf32> to vector<16xf32>
          %parallel_loop3A_570 = arith.mulf %parallel_loop3A_569, %parallel_loop3A_533 : vector<16xf32>
          %parallel_loop3A_571 = arith.index_cast %parallel_loop3A_565 : i32 to index
          %parallel_loop3A_572 = arith.constant 32 : index
          %parallel_loop3A_573 = tpu.vector_load %arg16[%parallel_loop3A_571, %parallel_loop3A_572] {strides = array<i32>} : memref<128x64xf32, #tpu.memory_space<vmem>>, vector<1x16xf32>,
          %parallel_loop3A_574 = vector.shape_cast %parallel_loop3A_573 : vector<1x16xf32> to vector<16xf32>
          %parallel_loop3A_575 = vector.shape_cast %parallel_loop3A_570 : vector<16xf32> to vector<1x16xf32>
          tpu.vector_store %arg16[%parallel_loop3A_571, %parallel_loop3A_572], %parallel_loop3A_575 {strides = array<i32>} : memref<128x64xf32, #tpu.memory_space<vmem>>, vector<1x16xf32>,
          %parallel_loop3A_576 = arith.constant 16 : i32
          %parallel_loop3A_577 = arith.muli %parallel_loop3A_161, %parallel_loop3A_576 : i32
          %parallel_loop3A_578 = arith.constant 6 : i32
          %parallel_loop3A_579 = arith.addi %parallel_loop3A_577, %parallel_loop3A_578 : i32
          %parallel_loop3A_580 = arith.index_cast %parallel_loop3A_579 : i32 to index
          %parallel_loop3A_581 = arith.constant 48 : index
          %parallel_loop3A_582 = tpu.vector_load %arg13[%parallel_loop3A_580, %parallel_loop3A_581] {strides = array<i32>} : memref<128x64xf32, #tpu.memory_space<vmem>>, vector<1x16xf32>,
          %parallel_loop3A_583 = vector.shape_cast %parallel_loop3A_582 : vector<1x16xf32> to vector<16xf32>
          %parallel_loop3A_584 = arith.mulf %parallel_loop3A_583, %parallel_loop3A_533 : vector<16xf32>
          %parallel_loop3A_585 = arith.index_cast %parallel_loop3A_579 : i32 to index
          %parallel_loop3A_586 = arith.constant 48 : index
          %parallel_loop3A_587 = tpu.vector_load %arg16[%parallel_loop3A_585, %parallel_loop3A_586] {strides = array<i32>} : memref<128x64xf32, #tpu.memory_space<vmem>>, vector<1x16xf32>,
          %parallel_loop3A_588 = vector.shape_cast %parallel_loop3A_587 : vector<1x16xf32> to vector<16xf32>
          %parallel_loop3A_589 = vector.shape_cast %parallel_loop3A_584 : vector<16xf32> to vector<1x16xf32>
          tpu.vector_store %arg16[%parallel_loop3A_585, %parallel_loop3A_586], %parallel_loop3A_589 {strides = array<i32>} : memref<128x64xf32, #tpu.memory_space<vmem>>, vector<1x16xf32>,
          %parallel_loop3A_590 = arith.constant 7 : i32
          %parallel_loop3A_591 = vector.broadcast %parallel_loop3A_590 : i32 to vector<16x1xi32>
          %parallel_loop3A_592 = vector.shape_cast %parallel_loop3A_591 : vector<16x1xi32> to vector<16xi32>
          %parallel_loop3A_593 = tpu.dynamic_gather %parallel_loop3A_169[%parallel_loop3A_592] in [0] : vector<16xf32>, vector<16xi32> -> vector<16xf32>
          %parallel_loop3A_594 = arith.constant 16 : i32
          %parallel_loop3A_595 = arith.muli %parallel_loop3A_161, %parallel_loop3A_594 : i32
          %parallel_loop3A_596 = arith.constant 7 : i32
          %parallel_loop3A_597 = arith.addi %parallel_loop3A_595, %parallel_loop3A_596 : i32
          %parallel_loop3A_598 = arith.index_cast %parallel_loop3A_597 : i32 to index
          %parallel_loop3A_599 = arith.constant 0 : index
          %parallel_loop3A_600 = tpu.vector_load %arg13[%parallel_loop3A_598, %parallel_loop3A_599] {strides = array<i32>} : memref<128x64xf32, #tpu.memory_space<vmem>>, vector<1x16xf32>,
          %parallel_loop3A_601 = vector.shape_cast %parallel_loop3A_600 : vector<1x16xf32> to vector<16xf32>
          %parallel_loop3A_602 = arith.mulf %parallel_loop3A_601, %parallel_loop3A_593 : vector<16xf32>
          %parallel_loop3A_603 = arith.index_cast %parallel_loop3A_597 : i32 to index
          %parallel_loop3A_604 = arith.constant 0 : index
          %parallel_loop3A_605 = tpu.vector_load %arg16[%parallel_loop3A_603, %parallel_loop3A_604] {strides = array<i32>} : memref<128x64xf32, #tpu.memory_space<vmem>>, vector<1x16xf32>,
          %parallel_loop3A_606 = vector.shape_cast %parallel_loop3A_605 : vector<1x16xf32> to vector<16xf32>
          %parallel_loop3A_607 = vector.shape_cast %parallel_loop3A_602 : vector<16xf32> to vector<1x16xf32>
          tpu.vector_store %arg16[%parallel_loop3A_603, %parallel_loop3A_604], %parallel_loop3A_607 {strides = array<i32>} : memref<128x64xf32, #tpu.memory_space<vmem>>, vector<1x16xf32>,
          %parallel_loop3A_608 = arith.constant 16 : i32
          %parallel_loop3A_609 = arith.muli %parallel_loop3A_161, %parallel_loop3A_608 : i32
          %parallel_loop3A_610 = arith.constant 7 : i32
          %parallel_loop3A_611 = arith.addi %parallel_loop3A_609, %parallel_loop3A_610 : i32
          %parallel_loop3A_612 = arith.index_cast %parallel_loop3A_611 : i32 to index
          %parallel_loop3A_613 = arith.constant 16 : index
          %parallel_loop3A_614 = tpu.vector_load %arg13[%parallel_loop3A_612, %parallel_loop3A_613] {strides = array<i32>} : memref<128x64xf32, #tpu.memory_space<vmem>>, vector<1x16xf32>,
          %parallel_loop3A_615 = vector.shape_cast %parallel_loop3A_614 : vector<1x16xf32> to vector<16xf32>
          %parallel_loop3A_616 = arith.mulf %parallel_loop3A_615, %parallel_loop3A_593 : vector<16xf32>
          %parallel_loop3A_617 = arith.index_cast %parallel_loop3A_611 : i32 to index
          %parallel_loop3A_618 = arith.constant 16 : index
          %parallel_loop3A_619 = tpu.vector_load %arg16[%parallel_loop3A_617, %parallel_loop3A_618] {strides = array<i32>} : memref<128x64xf32, #tpu.memory_space<vmem>>, vector<1x16xf32>,
          %parallel_loop3A_620 = vector.shape_cast %parallel_loop3A_619 : vector<1x16xf32> to vector<16xf32>
          %parallel_loop3A_621 = vector.shape_cast %parallel_loop3A_616 : vector<16xf32> to vector<1x16xf32>
          tpu.vector_store %arg16[%parallel_loop3A_617, %parallel_loop3A_618], %parallel_loop3A_621 {strides = array<i32>} : memref<128x64xf32, #tpu.memory_space<vmem>>, vector<1x16xf32>,
          %parallel_loop3A_622 = arith.constant 16 : i32
          %parallel_loop3A_623 = arith.muli %parallel_loop3A_161, %parallel_loop3A_622 : i32
          %parallel_loop3A_624 = arith.constant 7 : i32
          %parallel_loop3A_625 = arith.addi %parallel_loop3A_623, %parallel_loop3A_624 : i32
          %parallel_loop3A_626 = arith.index_cast %parallel_loop3A_625 : i32 to index
          %parallel_loop3A_627 = arith.constant 32 : index
          %parallel_loop3A_628 = tpu.vector_load %arg13[%parallel_loop3A_626, %parallel_loop3A_627] {strides = array<i32>} : memref<128x64xf32, #tpu.memory_space<vmem>>, vector<1x16xf32>,
          %parallel_loop3A_629 = vector.shape_cast %parallel_loop3A_628 : vector<1x16xf32> to vector<16xf32>
          %parallel_loop3A_630 = arith.mulf %parallel_loop3A_629, %parallel_loop3A_593 : vector<16xf32>
          %parallel_loop3A_631 = arith.index_cast %parallel_loop3A_625 : i32 to index
          %parallel_loop3A_632 = arith.constant 32 : index
          %parallel_loop3A_633 = tpu.vector_load %arg16[%parallel_loop3A_631, %parallel_loop3A_632] {strides = array<i32>} : memref<128x64xf32, #tpu.memory_space<vmem>>, vector<1x16xf32>,
          %parallel_loop3A_634 = vector.shape_cast %parallel_loop3A_633 : vector<1x16xf32> to vector<16xf32>
          %parallel_loop3A_635 = vector.shape_cast %parallel_loop3A_630 : vector<16xf32> to vector<1x16xf32>
          tpu.vector_store %arg16[%parallel_loop3A_631, %parallel_loop3A_632], %parallel_loop3A_635 {strides = array<i32>} : memref<128x64xf32, #tpu.memory_space<vmem>>, vector<1x16xf32>,
          %parallel_loop3A_636 = arith.constant 16 : i32
          %parallel_loop3A_637 = arith.muli %parallel_loop3A_161, %parallel_loop3A_636 : i32
          %parallel_loop3A_638 = arith.constant 7 : i32
          %parallel_loop3A_639 = arith.addi %parallel_loop3A_637, %parallel_loop3A_638 : i32
          %parallel_loop3A_640 = arith.index_cast %parallel_loop3A_639 : i32 to index
          %parallel_loop3A_641 = arith.constant 48 : index
          %parallel_loop3A_642 = tpu.vector_load %arg13[%parallel_loop3A_640, %parallel_loop3A_641] {strides = array<i32>} : memref<128x64xf32, #tpu.memory_space<vmem>>, vector<1x16xf32>,
          %parallel_loop3A_643 = vector.shape_cast %parallel_loop3A_642 : vector<1x16xf32> to vector<16xf32>
          %parallel_loop3A_644 = arith.mulf %parallel_loop3A_643, %parallel_loop3A_593 : vector<16xf32>
          %parallel_loop3A_645 = arith.index_cast %parallel_loop3A_639 : i32 to index
          %parallel_loop3A_646 = arith.constant 48 : index
          %parallel_loop3A_647 = tpu.vector_load %arg16[%parallel_loop3A_645, %parallel_loop3A_646] {strides = array<i32>} : memref<128x64xf32, #tpu.memory_space<vmem>>, vector<1x16xf32>,
          %parallel_loop3A_648 = vector.shape_cast %parallel_loop3A_647 : vector<1x16xf32> to vector<16xf32>
          %parallel_loop3A_649 = vector.shape_cast %parallel_loop3A_644 : vector<16xf32> to vector<1x16xf32>
          tpu.vector_store %arg16[%parallel_loop3A_645, %parallel_loop3A_646], %parallel_loop3A_649 {strides = array<i32>} : memref<128x64xf32, #tpu.memory_space<vmem>>, vector<1x16xf32>,
          %parallel_loop3A_650 = arith.constant 8 : i32
          %parallel_loop3A_651 = vector.broadcast %parallel_loop3A_650 : i32 to vector<16x1xi32>
          %parallel_loop3A_652 = vector.shape_cast %parallel_loop3A_651 : vector<16x1xi32> to vector<16xi32>
          %parallel_loop3A_653 = tpu.dynamic_gather %parallel_loop3A_169[%parallel_loop3A_652] in [0] : vector<16xf32>, vector<16xi32> -> vector<16xf32>
          %parallel_loop3A_654 = arith.constant 16 : i32
          %parallel_loop3A_655 = arith.muli %parallel_loop3A_161, %parallel_loop3A_654 : i32
          %parallel_loop3A_656 = arith.constant 8 : i32
          %parallel_loop3A_657 = arith.addi %parallel_loop3A_655, %parallel_loop3A_656 : i32
          %parallel_loop3A_658 = arith.index_cast %parallel_loop3A_657 : i32 to index
          %parallel_loop3A_659 = arith.constant 0 : index
          %parallel_loop3A_660 = tpu.vector_load %arg13[%parallel_loop3A_658, %parallel_loop3A_659] {strides = array<i32>} : memref<128x64xf32, #tpu.memory_space<vmem>>, vector<1x16xf32>,
          %parallel_loop3A_661 = vector.shape_cast %parallel_loop3A_660 : vector<1x16xf32> to vector<16xf32>
          %parallel_loop3A_662 = arith.mulf %parallel_loop3A_661, %parallel_loop3A_653 : vector<16xf32>
          %parallel_loop3A_663 = arith.index_cast %parallel_loop3A_657 : i32 to index
          %parallel_loop3A_664 = arith.constant 0 : index
          %parallel_loop3A_665 = tpu.vector_load %arg16[%parallel_loop3A_663, %parallel_loop3A_664] {strides = array<i32>} : memref<128x64xf32, #tpu.memory_space<vmem>>, vector<1x16xf32>,
          %parallel_loop3A_666 = vector.shape_cast %parallel_loop3A_665 : vector<1x16xf32> to vector<16xf32>
          %parallel_loop3A_667 = vector.shape_cast %parallel_loop3A_662 : vector<16xf32> to vector<1x16xf32>
          tpu.vector_store %arg16[%parallel_loop3A_663, %parallel_loop3A_664], %parallel_loop3A_667 {strides = array<i32>} : memref<128x64xf32, #tpu.memory_space<vmem>>, vector<1x16xf32>,
          %parallel_loop3A_668 = arith.constant 16 : i32
          %parallel_loop3A_669 = arith.muli %parallel_loop3A_161, %parallel_loop3A_668 : i32
          %parallel_loop3A_670 = arith.constant 8 : i32
          %parallel_loop3A_671 = arith.addi %parallel_loop3A_669, %parallel_loop3A_670 : i32
          %parallel_loop3A_672 = arith.index_cast %parallel_loop3A_671 : i32 to index
          %parallel_loop3A_673 = arith.constant 16 : index
          %parallel_loop3A_674 = tpu.vector_load %arg13[%parallel_loop3A_672, %parallel_loop3A_673] {strides = array<i32>} : memref<128x64xf32, #tpu.memory_space<vmem>>, vector<1x16xf32>,
          %parallel_loop3A_675 = vector.shape_cast %parallel_loop3A_674 : vector<1x16xf32> to vector<16xf32>
          %parallel_loop3A_676 = arith.mulf %parallel_loop3A_675, %parallel_loop3A_653 : vector<16xf32>
          %parallel_loop3A_677 = arith.index_cast %parallel_loop3A_671 : i32 to index
          %parallel_loop3A_678 = arith.constant 16 : index
          %parallel_loop3A_679 = tpu.vector_load %arg16[%parallel_loop3A_677, %parallel_loop3A_678] {strides = array<i32>} : memref<128x64xf32, #tpu.memory_space<vmem>>, vector<1x16xf32>,
          %parallel_loop3A_680 = vector.shape_cast %parallel_loop3A_679 : vector<1x16xf32> to vector<16xf32>
          %parallel_loop3A_681 = vector.shape_cast %parallel_loop3A_676 : vector<16xf32> to vector<1x16xf32>
          tpu.vector_store %arg16[%parallel_loop3A_677, %parallel_loop3A_678], %parallel_loop3A_681 {strides = array<i32>} : memref<128x64xf32, #tpu.memory_space<vmem>>, vector<1x16xf32>,
          %parallel_loop3A_682 = arith.constant 16 : i32
          %parallel_loop3A_683 = arith.muli %parallel_loop3A_161, %parallel_loop3A_682 : i32
          %parallel_loop3A_684 = arith.constant 8 : i32
          %parallel_loop3A_685 = arith.addi %parallel_loop3A_683, %parallel_loop3A_684 : i32
          %parallel_loop3A_686 = arith.index_cast %parallel_loop3A_685 : i32 to index
          %parallel_loop3A_687 = arith.constant 32 : index
          %parallel_loop3A_688 = tpu.vector_load %arg13[%parallel_loop3A_686, %parallel_loop3A_687] {strides = array<i32>} : memref<128x64xf32, #tpu.memory_space<vmem>>, vector<1x16xf32>,
          %parallel_loop3A_689 = vector.shape_cast %parallel_loop3A_688 : vector<1x16xf32> to vector<16xf32>
          %parallel_loop3A_690 = arith.mulf %parallel_loop3A_689, %parallel_loop3A_653 : vector<16xf32>
          %parallel_loop3A_691 = arith.index_cast %parallel_loop3A_685 : i32 to index
          %parallel_loop3A_692 = arith.constant 32 : index
          %parallel_loop3A_693 = tpu.vector_load %arg16[%parallel_loop3A_691, %parallel_loop3A_692] {strides = array<i32>} : memref<128x64xf32, #tpu.memory_space<vmem>>, vector<1x16xf32>,
          %parallel_loop3A_694 = vector.shape_cast %parallel_loop3A_693 : vector<1x16xf32> to vector<16xf32>
          %parallel_loop3A_695 = vector.shape_cast %parallel_loop3A_690 : vector<16xf32> to vector<1x16xf32>
          tpu.vector_store %arg16[%parallel_loop3A_691, %parallel_loop3A_692], %parallel_loop3A_695 {strides = array<i32>} : memref<128x64xf32, #tpu.memory_space<vmem>>, vector<1x16xf32>,
          %parallel_loop3A_696 = arith.constant 16 : i32
          %parallel_loop3A_697 = arith.muli %parallel_loop3A_161, %parallel_loop3A_696 : i32
          %parallel_loop3A_698 = arith.constant 8 : i32
          %parallel_loop3A_699 = arith.addi %parallel_loop3A_697, %parallel_loop3A_698 : i32
          %parallel_loop3A_700 = arith.index_cast %parallel_loop3A_699 : i32 to index
          %parallel_loop3A_701 = arith.constant 48 : index
          %parallel_loop3A_702 = tpu.vector_load %arg13[%parallel_loop3A_700, %parallel_loop3A_701] {strides = array<i32>} : memref<128x64xf32, #tpu.memory_space<vmem>>, vector<1x16xf32>,
          %parallel_loop3A_703 = vector.shape_cast %parallel_loop3A_702 : vector<1x16xf32> to vector<16xf32>
          %parallel_loop3A_704 = arith.mulf %parallel_loop3A_703, %parallel_loop3A_653 : vector<16xf32>
          %parallel_loop3A_705 = arith.index_cast %parallel_loop3A_699 : i32 to index
          %parallel_loop3A_706 = arith.constant 48 : index
          %parallel_loop3A_707 = tpu.vector_load %arg16[%parallel_loop3A_705, %parallel_loop3A_706] {strides = array<i32>} : memref<128x64xf32, #tpu.memory_space<vmem>>, vector<1x16xf32>,
          %parallel_loop3A_708 = vector.shape_cast %parallel_loop3A_707 : vector<1x16xf32> to vector<16xf32>
          %parallel_loop3A_709 = vector.shape_cast %parallel_loop3A_704 : vector<16xf32> to vector<1x16xf32>
          tpu.vector_store %arg16[%parallel_loop3A_705, %parallel_loop3A_706], %parallel_loop3A_709 {strides = array<i32>} : memref<128x64xf32, #tpu.memory_space<vmem>>, vector<1x16xf32>,
          %parallel_loop3A_710 = arith.constant 9 : i32
          %parallel_loop3A_711 = vector.broadcast %parallel_loop3A_710 : i32 to vector<16x1xi32>
          %parallel_loop3A_712 = vector.shape_cast %parallel_loop3A_711 : vector<16x1xi32> to vector<16xi32>
          %parallel_loop3A_713 = tpu.dynamic_gather %parallel_loop3A_169[%parallel_loop3A_712] in [0] : vector<16xf32>, vector<16xi32> -> vector<16xf32>
          %parallel_loop3A_714 = arith.constant 16 : i32
          %parallel_loop3A_715 = arith.muli %parallel_loop3A_161, %parallel_loop3A_714 : i32
          %parallel_loop3A_716 = arith.constant 9 : i32
          %parallel_loop3A_717 = arith.addi %parallel_loop3A_715, %parallel_loop3A_716 : i32
          %parallel_loop3A_718 = arith.index_cast %parallel_loop3A_717 : i32 to index
          %parallel_loop3A_719 = arith.constant 0 : index
          %parallel_loop3A_720 = tpu.vector_load %arg13[%parallel_loop3A_718, %parallel_loop3A_719] {strides = array<i32>} : memref<128x64xf32, #tpu.memory_space<vmem>>, vector<1x16xf32>,
          %parallel_loop3A_721 = vector.shape_cast %parallel_loop3A_720 : vector<1x16xf32> to vector<16xf32>
          %parallel_loop3A_722 = arith.mulf %parallel_loop3A_721, %parallel_loop3A_713 : vector<16xf32>
          %parallel_loop3A_723 = arith.index_cast %parallel_loop3A_717 : i32 to index
          %parallel_loop3A_724 = arith.constant 0 : index
          %parallel_loop3A_725 = tpu.vector_load %arg16[%parallel_loop3A_723, %parallel_loop3A_724] {strides = array<i32>} : memref<128x64xf32, #tpu.memory_space<vmem>>, vector<1x16xf32>,
          %parallel_loop3A_726 = vector.shape_cast %parallel_loop3A_725 : vector<1x16xf32> to vector<16xf32>
          %parallel_loop3A_727 = vector.shape_cast %parallel_loop3A_722 : vector<16xf32> to vector<1x16xf32>
          tpu.vector_store %arg16[%parallel_loop3A_723, %parallel_loop3A_724], %parallel_loop3A_727 {strides = array<i32>} : memref<128x64xf32, #tpu.memory_space<vmem>>, vector<1x16xf32>,
          %parallel_loop3A_728 = arith.constant 16 : i32
          %parallel_loop3A_729 = arith.muli %parallel_loop3A_161, %parallel_loop3A_728 : i32
          %parallel_loop3A_730 = arith.constant 9 : i32
          %parallel_loop3A_731 = arith.addi %parallel_loop3A_729, %parallel_loop3A_730 : i32
          %parallel_loop3A_732 = arith.index_cast %parallel_loop3A_731 : i32 to index
          %parallel_loop3A_733 = arith.constant 16 : index
          %parallel_loop3A_734 = tpu.vector_load %arg13[%parallel_loop3A_732, %parallel_loop3A_733] {strides = array<i32>} : memref<128x64xf32, #tpu.memory_space<vmem>>, vector<1x16xf32>,
          %parallel_loop3A_735 = vector.shape_cast %parallel_loop3A_734 : vector<1x16xf32> to vector<16xf32>
          %parallel_loop3A_736 = arith.mulf %parallel_loop3A_735, %parallel_loop3A_713 : vector<16xf32>
          %parallel_loop3A_737 = arith.index_cast %parallel_loop3A_731 : i32 to index
          %parallel_loop3A_738 = arith.constant 16 : index
          %parallel_loop3A_739 = tpu.vector_load %arg16[%parallel_loop3A_737, %parallel_loop3A_738] {strides = array<i32>} : memref<128x64xf32, #tpu.memory_space<vmem>>, vector<1x16xf32>,
          %parallel_loop3A_740 = vector.shape_cast %parallel_loop3A_739 : vector<1x16xf32> to vector<16xf32>
          %parallel_loop3A_741 = vector.shape_cast %parallel_loop3A_736 : vector<16xf32> to vector<1x16xf32>
          tpu.vector_store %arg16[%parallel_loop3A_737, %parallel_loop3A_738], %parallel_loop3A_741 {strides = array<i32>} : memref<128x64xf32, #tpu.memory_space<vmem>>, vector<1x16xf32>,
          %parallel_loop3A_742 = arith.constant 16 : i32
          %parallel_loop3A_743 = arith.muli %parallel_loop3A_161, %parallel_loop3A_742 : i32
          %parallel_loop3A_744 = arith.constant 9 : i32
          %parallel_loop3A_745 = arith.addi %parallel_loop3A_743, %parallel_loop3A_744 : i32
          %parallel_loop3A_746 = arith.index_cast %parallel_loop3A_745 : i32 to index
          %parallel_loop3A_747 = arith.constant 32 : index
          %parallel_loop3A_748 = tpu.vector_load %arg13[%parallel_loop3A_746, %parallel_loop3A_747] {strides = array<i32>} : memref<128x64xf32, #tpu.memory_space<vmem>>, vector<1x16xf32>,
          %parallel_loop3A_749 = vector.shape_cast %parallel_loop3A_748 : vector<1x16xf32> to vector<16xf32>
          %parallel_loop3A_750 = arith.mulf %parallel_loop3A_749, %parallel_loop3A_713 : vector<16xf32>
          %parallel_loop3A_751 = arith.index_cast %parallel_loop3A_745 : i32 to index
          %parallel_loop3A_752 = arith.constant 32 : index
          %parallel_loop3A_753 = tpu.vector_load %arg16[%parallel_loop3A_751, %parallel_loop3A_752] {strides = array<i32>} : memref<128x64xf32, #tpu.memory_space<vmem>>, vector<1x16xf32>,
          %parallel_loop3A_754 = vector.shape_cast %parallel_loop3A_753 : vector<1x16xf32> to vector<16xf32>
          %parallel_loop3A_755 = vector.shape_cast %parallel_loop3A_750 : vector<16xf32> to vector<1x16xf32>
          tpu.vector_store %arg16[%parallel_loop3A_751, %parallel_loop3A_752], %parallel_loop3A_755 {strides = array<i32>} : memref<128x64xf32, #tpu.memory_space<vmem>>, vector<1x16xf32>,
          %parallel_loop3A_756 = arith.constant 16 : i32
          %parallel_loop3A_757 = arith.muli %parallel_loop3A_161, %parallel_loop3A_756 : i32
          %parallel_loop3A_758 = arith.constant 9 : i32
          %parallel_loop3A_759 = arith.addi %parallel_loop3A_757, %parallel_loop3A_758 : i32
          %parallel_loop3A_760 = arith.index_cast %parallel_loop3A_759 : i32 to index
          %parallel_loop3A_761 = arith.constant 48 : index
          %parallel_loop3A_762 = tpu.vector_load %arg13[%parallel_loop3A_760, %parallel_loop3A_761] {strides = array<i32>} : memref<128x64xf32, #tpu.memory_space<vmem>>, vector<1x16xf32>,
          %parallel_loop3A_763 = vector.shape_cast %parallel_loop3A_762 : vector<1x16xf32> to vector<16xf32>
          %parallel_loop3A_764 = arith.mulf %parallel_loop3A_763, %parallel_loop3A_713 : vector<16xf32>
          %parallel_loop3A_765 = arith.index_cast %parallel_loop3A_759 : i32 to index
          %parallel_loop3A_766 = arith.constant 48 : index
          %parallel_loop3A_767 = tpu.vector_load %arg16[%parallel_loop3A_765, %parallel_loop3A_766] {strides = array<i32>} : memref<128x64xf32, #tpu.memory_space<vmem>>, vector<1x16xf32>,
          %parallel_loop3A_768 = vector.shape_cast %parallel_loop3A_767 : vector<1x16xf32> to vector<16xf32>
          %parallel_loop3A_769 = vector.shape_cast %parallel_loop3A_764 : vector<16xf32> to vector<1x16xf32>
          tpu.vector_store %arg16[%parallel_loop3A_765, %parallel_loop3A_766], %parallel_loop3A_769 {strides = array<i32>} : memref<128x64xf32, #tpu.memory_space<vmem>>, vector<1x16xf32>,
          %parallel_loop3A_770 = arith.constant 10 : i32
          %parallel_loop3A_771 = vector.broadcast %parallel_loop3A_770 : i32 to vector<16x1xi32>
          %parallel_loop3A_772 = vector.shape_cast %parallel_loop3A_771 : vector<16x1xi32> to vector<16xi32>
          %parallel_loop3A_773 = tpu.dynamic_gather %parallel_loop3A_169[%parallel_loop3A_772] in [0] : vector<16xf32>, vector<16xi32> -> vector<16xf32>
          %parallel_loop3A_774 = arith.constant 16 : i32
          %parallel_loop3A_775 = arith.muli %parallel_loop3A_161, %parallel_loop3A_774 : i32
          %parallel_loop3A_776 = arith.constant 10 : i32
          %parallel_loop3A_777 = arith.addi %parallel_loop3A_775, %parallel_loop3A_776 : i32
          %parallel_loop3A_778 = arith.index_cast %parallel_loop3A_777 : i32 to index
          %parallel_loop3A_779 = arith.constant 0 : index
          %parallel_loop3A_780 = tpu.vector_load %arg13[%parallel_loop3A_778, %parallel_loop3A_779] {strides = array<i32>} : memref<128x64xf32, #tpu.memory_space<vmem>>, vector<1x16xf32>,
          %parallel_loop3A_781 = vector.shape_cast %parallel_loop3A_780 : vector<1x16xf32> to vector<16xf32>
          %parallel_loop3A_782 = arith.mulf %parallel_loop3A_781, %parallel_loop3A_773 : vector<16xf32>
          %parallel_loop3A_783 = arith.index_cast %parallel_loop3A_777 : i32 to index
          %parallel_loop3A_784 = arith.constant 0 : index
          %parallel_loop3A_785 = tpu.vector_load %arg16[%parallel_loop3A_783, %parallel_loop3A_784] {strides = array<i32>} : memref<128x64xf32, #tpu.memory_space<vmem>>, vector<1x16xf32>,
          %parallel_loop3A_786 = vector.shape_cast %parallel_loop3A_785 : vector<1x16xf32> to vector<16xf32>
          %parallel_loop3A_787 = vector.shape_cast %parallel_loop3A_782 : vector<16xf32> to vector<1x16xf32>
          tpu.vector_store %arg16[%parallel_loop3A_783, %parallel_loop3A_784], %parallel_loop3A_787 {strides = array<i32>} : memref<128x64xf32, #tpu.memory_space<vmem>>, vector<1x16xf32>,
          %parallel_loop3A_788 = arith.constant 16 : i32
          %parallel_loop3A_789 = arith.muli %parallel_loop3A_161, %parallel_loop3A_788 : i32
          %parallel_loop3A_790 = arith.constant 10 : i32
          %parallel_loop3A_791 = arith.addi %parallel_loop3A_789, %parallel_loop3A_790 : i32
          %parallel_loop3A_792 = arith.index_cast %parallel_loop3A_791 : i32 to index
          %parallel_loop3A_793 = arith.constant 16 : index
          %parallel_loop3A_794 = tpu.vector_load %arg13[%parallel_loop3A_792, %parallel_loop3A_793] {strides = array<i32>} : memref<128x64xf32, #tpu.memory_space<vmem>>, vector<1x16xf32>,
          %parallel_loop3A_795 = vector.shape_cast %parallel_loop3A_794 : vector<1x16xf32> to vector<16xf32>
          %parallel_loop3A_796 = arith.mulf %parallel_loop3A_795, %parallel_loop3A_773 : vector<16xf32>
          %parallel_loop3A_797 = arith.index_cast %parallel_loop3A_791 : i32 to index
          %parallel_loop3A_798 = arith.constant 16 : index
          %parallel_loop3A_799 = tpu.vector_load %arg16[%parallel_loop3A_797, %parallel_loop3A_798] {strides = array<i32>} : memref<128x64xf32, #tpu.memory_space<vmem>>, vector<1x16xf32>,
          %parallel_loop3A_800 = vector.shape_cast %parallel_loop3A_799 : vector<1x16xf32> to vector<16xf32>
          %parallel_loop3A_801 = vector.shape_cast %parallel_loop3A_796 : vector<16xf32> to vector<1x16xf32>
          tpu.vector_store %arg16[%parallel_loop3A_797, %parallel_loop3A_798], %parallel_loop3A_801 {strides = array<i32>} : memref<128x64xf32, #tpu.memory_space<vmem>>, vector<1x16xf32>,
          %parallel_loop3A_802 = arith.constant 16 : i32
          %parallel_loop3A_803 = arith.muli %parallel_loop3A_161, %parallel_loop3A_802 : i32
          %parallel_loop3A_804 = arith.constant 10 : i32
          %parallel_loop3A_805 = arith.addi %parallel_loop3A_803, %parallel_loop3A_804 : i32
          %parallel_loop3A_806 = arith.index_cast %parallel_loop3A_805 : i32 to index
          %parallel_loop3A_807 = arith.constant 32 : index
          %parallel_loop3A_808 = tpu.vector_load %arg13[%parallel_loop3A_806, %parallel_loop3A_807] {strides = array<i32>} : memref<128x64xf32, #tpu.memory_space<vmem>>, vector<1x16xf32>,
          %parallel_loop3A_809 = vector.shape_cast %parallel_loop3A_808 : vector<1x16xf32> to vector<16xf32>
          %parallel_loop3A_810 = arith.mulf %parallel_loop3A_809, %parallel_loop3A_773 : vector<16xf32>
          %parallel_loop3A_811 = arith.index_cast %parallel_loop3A_805 : i32 to index
          %parallel_loop3A_812 = arith.constant 32 : index
          %parallel_loop3A_813 = tpu.vector_load %arg16[%parallel_loop3A_811, %parallel_loop3A_812] {strides = array<i32>} : memref<128x64xf32, #tpu.memory_space<vmem>>, vector<1x16xf32>,
          %parallel_loop3A_814 = vector.shape_cast %parallel_loop3A_813 : vector<1x16xf32> to vector<16xf32>
          %parallel_loop3A_815 = vector.shape_cast %parallel_loop3A_810 : vector<16xf32> to vector<1x16xf32>
          tpu.vector_store %arg16[%parallel_loop3A_811, %parallel_loop3A_812], %parallel_loop3A_815 {strides = array<i32>} : memref<128x64xf32, #tpu.memory_space<vmem>>, vector<1x16xf32>,
          %parallel_loop3A_816 = arith.constant 16 : i32
          %parallel_loop3A_817 = arith.muli %parallel_loop3A_161, %parallel_loop3A_816 : i32
          %parallel_loop3A_818 = arith.constant 10 : i32
          %parallel_loop3A_819 = arith.addi %parallel_loop3A_817, %parallel_loop3A_818 : i32
          %parallel_loop3A_820 = arith.index_cast %parallel_loop3A_819 : i32 to index
          %parallel_loop3A_821 = arith.constant 48 : index
          %parallel_loop3A_822 = tpu.vector_load %arg13[%parallel_loop3A_820, %parallel_loop3A_821] {strides = array<i32>} : memref<128x64xf32, #tpu.memory_space<vmem>>, vector<1x16xf32>,
          %parallel_loop3A_823 = vector.shape_cast %parallel_loop3A_822 : vector<1x16xf32> to vector<16xf32>
          %parallel_loop3A_824 = arith.mulf %parallel_loop3A_823, %parallel_loop3A_773 : vector<16xf32>
          %parallel_loop3A_825 = arith.index_cast %parallel_loop3A_819 : i32 to index
          %parallel_loop3A_826 = arith.constant 48 : index
          %parallel_loop3A_827 = tpu.vector_load %arg16[%parallel_loop3A_825, %parallel_loop3A_826] {strides = array<i32>} : memref<128x64xf32, #tpu.memory_space<vmem>>, vector<1x16xf32>,
          %parallel_loop3A_828 = vector.shape_cast %parallel_loop3A_827 : vector<1x16xf32> to vector<16xf32>
          %parallel_loop3A_829 = vector.shape_cast %parallel_loop3A_824 : vector<16xf32> to vector<1x16xf32>
          tpu.vector_store %arg16[%parallel_loop3A_825, %parallel_loop3A_826], %parallel_loop3A_829 {strides = array<i32>} : memref<128x64xf32, #tpu.memory_space<vmem>>, vector<1x16xf32>,
          %parallel_loop3A_830 = arith.constant 11 : i32
          %parallel_loop3A_831 = vector.broadcast %parallel_loop3A_830 : i32 to vector<16x1xi32>
          %parallel_loop3A_832 = vector.shape_cast %parallel_loop3A_831 : vector<16x1xi32> to vector<16xi32>
          %parallel_loop3A_833 = tpu.dynamic_gather %parallel_loop3A_169[%parallel_loop3A_832] in [0] : vector<16xf32>, vector<16xi32> -> vector<16xf32>
          %parallel_loop3A_834 = arith.constant 16 : i32
          %parallel_loop3A_835 = arith.muli %parallel_loop3A_161, %parallel_loop3A_834 : i32
          %parallel_loop3A_836 = arith.constant 11 : i32
          %parallel_loop3A_837 = arith.addi %parallel_loop3A_835, %parallel_loop3A_836 : i32
          %parallel_loop3A_838 = arith.index_cast %parallel_loop3A_837 : i32 to index
          %parallel_loop3A_839 = arith.constant 0 : index
          %parallel_loop3A_840 = tpu.vector_load %arg13[%parallel_loop3A_838, %parallel_loop3A_839] {strides = array<i32>} : memref<128x64xf32, #tpu.memory_space<vmem>>, vector<1x16xf32>,
          %parallel_loop3A_841 = vector.shape_cast %parallel_loop3A_840 : vector<1x16xf32> to vector<16xf32>
          %parallel_loop3A_842 = arith.mulf %parallel_loop3A_841, %parallel_loop3A_833 : vector<16xf32>
          %parallel_loop3A_843 = arith.index_cast %parallel_loop3A_837 : i32 to index
          %parallel_loop3A_844 = arith.constant 0 : index
          %parallel_loop3A_845 = tpu.vector_load %arg16[%parallel_loop3A_843, %parallel_loop3A_844] {strides = array<i32>} : memref<128x64xf32, #tpu.memory_space<vmem>>, vector<1x16xf32>,
          %parallel_loop3A_846 = vector.shape_cast %parallel_loop3A_845 : vector<1x16xf32> to vector<16xf32>
          %parallel_loop3A_847 = vector.shape_cast %parallel_loop3A_842 : vector<16xf32> to vector<1x16xf32>
          tpu.vector_store %arg16[%parallel_loop3A_843, %parallel_loop3A_844], %parallel_loop3A_847 {strides = array<i32>} : memref<128x64xf32, #tpu.memory_space<vmem>>, vector<1x16xf32>,
          %parallel_loop3A_848 = arith.constant 16 : i32
          %parallel_loop3A_849 = arith.muli %parallel_loop3A_161, %parallel_loop3A_848 : i32
          %parallel_loop3A_850 = arith.constant 11 : i32
          %parallel_loop3A_851 = arith.addi %parallel_loop3A_849, %parallel_loop3A_850 : i32
          %parallel_loop3A_852 = arith.index_cast %parallel_loop3A_851 : i32 to index
          %parallel_loop3A_853 = arith.constant 16 : index
          %parallel_loop3A_854 = tpu.vector_load %arg13[%parallel_loop3A_852, %parallel_loop3A_853] {strides = array<i32>} : memref<128x64xf32, #tpu.memory_space<vmem>>, vector<1x16xf32>,
          %parallel_loop3A_855 = vector.shape_cast %parallel_loop3A_854 : vector<1x16xf32> to vector<16xf32>
          %parallel_loop3A_856 = arith.mulf %parallel_loop3A_855, %parallel_loop3A_833 : vector<16xf32>
          %parallel_loop3A_857 = arith.index_cast %parallel_loop3A_851 : i32 to index
          %parallel_loop3A_858 = arith.constant 16 : index
          %parallel_loop3A_859 = tpu.vector_load %arg16[%parallel_loop3A_857, %parallel_loop3A_858] {strides = array<i32>} : memref<128x64xf32, #tpu.memory_space<vmem>>, vector<1x16xf32>,
          %parallel_loop3A_860 = vector.shape_cast %parallel_loop3A_859 : vector<1x16xf32> to vector<16xf32>
          %parallel_loop3A_861 = vector.shape_cast %parallel_loop3A_856 : vector<16xf32> to vector<1x16xf32>
          tpu.vector_store %arg16[%parallel_loop3A_857, %parallel_loop3A_858], %parallel_loop3A_861 {strides = array<i32>} : memref<128x64xf32, #tpu.memory_space<vmem>>, vector<1x16xf32>,
          %parallel_loop3A_862 = arith.constant 16 : i32
          %parallel_loop3A_863 = arith.muli %parallel_loop3A_161, %parallel_loop3A_862 : i32
          %parallel_loop3A_864 = arith.constant 11 : i32
          %parallel_loop3A_865 = arith.addi %parallel_loop3A_863, %parallel_loop3A_864 : i32
          %parallel_loop3A_866 = arith.index_cast %parallel_loop3A_865 : i32 to index
          %parallel_loop3A_867 = arith.constant 32 : index
          %parallel_loop3A_868 = tpu.vector_load %arg13[%parallel_loop3A_866, %parallel_loop3A_867] {strides = array<i32>} : memref<128x64xf32, #tpu.memory_space<vmem>>, vector<1x16xf32>,
          %parallel_loop3A_869 = vector.shape_cast %parallel_loop3A_868 : vector<1x16xf32> to vector<16xf32>
          %parallel_loop3A_870 = arith.mulf %parallel_loop3A_869, %parallel_loop3A_833 : vector<16xf32>
          %parallel_loop3A_871 = arith.index_cast %parallel_loop3A_865 : i32 to index
          %parallel_loop3A_872 = arith.constant 32 : index
          %parallel_loop3A_873 = tpu.vector_load %arg16[%parallel_loop3A_871, %parallel_loop3A_872] {strides = array<i32>} : memref<128x64xf32, #tpu.memory_space<vmem>>, vector<1x16xf32>,
          %parallel_loop3A_874 = vector.shape_cast %parallel_loop3A_873 : vector<1x16xf32> to vector<16xf32>
          %parallel_loop3A_875 = vector.shape_cast %parallel_loop3A_870 : vector<16xf32> to vector<1x16xf32>
          tpu.vector_store %arg16[%parallel_loop3A_871, %parallel_loop3A_872], %parallel_loop3A_875 {strides = array<i32>} : memref<128x64xf32, #tpu.memory_space<vmem>>, vector<1x16xf32>,
          %parallel_loop3A_876 = arith.constant 16 : i32
          %parallel_loop3A_877 = arith.muli %parallel_loop3A_161, %parallel_loop3A_876 : i32
          %parallel_loop3A_878 = arith.constant 11 : i32
          %parallel_loop3A_879 = arith.addi %parallel_loop3A_877, %parallel_loop3A_878 : i32
          %parallel_loop3A_880 = arith.index_cast %parallel_loop3A_879 : i32 to index
          %parallel_loop3A_881 = arith.constant 48 : index
          %parallel_loop3A_882 = tpu.vector_load %arg13[%parallel_loop3A_880, %parallel_loop3A_881] {strides = array<i32>} : memref<128x64xf32, #tpu.memory_space<vmem>>, vector<1x16xf32>,
          %parallel_loop3A_883 = vector.shape_cast %parallel_loop3A_882 : vector<1x16xf32> to vector<16xf32>
          %parallel_loop3A_884 = arith.mulf %parallel_loop3A_883, %parallel_loop3A_833 : vector<16xf32>
          %parallel_loop3A_885 = arith.index_cast %parallel_loop3A_879 : i32 to index
          %parallel_loop3A_886 = arith.constant 48 : index
          %parallel_loop3A_887 = tpu.vector_load %arg16[%parallel_loop3A_885, %parallel_loop3A_886] {strides = array<i32>} : memref<128x64xf32, #tpu.memory_space<vmem>>, vector<1x16xf32>,
          %parallel_loop3A_888 = vector.shape_cast %parallel_loop3A_887 : vector<1x16xf32> to vector<16xf32>
          %parallel_loop3A_889 = vector.shape_cast %parallel_loop3A_884 : vector<16xf32> to vector<1x16xf32>
          tpu.vector_store %arg16[%parallel_loop3A_885, %parallel_loop3A_886], %parallel_loop3A_889 {strides = array<i32>} : memref<128x64xf32, #tpu.memory_space<vmem>>, vector<1x16xf32>,
          %parallel_loop3A_890 = arith.constant 12 : i32
          %parallel_loop3A_891 = vector.broadcast %parallel_loop3A_890 : i32 to vector<16x1xi32>
          %parallel_loop3A_892 = vector.shape_cast %parallel_loop3A_891 : vector<16x1xi32> to vector<16xi32>
          %parallel_loop3A_893 = tpu.dynamic_gather %parallel_loop3A_169[%parallel_loop3A_892] in [0] : vector<16xf32>, vector<16xi32> -> vector<16xf32>
          %parallel_loop3A_894 = arith.constant 16 : i32
          %parallel_loop3A_895 = arith.muli %parallel_loop3A_161, %parallel_loop3A_894 : i32
          %parallel_loop3A_896 = arith.constant 12 : i32
          %parallel_loop3A_897 = arith.addi %parallel_loop3A_895, %parallel_loop3A_896 : i32
          %parallel_loop3A_898 = arith.index_cast %parallel_loop3A_897 : i32 to index
          %parallel_loop3A_899 = arith.constant 0 : index
          %parallel_loop3A_900 = tpu.vector_load %arg13[%parallel_loop3A_898, %parallel_loop3A_899] {strides = array<i32>} : memref<128x64xf32, #tpu.memory_space<vmem>>, vector<1x16xf32>,
          %parallel_loop3A_901 = vector.shape_cast %parallel_loop3A_900 : vector<1x16xf32> to vector<16xf32>
          %parallel_loop3A_902 = arith.mulf %parallel_loop3A_901, %parallel_loop3A_893 : vector<16xf32>
          %parallel_loop3A_903 = arith.index_cast %parallel_loop3A_897 : i32 to index
          %parallel_loop3A_904 = arith.constant 0 : index
          %parallel_loop3A_905 = tpu.vector_load %arg16[%parallel_loop3A_903, %parallel_loop3A_904] {strides = array<i32>} : memref<128x64xf32, #tpu.memory_space<vmem>>, vector<1x16xf32>,
          %parallel_loop3A_906 = vector.shape_cast %parallel_loop3A_905 : vector<1x16xf32> to vector<16xf32>
          %parallel_loop3A_907 = vector.shape_cast %parallel_loop3A_902 : vector<16xf32> to vector<1x16xf32>
          tpu.vector_store %arg16[%parallel_loop3A_903, %parallel_loop3A_904], %parallel_loop3A_907 {strides = array<i32>} : memref<128x64xf32, #tpu.memory_space<vmem>>, vector<1x16xf32>,
          %parallel_loop3A_908 = arith.constant 16 : i32
          %parallel_loop3A_909 = arith.muli %parallel_loop3A_161, %parallel_loop3A_908 : i32
          %parallel_loop3A_910 = arith.constant 12 : i32
          %parallel_loop3A_911 = arith.addi %parallel_loop3A_909, %parallel_loop3A_910 : i32
          %parallel_loop3A_912 = arith.index_cast %parallel_loop3A_911 : i32 to index
          %parallel_loop3A_913 = arith.constant 16 : index
          %parallel_loop3A_914 = tpu.vector_load %arg13[%parallel_loop3A_912, %parallel_loop3A_913] {strides = array<i32>} : memref<128x64xf32, #tpu.memory_space<vmem>>, vector<1x16xf32>,
          %parallel_loop3A_915 = vector.shape_cast %parallel_loop3A_914 : vector<1x16xf32> to vector<16xf32>
          %parallel_loop3A_916 = arith.mulf %parallel_loop3A_915, %parallel_loop3A_893 : vector<16xf32>
          %parallel_loop3A_917 = arith.index_cast %parallel_loop3A_911 : i32 to index
          %parallel_loop3A_918 = arith.constant 16 : index
          %parallel_loop3A_919 = tpu.vector_load %arg16[%parallel_loop3A_917, %parallel_loop3A_918] {strides = array<i32>} : memref<128x64xf32, #tpu.memory_space<vmem>>, vector<1x16xf32>,
          %parallel_loop3A_920 = vector.shape_cast %parallel_loop3A_919 : vector<1x16xf32> to vector<16xf32>
          %parallel_loop3A_921 = vector.shape_cast %parallel_loop3A_916 : vector<16xf32> to vector<1x16xf32>
          tpu.vector_store %arg16[%parallel_loop3A_917, %parallel_loop3A_918], %parallel_loop3A_921 {strides = array<i32>} : memref<128x64xf32, #tpu.memory_space<vmem>>, vector<1x16xf32>,
          %parallel_loop3A_922 = arith.constant 16 : i32
          %parallel_loop3A_923 = arith.muli %parallel_loop3A_161, %parallel_loop3A_922 : i32
          %parallel_loop3A_924 = arith.constant 12 : i32
          %parallel_loop3A_925 = arith.addi %parallel_loop3A_923, %parallel_loop3A_924 : i32
          %parallel_loop3A_926 = arith.index_cast %parallel_loop3A_925 : i32 to index
          %parallel_loop3A_927 = arith.constant 32 : index
          %parallel_loop3A_928 = tpu.vector_load %arg13[%parallel_loop3A_926, %parallel_loop3A_927] {strides = array<i32>} : memref<128x64xf32, #tpu.memory_space<vmem>>, vector<1x16xf32>,
          %parallel_loop3A_929 = vector.shape_cast %parallel_loop3A_928 : vector<1x16xf32> to vector<16xf32>
          %parallel_loop3A_930 = arith.mulf %parallel_loop3A_929, %parallel_loop3A_893 : vector<16xf32>
          %parallel_loop3A_931 = arith.index_cast %parallel_loop3A_925 : i32 to index
          %parallel_loop3A_932 = arith.constant 32 : index
          %parallel_loop3A_933 = tpu.vector_load %arg16[%parallel_loop3A_931, %parallel_loop3A_932] {strides = array<i32>} : memref<128x64xf32, #tpu.memory_space<vmem>>, vector<1x16xf32>,
          %parallel_loop3A_934 = vector.shape_cast %parallel_loop3A_933 : vector<1x16xf32> to vector<16xf32>
          %parallel_loop3A_935 = vector.shape_cast %parallel_loop3A_930 : vector<16xf32> to vector<1x16xf32>
          tpu.vector_store %arg16[%parallel_loop3A_931, %parallel_loop3A_932], %parallel_loop3A_935 {strides = array<i32>} : memref<128x64xf32, #tpu.memory_space<vmem>>, vector<1x16xf32>,
          %parallel_loop3A_936 = arith.constant 16 : i32
          %parallel_loop3A_937 = arith.muli %parallel_loop3A_161, %parallel_loop3A_936 : i32
          %parallel_loop3A_938 = arith.constant 12 : i32
          %parallel_loop3A_939 = arith.addi %parallel_loop3A_937, %parallel_loop3A_938 : i32
          %parallel_loop3A_940 = arith.index_cast %parallel_loop3A_939 : i32 to index
          %parallel_loop3A_941 = arith.constant 48 : index
          %parallel_loop3A_942 = tpu.vector_load %arg13[%parallel_loop3A_940, %parallel_loop3A_941] {strides = array<i32>} : memref<128x64xf32, #tpu.memory_space<vmem>>, vector<1x16xf32>,
          %parallel_loop3A_943 = vector.shape_cast %parallel_loop3A_942 : vector<1x16xf32> to vector<16xf32>
          %parallel_loop3A_944 = arith.mulf %parallel_loop3A_943, %parallel_loop3A_893 : vector<16xf32>
          %parallel_loop3A_945 = arith.index_cast %parallel_loop3A_939 : i32 to index
          %parallel_loop3A_946 = arith.constant 48 : index
          %parallel_loop3A_947 = tpu.vector_load %arg16[%parallel_loop3A_945, %parallel_loop3A_946] {strides = array<i32>} : memref<128x64xf32, #tpu.memory_space<vmem>>, vector<1x16xf32>,
          %parallel_loop3A_948 = vector.shape_cast %parallel_loop3A_947 : vector<1x16xf32> to vector<16xf32>
          %parallel_loop3A_949 = vector.shape_cast %parallel_loop3A_944 : vector<16xf32> to vector<1x16xf32>
          tpu.vector_store %arg16[%parallel_loop3A_945, %parallel_loop3A_946], %parallel_loop3A_949 {strides = array<i32>} : memref<128x64xf32, #tpu.memory_space<vmem>>, vector<1x16xf32>,
          %parallel_loop3A_950 = arith.constant 13 : i32
          %parallel_loop3A_951 = vector.broadcast %parallel_loop3A_950 : i32 to vector<16x1xi32>
          %parallel_loop3A_952 = vector.shape_cast %parallel_loop3A_951 : vector<16x1xi32> to vector<16xi32>
          %parallel_loop3A_953 = tpu.dynamic_gather %parallel_loop3A_169[%parallel_loop3A_952] in [0] : vector<16xf32>, vector<16xi32> -> vector<16xf32>
          %parallel_loop3A_954 = arith.constant 16 : i32
          %parallel_loop3A_955 = arith.muli %parallel_loop3A_161, %parallel_loop3A_954 : i32
          %parallel_loop3A_956 = arith.constant 13 : i32
          %parallel_loop3A_957 = arith.addi %parallel_loop3A_955, %parallel_loop3A_956 : i32
          %parallel_loop3A_958 = arith.index_cast %parallel_loop3A_957 : i32 to index
          %parallel_loop3A_959 = arith.constant 0 : index
          %parallel_loop3A_960 = tpu.vector_load %arg13[%parallel_loop3A_958, %parallel_loop3A_959] {strides = array<i32>} : memref<128x64xf32, #tpu.memory_space<vmem>>, vector<1x16xf32>,
          %parallel_loop3A_961 = vector.shape_cast %parallel_loop3A_960 : vector<1x16xf32> to vector<16xf32>
          %parallel_loop3A_962 = arith.mulf %parallel_loop3A_961, %parallel_loop3A_953 : vector<16xf32>
          %parallel_loop3A_963 = arith.index_cast %parallel_loop3A_957 : i32 to index
          %parallel_loop3A_964 = arith.constant 0 : index
          %parallel_loop3A_965 = tpu.vector_load %arg16[%parallel_loop3A_963, %parallel_loop3A_964] {strides = array<i32>} : memref<128x64xf32, #tpu.memory_space<vmem>>, vector<1x16xf32>,
          %parallel_loop3A_966 = vector.shape_cast %parallel_loop3A_965 : vector<1x16xf32> to vector<16xf32>
          %parallel_loop3A_967 = vector.shape_cast %parallel_loop3A_962 : vector<16xf32> to vector<1x16xf32>
          tpu.vector_store %arg16[%parallel_loop3A_963, %parallel_loop3A_964], %parallel_loop3A_967 {strides = array<i32>} : memref<128x64xf32, #tpu.memory_space<vmem>>, vector<1x16xf32>,
          %parallel_loop3A_968 = arith.constant 16 : i32
          %parallel_loop3A_969 = arith.muli %parallel_loop3A_161, %parallel_loop3A_968 : i32
          %parallel_loop3A_970 = arith.constant 13 : i32
          %parallel_loop3A_971 = arith.addi %parallel_loop3A_969, %parallel_loop3A_970 : i32
          %parallel_loop3A_972 = arith.index_cast %parallel_loop3A_971 : i32 to index
          %parallel_loop3A_973 = arith.constant 16 : index
          %parallel_loop3A_974 = tpu.vector_load %arg13[%parallel_loop3A_972, %parallel_loop3A_973] {strides = array<i32>} : memref<128x64xf32, #tpu.memory_space<vmem>>, vector<1x16xf32>,
          %parallel_loop3A_975 = vector.shape_cast %parallel_loop3A_974 : vector<1x16xf32> to vector<16xf32>
          %parallel_loop3A_976 = arith.mulf %parallel_loop3A_975, %parallel_loop3A_953 : vector<16xf32>
          %parallel_loop3A_977 = arith.index_cast %parallel_loop3A_971 : i32 to index
          %parallel_loop3A_978 = arith.constant 16 : index
          %parallel_loop3A_979 = tpu.vector_load %arg16[%parallel_loop3A_977, %parallel_loop3A_978] {strides = array<i32>} : memref<128x64xf32, #tpu.memory_space<vmem>>, vector<1x16xf32>,
          %parallel_loop3A_980 = vector.shape_cast %parallel_loop3A_979 : vector<1x16xf32> to vector<16xf32>
          %parallel_loop3A_981 = vector.shape_cast %parallel_loop3A_976 : vector<16xf32> to vector<1x16xf32>
          tpu.vector_store %arg16[%parallel_loop3A_977, %parallel_loop3A_978], %parallel_loop3A_981 {strides = array<i32>} : memref<128x64xf32, #tpu.memory_space<vmem>>, vector<1x16xf32>,
          %parallel_loop3A_982 = arith.constant 16 : i32
          %parallel_loop3A_983 = arith.muli %parallel_loop3A_161, %parallel_loop3A_982 : i32
          %parallel_loop3A_984 = arith.constant 13 : i32
          %parallel_loop3A_985 = arith.addi %parallel_loop3A_983, %parallel_loop3A_984 : i32
          %parallel_loop3A_986 = arith.index_cast %parallel_loop3A_985 : i32 to index
          %parallel_loop3A_987 = arith.constant 32 : index
          %parallel_loop3A_988 = tpu.vector_load %arg13[%parallel_loop3A_986, %parallel_loop3A_987] {strides = array<i32>} : memref<128x64xf32, #tpu.memory_space<vmem>>, vector<1x16xf32>,
          %parallel_loop3A_989 = vector.shape_cast %parallel_loop3A_988 : vector<1x16xf32> to vector<16xf32>
          %parallel_loop3A_990 = arith.mulf %parallel_loop3A_989, %parallel_loop3A_953 : vector<16xf32>
          %parallel_loop3A_991 = arith.index_cast %parallel_loop3A_985 : i32 to index
          %parallel_loop3A_992 = arith.constant 32 : index
          %parallel_loop3A_993 = tpu.vector_load %arg16[%parallel_loop3A_991, %parallel_loop3A_992] {strides = array<i32>} : memref<128x64xf32, #tpu.memory_space<vmem>>, vector<1x16xf32>,
          %parallel_loop3A_994 = vector.shape_cast %parallel_loop3A_993 : vector<1x16xf32> to vector<16xf32>
          %parallel_loop3A_995 = vector.shape_cast %parallel_loop3A_990 : vector<16xf32> to vector<1x16xf32>
          tpu.vector_store %arg16[%parallel_loop3A_991, %parallel_loop3A_992], %parallel_loop3A_995 {strides = array<i32>} : memref<128x64xf32, #tpu.memory_space<vmem>>, vector<1x16xf32>,
          %parallel_loop3A_996 = arith.constant 16 : i32
          %parallel_loop3A_997 = arith.muli %parallel_loop3A_161, %parallel_loop3A_996 : i32
          %parallel_loop3A_998 = arith.constant 13 : i32
          %parallel_loop3A_999 = arith.addi %parallel_loop3A_997, %parallel_loop3A_998 : i32
          %parallel_loop3A_1000 = arith.index_cast %parallel_loop3A_999 : i32 to index
          %parallel_loop3A_1001 = arith.constant 48 : index
          %parallel_loop3A_1002 = tpu.vector_load %arg13[%parallel_loop3A_1000, %parallel_loop3A_1001] {strides = array<i32>} : memref<128x64xf32, #tpu.memory_space<vmem>>, vector<1x16xf32>,
          %parallel_loop3A_1003 = vector.shape_cast %parallel_loop3A_1002 : vector<1x16xf32> to vector<16xf32>
          %parallel_loop3A_1004 = arith.mulf %parallel_loop3A_1003, %parallel_loop3A_953 : vector<16xf32>
          %parallel_loop3A_1005 = arith.index_cast %parallel_loop3A_999 : i32 to index
          %parallel_loop3A_1006 = arith.constant 48 : index
          %parallel_loop3A_1007 = tpu.vector_load %arg16[%parallel_loop3A_1005, %parallel_loop3A_1006] {strides = array<i32>} : memref<128x64xf32, #tpu.memory_space<vmem>>, vector<1x16xf32>,
          %parallel_loop3A_1008 = vector.shape_cast %parallel_loop3A_1007 : vector<1x16xf32> to vector<16xf32>
          %parallel_loop3A_1009 = vector.shape_cast %parallel_loop3A_1004 : vector<16xf32> to vector<1x16xf32>
          tpu.vector_store %arg16[%parallel_loop3A_1005, %parallel_loop3A_1006], %parallel_loop3A_1009 {strides = array<i32>} : memref<128x64xf32, #tpu.memory_space<vmem>>, vector<1x16xf32>,
          %parallel_loop3A_1010 = arith.constant 14 : i32
          %parallel_loop3A_1011 = vector.broadcast %parallel_loop3A_1010 : i32 to vector<16x1xi32>
          %parallel_loop3A_1012 = vector.shape_cast %parallel_loop3A_1011 : vector<16x1xi32> to vector<16xi32>
          %parallel_loop3A_1013 = tpu.dynamic_gather %parallel_loop3A_169[%parallel_loop3A_1012] in [0] : vector<16xf32>, vector<16xi32> -> vector<16xf32>
          %parallel_loop3A_1014 = arith.constant 16 : i32
          %parallel_loop3A_1015 = arith.muli %parallel_loop3A_161, %parallel_loop3A_1014 : i32
          %parallel_loop3A_1016 = arith.constant 14 : i32
          %parallel_loop3A_1017 = arith.addi %parallel_loop3A_1015, %parallel_loop3A_1016 : i32
          %parallel_loop3A_1018 = arith.index_cast %parallel_loop3A_1017 : i32 to index
          %parallel_loop3A_1019 = arith.constant 0 : index
          %parallel_loop3A_1020 = tpu.vector_load %arg13[%parallel_loop3A_1018, %parallel_loop3A_1019] {strides = array<i32>} : memref<128x64xf32, #tpu.memory_space<vmem>>, vector<1x16xf32>,
          %parallel_loop3A_1021 = vector.shape_cast %parallel_loop3A_1020 : vector<1x16xf32> to vector<16xf32>
          %parallel_loop3A_1022 = arith.mulf %parallel_loop3A_1021, %parallel_loop3A_1013 : vector<16xf32>
          %parallel_loop3A_1023 = arith.index_cast %parallel_loop3A_1017 : i32 to index
          %parallel_loop3A_1024 = arith.constant 0 : index
          %parallel_loop3A_1025 = tpu.vector_load %arg16[%parallel_loop3A_1023, %parallel_loop3A_1024] {strides = array<i32>} : memref<128x64xf32, #tpu.memory_space<vmem>>, vector<1x16xf32>,
          %parallel_loop3A_1026 = vector.shape_cast %parallel_loop3A_1025 : vector<1x16xf32> to vector<16xf32>
          %parallel_loop3A_1027 = vector.shape_cast %parallel_loop3A_1022 : vector<16xf32> to vector<1x16xf32>
          tpu.vector_store %arg16[%parallel_loop3A_1023, %parallel_loop3A_1024], %parallel_loop3A_1027 {strides = array<i32>} : memref<128x64xf32, #tpu.memory_space<vmem>>, vector<1x16xf32>,
          %parallel_loop3A_1028 = arith.constant 16 : i32
          %parallel_loop3A_1029 = arith.muli %parallel_loop3A_161, %parallel_loop3A_1028 : i32
          %parallel_loop3A_1030 = arith.constant 14 : i32
          %parallel_loop3A_1031 = arith.addi %parallel_loop3A_1029, %parallel_loop3A_1030 : i32
          %parallel_loop3A_1032 = arith.index_cast %parallel_loop3A_1031 : i32 to index
          %parallel_loop3A_1033 = arith.constant 16 : index
          %parallel_loop3A_1034 = tpu.vector_load %arg13[%parallel_loop3A_1032, %parallel_loop3A_1033] {strides = array<i32>} : memref<128x64xf32, #tpu.memory_space<vmem>>, vector<1x16xf32>,
          %parallel_loop3A_1035 = vector.shape_cast %parallel_loop3A_1034 : vector<1x16xf32> to vector<16xf32>
          %parallel_loop3A_1036 = arith.mulf %parallel_loop3A_1035, %parallel_loop3A_1013 : vector<16xf32>
          %parallel_loop3A_1037 = arith.index_cast %parallel_loop3A_1031 : i32 to index
          %parallel_loop3A_1038 = arith.constant 16 : index
          %parallel_loop3A_1039 = tpu.vector_load %arg16[%parallel_loop3A_1037, %parallel_loop3A_1038] {strides = array<i32>} : memref<128x64xf32, #tpu.memory_space<vmem>>, vector<1x16xf32>,
          %parallel_loop3A_1040 = vector.shape_cast %parallel_loop3A_1039 : vector<1x16xf32> to vector<16xf32>
          %parallel_loop3A_1041 = vector.shape_cast %parallel_loop3A_1036 : vector<16xf32> to vector<1x16xf32>
          tpu.vector_store %arg16[%parallel_loop3A_1037, %parallel_loop3A_1038], %parallel_loop3A_1041 {strides = array<i32>} : memref<128x64xf32, #tpu.memory_space<vmem>>, vector<1x16xf32>,
          %parallel_loop3A_1042 = arith.constant 16 : i32
          %parallel_loop3A_1043 = arith.muli %parallel_loop3A_161, %parallel_loop3A_1042 : i32
          %parallel_loop3A_1044 = arith.constant 14 : i32
          %parallel_loop3A_1045 = arith.addi %parallel_loop3A_1043, %parallel_loop3A_1044 : i32
          %parallel_loop3A_1046 = arith.index_cast %parallel_loop3A_1045 : i32 to index
          %parallel_loop3A_1047 = arith.constant 32 : index
          %parallel_loop3A_1048 = tpu.vector_load %arg13[%parallel_loop3A_1046, %parallel_loop3A_1047] {strides = array<i32>} : memref<128x64xf32, #tpu.memory_space<vmem>>, vector<1x16xf32>,
          %parallel_loop3A_1049 = vector.shape_cast %parallel_loop3A_1048 : vector<1x16xf32> to vector<16xf32>
          %parallel_loop3A_1050 = arith.mulf %parallel_loop3A_1049, %parallel_loop3A_1013 : vector<16xf32>
          %parallel_loop3A_1051 = arith.index_cast %parallel_loop3A_1045 : i32 to index
          %parallel_loop3A_1052 = arith.constant 32 : index
          %parallel_loop3A_1053 = tpu.vector_load %arg16[%parallel_loop3A_1051, %parallel_loop3A_1052] {strides = array<i32>} : memref<128x64xf32, #tpu.memory_space<vmem>>, vector<1x16xf32>,
          %parallel_loop3A_1054 = vector.shape_cast %parallel_loop3A_1053 : vector<1x16xf32> to vector<16xf32>
          %parallel_loop3A_1055 = vector.shape_cast %parallel_loop3A_1050 : vector<16xf32> to vector<1x16xf32>
          tpu.vector_store %arg16[%parallel_loop3A_1051, %parallel_loop3A_1052], %parallel_loop3A_1055 {strides = array<i32>} : memref<128x64xf32, #tpu.memory_space<vmem>>, vector<1x16xf32>,
          %parallel_loop3A_1056 = arith.constant 16 : i32
          %parallel_loop3A_1057 = arith.muli %parallel_loop3A_161, %parallel_loop3A_1056 : i32
          %parallel_loop3A_1058 = arith.constant 14 : i32
          %parallel_loop3A_1059 = arith.addi %parallel_loop3A_1057, %parallel_loop3A_1058 : i32
          %parallel_loop3A_1060 = arith.index_cast %parallel_loop3A_1059 : i32 to index
          %parallel_loop3A_1061 = arith.constant 48 : index
          %parallel_loop3A_1062 = tpu.vector_load %arg13[%parallel_loop3A_1060, %parallel_loop3A_1061] {strides = array<i32>} : memref<128x64xf32, #tpu.memory_space<vmem>>, vector<1x16xf32>,
          %parallel_loop3A_1063 = vector.shape_cast %parallel_loop3A_1062 : vector<1x16xf32> to vector<16xf32>
          %parallel_loop3A_1064 = arith.mulf %parallel_loop3A_1063, %parallel_loop3A_1013 : vector<16xf32>
          %parallel_loop3A_1065 = arith.index_cast %parallel_loop3A_1059 : i32 to index
          %parallel_loop3A_1066 = arith.constant 48 : index
          %parallel_loop3A_1067 = tpu.vector_load %arg16[%parallel_loop3A_1065, %parallel_loop3A_1066] {strides = array<i32>} : memref<128x64xf32, #tpu.memory_space<vmem>>, vector<1x16xf32>,
          %parallel_loop3A_1068 = vector.shape_cast %parallel_loop3A_1067 : vector<1x16xf32> to vector<16xf32>
          %parallel_loop3A_1069 = vector.shape_cast %parallel_loop3A_1064 : vector<16xf32> to vector<1x16xf32>
          tpu.vector_store %arg16[%parallel_loop3A_1065, %parallel_loop3A_1066], %parallel_loop3A_1069 {strides = array<i32>} : memref<128x64xf32, #tpu.memory_space<vmem>>, vector<1x16xf32>,
          %parallel_loop3A_1070 = arith.constant 15 : i32
          %parallel_loop3A_1071 = vector.broadcast %parallel_loop3A_1070 : i32 to vector<16x1xi32>
          %parallel_loop3A_1072 = vector.shape_cast %parallel_loop3A_1071 : vector<16x1xi32> to vector<16xi32>
          %parallel_loop3A_1073 = tpu.dynamic_gather %parallel_loop3A_169[%parallel_loop3A_1072] in [0] : vector<16xf32>, vector<16xi32> -> vector<16xf32>
          %parallel_loop3A_1074 = arith.constant 16 : i32
          %parallel_loop3A_1075 = arith.muli %parallel_loop3A_161, %parallel_loop3A_1074 : i32
          %parallel_loop3A_1076 = arith.constant 15 : i32
          %parallel_loop3A_1077 = arith.addi %parallel_loop3A_1075, %parallel_loop3A_1076 : i32
          %parallel_loop3A_1078 = arith.index_cast %parallel_loop3A_1077 : i32 to index
          %parallel_loop3A_1079 = arith.constant 0 : index
          %parallel_loop3A_1080 = tpu.vector_load %arg13[%parallel_loop3A_1078, %parallel_loop3A_1079] {strides = array<i32>} : memref<128x64xf32, #tpu.memory_space<vmem>>, vector<1x16xf32>,
          %parallel_loop3A_1081 = vector.shape_cast %parallel_loop3A_1080 : vector<1x16xf32> to vector<16xf32>
          %parallel_loop3A_1082 = arith.mulf %parallel_loop3A_1081, %parallel_loop3A_1073 : vector<16xf32>
          %parallel_loop3A_1083 = arith.index_cast %parallel_loop3A_1077 : i32 to index
          %parallel_loop3A_1084 = arith.constant 0 : index
          %parallel_loop3A_1085 = tpu.vector_load %arg16[%parallel_loop3A_1083, %parallel_loop3A_1084] {strides = array<i32>} : memref<128x64xf32, #tpu.memory_space<vmem>>, vector<1x16xf32>,
          %parallel_loop3A_1086 = vector.shape_cast %parallel_loop3A_1085 : vector<1x16xf32> to vector<16xf32>
          %parallel_loop3A_1087 = vector.shape_cast %parallel_loop3A_1082 : vector<16xf32> to vector<1x16xf32>
          tpu.vector_store %arg16[%parallel_loop3A_1083, %parallel_loop3A_1084], %parallel_loop3A_1087 {strides = array<i32>} : memref<128x64xf32, #tpu.memory_space<vmem>>, vector<1x16xf32>,
          %parallel_loop3A_1088 = arith.constant 16 : i32
          %parallel_loop3A_1089 = arith.muli %parallel_loop3A_161, %parallel_loop3A_1088 : i32
          %parallel_loop3A_1090 = arith.constant 15 : i32
          %parallel_loop3A_1091 = arith.addi %parallel_loop3A_1089, %parallel_loop3A_1090 : i32
          %parallel_loop3A_1092 = arith.index_cast %parallel_loop3A_1091 : i32 to index
          %parallel_loop3A_1093 = arith.constant 16 : index
          %parallel_loop3A_1094 = tpu.vector_load %arg13[%parallel_loop3A_1092, %parallel_loop3A_1093] {strides = array<i32>} : memref<128x64xf32, #tpu.memory_space<vmem>>, vector<1x16xf32>,
          %parallel_loop3A_1095 = vector.shape_cast %parallel_loop3A_1094 : vector<1x16xf32> to vector<16xf32>
          %parallel_loop3A_1096 = arith.mulf %parallel_loop3A_1095, %parallel_loop3A_1073 : vector<16xf32>
          %parallel_loop3A_1097 = arith.index_cast %parallel_loop3A_1091 : i32 to index
          %parallel_loop3A_1098 = arith.constant 16 : index
          %parallel_loop3A_1099 = tpu.vector_load %arg16[%parallel_loop3A_1097, %parallel_loop3A_1098] {strides = array<i32>} : memref<128x64xf32, #tpu.memory_space<vmem>>, vector<1x16xf32>,
          %parallel_loop3A_1100 = vector.shape_cast %parallel_loop3A_1099 : vector<1x16xf32> to vector<16xf32>
          %parallel_loop3A_1101 = vector.shape_cast %parallel_loop3A_1096 : vector<16xf32> to vector<1x16xf32>
          tpu.vector_store %arg16[%parallel_loop3A_1097, %parallel_loop3A_1098], %parallel_loop3A_1101 {strides = array<i32>} : memref<128x64xf32, #tpu.memory_space<vmem>>, vector<1x16xf32>,
          %parallel_loop3A_1102 = arith.constant 16 : i32
          %parallel_loop3A_1103 = arith.muli %parallel_loop3A_161, %parallel_loop3A_1102 : i32
          %parallel_loop3A_1104 = arith.constant 15 : i32
          %parallel_loop3A_1105 = arith.addi %parallel_loop3A_1103, %parallel_loop3A_1104 : i32
          %parallel_loop3A_1106 = arith.index_cast %parallel_loop3A_1105 : i32 to index
          %parallel_loop3A_1107 = arith.constant 32 : index
          %parallel_loop3A_1108 = tpu.vector_load %arg13[%parallel_loop3A_1106, %parallel_loop3A_1107] {strides = array<i32>} : memref<128x64xf32, #tpu.memory_space<vmem>>, vector<1x16xf32>,
          %parallel_loop3A_1109 = vector.shape_cast %parallel_loop3A_1108 : vector<1x16xf32> to vector<16xf32>
          %parallel_loop3A_1110 = arith.mulf %parallel_loop3A_1109, %parallel_loop3A_1073 : vector<16xf32>
          %parallel_loop3A_1111 = arith.index_cast %parallel_loop3A_1105 : i32 to index
          %parallel_loop3A_1112 = arith.constant 32 : index
          %parallel_loop3A_1113 = tpu.vector_load %arg16[%parallel_loop3A_1111, %parallel_loop3A_1112] {strides = array<i32>} : memref<128x64xf32, #tpu.memory_space<vmem>>, vector<1x16xf32>,
          %parallel_loop3A_1114 = vector.shape_cast %parallel_loop3A_1113 : vector<1x16xf32> to vector<16xf32>
          %parallel_loop3A_1115 = vector.shape_cast %parallel_loop3A_1110 : vector<16xf32> to vector<1x16xf32>
          tpu.vector_store %arg16[%parallel_loop3A_1111, %parallel_loop3A_1112], %parallel_loop3A_1115 {strides = array<i32>} : memref<128x64xf32, #tpu.memory_space<vmem>>, vector<1x16xf32>,
          %parallel_loop3A_1116 = arith.constant 16 : i32
          %parallel_loop3A_1117 = arith.muli %parallel_loop3A_161, %parallel_loop3A_1116 : i32
          %parallel_loop3A_1118 = arith.constant 15 : i32
          %parallel_loop3A_1119 = arith.addi %parallel_loop3A_1117, %parallel_loop3A_1118 : i32
          %parallel_loop3A_1120 = arith.index_cast %parallel_loop3A_1119 : i32 to index
          %parallel_loop3A_1121 = arith.constant 48 : index
          %parallel_loop3A_1122 = tpu.vector_load %arg13[%parallel_loop3A_1120, %parallel_loop3A_1121] {strides = array<i32>} : memref<128x64xf32, #tpu.memory_space<vmem>>, vector<1x16xf32>,
          %parallel_loop3A_1123 = vector.shape_cast %parallel_loop3A_1122 : vector<1x16xf32> to vector<16xf32>
          %parallel_loop3A_1124 = arith.mulf %parallel_loop3A_1123, %parallel_loop3A_1073 : vector<16xf32>
          %parallel_loop3A_1125 = arith.index_cast %parallel_loop3A_1119 : i32 to index
          %parallel_loop3A_1126 = arith.constant 48 : index
          %parallel_loop3A_1127 = tpu.vector_load %arg16[%parallel_loop3A_1125, %parallel_loop3A_1126] {strides = array<i32>} : memref<128x64xf32, #tpu.memory_space<vmem>>, vector<1x16xf32>,
          %parallel_loop3A_1128 = vector.shape_cast %parallel_loop3A_1127 : vector<1x16xf32> to vector<16xf32>
          %parallel_loop3A_1129 = vector.shape_cast %parallel_loop3A_1124 : vector<16xf32> to vector<1x16xf32>
          tpu.vector_store %arg16[%parallel_loop3A_1125, %parallel_loop3A_1126], %parallel_loop3A_1129 {strides = array<i32>} : memref<128x64xf32, #tpu.memory_space<vmem>>, vector<1x16xf32>,
        } {sc.loop_unroll_factor = 2 : i64, sc.parallel_access}
        %lt3A_150 = arith.constant 10 : i32
        %lt3A_151 = arith.cmpi slt, %add3A_78, %lt3A_150 : i32
        %convert_element_type3A_152 = arith.extui %lt3A_151 : i1 to i32
        %cond3A_153 = arith.constant 0 : i32
        %cond3A_154 = arith.cmpi ne, %convert_element_type3A_152, %cond3A_153 : i32
        scf.if %cond3A_154 {
          %add3A_161 = arith.constant 3 : i32
          %add3A_162 = arith.addi %add3A_135, %add3A_161 : i32
          %mul3A_163 = arith.constant 128 : i32
          %mul3A_164 = arith.muli %add3A_162, %mul3A_163 : i32
          %dma_start3A_165 = tpu.memref_slice %arg8[%mul3A_164] : memref<4224xi32, #tpu.memory_space<vmem>> -> memref<128xi32, #tpu.memory_space<vmem>>
          %dma_start3A_166 = arith.constant 0 : i32
          %dma_start3A_167 = arith.constant 0 : i32
          %dma_start3A_168 = tpu.memref_slice %arg5[%dma_start3A_166, %dma_start3A_167] : memref<16384x64xf32, #tpu.memory_space<hbm>> -> memref<16384x64xf32, #tpu.memory_space<hbm>>
          tpu.enqueue_indirect_dma source(%dma_start3A_168 : memref<16384x64xf32, #tpu.memory_space<hbm>>) target(%arg13 : memref<128x64xf32, #tpu.memory_space<vmem>>) offsets(%dma_start3A_165 : memref<128xi32, #tpu.memory_space<vmem>>) semaphore(%arg19 : memref<!tpu.dma_semaphore, #tpu.memory_space<semaphore_mem>>)
        } else {
        }
        %dma_start3A_155 = arith.constant 0 : i32
        %dma_start3A_156 = tpu.memref_slice %arg9[%add3A_135, %dma_start3A_155] : memref<33x128xi32, #tpu.memory_space<vmem>> -> memref<1x128xi32, #tpu.memory_space<vmem>>
        %dma_start3A_157 = tpu.memref_squeeze %dma_start3A_156 : memref<1x128xi32, #tpu.memory_space<vmem>> -> memref<128xi32, #tpu.memory_space<vmem>>
        %dma_start3A_158 = arith.constant 0 : i32
        %dma_start3A_159 = arith.constant 0 : i32
        %dma_start3A_160 = tpu.memref_slice %arg7[%dma_start3A_158, %dma_start3A_159] : memref<16384x64xf32, #tpu.memory_space<vmem_shared>> -> memref<16384x64xf32, #tpu.memory_space<vmem_shared>>
        tpu.enqueue_indirect_dma source(%arg16 : memref<128x64xf32, #tpu.memory_space<vmem>>) target(%dma_start3A_160 : memref<16384x64xf32, #tpu.memory_space<vmem_shared>>) offsets(%dma_start3A_157 : memref<128xi32, #tpu.memory_space<vmem>>) semaphore(%arg22 : memref<!tpu.dma_semaphore, #tpu.memory_space<semaphore_mem>>) {add = true}
      }
      %scan3A_56 = arith.constant 11 : i32
      %dma_wait3A = arith.constant 0 : i32
      %dma_wait3A_57 = arith.constant 0 : i32
      %dma_wait3A_58 = tpu.memref_slice %arg5[%dma_wait3A, %dma_wait3A_57] : memref<16384x64xf32, #tpu.memory_space<hbm>> -> memref<128x64xf32, #tpu.memory_space<hbm>>
      %dma_wait3A_59 = arith.constant 0 : i32
      %dma_wait3A_60 = arith.constant 0 : i32
      %dma_wait3A_61 = tpu.memref_slice %arg5[%dma_wait3A_59, %dma_wait3A_60] : memref<16384x64xf32, #tpu.memory_space<hbm>> -> memref<128x64xf32, #tpu.memory_space<hbm>>
      tpu.wait_dma2 semaphore(%arg20 : memref<!tpu.dma_semaphore, #tpu.memory_space<semaphore_mem>>) src(%dma_wait3A_61 : memref<128x64xf32, #tpu.memory_space<hbm>>) dst(%arg14 : memref<128x64xf32, #tpu.memory_space<vmem>>)
      %dma_wait3A_62 = arith.constant 0 : i32
      %dma_wait3A_63 = arith.constant 0 : i32
      %dma_wait3A_64 = tpu.memref_slice %arg5[%dma_wait3A_62, %dma_wait3A_63] : memref<16384x64xf32, #tpu.memory_space<hbm>> -> memref<128x64xf32, #tpu.memory_space<hbm>>
      %dma_wait3A_65 = arith.constant 0 : i32
      %dma_wait3A_66 = arith.constant 0 : i32
      %dma_wait3A_67 = tpu.memref_slice %arg5[%dma_wait3A_65, %dma_wait3A_66] : memref<16384x64xf32, #tpu.memory_space<hbm>> -> memref<128x64xf32, #tpu.memory_space<hbm>>
      tpu.wait_dma2 semaphore(%arg21 : memref<!tpu.dma_semaphore, #tpu.memory_space<semaphore_mem>>) src(%dma_wait3A_67 : memref<128x64xf32, #tpu.memory_space<hbm>>) dst(%arg15 : memref<128x64xf32, #tpu.memory_space<vmem>>)
      %dma_wait3A_68 = arith.constant 0 : i32
      %dma_wait3A_69 = arith.constant 0 : i32
      %dma_wait3A_70 = tpu.memref_slice %arg5[%dma_wait3A_68, %dma_wait3A_69] : memref<16384x64xf32, #tpu.memory_space<hbm>> -> memref<128x64xf32, #tpu.memory_space<hbm>>
      %dma_wait3A_71 = arith.constant 0 : i32
      %dma_wait3A_72 = arith.constant 0 : i32
      %dma_wait3A_73 = tpu.memref_slice %arg5[%dma_wait3A_71, %dma_wait3A_72] : memref<16384x64xf32, #tpu.memory_space<hbm>> -> memref<128x64xf32, #tpu.memory_space<hbm>>
      tpu.wait_dma2 semaphore(%arg22 : memref<!tpu.dma_semaphore, #tpu.memory_space<semaphore_mem>>) src(%dma_wait3A_73 : memref<128x64xf32, #tpu.memory_space<hbm>>) dst(%arg16 : memref<128x64xf32, #tpu.memory_space<vmem>>)
    }
    %scan3A_19 = arith.constant 2 : i32
    %barrier3A_20 = arith.constant 0 : index
    tpu.barrier barrier_id(%barrier3A_20)
    %mul3A_21 = arith.constant 1024 : i32
    %mul3A_22 = arith.muli %arg1, %mul3A_21 : i32
    %mul3A_23 = arith.constant 1024 : i32
    %mul3A_24 = arith.muli %arg1, %mul3A_23 : i32
    "tpu.region"() ({
      %run_scoped3A = tpu.sem_alloc : memref<!tpu.dma_semaphore, #tpu.memory_space<semaphore_mem>>
      %dma_start3A = arith.constant 0 : i32
      %dma_start3A_25 = tpu.memref_slice %arg6[%arg0, %mul3A_24, %dma_start3A] : memref<2x16384x64xf32, #tpu.memory_space<hbm>> -> memref<1x1024x64xf32, #tpu.memory_space<hbm>>
      %dma_start3A_26 = tpu.memref_squeeze %dma_start3A_25 : memref<1x1024x64xf32, #tpu.memory_space<hbm>> -> memref<1024x64xf32, #tpu.memory_space<hbm>>
      %dma_start3A_27 = arith.constant 0 : i32
      %dma_start3A_28 = tpu.memref_slice %arg7[%mul3A_22, %dma_start3A_27] : memref<16384x64xf32, #tpu.memory_space<vmem_shared>> -> memref<1024x64xf32, #tpu.memory_space<vmem_shared>>
      tpu.enqueue_dma source(%dma_start3A_28 : memref<1024x64xf32, #tpu.memory_space<vmem_shared>>) target(%dma_start3A_26 : memref<1024x64xf32, #tpu.memory_space<hbm>>) target_semaphore(%run_scoped3A : memref<!tpu.dma_semaphore, #tpu.memory_space<semaphore_mem>>)
      %dma_wait3A = arith.constant 0 : i32
      %dma_wait3A_29 = tpu.memref_slice %arg6[%arg0, %mul3A_24, %dma_wait3A] : memref<2x16384x64xf32, #tpu.memory_space<hbm>> -> memref<1x1024x64xf32, #tpu.memory_space<hbm>>
      %dma_wait3A_30 = tpu.memref_squeeze %dma_wait3A_29 : memref<1x1024x64xf32, #tpu.memory_space<hbm>> -> memref<1024x64xf32, #tpu.memory_space<hbm>>
      %dma_wait3A_31 = arith.constant 0 : i32
      %dma_wait3A_32 = tpu.memref_slice %arg7[%mul3A_22, %dma_wait3A_31] : memref<16384x64xf32, #tpu.memory_space<vmem_shared>> -> memref<1024x64xf32, #tpu.memory_space<vmem_shared>>
      tpu.wait_dma2 semaphore(%run_scoped3A : memref<!tpu.dma_semaphore, #tpu.memory_space<semaphore_mem>>) src(%dma_wait3A_32 : memref<1024x64xf32, #tpu.memory_space<vmem_shared>>) dst(%dma_wait3A_30 : memref<1024x64xf32, #tpu.memory_space<hbm>>)
      tpu.yield
    }) : () -> ()
    return
  }
}

module attributes {stable_mosaic.version = 14 : i64} {
  func.func @body(%arg0: i32, %arg1: memref<2x1024x128xf32, #tpu.memory_space<vmem>>, %arg2: memref<64x2048xf32, #tpu.memory_space<vmem>>) attributes {dimension_semantics = [#tpu.dimension_semantics<arbitrary>], iteration_bounds = array<i64: 8>, scalar_prefetch = 0 : i64, scratch_operands = 0 : i64, tpu.core_type = #tpu.core_type<tc>, window_params = [{transform_indices = @transform_0, window_bounds = array<i64: 2, 1024, 128>}, {transform_indices = @transform_1, window_bounds = array<i64: 64, 2048>}]} {
    %get3A = arith.constant 0 : index
    %get3A_0 = arith.constant 0 : index
    %get3A_1 = arith.constant 0 : index
    %get3A_2 = vector.load %arg1[%get3A, %get3A_0, %get3A_1] : memref<2x1024x128xf32, #tpu.memory_space<vmem>>, vector<1x1024x128xf32>
    %get3A_3 = vector.shape_cast %get3A_2 : vector<1x1024x128xf32> to vector<1024x128xf32>
    %get3A_4 = arith.constant 1 : index
    %get3A_5 = arith.constant 0 : index
    %get3A_6 = arith.constant 0 : index
    %get3A_7 = vector.load %arg1[%get3A_4, %get3A_5, %get3A_6] : memref<2x1024x128xf32, #tpu.memory_space<vmem>>, vector<1x1024x128xf32>
    %get3A_8 = vector.shape_cast %get3A_7 : vector<1x1024x128xf32> to vector<1024x128xf32>
    %add3A = arith.addf %get3A_3, %get3A_8 : vector<1024x128xf32>
    %slice3A = vector.extract_strided_slice %add3A {offsets = [0, 0], sizes = [1024, 64], strides = [1, 1]} : vector<1024x128xf32> to vector<1024x64xf32>
    %transpose3A = tpu.transpose %slice3A, [1, 0] : vector<1024x64xf32> -> vector<64x1024xf32>
    %swap3A = arith.constant 0 : index
    %swap3A_9 = arith.constant 0 : index
    %swap3A_10 = vector.load %arg2[%swap3A, %swap3A_9] : memref<64x2048xf32, #tpu.memory_space<vmem>>, vector<64x1024xf32>
    tpu.vector_store %arg2[%swap3A, %swap3A_9], %transpose3A {strides = array<i32>} : memref<64x2048xf32, #tpu.memory_space<vmem>>, vector<64x1024xf32>,
    %slice3A_11 = vector.extract_strided_slice %add3A {offsets = [0, 64], sizes = [1024, 64], strides = [1, 1]} : vector<1024x128xf32> to vector<1024x64xf32>
    %transpose3A_12 = tpu.transpose %slice3A_11, [1, 0] : vector<1024x64xf32> -> vector<64x1024xf32>
    %swap3A_13 = arith.constant 0 : index
    %swap3A_14 = arith.constant 1024 : index
    %swap3A_15 = vector.load %arg2[%swap3A_13, %swap3A_14] : memref<64x2048xf32, #tpu.memory_space<vmem>>, vector<64x1024xf32>
    tpu.vector_store %arg2[%swap3A_13, %swap3A_14], %transpose3A_12 {strides = array<i32>} : memref<64x2048xf32, #tpu.memory_space<vmem>>, vector<64x1024xf32>,
    return
  }
  func.func @transform_0(%arg0: i32) -> (i32, i32, i32) {
    %c0_i32 = arith.constant 0 : i32
    %c0_i32_0 = arith.constant 0 : i32
    %c0_i32_1 = arith.constant 0 : i32
    return %c0_i32, %arg0, %c0_i32_0 : i32, i32, i32
  }
  func.func @transform_1(%arg0: i32) -> (i32, i32) {
    %c0_i32 = arith.constant 0 : i32
    %c0_i32_0 = arith.constant 0 : i32
    return %c0_i32, %arg0 : i32, i32
  }
}

</mosaic_0001>

<sc_bundles>
// kernel: kernel.4.cloned.1.call-start
scs
__scs_entry_jumppad:
0x0: {  	(pc) =	sbr.rel $0x88, $3  }
0x1: {  	(tag) =	ssettag $0x0;
	lr =	simm.s32 $0x1  }
0x2: {  	[smem:$0x3F9D] =	sst lr;
	_ =	strace $0xD0000000  }
0x3: {  	_ = 	snop  }
0x4: {  	_ = 	snop  }
0x5: {  	_ = 	snop  }
0x6: {  	_ = 	snop  }
0x7: {  	_ = 	snop  }
__scs_overlays_trampoline_lowered:
0x8: {  	[smem:$0x3FAC] =	sst s0  }
0x9: {  	[smem:$0x3FAD] =	sst s1  }
0xa: {  	[smem:$0x3FAE] =	sst s2  }
0xb: {  	[smem:$0x3FAF] =	sst s3  }
0xc: {  	[smem:$0x3FB0] =	sst s4  }
0xd: {  	[smem:$0x3FB1] =	sst s5  }
0xe: {  	[smem:$0x3FB2] =	sst s6  }
0xf: {  	[smem:$0x3FB3] =	sst s7  }
0x10: {  	[smem:$0x3FB4] =	sst s8  }
0x11: {  	[smem:$0x3FB5] =	sst s9;
	s0 =	simm.s32 @!p0 $0x0  }
0x12: {  	s1 =	sld [smem:$0x3F9B];
	s0 =	simm.s32 @p0 $0x1  }
0x13: {  	[smem:$0x3FB6] =	sst s0;
	s0 =	simm.s32 @!p1 $0x0  }
0x14: {  	s2 =	sld [smem:$0x3F9A];
	s0 =	simm.s32 @p1 $0x1  }
0x15: {  	[smem:$0x3FB7] =	sst s0;
	s0 =	simm.s32 @!p2 $0x0  }
0x16: {  	s3 =	sld [smem:$0x3FDB];
	s0 =	simm.s32 @p2 $0x1  }
0x17: {  	s4 =	simm.s32 $0x1BF5;
	[smem:$0x3FB9] =	sst s0  }
0x18: {  	s0 =	sld [smem:$0x3F9C];
	_ =	swait.ge [sflag:s4], $0x0  }
0x19: {  	s7 =	sld [smem:$0x3F9D]  }
0x1a: {  	s8 =	sadd.s32 $0xFFFFE003, lr  }
0x1b: {  	s9 =	sadd.s32 $0xFFFFFEF7, lr;
	s5 =	simm.s32 $0xFFFFFFFF;
	p2 =	slt.u32 s8, $0xFFFFF086  }
0x1c: {  	p1 =	slt.u32 s9, $0xF7A;
	s5 =	simm.s32 @!p2 $0x0  }
0x1d: {  	s5 =	simm.s32 @p1 $0x1;
	p0 =	seq.s32 s7, s2  }
0x1e: {  	s7 =	smul.u32 @!p0 $0xF7A, s2;
	p2 =	seq.s32 @!p0 s5, $0x0  }
0x1f: {  	s9 =	smul.u32 $0xF7A, s1;
	s8 =	simm.s32 @!p0 $0x1BF5;
	p2 =	por !p2, p0  }
0x20: {  	[sflag:s8] =	ssyncset.s32 @!p0 $0xFFFFF086;
	s6 =	sadd.s32 @!p0 s3, s7;
	s7 =	simm.s32 @!p0 $0x108  }
0x21: {  	s3 =	sadd.s32 s3, s9;
	s6 =	sadd.s32 @!p0 $0x88, s6;
	s7 =	simm.s32 @p2 $0x1082  }
0x22: {  	[simem:s7], [sflag:s8] =	dma.local @!p0 [hbm:s6], $0xF7A  }
0x23: {  	s9 =	sor.u32 $0xD0000000, s2;
	s6 =	simm.s32 $0x108;
	_ =	swait.ge @!p0 [sflag:s8], $0x0  }
0x24: {  	s3 =	sadd.s32 $0x88, s3;
	s6 =	simm.s32 @!p1 $0x1082;
	[sflag:s4] =	ssyncset.s32 $0xFFFFF086  }
0x25: {  	[simem:s6], [sflag:s4] =	dma.local [hbm:s3], $0xF7A  }
0x26: {  	[smem:$0x3F9D] =	sst s1;
	(tag) =	ssettag s2;
	_ =	strace s9  }
0x27: {  	s1 =	sld [smem:$0x3FAD]  }
0x28: {  	s2 =	sld [smem:$0x3FAE]  }
0x29: {  	s4 =	sld [smem:$0x3FB0]  }
0x2a: {  	p0 =	seq.s32 s5, $0x0;
	s5 =	sld [smem:$0x3FB1]  }
0x2b: {  	s6 =	sld [smem:$0x3FB2]  }
0x2c: {  	s7 =	sld [smem:$0x3FB3]  }
0x2d: {  	s3 =	simm.s32 $0x108;
	s8 =	sld [smem:$0x3FB4]  }
0x2e: {  	s3 =	simm.s32 @!p0 $0x1082;
	s9 =	sld [smem:$0x3FB5]  }
0x2f: {  	lr =	sadd.s32 s0, s3;
	s0 =	sld [smem:$0x3FAC]  }
0x30: {  	s3 =	sld [smem:$0x3FAF]  }
0x31: {  	[smem:$0x3FB8] =	sst s10  }
0x32: {  	s10 =	sld [smem:$0x3FB6];
	_ =	sdelay $0x3  }
0x33: {  	p0 =	seq.s32 s10, $0x1;
	s10 =	sld [smem:$0x3FB8];
	_ =	sdelay $0x3  }
0x34: {  	[smem:$0x3FB8] =	sst s10  }
0x35: {  	s10 =	sld [smem:$0x3FB7];
	_ =	sdelay $0x3  }
0x36: {  	p1 =	seq.s32 s10, $0x1;
	s10 =	sld [smem:$0x3FB8];
	_ =	sdelay $0x3  }
0x37: {  	[smem:$0x3FB8] =	sst s10  }
0x38: {  	s10 =	sld [smem:$0x3FB9]  }
0x39: {  	_ = 	snop;
	(pc) =	sbr.ind lr, $3  }
0x3a: {  	_ = 	snop  }
0x3b: {  	_ = 	snop  }
0x3c: {  	p2 =	seq.s32 s10, $0x1;
	s10 =	sld [smem:$0x3FB8]  }
0x3d: {  	_ =	shalt  }
0x3e: {  	_ =	shalt  }
0x3f: {  	_ =	shalt  }
0x40: {  	_ =	shalt  }
0x41: {  	_ =	shalt  }
0x42: {  	_ =	shalt  }
0x43: {  	_ =	shalt  }
0x44: {  	_ =	shalt  }
0x45: {  	_ =	shalt  }
0x46: {  	_ =	shalt  }
0x47: {  	_ =	shalt  }
0x48: {  	_ =	shalt  }
0x49: {  	_ =	shalt  }
0x4a: {  	_ =	shalt  }
0x4b: {  	_ =	shalt  }
0x4c: {  	_ =	shalt  }
0x4d: {  	_ =	shalt  }
0x4e: {  	_ =	shalt  }
0x4f: {  	_ =	shalt  }
0x50: {  	_ =	shalt  }
0x51: {  	_ =	shalt  }
0x52: {  	_ =	shalt  }
0x53: {  	_ =	shalt  }
0x54: {  	_ =	shalt  }
0x55: {  	_ =	shalt  }
0x56: {  	_ =	shalt  }
0x57: {  	_ =	shalt  }
0x58: {  	_ =	shalt  }
0x59: {  	_ =	shalt  }
0x5a: {  	_ =	shalt  }
0x5b: {  	_ =	shalt  }
0x5c: {  	_ =	shalt  }
0x5d: {  	_ =	shalt  }
0x5e: {  	_ =	shalt  }
0x5f: {  	_ =	shalt  }
0x60: {  	_ =	shalt  }
0x61: {  	_ =	shalt  }
0x62: {  	_ =	shalt  }
0x63: {  	_ =	shalt  }
0x64: {  	_ =	shalt  }
0x65: {  	_ =	shalt  }
0x66: {  	_ =	shalt  }
0x67: {  	_ =	shalt  }
0x68: {  	_ =	shalt  }
0x69: {  	_ =	shalt  }
0x6a: {  	_ =	shalt  }
0x6b: {  	_ =	shalt  }
0x6c: {  	_ =	shalt  }
0x6d: {  	_ =	shalt  }
0x6e: {  	_ =	shalt  }
0x6f: {  	_ =	shalt  }
0x70: {  	_ =	shalt  }
0x71: {  	_ =	shalt  }
0x72: {  	_ =	shalt  }
0x73: {  	_ =	shalt  }
0x74: {  	_ =	shalt  }
0x75: {  	_ =	shalt  }
0x76: {  	_ =	shalt  }
0x77: {  	_ =	shalt  }
0x78: {  	_ =	shalt  }
0x79: {  	_ =	shalt  }
0x7a: {  	_ =	shalt  }
0x7b: {  	_ =	shalt  }
0x7c: {  	_ =	shalt  }
0x7d: {  	_ =	shalt  }
0x7e: {  	_ =	shalt  }
0x7f: {  	_ =	shalt  }
0x80: {  	_ =	shalt  }
0x81: {  	_ =	shalt  }
0x82: {  	_ =	shalt  }
0x83: {  	_ =	shalt  }
0x84: {  	_ =	shalt  }
0x85: {  	_ =	shalt  }
0x86: {  	_ =	shalt  }
0x87: {  	_ =	shalt  }
.Lfunc_end0:
.L_simem_size_0:
called_computation_lowered:
.L_overlay_start_0:
0x88: {  	s2 =	sld [smem:$0x3FD9]  }
0x89: {  	s3 =	sld [smem:$0x3FFE];
	_ =	sdelay $0x1  }
0x8a: {  	s1 =	srdreg.scid  }
0x8b: {  	s0 =	sand.u32 $0x1, s1  }
0x8c: {  	s17 =	sshll.u32 s0, $0xA;
	s2 =	sadd.s32 s3, s2  }
0x8d: {  	s2 =	sadd.s32 s2, s17  }
0x8e: {  	[smem:$0x3FC4] =	sst s2  }
0x8f: {  	_ = 	snop  }
0x90: {  	s2 =	sld [smem:$0x3FD0];
	(tm) =	ssettm $0x1  }
0x91: {  	s18 =	sld [smem:$0x3FFB];
	_ =	sdelay $0x3  }
0x92: {  	_ =	strace s18  }
0x93: {  	s3 =	sld [smem:$0x3FFC];
	_ =	sdelay $0x3  }
0x94: {  	_ =	strace s3  }
0x95: {  	s3 =	sld [smem:$0x3FFD];
	_ =	sdelay $0x3  }
0x96: {  	_ =	strace s3  }
0x97: {  	_ =	strace $0x8FFFFFFF  }
0x98: {  	s19 =	sld [smem:$0x3FDB];
	_ =	sdelay $0x1  }
0x99: {  	s4 =	simm.s32 $_scs_section_size  }
0x9a: {  	s5 =	simm.s32 $_size__tile_overlayer_lowered;
	s6 =	simm.s32 $_tile_overlayer_lowered  }
0x9b: {  	s22 =	simm.s32 $0x1BFF;
	s21 =	sshll.u32 s6, $0x1;
	s3 =	sadd.s32 s4, s19  }
0x9c: {  	s7 =	simm.s32 $0x0;
	s20 =	sshll.u32 s5, $0x1;
	s5 =	sadd.s32 s21, s3  }
0x9d: {  	[timem:s7], [sflag:s22] =	dma.local [hbm:s5], s20  }
0x9e: {  	_ =	swait.ge [sflag:s22], s20  }
0x9f: {  	s4 =	ssub.s32 $0x0, s20;
	[sflag:s22] =	ssyncset.done $0x0  }
0xa0: {  	[sflag:s22] =	ssyncadd.s32 s4;
	_ =	sdelay $0x1  }
0xa1: {  	s23 =	simm.s32 $0x1B8B  }
0xa2: {  	_ =	swait.ge [sflag:s23], $0x1  }
0xa3: {  	[sflag:s23] =	ssyncset.done $0x0  }
0xa4: {  	s25 =	simm.s32 $0x1B8E;
	s24 =	sld [smem:$0x3FFE];
	[sflag:s23] =	ssyncadd.s32 $0xFFFFFFFF  }
0xa5: {  	s26 =	simm.s32 $execute0_lowered;
	[smem:$0x3FD2] =	sst s25  }
0xa6: {  	s5 =	sshll.u32 s26, $0x1;
	_ =	strace $0x80000046;
	[dreg:$0x1] =	wrdreg $0xFFFFFFFF  }
0xa7: {  	s28 =	simm.s32 $_size_execute0_lowered;
	s3 =	sadd.s32 s3, s5;
	[dreg:$0x0] =	wrdreg $0x0  }
0xa8: {  	s5 =	sshll.u32 s28, $0x1;
	[dreg:$0x2] =	wrdreg s3  }
0xa9: {  	[dreg:$0x3] =	wrdreg s5  }
0xaa: {  	[dreg:$0x4] =	wrdreg $0xC0  }
0xab: {  	_ =	task [dreg:s7], $0x5FFFF  }
0xac: {  	[dreg:$0x1] =	wrdreg $0xFFFFFFFF  }
0xad: {  	[dreg:$0x0] =	wrdreg $0x60  }
0xae: {  	[dreg:$0x2] =	wrdreg s24  }
0xaf: {  	[dreg:$0x3] =	wrdreg s2  }
0xb0: {  	[dreg:$0x4] =	wrdreg $0x0  }
0xb1: {  	[dreg:$0x5] =	wrdreg $0x9  }
0xb2: {  	_ =	task.clear_ibuf [dreg:s7], $0x6FFFF;
	_ =	strace $0x90000046  }
0xb3: {  	s29 =	simm.s32 $0x9;
	_ =	strace $0x80000048  }
0xb4: {  	_ =	swait.ge [sflag:s29], $0x1  }
0xb5: {  	[sflag:s29] =	ssyncadd.s32 $0xFFFFFFFF  }
0xb6: {  	_ =	strace $0x90000048  }
0xb7: {  	_ =	sfence  }
0xb8: {  	s30 =	sld [smem:$0x0];
	_ =	sdelay $0x2  }
0xb9: {  	s31 =	sshll.u32 s1, $0xD;
	s1 =	sshrl.u32 s1, $0x2  }
0xba: {  	s3 =	sand.u32 $0x4000, s31;
	s1 =	sadd.s32 s1, s30  }
0xbb: {  	s0 =	sor.u32 s3, s0;
	s1 =	sshll.u32 s1, $0x11  }
0xbc: {  	s0 =	sor.u32 s1, s0  }
0xbd: {  	s0 =	sadd.s32 $0x8F2B, s0  }
0xbe: {  	[sflag:s0] =	ssyncadd.remote.s32 $0x1  }
0xbf: {  	_ =	sfence.sel $0xFFFF  }
0xc0: {  	[dreg:$0x0] =	wrdreg $0xFFFFFFFF;
	(pc) =	sbr.abs _section_cstart, $3  }
0xc1: {  	[dreg:$0x1] =	wrdreg $0xFFFFFFFF  }
0xc2: {  	_ =	task.clear_ibuf [dreg:s7], $0x2FFFF;
	_ =	strace $0x9FFFFFFF  }
0xc3: {  	(tm) =	ssettm $0x7FFFFFFF  }
tec
execute0_lowered:
.L_overlay_start_1:
0x0: {  	(tag) =	ssettag $0x1  }
0x1: {  	s0 =	rddreg [dreg:$0x0]  }
0x2: {  	s1 =	rddreg [dreg:$0x1]  }
0x3: {  	s2 =	rddreg [dreg:$0x2];
	s16 =	simm.s32 $0x0  }
0x4: {  	s3 =	srdreg.scid;
	s10 =	stileid.u32;
	s28 =	simm.s32 $0x15180  }
0x5: {  	s29 =	simm.s32 $0x10100;
	s30 =	simm.s32 $0x17180;
	s31 =	simm.s32 $0x1  }
0x6: {  	s12 =	simm.s32 $0x6;
	s13 =	simm.s32 $0x3;
	s14 =	simm.s32 $0x1D180  }
0x7: {  	s15 =	simm.s32 $0x4;
	[smem:$0x7FF] =	sst s16;
	s5 =	sadd.s32 $0xC00, s0  }
0x8: {  	s6 =	sadd.s32 $0x9000, s0;
	s3 =	sand.u32 $0x1, s3;
	s7 =	sadd.s32 $0x11400, s0  }
0x9: {  	s9 =	sshll.u32 s10, $0x10;
	s10 =	sshll.u32 s10, $0x1;
	_ =	strace $0x80000047  }
0xa: {  	s4 =	sshll.u32 s3, $0x14;
	s8 =	ssub.s32 $0x2, s3;
	s17 =	sadd.s32 s9, s2  }
0xb: {  	s3 =	sor.u32 s3, s10;
	s20 =	sadd.s32 $0x2000, s17;
	[dreg:$0x5] =	wrdreg s17  }
0xc: {  	s10 =	simm.s32 $0x2;
	s21 =	sadd.s32 $0x4000, s17;
	[dreg:$0x8] =	wrdreg s20  }
0xd: {  	s4 =	sor.u32 s9, s4;
	s22 =	sadd.s32 $0x6000, s17;
	[dreg:$0x9] =	wrdreg s21  }
0xe: {  	s11 =	sshrl.u32 s8, $0x1;
	s23 =	sadd.s32 $0x8000, s17;
	[dreg:$0xa] =	wrdreg s22  }
0xf: {  	s24 =	sadd.s32 $0xA000, s17;
	s25 =	sadd.s32 $0xC000, s17;
	[dreg:$0xb] =	wrdreg s23  }
0x10: {  	s26 =	sadd.s32 $0xE000, s17;
	s4 =	sshrl.u32 s4, $0x3;
	[dreg:$0xc] =	wrdreg s24  }
0x11: {  	v0 =	vimm.f32 $0.0e+00;
	v1 =	vimm.s32 $0x0;
	s18 =	ssub.s32 s8, s11;
	s8 =	smul.u32 $0x2100, s3;
	[dreg:$0xd] =	wrdreg s25  }
.Ltmp0:
0x12: {  	v2 =	vimm.s32 $0x1;
	v3 =	vimm.s32 $0x2;
	v4 =	vimm.s32 $0x3;
	[dreg:$0xe] =	wrdreg s26;
	s20 =	simm.s32 $0x7;
	(pc) =	sbr.rel .LBB2_1-.Ltmp0, $4  }
0x13: {  	v5 =	vimm.s32 $0x4;
	v6 =	vimm.s32 $0x5;
	v7 =	vimm.s32 $0x6;
	s21 =	simm.s32 $0x10000;
	s24 =	simm.s32 $0x80;
	s25 =	simm.s32 $0x13180  }
0x14: {  	v8 =	vimm.s32 $0x7;
	v9 =	vimm.s32 $0x8;
	v10 =	vimm.s32 $0x9;
	s11 =	simm.s32 $0x1B180;
	s0 =	sadd.s32 s4, s0;
	s19 =	smax.u32 s18, $0x1  }
0x15: {  	v11 =	vimm.s32 $0xA;
	v12 =	vimm.s32 $0xB;
	v13 =	vimm.s32 $0xC;
	s4 =	simm.s32 $0x5;
	s0 =	sadd.s32 $0x19800, s0;
	[dreg:$0x7] =	wrdreg s19  }
0x16: {  	v14 =	vimm.s32 $0xD;
	v15 =	vimm.s32 $0xE;
	v16 =	vimm.s32 $0xF;
	s19 =	simm.s32 $0x19180;
	[dreg:$0x6] =	wrdreg s0;
	s0 =	simm.s32 $0x11F80  }
.LBB2_22:
0x17: {  	s3 =	stileid.u32;
	[bflag:$0x0] =	sbarrier.arrive $0xFFFF  }
0x18: {  	s3 =	sshll.u32 s3, $0x6;
	s17 =	rddreg [dreg:$0x5]  }
0x19: {  	s16 =	rddreg [dreg:$0x6];
	s3 =	sor.u32 $0x1C07, s3;
	s9 =	sshrl.u32 s17, $0x3  }
0x1a: {  	[hbm:s16], [sflag:s3] =	dma.local [spmem:s9], $0x2000  }
0x1b: {  	_ =	swait.ge [sflag:s20], $0x2000  }
0x1c: {  	s23 =	rddreg [dreg:$0x4]  }
0x1d: {  	s26 =	rddreg [dreg:$0x7];
	s16 =	sadd.s32 $0x1, s23  }
0x1e: {  	p0 =	sne.s32 s16, s26  }
.Ltmp1:
0x1f: {  	_ = 	snop;
	(pc) =	sbr.rel @!p0 .LBB2_23-.Ltmp1, $3  }
0x20: {  	_ =	sdelay $0x1  }
0x21: {  	[sflag:s20] =	ssyncset.done $0x0  }
0x22: {  	[sflag:s20] =	ssyncadd.s32 $0xFFFFE000  }
.LBB2_1:
0x23: {  	[dreg:$0x4] =	wrdreg s16;
	s9 =	simm.s32 $0x100;
	s3 =	simm.s32 $0x0  }
.LBB2_2:
0x24: {  	p0 =	sne.s32 s9, $0x7F00;
	[tilespmem:s3+$0x191B0] =	vst v0;
	s16 =	smov.u32 s9;
	s9 =	sadd.s32 $0x100, s9  }
.Ltmp2:
0x25: {  	[tilespmem:s3+$0x191A0] =	vst v0;
	(pc) =	sbr.rel @p0 .LBB2_2-.Ltmp2, $3  }
0x26: {  	[tilespmem:s3+$0x19180] =	vst v0  }
0x27: {  	[tilespmem:s3+$0x19190] =	vst v0;
	_ =	sdelay $0x1  }
0x28: {  	s3 =	sshra.s32 s16, $0x2  }
0x29: {  	[tilespmem:s3+$0x191B0] =	vst v0  }
0x2a: {  	[tilespmem:s3+$0x191A0] =	vst v0  }
0x2b: {  	[tilespmem:s3+$0x19180] =	vst v0  }
0x2c: {  	[tilespmem:s3+$0x19190] =	vst v0  }
0x2d: {  	[spmem:s17] =	stream.linear.scatter [tilespmem:s19], [sflag:$0x7], $0x2000, $0x38;
	[tilespmem:$0x1F180] =	vst v63  }
0x2e: {  	_ =	swait.ge [sflag:s20], $0x2000  }
0x2f: {  	[sflag:s20] =	ssyncset.done $0x0  }
0x30: {  	s9 =	rddreg [dreg:$0x8];
	[sflag:s20] =	ssyncadd.s32 $0xFFFFE000  }
0x31: {  	[spmem:s9] =	stream.linear.scatter [tilespmem:s19], [sflag:$0x7], $0x2000, $0x38;
	[tilespmem:$0x1F180] =	vst v63  }
0x32: {  	_ =	swait.ge [sflag:s20], $0x2000  }
0x33: {  	[sflag:s20] =	ssyncset.done $0x0  }
0x34: {  	s16 =	rddreg [dreg:$0x9];
	[sflag:s20] =	ssyncadd.s32 $0xFFFFE000  }
0x35: {  	[spmem:s16] =	stream.linear.scatter [tilespmem:s19], [sflag:$0x7], $0x2000, $0x38;
	[tilespmem:$0x1F180] =	vst v63  }
0x36: {  	_ =	swait.ge [sflag:s20], $0x2000  }
0x37: {  	[sflag:s20] =	ssyncset.done $0x0  }
0x38: {  	s17 =	rddreg [dreg:$0xa];
	[sflag:s20] =	ssyncadd.s32 $0xFFFFE000  }
0x39: {  	[spmem:s17] =	stream.linear.scatter [tilespmem:s19], [sflag:$0x7], $0x2000, $0x38;
	[tilespmem:$0x1F180] =	vst v63  }
0x3a: {  	_ =	swait.ge [sflag:s20], $0x2000  }
0x3b: {  	[sflag:s20] =	ssyncset.done $0x0  }
0x3c: {  	s18 =	rddreg [dreg:$0xb];
	[sflag:s20] =	ssyncadd.s32 $0xFFFFE000  }
0x3d: {  	[spmem:s18] =	stream.linear.scatter [tilespmem:s19], [sflag:$0x7], $0x2000, $0x38;
	[tilespmem:$0x1F180] =	vst v63  }
0x3e: {  	_ =	swait.ge [sflag:s20], $0x2000  }
0x3f: {  	[sflag:s20] =	ssyncset.done $0x0  }
0x40: {  	s22 =	rddreg [dreg:$0xc];
	[sflag:s20] =	ssyncadd.s32 $0xFFFFE000  }
0x41: {  	[spmem:s22] =	stream.linear.scatter [tilespmem:s19], [sflag:$0x7], $0x2000, $0x38;
	[tilespmem:$0x1F180] =	vst v63  }
0x42: {  	_ =	swait.ge [sflag:s20], $0x2000  }
0x43: {  	[sflag:s20] =	ssyncset.done $0x0  }
0x44: {  	s23 =	rddreg [dreg:$0xd];
	[sflag:s20] =	ssyncadd.s32 $0xFFFFE000  }
0x45: {  	[spmem:s23] =	stream.linear.scatter [tilespmem:s19], [sflag:$0x7], $0x2000, $0x38;
	[tilespmem:$0x1F180] =	vst v63  }
0x46: {  	_ =	swait.ge [sflag:s20], $0x2000  }
0x47: {  	[sflag:s20] =	ssyncset.done $0x0  }
0x48: {  	s26 =	rddreg [dreg:$0xe];
	[sflag:s20] =	ssyncadd.s32 $0xFFFFE000  }
0x49: {  	[spmem:s26] =	stream.linear.scatter [tilespmem:s19], [sflag:$0x7], $0x2000, $0x38;
	[tilespmem:$0x1F180] =	vst v63  }
.Ltmp3:
0x4a: {  	_ =	swait.ge [sflag:s20], $0x2000;
	(pc) =	sbr.rel .LBB2_4-.Ltmp3, $4  }
0x4b: {  	[sflag:s20] =	ssyncset.done $0x0  }
0x4c: {  	[sflag:s20] =	ssyncadd.s32 $0xFFFFE000  }
0x4d: {  	[bflag:$0x0] =	sbarrier.arrive $0xFFFF  }
0x4e: {  	p1 =	por $0x1, $0x1;
	s3 =	simm.s32 $0x0;
	s16 =	simm.s32 $0x0  }
.LBB2_21:
0x4f: {  	[spmem:s2] =	stream.indirect.scatter.add.f32 [tilespmem:s14], [sflag:$0x6], $0x40, s3, s24, $0xb8;
	[tilespmem:$0x1F180] =	vst v63  }
0x50: {  	_ =	swait.ge [sflag:s15], $0x2000  }
0x51: {  	[sflag:s15] =	ssyncset.done $0x0  }
0x52: {  	[sflag:s15] =	ssyncadd.s32 $0xFFFFE000  }
0x53: {  	_ =	swait.ge [sflag:s4], $0x2000  }
.Ltmp4:
0x54: {  	[sflag:s4] =	ssyncset.done $0x0;
	(pc) =	sbr.rel @!p0 .LBB2_22-.Ltmp4, $4  }
0x55: {  	[sflag:s4] =	ssyncadd.s32 $0xFFFFE000  }
0x56: {  	_ =	swait.ge [sflag:s12], $0x2000  }
0x57: {  	[sflag:s12] =	ssyncset.done $0x0  }
0x58: {  	s3 =	simm.s32 $0x1080;
	p1 =	por $0x0, $0x0;
	[sflag:s12] =	ssyncadd.s32 $0xFFFFE000  }
.LBB2_4:
0x59: {  	s3 =	sadd.s32 s8, s3  }
0x5a: {  	s3 =	sshrl.u32 s3, $0x3  }
0x5b: {  	s9 =	sadd.s32 s5, s3  }
0x5c: {  	[tilespmem:s21], [sflag:$0x7] =	stream.linear.gather [hbm4b:s9+s16], $0x1080, $0x38;
	[tilespmem:$0x1F180] =	vst v63  }
0x5d: {  	_ =	swait.ge [sflag:s20], $0x1080  }
0x5e: {  	[sflag:s20] =	ssyncset.done $0x0  }
0x5f: {  	s17 =	simm.s32 $0x11080;
	s22 =	sadd.s32 s6, s3;
	[sflag:s20] =	ssyncadd.s32 $0xFFFFEF80  }
0x60: {  	[tilespmem:s17], [sflag:$0x7] =	stream.linear.gather [hbm4b:s22+s16], $0x1080, $0x38;
	[tilespmem:$0x1F180] =	vst v63  }
0x61: {  	_ =	swait.ge [sflag:s20], $0x1080  }
0x62: {  	[sflag:s20] =	ssyncset.done $0x0  }
0x63: {  	s23 =	simm.s32 $0x12100;
	s3 =	sadd.s32 s7, s3;
	[sflag:s20] =	ssyncadd.s32 $0xFFFFEF80  }
0x64: {  	[tilespmem:s23], [sflag:$0x7] =	stream.linear.gather [hbm4b:s3+s16], $0x1080, $0x38;
	[tilespmem:$0x1F180] =	vst v63  }
0x65: {  	_ =	swait.ge [sflag:s20], $0x1080  }
0x66: {  	[sflag:s20] =	ssyncset.done $0x0  }
0x67: {  	[sflag:s20] =	ssyncadd.s32 $0xFFFFEF80  }
0x68: {  	[tilespmem:s25], [sflag:$0x1] =	stream.indirect.gather [hbm4b:s1+s24], $0x40, s21, s24, $0xb8;
	[tilespmem:$0x1F180] =	vst v63  }
0x69: {  	s26 =	simm.s32 $0x10080  }
0x6a: {  	[tilespmem:s28], [sflag:$0x2] =	stream.indirect.gather [hbm4b:s1+s24], $0x40, s26, s24, $0xb8;
	[tilespmem:$0x1F180] =	vst v63  }
0x6b: {  	p0 =	por p1, p1;
	s17 =	simm.s32 $0x0  }
0x6c: {  	[tilespmem:s30], [sflag:$0x3] =	stream.indirect.gather [hbm4b:s1+s24], $0x40, s29, s24, $0xb8;
	[tilespmem:$0x1F180] =	vst v63  }
.LBB2_5:
0x6d: {  	p1 =	seq.s32 s17, $0x0  }
0x6e: {  	s9 =	smul.u32 $0x600, s17;
	s3 =	simm.s32 @!p1 $0x4  }
0x6f: {  	_ =	swait.ge @!p1 [sflag:s3], $0x2000  }
0x70: {  	s18 =	sshra.s32 s9, $0x2;
	[sflag:s3] =	ssyncset.done @!p1 $0x0  }
0x71: {  	s22 =	sadd.s32 $0x12100, s18;
	[sflag:s3] =	ssyncadd.s32 @!p1 $0xFFFFE000  }
0x72: {  	v17 =	vmov s22;
	_ =	swait.ge [sflag:s31], $0x2000  }
0x73: {  	[sflag:s31] =	ssyncset.done $0x0  }
0x74: {  	s9 =	smul.u32 $0x3, s17;
	s3 =	simm.s32 $0x0;
	[sflag:s31] =	ssyncadd.s32 $0xFFFFE000  }
.LBB2_6:
0x75: {  	s23 =	sshll.u32 s3, $0x4  }
0x76: {  	s22 =	sand.u32 $0x3FFFFFF0, s23  }
0x77: {  	v19 =	vld.idx.msk [tilespmem:v17+s22+$0x0 ss:$0x1], $0xffff;
	s22 =	sshll.u32 s3, $0xA  }
0x78: {  	v18 =	vld [tilespmem:s22+$0x13180]  }
0x79: {  	v20 =	vld [tilespmem:s22+$0x13190]  }
0x7a: {  	v21 =	vld [tilespmem:s22+$0x131A0]  }
0x7b: {  	v22 =	vld [tilespmem:s22+$0x131B0]  }
0x7c: {  	v24 =	vld [tilespmem:s22+$0x131C0];
	v23 =	vperm.xlane v19, v1  }
0x7d: {  	v25 =	vld [tilespmem:s22+$0x131D0]  }
0x7e: {  	v26 =	vld [tilespmem:s22+$0x131E0];
	v18 =	vmul.f32 v18, v23  }
0x7f: {  	v27 =	vld [tilespmem:s22+$0x131F0];
	v20 =	vmul.f32 v20, v23  }
0x80: {  	v28 =	vld [tilespmem:s22+$0x13200];
	v57 =	vperm.xlane v19, v2;
	[tilespmem:s22+$0x19180] =	vst v18;
	v18 =	vmul.f32 v21, v23  }
0x81: {  	v59 =	vld [tilespmem:s22+$0x13210];
	v58 =	vmul.f32 v22, v23;
	[tilespmem:s22+$0x19190] =	vst v20  }
0x82: {  	v60 =	vld [tilespmem:s22+$0x13220];
	[tilespmem:s22+$0x191A0] =	vst v18;
	v18 =	vmul.f32 v24, v57  }
0x83: {  	v62 =	vld [tilespmem:s22+$0x13230];
	v61 =	vmul.f32 v25, v57;
	[tilespmem:s22+$0x191B0] =	vst v58  }
0x84: {  	v32 =	vld [tilespmem:s22+$0x13240];
	v63 =	vperm.xlane v19, v3;
	[tilespmem:s22+$0x191C0] =	vst v18;
	v18 =	vmul.f32 v26, v57  }
0x85: {  	v34 =	vld [tilespmem:s22+$0x13250];
	v33 =	vmul.f32 v27, v57;
	[tilespmem:s22+$0x191D0] =	vst v61  }
0x86: {  	v35 =	vld [tilespmem:s22+$0x13260];
	[tilespmem:s22+$0x191E0] =	vst v18;
	v18 =	vmul.f32 v28, v63  }
0x87: {  	v37 =	vld [tilespmem:s22+$0x13270];
	v36 =	vmul.f32 v59, v63;
	[tilespmem:s22+$0x191F0] =	vst v33  }
0x88: {  	v39 =	vld [tilespmem:s22+$0x13280];
	v38 =	vperm.xlane v19, v4;
	[tilespmem:s22+$0x19200] =	vst v18;
	v18 =	vmul.f32 v60, v63  }
0x89: {  	v41 =	vld [tilespmem:s22+$0x13290];
	v40 =	vmul.f32 v62, v63;
	[tilespmem:s22+$0x19210] =	vst v36  }
0x8a: {  	v42 =	vld [tilespmem:s22+$0x132A0];
	[tilespmem:s22+$0x19220] =	vst v18;
	v18 =	vmul.f32 v32, v38  }
0x8b: {  	v44 =	vld [tilespmem:s22+$0x132B0];
	v43 =	vmul.f32 v34, v38;
	[tilespmem:s22+$0x19230] =	vst v40  }
0x8c: {  	v46 =	vld [tilespmem:s22+$0x132C0];
	v45 =	vperm.xlane v19, v5;
	[tilespmem:s22+$0x19240] =	vst v18;
	v18 =	vmul.f32 v35, v38  }
0x8d: {  	v48 =	vld [tilespmem:s22+$0x132D0];
	v47 =	vmul.f32 v37, v38;
	[tilespmem:s22+$0x19250] =	vst v43  }
0x8e: {  	v51 =	vld [tilespmem:s22+$0x132F0];
	[tilespmem:s22+$0x19260] =	vst v18;
	v18 =	vmul.f32 v39, v45  }
0x8f: {  	v49 =	vld [tilespmem:s22+$0x132E0];
	v50 =	vmul.f32 v41, v45;
	[tilespmem:s22+$0x19270] =	vst v47  }
0x90: {  	v53 =	vld [tilespmem:s22+$0x13300];
	v52 =	vperm.xlane v19, v6;
	[tilespmem:s22+$0x19280] =	vst v18;
	v18 =	vmul.f32 v42, v45  }
0x91: {  	v55 =	vld [tilespmem:s22+$0x13310];
	v54 =	vmul.f32 v44, v45;
	[tilespmem:s22+$0x19290] =	vst v50  }
0x92: {  	v58 =	vld [tilespmem:s22+$0x13330];
	[tilespmem:s22+$0x192A0] =	vst v18;
	v18 =	vmul.f32 v46, v52  }
0x93: {  	v56 =	vld [tilespmem:s22+$0x13320];
	[tilespmem:s22+$0x192B0] =	vst v54;
	v61 =	vmul.f32 v51, v52  }
0x94: {  	v59 =	vperm.xlane v19, v7;
	v33 =	vld [tilespmem:s22+$0x13370];
	[tilespmem:s22+$0x192C0] =	vst v18;
	v18 =	vmul.f32 v49, v52  }
0x95: {  	[tilespmem:s22+$0x192F0] =	vst v61;
	v57 =	vmul.f32 v48, v52;
	v60 =	vld [tilespmem:s22+$0x13340]  }
0x96: {  	v40 =	vld [tilespmem:s22+$0x133B0];
	[tilespmem:s22+$0x192E0] =	vst v18;
	v18 =	vmul.f32 v53, v59  }
0x97: {  	v34 =	vperm.xlane v19, v8;
	v36 =	vmul.f32 v58, v59;
	[tilespmem:s22+$0x192D0] =	vst v57;
	v63 =	vld [tilespmem:s22+$0x13360]  }
0x98: {  	v47 =	vld [tilespmem:s22+$0x133F0];
	[tilespmem:s22+$0x19300] =	vst v18;
	v18 =	vmul.f32 v56, v59  }
0x99: {  	v41 =	vperm.xlane v19, v9;
	v43 =	vmul.f32 v33, v34;
	[tilespmem:s22+$0x19330] =	vst v36;
	v35 =	vld [tilespmem:s22+$0x13380]  }
0x9a: {  	v62 =	vld [tilespmem:s22+$0x13350];
	[tilespmem:s22+$0x19320] =	vst v18;
	v18 =	vmul.f32 v60, v34  }
0x9b: {  	v48 =	vperm.xlane v19, v10;
	v50 =	vmul.f32 v40, v41;
	[tilespmem:s22+$0x19370] =	vst v43;
	v38 =	vld [tilespmem:s22+$0x133A0]  }
0x9c: {  	v33 =	vld [tilespmem:s22+$0x134A0];
	[tilespmem:s22+$0x19340] =	vst v18;
	v18 =	vmul.f32 v63, v34  }
0x9d: {  	v57 =	vmul.f32 v47, v48;
	[tilespmem:s22+$0x193B0] =	vst v50;
	v42 =	vld [tilespmem:s22+$0x133C0]  }
0x9e: {  	v40 =	vld [tilespmem:s22+$0x134E0];
	[tilespmem:s22+$0x19360] =	vst v18;
	v18 =	vmul.f32 v35, v41  }
0x9f: {  	v36 =	vperm.xlane v19, v13;
	[tilespmem:s22+$0x193F0] =	vst v57;
	v32 =	vmul.f32 v55, v59;
	v45 =	vld [tilespmem:s22+$0x133E0]  }
0xa0: {  	v54 =	vld [tilespmem:s22+$0x13430];
	[tilespmem:s22+$0x19380] =	vst v18;
	v18 =	vmul.f32 v38, v41  }
0xa1: {  	v43 =	vperm.xlane v19, v14;
	v26 =	vmul.f32 v33, v36;
	[tilespmem:s22+$0x19310] =	vst v32;
	v49 =	vld [tilespmem:s22+$0x13400]  }
0xa2: {  	v37 =	vld [tilespmem:s22+$0x13390];
	[tilespmem:s22+$0x193A0] =	vst v18;
	v18 =	vmul.f32 v42, v48  }
0xa3: {  	v55 =	vperm.xlane v19, v11;
	v50 =	vmul.f32 v40, v43;
	[tilespmem:s22+$0x194A0] =	vst v26;
	v52 =	vld [tilespmem:s22+$0x13420]  }
0xa4: {  	v44 =	vld [tilespmem:s22+$0x133D0];
	[tilespmem:s22+$0x193C0] =	vst v18;
	v18 =	vmul.f32 v45, v48  }
0xa5: {  	v31 =	vmul.f32 v54, v55;
	[tilespmem:s22+$0x194E0] =	vst v50;
	v56 =	vld [tilespmem:s22+$0x13440]  }
0xa6: {  	v51 =	vld [tilespmem:s22+$0x13410];
	[tilespmem:s22+$0x193E0] =	vst v18;
	v18 =	vmul.f32 v49, v55  }
0xa7: {  	v39 =	vmul.f32 v62, v34;
	[tilespmem:s22+$0x19430] =	vst v31;
	v59 =	vld [tilespmem:s22+$0x13460]  }
0xa8: {  	v61 =	vld [tilespmem:s22+$0x13470];
	v62 =	vperm.xlane v19, v12;
	[tilespmem:s22+$0x19400] =	vst v18;
	v18 =	vmul.f32 v52, v55  }
0xa9: {  	[tilespmem:s22+$0x19350] =	vst v39;
	v46 =	vmul.f32 v37, v41;
	v63 =	vld [tilespmem:s22+$0x13480]  }
0xaa: {  	v37 =	vld [tilespmem:s22+$0x134C0];
	[tilespmem:s22+$0x19420] =	vst v18;
	v18 =	vmul.f32 v56, v62  }
0xab: {  	v58 =	vld [tilespmem:s22+$0x13450];
	[tilespmem:s22+$0x19390] =	vst v46;
	v60 =	vmul.f32 v51, v55  }
0xac: {  	v57 =	vld [tilespmem:s22+$0x13520];
	[tilespmem:s22+$0x19440] =	vst v18;
	v18 =	vmul.f32 v59, v62  }
0xad: {  	v32 =	vld [tilespmem:s22+$0x13490];
	v53 =	vmul.f32 v44, v48;
	[tilespmem:s22+$0x19410] =	vst v60  }
0xae: {  	v60 =	vld [tilespmem:s22+$0x13550];
	[tilespmem:s22+$0x19460] =	vst v18;
	v18 =	vmul.f32 v63, v36  }
0xaf: {  	s23 =	sor.u32 $0x10, s23;
	v46 =	vmul.f32 v37, v43;
	[tilespmem:s22+$0x193D0] =	vst v53;
	v51 =	vperm.xlane v19, v15;
	v35 =	vld [tilespmem:s22+$0x134B0]  }
0xb0: {  	v34 =	vmul.f32 v58, v62;
	[tilespmem:s22+$0x19480] =	vst v18;
	v18 =	vld.idx.msk [tilespmem:v17+s23+$0x0 ss:$0x1], $0xffff  }
0xb1: {  	v39 =	vld [tilespmem:s22+$0x134D0];
	[tilespmem:s22+$0x194C0] =	vst v46;
	v20 =	vmul.f32 v57, v51;
	s23 =	sshll.u32 s23, $0x6  }
0xb2: {  	v19 =	vperm.xlane v19, v16;
	[tilespmem:s22+$0x19450] =	vst v34;
	v38 =	vmul.f32 v61, v62;
	v47 =	vld [tilespmem:s23+$0x13180]  }
0xb3: {  	[tilespmem:s22+$0x19520] =	vst v20;
	v41 =	vmul.f32 v32, v36;
	v49 =	vld [tilespmem:s23+$0x13190]  }
0xb4: {  	v31 =	vmul.f32 v60, v19;
	[tilespmem:s22+$0x19470] =	vst v38;
	v52 =	vld [tilespmem:s23+$0x131A0]  }
0xb5: {  	[tilespmem:s22+$0x19490] =	vst v41;
	v44 =	vmul.f32 v35, v36;
	v55 =	vld [tilespmem:s23+$0x131B0];
	v54 =	vperm.xlane v18, v1  }
0xb6: {  	v61 =	vld [tilespmem:s22+$0x13560];
	[tilespmem:s22+$0x19550] =	vst v31;
	v48 =	vmul.f32 v39, v43  }
0xb7: {  	v45 =	vld [tilespmem:s22+$0x13500];
	[tilespmem:s22+$0x194B0] =	vst v44;
	v26 =	vmul.f32 v47, v54  }
0xb8: {  	v42 =	vld [tilespmem:s22+$0x134F0];
	[tilespmem:s22+$0x194D0] =	vst v48;
	v24 =	vmul.f32 v49, v54  }
0xb9: {  	v58 =	vld [tilespmem:s22+$0x13530];
	v27 =	vmul.f32 v52, v54;
	[tilespmem:s23+$0x19180] =	vst v26  }
0xba: {  	v56 =	vld [tilespmem:s22+$0x13510];
	v21 =	vmul.f32 v55, v54;
	[tilespmem:s23+$0x19190] =	vst v24  }
0xbb: {  	v33 =	vmul.f32 v61, v19;
	v59 =	vld [tilespmem:s22+$0x13540];
	[tilespmem:s23+$0x191A0] =	vst v27  }
0xbc: {  	v22 =	vmul.f32 v45, v51;
	v62 =	vld [tilespmem:s22+$0x13570];
	[tilespmem:s23+$0x191B0] =	vst v21  }
0xbd: {  	v53 =	vmul.f32 v42, v43;
	[tilespmem:s22+$0x19560] =	vst v33;
	v63 =	vld [tilespmem:s22+$0x135C0]  }
0xbe: {  	[tilespmem:s22+$0x19500] =	vst v22;
	v22 =	vmul.f32 v58, v51;
	v30 =	vld [tilespmem:s22+$0x135D0]  }
0xbf: {  	[tilespmem:s22+$0x194F0] =	vst v53;
	v23 =	vmul.f32 v56, v51;
	v32 =	vld [tilespmem:s22+$0x135E0]  }
0xc0: {  	[tilespmem:s22+$0x19530] =	vst v22;
	v29 =	vmul.f32 v59, v19;
	v34 =	vperm.xlane v18, v2;
	v36 =	vld [tilespmem:s22+$0x13600]  }
0xc1: {  	[tilespmem:s22+$0x19510] =	vst v23;
	v19 =	vmul.f32 v62, v19;
	v35 =	vld [tilespmem:s22+$0x135F0]  }
0xc2: {  	[tilespmem:s22+$0x19540] =	vst v29;
	v39 =	vld [tilespmem:s22+$0x13620];
	v37 =	vmul.f32 v63, v34  }
0xc3: {  	[tilespmem:s22+$0x19570] =	vst v19;
	v41 =	vperm.xlane v18, v3;
	v38 =	vld [tilespmem:s22+$0x13610];
	v19 =	vmul.f32 v30, v34  }
0xc4: {  	v43 =	vld [tilespmem:s22+$0x13640];
	v40 =	vmul.f32 v32, v34;
	[tilespmem:s22+$0x195C0] =	vst v37  }
0xc5: {  	v42 =	vld [tilespmem:s22+$0x13630];
	v44 =	vmul.f32 v36, v41;
	[tilespmem:s22+$0x195D0] =	vst v19  }
0xc6: {  	v46 =	vld [tilespmem:s22+$0x13660];
	v19 =	vmul.f32 v35, v34;
	[tilespmem:s22+$0x195E0] =	vst v40  }
0xc7: {  	v48 =	vperm.xlane v18, v4;
	v45 =	vld [tilespmem:s22+$0x13650];
	v47 =	vmul.f32 v39, v41;
	[tilespmem:s22+$0x19600] =	vst v44  }
0xc8: {  	v50 =	vld [tilespmem:s22+$0x13680];
	[tilespmem:s22+$0x195F0] =	vst v19;
	v19 =	vmul.f32 v38, v41  }
0xc9: {  	v49 =	vld [tilespmem:s22+$0x13670];
	v51 =	vmul.f32 v43, v48;
	[tilespmem:s22+$0x19620] =	vst v47  }
0xca: {  	v53 =	vld [tilespmem:s22+$0x136A0];
	[tilespmem:s22+$0x19610] =	vst v19;
	v19 =	vmul.f32 v42, v41  }
0xcb: {  	v55 =	vperm.xlane v18, v5;
	v52 =	vld [tilespmem:s22+$0x13690];
	v54 =	vmul.f32 v46, v48;
	[tilespmem:s22+$0x19640] =	vst v51  }
0xcc: {  	v57 =	vld [tilespmem:s22+$0x136C0];
	[tilespmem:s22+$0x19630] =	vst v19;
	v19 =	vmul.f32 v45, v48  }
0xcd: {  	v56 =	vld [tilespmem:s22+$0x136B0];
	v58 =	vmul.f32 v50, v55;
	[tilespmem:s22+$0x19660] =	vst v54  }
0xce: {  	v60 =	vld [tilespmem:s22+$0x136E0];
	[tilespmem:s22+$0x19650] =	vst v19;
	v19 =	vmul.f32 v49, v48  }
0xcf: {  	v62 =	vperm.xlane v18, v6;
	v59 =	vld [tilespmem:s22+$0x136D0];
	v61 =	vmul.f32 v53, v55;
	[tilespmem:s22+$0x19680] =	vst v58  }
0xd0: {  	v28 =	vld [tilespmem:s22+$0x13700];
	[tilespmem:s22+$0x19670] =	vst v19;
	v19 =	vmul.f32 v52, v55  }
0xd1: {  	v63 =	vld [tilespmem:s22+$0x136F0];
	v29 =	vmul.f32 v57, v62;
	[tilespmem:s22+$0x196A0] =	vst v61  }
0xd2: {  	v31 =	vld [tilespmem:s22+$0x13720];
	[tilespmem:s22+$0x19690] =	vst v19;
	v19 =	vmul.f32 v56, v55  }
0xd3: {  	v33 =	vperm.xlane v18, v7;
	v30 =	vld [tilespmem:s22+$0x13710];
	v32 =	vmul.f32 v60, v62;
	[tilespmem:s22+$0x196C0] =	vst v29  }
0xd4: {  	v35 =	vld [tilespmem:s22+$0x13740];
	[tilespmem:s22+$0x196B0] =	vst v19;
	v19 =	vmul.f32 v59, v62  }
0xd5: {  	v36 =	vmul.f32 v28, v33;
	v34 =	vld [tilespmem:s22+$0x13730];
	[tilespmem:s22+$0x196E0] =	vst v32  }
0xd6: {  	v38 =	vld [tilespmem:s22+$0x13760];
	[tilespmem:s22+$0x196D0] =	vst v19;
	v19 =	vmul.f32 v63, v62  }
0xd7: {  	v39 =	vmul.f32 v31, v33;
	v37 =	vld [tilespmem:s22+$0x13750];
	[tilespmem:s22+$0x19700] =	vst v36;
	v40 =	vperm.xlane v18, v8  }
0xd8: {  	v42 =	vld [tilespmem:s22+$0x13780];
	[tilespmem:s22+$0x196F0] =	vst v19;
	v19 =	vmul.f32 v30, v33  }
0xd9: {  	[tilespmem:s22+$0x19720] =	vst v39;
	v41 =	vld [tilespmem:s22+$0x13770];
	v43 =	vmul.f32 v35, v40  }
0xda: {  	v45 =	vld [tilespmem:s22+$0x137A0];
	[tilespmem:s22+$0x19710] =	vst v19;
	v19 =	vmul.f32 v34, v33  }
0xdb: {  	v44 =	vld [tilespmem:s22+$0x13790];
	v47 =	vperm.xlane v18, v9;
	[tilespmem:s22+$0x19740] =	vst v43;
	v46 =	vmul.f32 v38, v40  }
0xdc: {  	v49 =	vld [tilespmem:s22+$0x137C0];
	[tilespmem:s22+$0x19730] =	vst v19;
	v19 =	vmul.f32 v37, v40  }
0xdd: {  	v48 =	vld [tilespmem:s22+$0x137B0];
	[tilespmem:s22+$0x19760] =	vst v46;
	v50 =	vmul.f32 v42, v47  }
0xde: {  	v52 =	vld [tilespmem:s22+$0x137E0];
	[tilespmem:s22+$0x19750] =	vst v19;
	v19 =	vmul.f32 v41, v40  }
0xdf: {  	v51 =	vld [tilespmem:s22+$0x137D0];
	v54 =	vperm.xlane v18, v10;
	[tilespmem:s22+$0x19780] =	vst v50;
	v53 =	vmul.f32 v45, v47  }
0xe0: {  	v56 =	vld [tilespmem:s22+$0x13800];
	[tilespmem:s22+$0x19770] =	vst v19;
	v19 =	vmul.f32 v44, v47  }
0xe1: {  	v55 =	vld [tilespmem:s22+$0x137F0];
	[tilespmem:s22+$0x197A0] =	vst v53;
	v57 =	vmul.f32 v49, v54  }
0xe2: {  	v59 =	vld [tilespmem:s22+$0x13820];
	[tilespmem:s22+$0x19790] =	vst v19;
	v19 =	vmul.f32 v48, v47  }
0xe3: {  	v58 =	vld [tilespmem:s22+$0x13810];
	v61 =	vperm.xlane v18, v11;
	[tilespmem:s22+$0x197C0] =	vst v57;
	v60 =	vmul.f32 v52, v54  }
0xe4: {  	v63 =	vld [tilespmem:s22+$0x13840];
	[tilespmem:s22+$0x197B0] =	vst v19;
	v19 =	vmul.f32 v51, v54  }
0xe5: {  	v62 =	vld [tilespmem:s22+$0x13830];
	[tilespmem:s22+$0x197E0] =	vst v60;
	v29 =	vmul.f32 v56, v61  }
0xe6: {  	v31 =	vld [tilespmem:s22+$0x13860];
	[tilespmem:s22+$0x197D0] =	vst v19;
	v19 =	vmul.f32 v55, v54  }
0xe7: {  	v30 =	vld [tilespmem:s22+$0x13850];
	[tilespmem:s22+$0x19800] =	vst v29;
	v32 =	vmul.f32 v59, v61;
	v33 =	vperm.xlane v18, v12  }
0xe8: {  	v35 =	vld [tilespmem:s22+$0x13880];
	[tilespmem:s22+$0x197F0] =	vst v19;
	v19 =	vmul.f32 v58, v61  }
0xe9: {  	v34 =	vld [tilespmem:s22+$0x13870];
	[tilespmem:s22+$0x19820] =	vst v32;
	v36 =	vmul.f32 v63, v33  }
0xea: {  	v38 =	vld [tilespmem:s22+$0x138A0];
	[tilespmem:s22+$0x19810] =	vst v19;
	v19 =	vmul.f32 v62, v61  }
0xeb: {  	v37 =	vld [tilespmem:s22+$0x13890];
	v39 =	vmul.f32 v31, v33;
	[tilespmem:s22+$0x19840] =	vst v36;
	v40 =	vperm.xlane v18, v13  }
0xec: {  	v42 =	vld [tilespmem:s22+$0x138C0];
	[tilespmem:s22+$0x19830] =	vst v19;
	v19 =	vmul.f32 v30, v33  }
0xed: {  	v41 =	vld [tilespmem:s22+$0x138B0];
	[tilespmem:s22+$0x19860] =	vst v39;
	v43 =	vmul.f32 v35, v40  }
0xee: {  	v45 =	vld [tilespmem:s22+$0x138E0];
	[tilespmem:s22+$0x19850] =	vst v19;
	v19 =	vmul.f32 v34, v33  }
0xef: {  	v44 =	vld [tilespmem:s22+$0x138D0];
	v46 =	vmul.f32 v38, v40;
	[tilespmem:s22+$0x19880] =	vst v43;
	v47 =	vperm.xlane v18, v14  }
0xf0: {  	v49 =	vld [tilespmem:s22+$0x13900];
	[tilespmem:s22+$0x19870] =	vst v19;
	v19 =	vmul.f32 v37, v40  }
0xf1: {  	v48 =	vld [tilespmem:s22+$0x138F0];
	[tilespmem:s22+$0x198A0] =	vst v46;
	v50 =	vmul.f32 v42, v47  }
0xf2: {  	v52 =	vld [tilespmem:s22+$0x13920];
	[tilespmem:s22+$0x19890] =	vst v19;
	v19 =	vmul.f32 v41, v40  }
0xf3: {  	v51 =	vld [tilespmem:s22+$0x13910];
	v53 =	vmul.f32 v45, v47;
	[tilespmem:s22+$0x198C0] =	vst v50;
	v54 =	vperm.xlane v18, v15  }
0xf4: {  	v59 =	vld [tilespmem:s22+$0x13960];
	[tilespmem:s22+$0x198B0] =	vst v19;
	v19 =	vmul.f32 v44, v47  }
0xf5: {  	v55 =	vld [tilespmem:s22+$0x13930];
	[tilespmem:s22+$0x198E0] =	vst v53;
	v57 =	vmul.f32 v49, v54  }
0xf6: {  	v56 =	vld [tilespmem:s22+$0x13940];
	[tilespmem:s22+$0x198D0] =	vst v19;
	v19 =	vmul.f32 v48, v47  }
0xf7: {  	v18 =	vperm.xlane v18, v16;
	v58 =	vld [tilespmem:s22+$0x13950];
	v60 =	vmul.f32 v52, v54;
	[tilespmem:s22+$0x19900] =	vst v57  }
0xf8: {  	v61 =	vld [tilespmem:s22+$0x13970];
	[tilespmem:s22+$0x198F0] =	vst v19;
	v19 =	vmul.f32 v51, v54  }
0xf9: {  	v63 =	vmul.f32 v59, v18;
	[tilespmem:s22+$0x19920] =	vst v60  }
0xfa: {  	p2 =	slt.u32 s3, $0x6;
	[tilespmem:s22+$0x19910] =	vst v19;
	v19 =	vmul.f32 v55, v54  }
.Ltmp5:
0xfb: {  	v62 =	vmul.f32 v56, v18;
	[tilespmem:s22+$0x19960] =	vst v63;
	(pc) =	sbr.rel @p2 .LBB2_6-.Ltmp5, $4  }
0xfc: {  	[tilespmem:s22+$0x19930] =	vst v19;
	v19 =	vmul.f32 v58, v18  }
0xfd: {  	[tilespmem:s22+$0x19940] =	vst v62;
	v18 =	vmul.f32 v61, v18  }
0xfe: {  	s26 =	sadd.s32 $0x2, s3;
	[tilespmem:s22+$0x19950] =	vst v19  }
0xff: {  	s3 =	smov.u32 s26;
	[tilespmem:s22+$0x19970] =	vst v18  }
0x100: {  	p2 =	sne.s32 s17, $0xA  }
.Ltmp6:
0x101: {  	_ = 	snop;
	(pc) =	sbr.rel @p2 .LBB2_9-.Ltmp6, $1  }
0x102: {  	_ =	sdelay $0x3  }
.Ltmp7:
0x103: {  	(pc) =	sbr.rel .LBB2_10-.Ltmp7, $3  }
0x104: {  	_ =	sdelay $0x1  }
0x105: {  	[spmem:s2] =	stream.indirect.scatter.add.f32 [tilespmem:s19], [sflag:$0x4], $0x40, s0, s24, $0xb8;
	[tilespmem:$0x1F180] =	vst v63  }
0x106: {  	s3 =	simm.s32 $0x1F  }
.LBB2_9:
.Ltmp8:
0x107: {  	(pc) =	sbr.rel @p1 .LBB2_11-.Ltmp8, $4  }
0x108: {  	s3 =	sadd.s32 $0x10180, s18  }
0x109: {  	[tilespmem:s25], [sflag:$0x1] =	stream.indirect.gather [hbm4b:s1+s24], $0x40, s3, s24, $0xb8;
	[tilespmem:$0x1F180] =	vst v63  }
0x10a: {  	s26 =	sadd.s32 $0x11080, s18;
	s3 =	sadd.s32 $0x1, s9  }
0x10b: {  	[spmem:s2] =	stream.indirect.scatter.add.f32 [tilespmem:s19], [sflag:$0x4], $0x40, s26, s24, $0xb8;
	[tilespmem:$0x1F180] =	vst v63  }
.LBB2_10:
0x10c: {  	_ =	swait.ge [sflag:s4], $0x2000  }
0x10d: {  	[sflag:s4] =	ssyncset.done $0x0  }
0x10e: {  	[sflag:s4] =	ssyncadd.s32 $0xFFFFE000  }
.LBB2_11:
0x10f: {  	s3 =	sshll.u32 s3, $0x9  }
0x110: {  	s3 =	sshra.s32 s3, $0x2  }
0x111: {  	s23 =	sadd.s32 $0x12100, s3  }
0x112: {  	_ =	swait.ge [sflag:s10], $0x2000;
	v17 =	vmov s23  }
0x113: {  	[sflag:s10] =	ssyncset.done $0x0  }
0x114: {  	s22 =	simm.s32 $0x0;
	[sflag:s10] =	ssyncadd.s32 $0xFFFFE000  }
.LBB2_12:
0x115: {  	s26 =	sshll.u32 s22, $0x4  }
0x116: {  	s23 =	sand.u32 $0x3FFFFFF0, s26  }
0x117: {  	v19 =	vld.idx.msk [tilespmem:v17+s23+$0x0 ss:$0x1], $0xffff;
	s23 =	sshll.u32 s22, $0xA  }
0x118: {  	v18 =	vld [tilespmem:s23+$0x15180]  }
0x119: {  	v20 =	vld [tilespmem:s23+$0x15190]  }
0x11a: {  	v21 =	vld [tilespmem:s23+$0x151A0]  }
0x11b: {  	v22 =	vld [tilespmem:s23+$0x151B0]  }
0x11c: {  	v24 =	vld [tilespmem:s23+$0x151C0];
	v23 =	vperm.xlane v19, v1  }
0x11d: {  	v25 =	vld [tilespmem:s23+$0x151D0]  }
0x11e: {  	v26 =	vld [tilespmem:s23+$0x151E0];
	v18 =	vmul.f32 v18, v23  }
0x11f: {  	v27 =	vld [tilespmem:s23+$0x151F0];
	v20 =	vmul.f32 v20, v23  }
0x120: {  	v28 =	vld [tilespmem:s23+$0x15200];
	v57 =	vperm.xlane v19, v2;
	[tilespmem:s23+$0x1B180] =	vst v18;
	v18 =	vmul.f32 v21, v23  }
0x121: {  	v59 =	vld [tilespmem:s23+$0x15210];
	v58 =	vmul.f32 v22, v23;
	[tilespmem:s23+$0x1B190] =	vst v20  }
0x122: {  	v60 =	vld [tilespmem:s23+$0x15220];
	[tilespmem:s23+$0x1B1A0] =	vst v18;
	v18 =	vmul.f32 v24, v57  }
0x123: {  	v62 =	vld [tilespmem:s23+$0x15230];
	v61 =	vmul.f32 v25, v57;
	[tilespmem:s23+$0x1B1B0] =	vst v58  }
0x124: {  	v32 =	vld [tilespmem:s23+$0x15240];
	v63 =	vperm.xlane v19, v3;
	[tilespmem:s23+$0x1B1C0] =	vst v18;
	v18 =	vmul.f32 v26, v57  }
0x125: {  	v34 =	vld [tilespmem:s23+$0x15250];
	v33 =	vmul.f32 v27, v57;
	[tilespmem:s23+$0x1B1D0] =	vst v61  }
0x126: {  	v35 =	vld [tilespmem:s23+$0x15260];
	[tilespmem:s23+$0x1B1E0] =	vst v18;
	v18 =	vmul.f32 v28, v63  }
0x127: {  	v37 =	vld [tilespmem:s23+$0x15270];
	v36 =	vmul.f32 v59, v63;
	[tilespmem:s23+$0x1B1F0] =	vst v33  }
0x128: {  	v39 =	vld [tilespmem:s23+$0x15280];
	v38 =	vperm.xlane v19, v4;
	[tilespmem:s23+$0x1B200] =	vst v18;
	v18 =	vmul.f32 v60, v63  }
0x129: {  	v41 =	vld [tilespmem:s23+$0x15290];
	v40 =	vmul.f32 v62, v63;
	[tilespmem:s23+$0x1B210] =	vst v36  }
0x12a: {  	v42 =	vld [tilespmem:s23+$0x152A0];
	[tilespmem:s23+$0x1B220] =	vst v18;
	v18 =	vmul.f32 v32, v38  }
0x12b: {  	v44 =	vld [tilespmem:s23+$0x152B0];
	v43 =	vmul.f32 v34, v38;
	[tilespmem:s23+$0x1B230] =	vst v40  }
0x12c: {  	v46 =	vld [tilespmem:s23+$0x152C0];
	v45 =	vperm.xlane v19, v5;
	[tilespmem:s23+$0x1B240] =	vst v18;
	v18 =	vmul.f32 v35, v38  }
0x12d: {  	v48 =	vld [tilespmem:s23+$0x152D0];
	v47 =	vmul.f32 v37, v38;
	[tilespmem:s23+$0x1B250] =	vst v43  }
0x12e: {  	v51 =	vld [tilespmem:s23+$0x152F0];
	[tilespmem:s23+$0x1B260] =	vst v18;
	v18 =	vmul.f32 v39, v45  }
0x12f: {  	v49 =	vld [tilespmem:s23+$0x152E0];
	v50 =	vmul.f32 v41, v45;
	[tilespmem:s23+$0x1B270] =	vst v47  }
0x130: {  	v53 =	vld [tilespmem:s23+$0x15300];
	v52 =	vperm.xlane v19, v6;
	[tilespmem:s23+$0x1B280] =	vst v18;
	v18 =	vmul.f32 v42, v45  }
0x131: {  	v55 =	vld [tilespmem:s23+$0x15310];
	v54 =	vmul.f32 v44, v45;
	[tilespmem:s23+$0x1B290] =	vst v50  }
0x132: {  	v58 =	vld [tilespmem:s23+$0x15330];
	[tilespmem:s23+$0x1B2A0] =	vst v18;
	v18 =	vmul.f32 v46, v52  }
0x133: {  	v56 =	vld [tilespmem:s23+$0x15320];
	[tilespmem:s23+$0x1B2B0] =	vst v54;
	v61 =	vmul.f32 v51, v52  }
0x134: {  	v59 =	vperm.xlane v19, v7;
	v33 =	vld [tilespmem:s23+$0x15370];
	[tilespmem:s23+$0x1B2C0] =	vst v18;
	v18 =	vmul.f32 v49, v52  }
0x135: {  	[tilespmem:s23+$0x1B2F0] =	vst v61;
	v57 =	vmul.f32 v48, v52;
	v60 =	vld [tilespmem:s23+$0x15340]  }
0x136: {  	v40 =	vld [tilespmem:s23+$0x153B0];
	[tilespmem:s23+$0x1B2E0] =	vst v18;
	v18 =	vmul.f32 v53, v59  }
0x137: {  	v34 =	vperm.xlane v19, v8;
	v36 =	vmul.f32 v58, v59;
	[tilespmem:s23+$0x1B2D0] =	vst v57;
	v63 =	vld [tilespmem:s23+$0x15360]  }
0x138: {  	v47 =	vld [tilespmem:s23+$0x153F0];
	[tilespmem:s23+$0x1B300] =	vst v18;
	v18 =	vmul.f32 v56, v59  }
0x139: {  	v41 =	vperm.xlane v19, v9;
	v43 =	vmul.f32 v33, v34;
	[tilespmem:s23+$0x1B330] =	vst v36;
	v35 =	vld [tilespmem:s23+$0x15380]  }
0x13a: {  	v62 =	vld [tilespmem:s23+$0x15350];
	[tilespmem:s23+$0x1B320] =	vst v18;
	v18 =	vmul.f32 v60, v34  }
0x13b: {  	v48 =	vperm.xlane v19, v10;
	v50 =	vmul.f32 v40, v41;
	[tilespmem:s23+$0x1B370] =	vst v43;
	v38 =	vld [tilespmem:s23+$0x153A0]  }
0x13c: {  	v33 =	vld [tilespmem:s23+$0x154A0];
	[tilespmem:s23+$0x1B340] =	vst v18;
	v18 =	vmul.f32 v63, v34  }
0x13d: {  	v57 =	vmul.f32 v47, v48;
	[tilespmem:s23+$0x1B3B0] =	vst v50;
	v42 =	vld [tilespmem:s23+$0x153C0]  }
0x13e: {  	v40 =	vld [tilespmem:s23+$0x154E0];
	[tilespmem:s23+$0x1B360] =	vst v18;
	v18 =	vmul.f32 v35, v41  }
0x13f: {  	v36 =	vperm.xlane v19, v13;
	[tilespmem:s23+$0x1B3F0] =	vst v57;
	v32 =	vmul.f32 v55, v59;
	v45 =	vld [tilespmem:s23+$0x153E0]  }
0x140: {  	v54 =	vld [tilespmem:s23+$0x15430];
	[tilespmem:s23+$0x1B380] =	vst v18;
	v18 =	vmul.f32 v38, v41  }
0x141: {  	v43 =	vperm.xlane v19, v14;
	v26 =	vmul.f32 v33, v36;
	[tilespmem:s23+$0x1B310] =	vst v32;
	v49 =	vld [tilespmem:s23+$0x15400]  }
0x142: {  	v37 =	vld [tilespmem:s23+$0x15390];
	[tilespmem:s23+$0x1B3A0] =	vst v18;
	v18 =	vmul.f32 v42, v48  }
0x143: {  	v55 =	vperm.xlane v19, v11;
	v50 =	vmul.f32 v40, v43;
	[tilespmem:s23+$0x1B4A0] =	vst v26;
	v52 =	vld [tilespmem:s23+$0x15420]  }
0x144: {  	v44 =	vld [tilespmem:s23+$0x153D0];
	[tilespmem:s23+$0x1B3C0] =	vst v18;
	v18 =	vmul.f32 v45, v48  }
0x145: {  	v31 =	vmul.f32 v54, v55;
	[tilespmem:s23+$0x1B4E0] =	vst v50;
	v56 =	vld [tilespmem:s23+$0x15440]  }
0x146: {  	v51 =	vld [tilespmem:s23+$0x15410];
	[tilespmem:s23+$0x1B3E0] =	vst v18;
	v18 =	vmul.f32 v49, v55  }
0x147: {  	v39 =	vmul.f32 v62, v34;
	[tilespmem:s23+$0x1B430] =	vst v31;
	v59 =	vld [tilespmem:s23+$0x15460]  }
0x148: {  	v61 =	vld [tilespmem:s23+$0x15470];
	v62 =	vperm.xlane v19, v12;
	[tilespmem:s23+$0x1B400] =	vst v18;
	v18 =	vmul.f32 v52, v55  }
0x149: {  	[tilespmem:s23+$0x1B350] =	vst v39;
	v46 =	vmul.f32 v37, v41;
	v63 =	vld [tilespmem:s23+$0x15480]  }
0x14a: {  	v37 =	vld [tilespmem:s23+$0x154C0];
	[tilespmem:s23+$0x1B420] =	vst v18;
	v18 =	vmul.f32 v56, v62  }
0x14b: {  	v58 =	vld [tilespmem:s23+$0x15450];
	[tilespmem:s23+$0x1B390] =	vst v46;
	v60 =	vmul.f32 v51, v55  }
0x14c: {  	v57 =	vld [tilespmem:s23+$0x15520];
	[tilespmem:s23+$0x1B440] =	vst v18;
	v18 =	vmul.f32 v59, v62  }
0x14d: {  	v32 =	vld [tilespmem:s23+$0x15490];
	v53 =	vmul.f32 v44, v48;
	[tilespmem:s23+$0x1B410] =	vst v60  }
0x14e: {  	v60 =	vld [tilespmem:s23+$0x15550];
	[tilespmem:s23+$0x1B460] =	vst v18;
	v18 =	vmul.f32 v63, v36  }
0x14f: {  	s26 =	sor.u32 $0x10, s26;
	v46 =	vmul.f32 v37, v43;
	[tilespmem:s23+$0x1B3D0] =	vst v53;
	v51 =	vperm.xlane v19, v15;
	v35 =	vld [tilespmem:s23+$0x154B0]  }
0x150: {  	v34 =	vmul.f32 v58, v62;
	[tilespmem:s23+$0x1B480] =	vst v18;
	v18 =	vld.idx.msk [tilespmem:v17+s26+$0x0 ss:$0x1], $0xffff  }
0x151: {  	v39 =	vld [tilespmem:s23+$0x154D0];
	[tilespmem:s23+$0x1B4C0] =	vst v46;
	v20 =	vmul.f32 v57, v51;
	s26 =	sshll.u32 s26, $0x6  }
0x152: {  	v19 =	vperm.xlane v19, v16;
	[tilespmem:s23+$0x1B450] =	vst v34;
	v38 =	vmul.f32 v61, v62;
	v47 =	vld [tilespmem:s26+$0x15180]  }
0x153: {  	[tilespmem:s23+$0x1B520] =	vst v20;
	v41 =	vmul.f32 v32, v36;
	v49 =	vld [tilespmem:s26+$0x15190]  }
0x154: {  	v31 =	vmul.f32 v60, v19;
	[tilespmem:s23+$0x1B470] =	vst v38;
	v52 =	vld [tilespmem:s26+$0x151A0]  }
0x155: {  	[tilespmem:s23+$0x1B490] =	vst v41;
	v44 =	vmul.f32 v35, v36;
	v55 =	vld [tilespmem:s26+$0x151B0];
	v54 =	vperm.xlane v18, v1  }
0x156: {  	v61 =	vld [tilespmem:s23+$0x15560];
	[tilespmem:s23+$0x1B550] =	vst v31;
	v48 =	vmul.f32 v39, v43  }
0x157: {  	v45 =	vld [tilespmem:s23+$0x15500];
	[tilespmem:s23+$0x1B4B0] =	vst v44;
	v26 =	vmul.f32 v47, v54  }
0x158: {  	v42 =	vld [tilespmem:s23+$0x154F0];
	[tilespmem:s23+$0x1B4D0] =	vst v48;
	v24 =	vmul.f32 v49, v54  }
0x159: {  	v58 =	vld [tilespmem:s23+$0x15530];
	v27 =	vmul.f32 v52, v54;
	[tilespmem:s26+$0x1B180] =	vst v26  }
0x15a: {  	v56 =	vld [tilespmem:s23+$0x15510];
	v21 =	vmul.f32 v55, v54;
	[tilespmem:s26+$0x1B190] =	vst v24  }
0x15b: {  	v33 =	vmul.f32 v61, v19;
	v59 =	vld [tilespmem:s23+$0x15540];
	[tilespmem:s26+$0x1B1A0] =	vst v27  }
0x15c: {  	v22 =	vmul.f32 v45, v51;
	v62 =	vld [tilespmem:s23+$0x15570];
	[tilespmem:s26+$0x1B1B0] =	vst v21  }
0x15d: {  	v53 =	vmul.f32 v42, v43;
	[tilespmem:s23+$0x1B560] =	vst v33;
	v63 =	vld [tilespmem:s23+$0x155C0]  }
0x15e: {  	[tilespmem:s23+$0x1B500] =	vst v22;
	v22 =	vmul.f32 v58, v51;
	v30 =	vld [tilespmem:s23+$0x155D0]  }
0x15f: {  	[tilespmem:s23+$0x1B4F0] =	vst v53;
	v23 =	vmul.f32 v56, v51;
	v32 =	vld [tilespmem:s23+$0x155E0]  }
0x160: {  	[tilespmem:s23+$0x1B530] =	vst v22;
	v29 =	vmul.f32 v59, v19;
	v34 =	vperm.xlane v18, v2;
	v36 =	vld [tilespmem:s23+$0x15600]  }
0x161: {  	[tilespmem:s23+$0x1B510] =	vst v23;
	v19 =	vmul.f32 v62, v19;
	v35 =	vld [tilespmem:s23+$0x155F0]  }
0x162: {  	[tilespmem:s23+$0x1B540] =	vst v29;
	v39 =	vld [tilespmem:s23+$0x15620];
	v37 =	vmul.f32 v63, v34  }
0x163: {  	[tilespmem:s23+$0x1B570] =	vst v19;
	v41 =	vperm.xlane v18, v3;
	v38 =	vld [tilespmem:s23+$0x15610];
	v19 =	vmul.f32 v30, v34  }
0x164: {  	v43 =	vld [tilespmem:s23+$0x15640];
	v40 =	vmul.f32 v32, v34;
	[tilespmem:s23+$0x1B5C0] =	vst v37  }
0x165: {  	v42 =	vld [tilespmem:s23+$0x15630];
	v44 =	vmul.f32 v36, v41;
	[tilespmem:s23+$0x1B5D0] =	vst v19  }
0x166: {  	v46 =	vld [tilespmem:s23+$0x15660];
	v19 =	vmul.f32 v35, v34;
	[tilespmem:s23+$0x1B5E0] =	vst v40  }
0x167: {  	v48 =	vperm.xlane v18, v4;
	v45 =	vld [tilespmem:s23+$0x15650];
	v47 =	vmul.f32 v39, v41;
	[tilespmem:s23+$0x1B600] =	vst v44  }
0x168: {  	v50 =	vld [tilespmem:s23+$0x15680];
	[tilespmem:s23+$0x1B5F0] =	vst v19;
	v19 =	vmul.f32 v38, v41  }
0x169: {  	v49 =	vld [tilespmem:s23+$0x15670];
	v51 =	vmul.f32 v43, v48;
	[tilespmem:s23+$0x1B620] =	vst v47  }
0x16a: {  	v53 =	vld [tilespmem:s23+$0x156A0];
	[tilespmem:s23+$0x1B610] =	vst v19;
	v19 =	vmul.f32 v42, v41  }
0x16b: {  	v55 =	vperm.xlane v18, v5;
	v52 =	vld [tilespmem:s23+$0x15690];
	v54 =	vmul.f32 v46, v48;
	[tilespmem:s23+$0x1B640] =	vst v51  }
0x16c: {  	v57 =	vld [tilespmem:s23+$0x156C0];
	[tilespmem:s23+$0x1B630] =	vst v19;
	v19 =	vmul.f32 v45, v48  }
0x16d: {  	v56 =	vld [tilespmem:s23+$0x156B0];
	v58 =	vmul.f32 v50, v55;
	[tilespmem:s23+$0x1B660] =	vst v54  }
0x16e: {  	v60 =	vld [tilespmem:s23+$0x156E0];
	[tilespmem:s23+$0x1B650] =	vst v19;
	v19 =	vmul.f32 v49, v48  }
0x16f: {  	v62 =	vperm.xlane v18, v6;
	v59 =	vld [tilespmem:s23+$0x156D0];
	v61 =	vmul.f32 v53, v55;
	[tilespmem:s23+$0x1B680] =	vst v58  }
0x170: {  	v28 =	vld [tilespmem:s23+$0x15700];
	[tilespmem:s23+$0x1B670] =	vst v19;
	v19 =	vmul.f32 v52, v55  }
0x171: {  	v63 =	vld [tilespmem:s23+$0x156F0];
	v29 =	vmul.f32 v57, v62;
	[tilespmem:s23+$0x1B6A0] =	vst v61  }
0x172: {  	v31 =	vld [tilespmem:s23+$0x15720];
	[tilespmem:s23+$0x1B690] =	vst v19;
	v19 =	vmul.f32 v56, v55  }
0x173: {  	v33 =	vperm.xlane v18, v7;
	v30 =	vld [tilespmem:s23+$0x15710];
	v32 =	vmul.f32 v60, v62;
	[tilespmem:s23+$0x1B6C0] =	vst v29  }
0x174: {  	v35 =	vld [tilespmem:s23+$0x15740];
	[tilespmem:s23+$0x1B6B0] =	vst v19;
	v19 =	vmul.f32 v59, v62  }
0x175: {  	v36 =	vmul.f32 v28, v33;
	v34 =	vld [tilespmem:s23+$0x15730];
	[tilespmem:s23+$0x1B6E0] =	vst v32  }
0x176: {  	v38 =	vld [tilespmem:s23+$0x15760];
	[tilespmem:s23+$0x1B6D0] =	vst v19;
	v19 =	vmul.f32 v63, v62  }
0x177: {  	v39 =	vmul.f32 v31, v33;
	v37 =	vld [tilespmem:s23+$0x15750];
	[tilespmem:s23+$0x1B700] =	vst v36;
	v40 =	vperm.xlane v18, v8  }
0x178: {  	v42 =	vld [tilespmem:s23+$0x15780];
	[tilespmem:s23+$0x1B6F0] =	vst v19;
	v19 =	vmul.f32 v30, v33  }
0x179: {  	[tilespmem:s23+$0x1B720] =	vst v39;
	v41 =	vld [tilespmem:s23+$0x15770];
	v43 =	vmul.f32 v35, v40  }
0x17a: {  	v45 =	vld [tilespmem:s23+$0x157A0];
	[tilespmem:s23+$0x1B710] =	vst v19;
	v19 =	vmul.f32 v34, v33  }
0x17b: {  	v44 =	vld [tilespmem:s23+$0x15790];
	v47 =	vperm.xlane v18, v9;
	[tilespmem:s23+$0x1B740] =	vst v43;
	v46 =	vmul.f32 v38, v40  }
0x17c: {  	v49 =	vld [tilespmem:s23+$0x157C0];
	[tilespmem:s23+$0x1B730] =	vst v19;
	v19 =	vmul.f32 v37, v40  }
0x17d: {  	v48 =	vld [tilespmem:s23+$0x157B0];
	[tilespmem:s23+$0x1B760] =	vst v46;
	v50 =	vmul.f32 v42, v47  }
0x17e: {  	v52 =	vld [tilespmem:s23+$0x157E0];
	[tilespmem:s23+$0x1B750] =	vst v19;
	v19 =	vmul.f32 v41, v40  }
0x17f: {  	v51 =	vld [tilespmem:s23+$0x157D0];
	v54 =	vperm.xlane v18, v10;
	[tilespmem:s23+$0x1B780] =	vst v50;
	v53 =	vmul.f32 v45, v47  }
0x180: {  	v56 =	vld [tilespmem:s23+$0x15800];
	[tilespmem:s23+$0x1B770] =	vst v19;
	v19 =	vmul.f32 v44, v47  }
0x181: {  	v55 =	vld [tilespmem:s23+$0x157F0];
	[tilespmem:s23+$0x1B7A0] =	vst v53;
	v57 =	vmul.f32 v49, v54  }
0x182: {  	v59 =	vld [tilespmem:s23+$0x15820];
	[tilespmem:s23+$0x1B790] =	vst v19;
	v19 =	vmul.f32 v48, v47  }
0x183: {  	v58 =	vld [tilespmem:s23+$0x15810];
	v61 =	vperm.xlane v18, v11;
	[tilespmem:s23+$0x1B7C0] =	vst v57;
	v60 =	vmul.f32 v52, v54  }
0x184: {  	v63 =	vld [tilespmem:s23+$0x15840];
	[tilespmem:s23+$0x1B7B0] =	vst v19;
	v19 =	vmul.f32 v51, v54  }
0x185: {  	v62 =	vld [tilespmem:s23+$0x15830];
	[tilespmem:s23+$0x1B7E0] =	vst v60;
	v29 =	vmul.f32 v56, v61  }
0x186: {  	v31 =	vld [tilespmem:s23+$0x15860];
	[tilespmem:s23+$0x1B7D0] =	vst v19;
	v19 =	vmul.f32 v55, v54  }
0x187: {  	v30 =	vld [tilespmem:s23+$0x15850];
	[tilespmem:s23+$0x1B800] =	vst v29;
	v32 =	vmul.f32 v59, v61;
	v33 =	vperm.xlane v18, v12  }
0x188: {  	v35 =	vld [tilespmem:s23+$0x15880];
	[tilespmem:s23+$0x1B7F0] =	vst v19;
	v19 =	vmul.f32 v58, v61  }
0x189: {  	v34 =	vld [tilespmem:s23+$0x15870];
	[tilespmem:s23+$0x1B820] =	vst v32;
	v36 =	vmul.f32 v63, v33  }
0x18a: {  	v38 =	vld [tilespmem:s23+$0x158A0];
	[tilespmem:s23+$0x1B810] =	vst v19;
	v19 =	vmul.f32 v62, v61  }
0x18b: {  	v37 =	vld [tilespmem:s23+$0x15890];
	v39 =	vmul.f32 v31, v33;
	[tilespmem:s23+$0x1B840] =	vst v36;
	v40 =	vperm.xlane v18, v13  }
0x18c: {  	v42 =	vld [tilespmem:s23+$0x158C0];
	[tilespmem:s23+$0x1B830] =	vst v19;
	v19 =	vmul.f32 v30, v33  }
0x18d: {  	v41 =	vld [tilespmem:s23+$0x158B0];
	[tilespmem:s23+$0x1B860] =	vst v39;
	v43 =	vmul.f32 v35, v40  }
0x18e: {  	v45 =	vld [tilespmem:s23+$0x158E0];
	[tilespmem:s23+$0x1B850] =	vst v19;
	v19 =	vmul.f32 v34, v33  }
0x18f: {  	v44 =	vld [tilespmem:s23+$0x158D0];
	v46 =	vmul.f32 v38, v40;
	[tilespmem:s23+$0x1B880] =	vst v43;
	v47 =	vperm.xlane v18, v14  }
0x190: {  	v49 =	vld [tilespmem:s23+$0x15900];
	[tilespmem:s23+$0x1B870] =	vst v19;
	v19 =	vmul.f32 v37, v40  }
0x191: {  	v48 =	vld [tilespmem:s23+$0x158F0];
	[tilespmem:s23+$0x1B8A0] =	vst v46;
	v50 =	vmul.f32 v42, v47  }
0x192: {  	v52 =	vld [tilespmem:s23+$0x15920];
	[tilespmem:s23+$0x1B890] =	vst v19;
	v19 =	vmul.f32 v41, v40  }
0x193: {  	v51 =	vld [tilespmem:s23+$0x15910];
	v53 =	vmul.f32 v45, v47;
	[tilespmem:s23+$0x1B8C0] =	vst v50;
	v54 =	vperm.xlane v18, v15  }
0x194: {  	v59 =	vld [tilespmem:s23+$0x15960];
	[tilespmem:s23+$0x1B8B0] =	vst v19;
	v19 =	vmul.f32 v44, v47  }
0x195: {  	v55 =	vld [tilespmem:s23+$0x15930];
	[tilespmem:s23+$0x1B8E0] =	vst v53;
	v57 =	vmul.f32 v49, v54  }
0x196: {  	v56 =	vld [tilespmem:s23+$0x15940];
	[tilespmem:s23+$0x1B8D0] =	vst v19;
	v19 =	vmul.f32 v48, v47  }
0x197: {  	v18 =	vperm.xlane v18, v16;
	v58 =	vld [tilespmem:s23+$0x15950];
	v60 =	vmul.f32 v52, v54;
	[tilespmem:s23+$0x1B900] =	vst v57  }
0x198: {  	v61 =	vld [tilespmem:s23+$0x15970];
	[tilespmem:s23+$0x1B8F0] =	vst v19;
	v19 =	vmul.f32 v51, v54  }
0x199: {  	v63 =	vmul.f32 v59, v18;
	[tilespmem:s23+$0x1B920] =	vst v60  }
0x19a: {  	p3 =	slt.u32 s22, $0x6;
	[tilespmem:s23+$0x1B910] =	vst v19;
	v19 =	vmul.f32 v55, v54  }
.Ltmp9:
0x19b: {  	v62 =	vmul.f32 v56, v18;
	[tilespmem:s23+$0x1B960] =	vst v63;
	(pc) =	sbr.rel @p3 .LBB2_12-.Ltmp9, $4  }
0x19c: {  	[tilespmem:s23+$0x1B930] =	vst v19;
	v19 =	vmul.f32 v58, v18  }
0x19d: {  	[tilespmem:s23+$0x1B940] =	vst v62;
	v18 =	vmul.f32 v61, v18  }
0x19e: {  	s26 =	sadd.s32 $0x2, s22;
	[tilespmem:s23+$0x1B950] =	vst v19  }
0x19f: {  	s22 =	smov.u32 s26;
	[tilespmem:s23+$0x1B970] =	vst v18  }
.Ltmp10:
0x1a0: {  	(pc) =	sbr.rel @p2 .LBB2_15-.Ltmp10, $2  }
0x1a1: {  	_ =	sdelay $0x2  }
0x1a2: {  	s3 =	sadd.s32 $0x11080, s3  }
.Ltmp11:
0x1a3: {  	(pc) =	sbr.rel .LBB2_16-.Ltmp11, $3  }
0x1a4: {  	_ =	sdelay $0x1  }
0x1a5: {  	[spmem:s2] =	stream.indirect.scatter.add.f32 [tilespmem:s11], [sflag:$0x5], $0x40, s3, s24, $0xb8;
	[tilespmem:$0x1F180] =	vst v63  }
0x1a6: {  	s3 =	simm.s32 $0x20  }
.LBB2_15:
.Ltmp12:
0x1a7: {  	s22 =	sadd.s32 $0x10200, s18;
	(pc) =	sbr.rel @p1 .LBB2_17-.Ltmp12, $4  }
0x1a8: {  	[tilespmem:s28], [sflag:$0x2] =	stream.indirect.gather [hbm4b:s1+s24], $0x40, s22, s24, $0xb8;
	[tilespmem:$0x1F180] =	vst v63  }
0x1a9: {  	_ = 	snop  }
0x1aa: {  	[spmem:s2] =	stream.indirect.scatter.add.f32 [tilespmem:s11], [sflag:$0x5], $0x40, s3, s24, $0xb8;
	[tilespmem:$0x1F180] =	vst v63  }
0x1ab: {  	s3 =	sadd.s32 $0x2, s9  }
.LBB2_16:
0x1ac: {  	_ =	swait.ge [sflag:s12], $0x2000  }
0x1ad: {  	[sflag:s12] =	ssyncset.done $0x0  }
0x1ae: {  	[sflag:s12] =	ssyncadd.s32 $0xFFFFE000  }
.LBB2_17:
0x1af: {  	s3 =	sshll.u32 s3, $0x9  }
0x1b0: {  	s9 =	sshra.s32 s3, $0x2  }
0x1b1: {  	s22 =	sadd.s32 $0x12100, s9  }
0x1b2: {  	_ =	swait.ge [sflag:s13], $0x2000;
	v17 =	vmov s22  }
0x1b3: {  	[sflag:s13] =	ssyncset.done $0x0  }
0x1b4: {  	s3 =	simm.s32 $0x0;
	[sflag:s13] =	ssyncadd.s32 $0xFFFFE000  }
.LBB2_18:
0x1b5: {  	s23 =	sshll.u32 s3, $0x4  }
0x1b6: {  	s22 =	sand.u32 $0x3FFFFFF0, s23  }
0x1b7: {  	v19 =	vld.idx.msk [tilespmem:v17+s22+$0x0 ss:$0x1], $0xffff;
	s22 =	sshll.u32 s3, $0xA  }
0x1b8: {  	v18 =	vld [tilespmem:s22+$0x17180]  }
0x1b9: {  	v20 =	vld [tilespmem:s22+$0x17190]  }
0x1ba: {  	v21 =	vld [tilespmem:s22+$0x171A0]  }
0x1bb: {  	v22 =	vld [tilespmem:s22+$0x171B0]  }
0x1bc: {  	v24 =	vld [tilespmem:s22+$0x171C0];
	v23 =	vperm.xlane v19, v1  }
0x1bd: {  	v25 =	vld [tilespmem:s22+$0x171D0]  }
0x1be: {  	v26 =	vld [tilespmem:s22+$0x171E0];
	v18 =	vmul.f32 v18, v23  }
0x1bf: {  	v27 =	vld [tilespmem:s22+$0x171F0];
	v20 =	vmul.f32 v20, v23  }
0x1c0: {  	v28 =	vld [tilespmem:s22+$0x17200];
	v57 =	vperm.xlane v19, v2;
	[tilespmem:s22+$0x1D180] =	vst v18;
	v18 =	vmul.f32 v21, v23  }
0x1c1: {  	v59 =	vld [tilespmem:s22+$0x17210];
	v58 =	vmul.f32 v22, v23;
	[tilespmem:s22+$0x1D190] =	vst v20  }
0x1c2: {  	v60 =	vld [tilespmem:s22+$0x17220];
	[tilespmem:s22+$0x1D1A0] =	vst v18;
	v18 =	vmul.f32 v24, v57  }
0x1c3: {  	v62 =	vld [tilespmem:s22+$0x17230];
	v61 =	vmul.f32 v25, v57;
	[tilespmem:s22+$0x1D1B0] =	vst v58  }
0x1c4: {  	v32 =	vld [tilespmem:s22+$0x17240];
	v63 =	vperm.xlane v19, v3;
	[tilespmem:s22+$0x1D1C0] =	vst v18;
	v18 =	vmul.f32 v26, v57  }
0x1c5: {  	v34 =	vld [tilespmem:s22+$0x17250];
	v33 =	vmul.f32 v27, v57;
	[tilespmem:s22+$0x1D1D0] =	vst v61  }
0x1c6: {  	v35 =	vld [tilespmem:s22+$0x17260];
	[tilespmem:s22+$0x1D1E0] =	vst v18;
	v18 =	vmul.f32 v28, v63  }
0x1c7: {  	v37 =	vld [tilespmem:s22+$0x17270];
	v36 =	vmul.f32 v59, v63;
	[tilespmem:s22+$0x1D1F0] =	vst v33  }
0x1c8: {  	v39 =	vld [tilespmem:s22+$0x17280];
	v38 =	vperm.xlane v19, v4;
	[tilespmem:s22+$0x1D200] =	vst v18;
	v18 =	vmul.f32 v60, v63  }
0x1c9: {  	v41 =	vld [tilespmem:s22+$0x17290];
	v40 =	vmul.f32 v62, v63;
	[tilespmem:s22+$0x1D210] =	vst v36  }
0x1ca: {  	v42 =	vld [tilespmem:s22+$0x172A0];
	[tilespmem:s22+$0x1D220] =	vst v18;
	v18 =	vmul.f32 v32, v38  }
0x1cb: {  	v44 =	vld [tilespmem:s22+$0x172B0];
	v43 =	vmul.f32 v34, v38;
	[tilespmem:s22+$0x1D230] =	vst v40  }
0x1cc: {  	v46 =	vld [tilespmem:s22+$0x172C0];
	v45 =	vperm.xlane v19, v5;
	[tilespmem:s22+$0x1D240] =	vst v18;
	v18 =	vmul.f32 v35, v38  }
0x1cd: {  	v48 =	vld [tilespmem:s22+$0x172D0];
	v47 =	vmul.f32 v37, v38;
	[tilespmem:s22+$0x1D250] =	vst v43  }
0x1ce: {  	v51 =	vld [tilespmem:s22+$0x172F0];
	[tilespmem:s22+$0x1D260] =	vst v18;
	v18 =	vmul.f32 v39, v45  }
0x1cf: {  	v49 =	vld [tilespmem:s22+$0x172E0];
	v50 =	vmul.f32 v41, v45;
	[tilespmem:s22+$0x1D270] =	vst v47  }
0x1d0: {  	v53 =	vld [tilespmem:s22+$0x17300];
	v52 =	vperm.xlane v19, v6;
	[tilespmem:s22+$0x1D280] =	vst v18;
	v18 =	vmul.f32 v42, v45  }
0x1d1: {  	v55 =	vld [tilespmem:s22+$0x17310];
	v54 =	vmul.f32 v44, v45;
	[tilespmem:s22+$0x1D290] =	vst v50  }
0x1d2: {  	v58 =	vld [tilespmem:s22+$0x17330];
	[tilespmem:s22+$0x1D2A0] =	vst v18;
	v18 =	vmul.f32 v46, v52  }
0x1d3: {  	v56 =	vld [tilespmem:s22+$0x17320];
	[tilespmem:s22+$0x1D2B0] =	vst v54;
	v61 =	vmul.f32 v51, v52  }
0x1d4: {  	v59 =	vperm.xlane v19, v7;
	v33 =	vld [tilespmem:s22+$0x17370];
	[tilespmem:s22+$0x1D2C0] =	vst v18;
	v18 =	vmul.f32 v49, v52  }
0x1d5: {  	[tilespmem:s22+$0x1D2F0] =	vst v61;
	v57 =	vmul.f32 v48, v52;
	v60 =	vld [tilespmem:s22+$0x17340]  }
0x1d6: {  	v40 =	vld [tilespmem:s22+$0x173B0];
	[tilespmem:s22+$0x1D2E0] =	vst v18;
	v18 =	vmul.f32 v53, v59  }
0x1d7: {  	v34 =	vperm.xlane v19, v8;
	v36 =	vmul.f32 v58, v59;
	[tilespmem:s22+$0x1D2D0] =	vst v57;
	v63 =	vld [tilespmem:s22+$0x17360]  }
0x1d8: {  	v47 =	vld [tilespmem:s22+$0x173F0];
	[tilespmem:s22+$0x1D300] =	vst v18;
	v18 =	vmul.f32 v56, v59  }
0x1d9: {  	v41 =	vperm.xlane v19, v9;
	v43 =	vmul.f32 v33, v34;
	[tilespmem:s22+$0x1D330] =	vst v36;
	v35 =	vld [tilespmem:s22+$0x17380]  }
0x1da: {  	v62 =	vld [tilespmem:s22+$0x17350];
	[tilespmem:s22+$0x1D320] =	vst v18;
	v18 =	vmul.f32 v60, v34  }
0x1db: {  	v48 =	vperm.xlane v19, v10;
	v50 =	vmul.f32 v40, v41;
	[tilespmem:s22+$0x1D370] =	vst v43;
	v38 =	vld [tilespmem:s22+$0x173A0]  }
0x1dc: {  	v33 =	vld [tilespmem:s22+$0x174A0];
	[tilespmem:s22+$0x1D340] =	vst v18;
	v18 =	vmul.f32 v63, v34  }
0x1dd: {  	v57 =	vmul.f32 v47, v48;
	[tilespmem:s22+$0x1D3B0] =	vst v50;
	v42 =	vld [tilespmem:s22+$0x173C0]  }
0x1de: {  	v40 =	vld [tilespmem:s22+$0x174E0];
	[tilespmem:s22+$0x1D360] =	vst v18;
	v18 =	vmul.f32 v35, v41  }
0x1df: {  	v36 =	vperm.xlane v19, v13;
	[tilespmem:s22+$0x1D3F0] =	vst v57;
	v32 =	vmul.f32 v55, v59;
	v45 =	vld [tilespmem:s22+$0x173E0]  }
0x1e0: {  	v54 =	vld [tilespmem:s22+$0x17430];
	[tilespmem:s22+$0x1D380] =	vst v18;
	v18 =	vmul.f32 v38, v41  }
0x1e1: {  	v43 =	vperm.xlane v19, v14;
	v26 =	vmul.f32 v33, v36;
	[tilespmem:s22+$0x1D310] =	vst v32;
	v49 =	vld [tilespmem:s22+$0x17400]  }
0x1e2: {  	v37 =	vld [tilespmem:s22+$0x17390];
	[tilespmem:s22+$0x1D3A0] =	vst v18;
	v18 =	vmul.f32 v42, v48  }
0x1e3: {  	v55 =	vperm.xlane v19, v11;
	v50 =	vmul.f32 v40, v43;
	[tilespmem:s22+$0x1D4A0] =	vst v26;
	v52 =	vld [tilespmem:s22+$0x17420]  }
0x1e4: {  	v44 =	vld [tilespmem:s22+$0x173D0];
	[tilespmem:s22+$0x1D3C0] =	vst v18;
	v18 =	vmul.f32 v45, v48  }
0x1e5: {  	v31 =	vmul.f32 v54, v55;
	[tilespmem:s22+$0x1D4E0] =	vst v50;
	v56 =	vld [tilespmem:s22+$0x17440]  }
0x1e6: {  	v51 =	vld [tilespmem:s22+$0x17410];
	[tilespmem:s22+$0x1D3E0] =	vst v18;
	v18 =	vmul.f32 v49, v55  }
0x1e7: {  	v39 =	vmul.f32 v62, v34;
	[tilespmem:s22+$0x1D430] =	vst v31;
	v59 =	vld [tilespmem:s22+$0x17460]  }
0x1e8: {  	v61 =	vld [tilespmem:s22+$0x17470];
	v62 =	vperm.xlane v19, v12;
	[tilespmem:s22+$0x1D400] =	vst v18;
	v18 =	vmul.f32 v52, v55  }
0x1e9: {  	[tilespmem:s22+$0x1D350] =	vst v39;
	v46 =	vmul.f32 v37, v41;
	v63 =	vld [tilespmem:s22+$0x17480]  }
0x1ea: {  	v37 =	vld [tilespmem:s22+$0x174C0];
	[tilespmem:s22+$0x1D420] =	vst v18;
	v18 =	vmul.f32 v56, v62  }
0x1eb: {  	v58 =	vld [tilespmem:s22+$0x17450];
	[tilespmem:s22+$0x1D390] =	vst v46;
	v60 =	vmul.f32 v51, v55  }
0x1ec: {  	v57 =	vld [tilespmem:s22+$0x17520];
	[tilespmem:s22+$0x1D440] =	vst v18;
	v18 =	vmul.f32 v59, v62  }
0x1ed: {  	v32 =	vld [tilespmem:s22+$0x17490];
	v53 =	vmul.f32 v44, v48;
	[tilespmem:s22+$0x1D410] =	vst v60  }
0x1ee: {  	v60 =	vld [tilespmem:s22+$0x17550];
	[tilespmem:s22+$0x1D460] =	vst v18;
	v18 =	vmul.f32 v63, v36  }
0x1ef: {  	s23 =	sor.u32 $0x10, s23;
	v46 =	vmul.f32 v37, v43;
	[tilespmem:s22+$0x1D3D0] =	vst v53;
	v51 =	vperm.xlane v19, v15;
	v35 =	vld [tilespmem:s22+$0x174B0]  }
0x1f0: {  	v34 =	vmul.f32 v58, v62;
	[tilespmem:s22+$0x1D480] =	vst v18;
	v18 =	vld.idx.msk [tilespmem:v17+s23+$0x0 ss:$0x1], $0xffff  }
0x1f1: {  	v39 =	vld [tilespmem:s22+$0x174D0];
	[tilespmem:s22+$0x1D4C0] =	vst v46;
	v20 =	vmul.f32 v57, v51;
	s23 =	sshll.u32 s23, $0x6  }
0x1f2: {  	v19 =	vperm.xlane v19, v16;
	[tilespmem:s22+$0x1D450] =	vst v34;
	v38 =	vmul.f32 v61, v62;
	v47 =	vld [tilespmem:s23+$0x17180]  }
0x1f3: {  	[tilespmem:s22+$0x1D520] =	vst v20;
	v41 =	vmul.f32 v32, v36;
	v49 =	vld [tilespmem:s23+$0x17190]  }
0x1f4: {  	v31 =	vmul.f32 v60, v19;
	[tilespmem:s22+$0x1D470] =	vst v38;
	v52 =	vld [tilespmem:s23+$0x171A0]  }
0x1f5: {  	[tilespmem:s22+$0x1D490] =	vst v41;
	v44 =	vmul.f32 v35, v36;
	v55 =	vld [tilespmem:s23+$0x171B0];
	v54 =	vperm.xlane v18, v1  }
0x1f6: {  	v61 =	vld [tilespmem:s22+$0x17560];
	[tilespmem:s22+$0x1D550] =	vst v31;
	v48 =	vmul.f32 v39, v43  }
0x1f7: {  	v45 =	vld [tilespmem:s22+$0x17500];
	[tilespmem:s22+$0x1D4B0] =	vst v44;
	v26 =	vmul.f32 v47, v54  }
0x1f8: {  	v42 =	vld [tilespmem:s22+$0x174F0];
	[tilespmem:s22+$0x1D4D0] =	vst v48;
	v24 =	vmul.f32 v49, v54  }
0x1f9: {  	v58 =	vld [tilespmem:s22+$0x17530];
	v27 =	vmul.f32 v52, v54;
	[tilespmem:s23+$0x1D180] =	vst v26  }
0x1fa: {  	v56 =	vld [tilespmem:s22+$0x17510];
	v21 =	vmul.f32 v55, v54;
	[tilespmem:s23+$0x1D190] =	vst v24  }
0x1fb: {  	v33 =	vmul.f32 v61, v19;
	v59 =	vld [tilespmem:s22+$0x17540];
	[tilespmem:s23+$0x1D1A0] =	vst v27  }
0x1fc: {  	v22 =	vmul.f32 v45, v51;
	v62 =	vld [tilespmem:s22+$0x17570];
	[tilespmem:s23+$0x1D1B0] =	vst v21  }
0x1fd: {  	v53 =	vmul.f32 v42, v43;
	[tilespmem:s22+$0x1D560] =	vst v33;
	v63 =	vld [tilespmem:s22+$0x175C0]  }
0x1fe: {  	[tilespmem:s22+$0x1D500] =	vst v22;
	v22 =	vmul.f32 v58, v51;
	v30 =	vld [tilespmem:s22+$0x175D0]  }
0x1ff: {  	[tilespmem:s22+$0x1D4F0] =	vst v53;
	v23 =	vmul.f32 v56, v51;
	v32 =	vld [tilespmem:s22+$0x175E0]  }
0x200: {  	[tilespmem:s22+$0x1D530] =	vst v22;
	v29 =	vmul.f32 v59, v19;
	v34 =	vperm.xlane v18, v2;
	v36 =	vld [tilespmem:s22+$0x17600]  }
0x201: {  	[tilespmem:s22+$0x1D510] =	vst v23;
	v19 =	vmul.f32 v62, v19;
	v35 =	vld [tilespmem:s22+$0x175F0]  }
0x202: {  	[tilespmem:s22+$0x1D540] =	vst v29;
	v39 =	vld [tilespmem:s22+$0x17620];
	v37 =	vmul.f32 v63, v34  }
0x203: {  	[tilespmem:s22+$0x1D570] =	vst v19;
	v41 =	vperm.xlane v18, v3;
	v38 =	vld [tilespmem:s22+$0x17610];
	v19 =	vmul.f32 v30, v34  }
0x204: {  	v43 =	vld [tilespmem:s22+$0x17640];
	v40 =	vmul.f32 v32, v34;
	[tilespmem:s22+$0x1D5C0] =	vst v37  }
0x205: {  	v42 =	vld [tilespmem:s22+$0x17630];
	v44 =	vmul.f32 v36, v41;
	[tilespmem:s22+$0x1D5D0] =	vst v19  }
0x206: {  	v46 =	vld [tilespmem:s22+$0x17660];
	v19 =	vmul.f32 v35, v34;
	[tilespmem:s22+$0x1D5E0] =	vst v40  }
0x207: {  	v48 =	vperm.xlane v18, v4;
	v45 =	vld [tilespmem:s22+$0x17650];
	v47 =	vmul.f32 v39, v41;
	[tilespmem:s22+$0x1D600] =	vst v44  }
0x208: {  	v50 =	vld [tilespmem:s22+$0x17680];
	[tilespmem:s22+$0x1D5F0] =	vst v19;
	v19 =	vmul.f32 v38, v41  }
0x209: {  	v49 =	vld [tilespmem:s22+$0x17670];
	v51 =	vmul.f32 v43, v48;
	[tilespmem:s22+$0x1D620] =	vst v47  }
0x20a: {  	v53 =	vld [tilespmem:s22+$0x176A0];
	[tilespmem:s22+$0x1D610] =	vst v19;
	v19 =	vmul.f32 v42, v41  }
0x20b: {  	v55 =	vperm.xlane v18, v5;
	v52 =	vld [tilespmem:s22+$0x17690];
	v54 =	vmul.f32 v46, v48;
	[tilespmem:s22+$0x1D640] =	vst v51  }
0x20c: {  	v57 =	vld [tilespmem:s22+$0x176C0];
	[tilespmem:s22+$0x1D630] =	vst v19;
	v19 =	vmul.f32 v45, v48  }
0x20d: {  	v56 =	vld [tilespmem:s22+$0x176B0];
	v58 =	vmul.f32 v50, v55;
	[tilespmem:s22+$0x1D660] =	vst v54  }
0x20e: {  	v60 =	vld [tilespmem:s22+$0x176E0];
	[tilespmem:s22+$0x1D650] =	vst v19;
	v19 =	vmul.f32 v49, v48  }
0x20f: {  	v62 =	vperm.xlane v18, v6;
	v59 =	vld [tilespmem:s22+$0x176D0];
	v61 =	vmul.f32 v53, v55;
	[tilespmem:s22+$0x1D680] =	vst v58  }
0x210: {  	v28 =	vld [tilespmem:s22+$0x17700];
	[tilespmem:s22+$0x1D670] =	vst v19;
	v19 =	vmul.f32 v52, v55  }
0x211: {  	v63 =	vld [tilespmem:s22+$0x176F0];
	v29 =	vmul.f32 v57, v62;
	[tilespmem:s22+$0x1D6A0] =	vst v61  }
0x212: {  	v31 =	vld [tilespmem:s22+$0x17720];
	[tilespmem:s22+$0x1D690] =	vst v19;
	v19 =	vmul.f32 v56, v55  }
0x213: {  	v33 =	vperm.xlane v18, v7;
	v30 =	vld [tilespmem:s22+$0x17710];
	v32 =	vmul.f32 v60, v62;
	[tilespmem:s22+$0x1D6C0] =	vst v29  }
0x214: {  	v35 =	vld [tilespmem:s22+$0x17740];
	[tilespmem:s22+$0x1D6B0] =	vst v19;
	v19 =	vmul.f32 v59, v62  }
0x215: {  	v36 =	vmul.f32 v28, v33;
	v34 =	vld [tilespmem:s22+$0x17730];
	[tilespmem:s22+$0x1D6E0] =	vst v32  }
0x216: {  	v38 =	vld [tilespmem:s22+$0x17760];
	[tilespmem:s22+$0x1D6D0] =	vst v19;
	v19 =	vmul.f32 v63, v62  }
0x217: {  	v39 =	vmul.f32 v31, v33;
	v37 =	vld [tilespmem:s22+$0x17750];
	[tilespmem:s22+$0x1D700] =	vst v36;
	v40 =	vperm.xlane v18, v8  }
0x218: {  	v42 =	vld [tilespmem:s22+$0x17780];
	[tilespmem:s22+$0x1D6F0] =	vst v19;
	v19 =	vmul.f32 v30, v33  }
0x219: {  	[tilespmem:s22+$0x1D720] =	vst v39;
	v41 =	vld [tilespmem:s22+$0x17770];
	v43 =	vmul.f32 v35, v40  }
0x21a: {  	v45 =	vld [tilespmem:s22+$0x177A0];
	[tilespmem:s22+$0x1D710] =	vst v19;
	v19 =	vmul.f32 v34, v33  }
0x21b: {  	v44 =	vld [tilespmem:s22+$0x17790];
	v47 =	vperm.xlane v18, v9;
	[tilespmem:s22+$0x1D740] =	vst v43;
	v46 =	vmul.f32 v38, v40  }
0x21c: {  	v49 =	vld [tilespmem:s22+$0x177C0];
	[tilespmem:s22+$0x1D730] =	vst v19;
	v19 =	vmul.f32 v37, v40  }
0x21d: {  	v48 =	vld [tilespmem:s22+$0x177B0];
	[tilespmem:s22+$0x1D760] =	vst v46;
	v50 =	vmul.f32 v42, v47  }
0x21e: {  	v52 =	vld [tilespmem:s22+$0x177E0];
	[tilespmem:s22+$0x1D750] =	vst v19;
	v19 =	vmul.f32 v41, v40  }
0x21f: {  	v51 =	vld [tilespmem:s22+$0x177D0];
	v54 =	vperm.xlane v18, v10;
	[tilespmem:s22+$0x1D780] =	vst v50;
	v53 =	vmul.f32 v45, v47  }
0x220: {  	v56 =	vld [tilespmem:s22+$0x17800];
	[tilespmem:s22+$0x1D770] =	vst v19;
	v19 =	vmul.f32 v44, v47  }
0x221: {  	v55 =	vld [tilespmem:s22+$0x177F0];
	[tilespmem:s22+$0x1D7A0] =	vst v53;
	v57 =	vmul.f32 v49, v54  }
0x222: {  	v59 =	vld [tilespmem:s22+$0x17820];
	[tilespmem:s22+$0x1D790] =	vst v19;
	v19 =	vmul.f32 v48, v47  }
0x223: {  	v58 =	vld [tilespmem:s22+$0x17810];
	v61 =	vperm.xlane v18, v11;
	[tilespmem:s22+$0x1D7C0] =	vst v57;
	v60 =	vmul.f32 v52, v54  }
0x224: {  	v63 =	vld [tilespmem:s22+$0x17840];
	[tilespmem:s22+$0x1D7B0] =	vst v19;
	v19 =	vmul.f32 v51, v54  }
0x225: {  	v62 =	vld [tilespmem:s22+$0x17830];
	[tilespmem:s22+$0x1D7E0] =	vst v60;
	v29 =	vmul.f32 v56, v61  }
0x226: {  	v31 =	vld [tilespmem:s22+$0x17860];
	[tilespmem:s22+$0x1D7D0] =	vst v19;
	v19 =	vmul.f32 v55, v54  }
0x227: {  	v30 =	vld [tilespmem:s22+$0x17850];
	[tilespmem:s22+$0x1D800] =	vst v29;
	v32 =	vmul.f32 v59, v61;
	v33 =	vperm.xlane v18, v12  }
0x228: {  	v35 =	vld [tilespmem:s22+$0x17880];
	[tilespmem:s22+$0x1D7F0] =	vst v19;
	v19 =	vmul.f32 v58, v61  }
0x229: {  	v34 =	vld [tilespmem:s22+$0x17870];
	[tilespmem:s22+$0x1D820] =	vst v32;
	v36 =	vmul.f32 v63, v33  }
0x22a: {  	v38 =	vld [tilespmem:s22+$0x178A0];
	[tilespmem:s22+$0x1D810] =	vst v19;
	v19 =	vmul.f32 v62, v61  }
0x22b: {  	v37 =	vld [tilespmem:s22+$0x17890];
	v39 =	vmul.f32 v31, v33;
	[tilespmem:s22+$0x1D840] =	vst v36;
	v40 =	vperm.xlane v18, v13  }
0x22c: {  	v42 =	vld [tilespmem:s22+$0x178C0];
	[tilespmem:s22+$0x1D830] =	vst v19;
	v19 =	vmul.f32 v30, v33  }
0x22d: {  	v41 =	vld [tilespmem:s22+$0x178B0];
	[tilespmem:s22+$0x1D860] =	vst v39;
	v43 =	vmul.f32 v35, v40  }
0x22e: {  	v45 =	vld [tilespmem:s22+$0x178E0];
	[tilespmem:s22+$0x1D850] =	vst v19;
	v19 =	vmul.f32 v34, v33  }
0x22f: {  	v44 =	vld [tilespmem:s22+$0x178D0];
	v46 =	vmul.f32 v38, v40;
	[tilespmem:s22+$0x1D880] =	vst v43;
	v47 =	vperm.xlane v18, v14  }
0x230: {  	v49 =	vld [tilespmem:s22+$0x17900];
	[tilespmem:s22+$0x1D870] =	vst v19;
	v19 =	vmul.f32 v37, v40  }
0x231: {  	v48 =	vld [tilespmem:s22+$0x178F0];
	[tilespmem:s22+$0x1D8A0] =	vst v46;
	v50 =	vmul.f32 v42, v47  }
0x232: {  	v52 =	vld [tilespmem:s22+$0x17920];
	[tilespmem:s22+$0x1D890] =	vst v19;
	v19 =	vmul.f32 v41, v40  }
0x233: {  	v51 =	vld [tilespmem:s22+$0x17910];
	v53 =	vmul.f32 v45, v47;
	[tilespmem:s22+$0x1D8C0] =	vst v50;
	v54 =	vperm.xlane v18, v15  }
0x234: {  	v59 =	vld [tilespmem:s22+$0x17960];
	[tilespmem:s22+$0x1D8B0] =	vst v19;
	v19 =	vmul.f32 v44, v47  }
0x235: {  	v55 =	vld [tilespmem:s22+$0x17930];
	[tilespmem:s22+$0x1D8E0] =	vst v53;
	v57 =	vmul.f32 v49, v54  }
0x236: {  	v56 =	vld [tilespmem:s22+$0x17940];
	[tilespmem:s22+$0x1D8D0] =	vst v19;
	v19 =	vmul.f32 v48, v47  }
0x237: {  	v18 =	vperm.xlane v18, v16;
	v58 =	vld [tilespmem:s22+$0x17950];
	v60 =	vmul.f32 v52, v54;
	[tilespmem:s22+$0x1D900] =	vst v57  }
0x238: {  	v61 =	vld [tilespmem:s22+$0x17970];
	[tilespmem:s22+$0x1D8F0] =	vst v19;
	v19 =	vmul.f32 v51, v54  }
0x239: {  	v63 =	vmul.f32 v59, v18;
	[tilespmem:s22+$0x1D920] =	vst v60  }
0x23a: {  	p1 =	slt.u32 s3, $0x6;
	[tilespmem:s22+$0x1D910] =	vst v19;
	v19 =	vmul.f32 v55, v54  }
.Ltmp13:
0x23b: {  	v62 =	vmul.f32 v56, v18;
	[tilespmem:s22+$0x1D960] =	vst v63;
	(pc) =	sbr.rel @p1 .LBB2_18-.Ltmp13, $4  }
0x23c: {  	[tilespmem:s22+$0x1D930] =	vst v19;
	v19 =	vmul.f32 v58, v18  }
0x23d: {  	[tilespmem:s22+$0x1D940] =	vst v62;
	v18 =	vmul.f32 v61, v18  }
0x23e: {  	s26 =	sadd.s32 $0x2, s3;
	[tilespmem:s22+$0x1D950] =	vst v19  }
0x23f: {  	s3 =	smov.u32 s26;
	[tilespmem:s22+$0x1D970] =	vst v18  }
0x240: {  	p1 =	seq.s32 s17, $0xA  }
.Ltmp14:
0x241: {  	_ = 	snop;
	(pc) =	sbr.rel @p1 .LBB2_21-.Ltmp14, $2  }
0x242: {  	_ =	sdelay $0x2  }
0x243: {  	s3 =	sadd.s32 $0x11080, s9  }
.Ltmp15:
0x244: {  	(pc) =	sbr.rel .LBB2_5-.Ltmp15, $4  }
0x245: {  	s9 =	sadd.s32 $0x10280, s18  }
0x246: {  	[tilespmem:s30], [sflag:$0x3] =	stream.indirect.gather [hbm4b:s1+s24], $0x40, s9, s24, $0xb8;
	[tilespmem:$0x1F180] =	vst v63  }
0x247: {  	s17 =	sadd.s32 $0x1, s17  }
0x248: {  	[spmem:s2] =	stream.indirect.scatter.add.f32 [tilespmem:s14], [sflag:$0x6], $0x40, s3, s24, $0xb8;
	[tilespmem:$0x1F180] =	vst v63  }
.LBB2_23:
0x249: {  	_ =	sfence.sel $0x180000  }
0x24a: {  	[bflag:$0x0] =	sbarrier.arrive $0xFFFF  }
0x24b: {  	_ =	strace $0x90000047  }
0x24c: {  	s0 =	stileid.u32;
	[bflag:$0x2] =	sbarrier.arrive $0xFFFF  }
0x24d: {  	p0 =	sne.s32 s0, $0x0;
	s0 =	rddreg [dreg:$0x3]  }
0x24e: {  	s0 =	sadd.s32 @!p0 $0x100000, s0  }
0x24f: {  	[sflag:s0] =	ssyncadd.tile.s32 @!p0 $0x1;
	_ =	shalt  }
.Lfunc_end2:
_tile_overlayer_lowered:
.L_overlay_start_2:
0x250: {  	(tag) =	ssettag $0x2  }
0x251: {  	s0 =	rddreg [dreg:$0x0];
	s2 =	stileid.u32  }
0x252: {  	s1 =	rddreg [dreg:$0x1];
	p0 =	sne.s32 s2, $0x0  }
0x253: {  	s3 =	rddreg [dreg:$0x2];
	[bflag:$0x3] =	sbarrier.arrive $0xFFFF;
	s2 =	simm.s32 @!p0 $0x1C07  }
0x254: {  	[timem:s3], [sflag:s2] =	dma.local @!p0 [hbm:s0], s1  }
0x255: {  	s0 =	simm.s32 @!p0 $0x7  }
0x256: {  	_ =	swait.ge @!p0 [sflag:s0], s1  }
0x257: {  	s1 =	ssub.s32 @!p0 $0x0, s1;
	[sflag:s0] =	ssyncset.done @!p0 $0x0  }
0x258: {  	[sflag:s0] =	ssyncadd.s32 @!p0 s1  }
0x259: {  	[bflag:$0x3] =	sbarrier.arrive $0xFFFF  }
0x25a: {  	_ =	shalt  }

</sc_bundles>
